<compile_context>
chip_gen: v7x
topology: tpu7x:2x2x1
jax: 0.10.2.dev20260603
libtpu: 0.0.44.dev20260713+nightly
codegen_flags: <defaults>
</compile_context>

<pallas_src>
import jax
import jax.numpy as jnp
from jax import lax
from jax.experimental import pallas as pl
from jax.experimental.pallas import tpu as pltpu
from jax.experimental.pallas import tpu_sc as plsc

N_NODES = 10000
N_EDGES = 320000
IN_FEATS = 128
HIDDEN = 128
NUM_CLASSES = 64
HALF = HIDDEN // 2

NC = 2
NS = 16
NW = NC * NS
CHUNK = 128
BLK = 4
NBLK = 20
CHUNKS = BLK * NBLK
E_PAD = NW * CHUNKS * CHUNK
ROWS_PER_TILE = 640
N_PAD = NS * ROWS_PER_TILE
INIT_STEPS = ROWS_PER_TILE // CHUNK
TCB = 1024
TCG = N_PAD // TCB
CNT_CORE = 1


def _sc_aggregate(d, with_cnt, by_s):
    mesh = plsc.VectorSubcoreMesh(core_axis_name="c", subcore_axis_name="s")
    n_blk = 2 * NBLK if by_s else NBLK
    pairs = n_blk * BLK // 2
    out_type = [jax.ShapeDtypeStruct((NC, N_PAD, d), jnp.float32)]
    scratch = [
        pltpu.VMEM_SHARED((N_PAD, d), jnp.float32),
        pltpu.VMEM_SHARED((N_PAD, d), jnp.float32),
        pltpu.VMEM((4, BLK, 2, CHUNK), jnp.int32),
        pltpu.VMEM((2, CHUNK, d), jnp.float32),
        pltpu.SemaphoreType.DMA,
        pltpu.SemaphoreType.DMA,
        pltpu.SemaphoreType.DMA,
        pltpu.SemaphoreType.DMA,
        pltpu.SemaphoreType.DMA,
        pltpu.SemaphoreType.DMA,
        pltpu.SemaphoreType.DMA,
        pltpu.SemaphoreType.DMA,
    ]
    if with_cnt:
        out_type.append(jax.ShapeDtypeStruct((NC, N_PAD, 16), jnp.float32))
        scratch += [
            pltpu.VMEM_SHARED((N_PAD, 16), jnp.float32),
            pltpu.VMEM((CHUNK, 16), jnp.float32),
            pltpu.SemaphoreType.DMA,
            pltpu.SemaphoreType.DMA,
        ]

    def body(y, eR, z, z16, ones16, out, cntout, acc, ysp, idxb, rows,
             sg0, sg1, ss0, ss1, si0, si1, si2, si3, cntacc=None,
             ones_v=None, sc0=None, sc1=None):
        sis = (si0, si1, si2, si3)
        c = lax.axis_index("c")
        s = lax.axis_index("s")
        w = c * NS + s
        off = s * ROWS_PER_TILE

        pltpu.sync_copy(z, rows.at[0])
        for t in range(INIT_STEPS):
            pltpu.sync_copy(rows.at[0], acc.at[pl.ds(off + t * CHUNK, CHUNK)])
        if with_cnt:
            pltpu.sync_copy(z16, ones_v)
            for t in range(INIT_STEPS):
                pltpu.sync_copy(ones_v, cntacc.at[pl.ds(off + t * CHUNK, CHUNK)])
            pltpu.sync_copy(ones16, ones_v)
        if by_s:
            pltpu.sync_copy(y.at[c, pl.ds(off, ROWS_PER_TILE)],
                            ysp.at[pl.ds(off, ROWS_PER_TILE)])
        else:
            pltpu.sync_copy(y.at[pl.ds(off, ROWS_PER_TILE)],
                            ysp.at[pl.ds(off, ROWS_PER_TILE)])
        plsc.subcore_barrier()

        widx = s if by_s else w

        pltpu.sync_copy(eR.at[widx, 0], idxb.at[0])
        pltpu.async_copy(eR.at[widx, 1], idxb.at[1], si1)
        pltpu.async_copy(eR.at[widx, 2], idxb.at[2], si2)
        pltpu.async_copy(ysp.at[idxb.at[0, 0, 0]], rows.at[0], sg0)
        pltpu.async_copy(ysp.at[idxb.at[0, 1, 0]], rows.at[1], sg1)

        def pair(j2, carry):
            blk = j2 // 2
            even = lax.rem(j2, 2) == 0
            for k in range(4):
                @pl.when(jnp.logical_and(
                        jnp.logical_and(even, blk + 1 < n_blk),
                        lax.rem(blk + 1, 4) == k))
                def _(k=k):
                    pltpu.make_async_copy(eR.at[widx, 0], idxb.at[k],
                                          sis[k]).wait()
                @pl.when(jnp.logical_and(
                        jnp.logical_and(even, blk + 3 < n_blk),
                        lax.rem(blk + 3, 4) == k))
                def _(k=k):
                    pltpu.async_copy(eR.at[widx, blk + 3], idxb.at[k],
                                     sis[k])
            bs = lax.rem(blk, 4)
            ca = 2 * lax.rem(j2, 2)
            ia_s = idxb.at[bs, ca, 0]
            ia_d = idxb.at[bs, ca, 1]
            ib_s = idxb.at[bs, ca + 1, 0]
            ib_d = idxb.at[bs, ca + 1, 1]
            pltpu.make_async_copy(ysp.at[ia_s], rows.at[0], sg0).wait()
            pltpu.async_copy(rows.at[0], acc.at[ia_d], ss0, add=True)
            if with_cnt:
                @pl.when(c == CNT_CORE)
                def _():
                    pltpu.async_copy(ones_v, cntacc.at[ia_d], sc0, add=True)
            pltpu.make_async_copy(ysp.at[ib_s], rows.at[1], sg1).wait()
            pltpu.async_copy(rows.at[1], acc.at[ib_d], ss1, add=True)
            if with_cnt:
                @pl.when(c == CNT_CORE)
                def _():
                    pltpu.async_copy(ones_v, cntacc.at[ib_d], sc1, add=True)
            nbs = lax.rem((j2 + 1) // 2, 4)
            nca = 2 * lax.rem(j2 + 1, 2)
            pltpu.make_async_copy(rows.at[0], acc.at[ia_d], ss0).wait()
            if with_cnt:
                @pl.when(c == CNT_CORE)
                def _():
                    pltpu.make_async_copy(ones_v, cntacc.at[ia_d], sc0).wait()
            @pl.when(j2 + 1 < pairs)
            def _():
                pltpu.async_copy(ysp.at[idxb.at[nbs, nca, 0]], rows.at[0],
                                 sg0)
            pltpu.make_async_copy(rows.at[1], acc.at[ib_d], ss1).wait()
            if with_cnt:
                @pl.when(c == CNT_CORE)
                def _():
                    pltpu.make_async_copy(ones_v, cntacc.at[ib_d], sc1).wait()
            @pl.when(j2 + 1 < pairs)
            def _():
                pltpu.async_copy(ysp.at[idxb.at[nbs, nca + 1, 0]],
                                 rows.at[1], sg1)
            return carry

        lax.fori_loop(0, pairs, pair, 0)
        plsc.subcore_barrier()

        for t in range(INIT_STEPS):
            r0 = off + t * CHUNK
            pltpu.sync_copy(acc.at[pl.ds(r0, CHUNK)], rows.at[0])
            pltpu.sync_copy(rows.at[0], out.at[c, pl.ds(r0, CHUNK)])
            if with_cnt:
                pltpu.sync_copy(cntacc.at[pl.ds(r0, CHUNK)], ones_v)
                pltpu.sync_copy(ones_v, cntout.at[c, pl.ds(r0, CHUNK)])

    params = pltpu.CompilerParams(use_tc_tiling_on_sc=False)
    if with_cnt:
        def body_cnt(y, eR, z, z16, ones16, out, cntout, acc, ysp, idxb,
                     rows, sg0, sg1, ss0, ss1, si0, si1, si2, si3, cntacc,
                     ones_v, sc0, sc1):
            body(y, eR, z, z16, ones16, out, cntout, acc, ysp, idxb, rows,
                 sg0, sg1, ss0, ss1, si0, si1, si2, si3, cntacc, ones_v,
                 sc0, sc1)
        return pl.kernel(body_cnt, mesh=mesh, out_type=out_type,
                         scratch_types=scratch, compiler_params=params)
    else:
        def body_nocnt(y, eR, z, out, acc, ysp, idxb, rows, sg0, sg1, ss0,
                       ss1, si0, si1, si2, si3):
            body(y, eR, z, None, None, out, None, acc, ysp, idxb, rows,
                 sg0, sg1, ss0, ss1, si0, si1, si2, si3)
        return pl.kernel(body_nocnt, mesh=mesh, out_type=out_type,
                         scratch_types=scratch, compiler_params=params)


def _sc_aggregate_deep(d):
    mesh = plsc.VectorSubcoreMesh(core_axis_name="c", subcore_axis_name="s")
    n_blk = NBLK
    out_type = [jax.ShapeDtypeStruct((NC, N_PAD, d), jnp.float32)]
    scratch = [
        pltpu.VMEM_SHARED((N_PAD, d), jnp.float32),
        pltpu.VMEM_SHARED((N_PAD, d), jnp.float32),
        pltpu.VMEM((4, BLK, 2, CHUNK), jnp.int32),
        pltpu.VMEM((4, CHUNK, d), jnp.float32),
    ] + [pltpu.SemaphoreType.DMA] * 12

    def body(y, eR, z, out, acc, ysp, idxb, rows, sg0, sg1, sg2, sg3,
             ss0, ss1, ss2, ss3, si0, si1, si2, si3):
        sgs = (sg0, sg1, sg2, sg3)
        sss = (ss0, ss1, ss2, ss3)
        sis = (si0, si1, si2, si3)
        c = lax.axis_index("c")
        s = lax.axis_index("s")
        w = c * NS + s
        off = s * ROWS_PER_TILE

        pltpu.sync_copy(z, rows.at[0])
        for t in range(INIT_STEPS):
            pltpu.sync_copy(rows.at[0], acc.at[pl.ds(off + t * CHUNK, CHUNK)])
        pltpu.sync_copy(y.at[pl.ds(off, ROWS_PER_TILE)],
                        ysp.at[pl.ds(off, ROWS_PER_TILE)])
        plsc.subcore_barrier()

        pltpu.sync_copy(eR.at[w, 0], idxb.at[0])
        pltpu.async_copy(eR.at[w, 1], idxb.at[1], si1)
        pltpu.async_copy(eR.at[w, 2], idxb.at[2], si2)
        for u in range(4):
            pltpu.async_copy(ysp.at[idxb.at[0, u, 0]], rows.at[u], sgs[u])

        def superblock(i, carry):
            for sb in range(4):
                b = 4 * i + sb
                swait = (sb + 1) % 4
                spre = (sb + 3) % 4
                @pl.when(b + 1 < n_blk)
                def _(swait=swait):
                    pltpu.make_async_copy(eR.at[w, 0], idxb.at[swait],
                                          sis[swait]).wait()
                @pl.when(b + 3 < n_blk)
                def _(b=b, spre=spre):
                    pltpu.async_copy(eR.at[w, b + 3], idxb.at[spre],
                                     sis[spre])
                for u in range(4):
                    pltpu.make_async_copy(ysp.at[idxb.at[sb, u, 0]],
                                          rows.at[u], sgs[u]).wait()
                    pltpu.async_copy(rows.at[u], acc.at[idxb.at[sb, u, 1]],
                                     sss[u], add=True)
                for u in range(4):
                    pltpu.make_async_copy(rows.at[u],
                                          acc.at[idxb.at[sb, u, 1]],
                                          sss[u]).wait()
                    @pl.when(b + 1 < n_blk)
                    def _(u=u, swait=swait):
                        pltpu.async_copy(ysp.at[idxb.at[swait, u, 0]],
                                         rows.at[u], sgs[u])
            return carry

        lax.fori_loop(0, n_blk // 4, superblock, 0)
        plsc.subcore_barrier()

        for t in range(INIT_STEPS):
            r0 = off + t * CHUNK
            pltpu.sync_copy(acc.at[pl.ds(r0, CHUNK)], rows.at[0])
            pltpu.sync_copy(rows.at[0], out.at[c, pl.ds(r0, CHUNK)])

    params = pltpu.CompilerParams(use_tc_tiling_on_sc=False)
    return pl.kernel(body, mesh=mesh, out_type=out_type,
                     scratch_types=scratch, compiler_params=params)



def _tc_pre_body(x_ref, wl_ref, wr_ref, b_ref, ys_ref, r_ref):
    xb = x_ref[...]
    y = jnp.dot(xb, wl_ref[...], preferred_element_type=jnp.float32)
    ys_ref[0] = y[:, :HALF]
    ys_ref[1] = y[:, HALF:]
    r_ref[...] = (
        jnp.dot(xb, wr_ref[...], preferred_element_type=jnp.float32)
        + b_ref[...]
    )


def _tc_mid_body(p0_ref, p1_ref, c0_ref, c1_ref, r1_ref, w2l_ref, w2r_ref,
                 b2_ref, y2_ref, r2_ref):
    cnt = jnp.maximum(c0_ref[0, :, 0:1] + c1_ref[0, :, 0:1], 1.0)
    mean = jnp.concatenate([p0_ref[0], p1_ref[0]], axis=1) / cnt
    h = jnp.maximum(mean + r1_ref[...], 0.0)
    y2_ref[...] = jnp.dot(h, w2l_ref[...], preferred_element_type=jnp.float32)
    r2_ref[...] = (
        jnp.dot(h, w2r_ref[...], preferred_element_type=jnp.float32)
        + b2_ref[...]
    )


def _tc_post_body(q0_ref, q1_ref, c0_ref, c1_ref, r2_ref, out_ref):
    cnt = jnp.maximum(c0_ref[0, :, 0:1] + c1_ref[0, :, 0:1], 1.0)
    out_ref[...] = (q0_ref[0] + q1_ref[0]) / cnt + r2_ref[...]


def kernel(x, edge_index, W1_l, b1, W1_r, W2_l, b2, W2_r):
    src = edge_index[0].astype(jnp.int32)
    dst = edge_index[1].astype(jnp.int32)
    pad = E_PAD - N_EDGES
    srcR = jnp.concatenate([src, jnp.zeros((pad,), jnp.int32)]).reshape(
        NW, CHUNKS, 1, CHUNK)
    dstR = jnp.concatenate(
        [dst, jnp.full((pad,), N_NODES, jnp.int32)]).reshape(
        NW, CHUNKS, 1, CHUNK)
    eAll = jnp.concatenate([srcR, dstR], axis=2)
    eR = eAll.reshape(NW, NBLK, BLK, 2, CHUNK)
    eR2 = eAll.reshape(NS, 2 * NBLK, BLK, 2, CHUNK)
    z64 = jnp.zeros((CHUNK, HALF), jnp.float32)
    z16 = jnp.zeros((CHUNK, 16), jnp.float32)
    ones16 = jnp.ones((CHUNK, 16), jnp.float32)

    y1s, r1 = pl.pallas_call(
        _tc_pre_body,
        grid=(TCG,),
        in_specs=[
            pl.BlockSpec((TCB, IN_FEATS), lambda i: (i, 0)),
            pl.BlockSpec((IN_FEATS, HIDDEN), lambda i: (0, 0)),
            pl.BlockSpec((IN_FEATS, HIDDEN), lambda i: (0, 0)),
            pl.BlockSpec((1, HIDDEN), lambda i: (0, 0)),
        ],
        out_specs=[
            pl.BlockSpec((NC, TCB, HALF), lambda i: (0, i, 0)),
            pl.BlockSpec((TCB, HIDDEN), lambda i: (i, 0)),
        ],
        out_shape=[
            jax.ShapeDtypeStruct((NC, N_PAD, HALF), jnp.float32),
            jax.ShapeDtypeStruct((N_NODES, HIDDEN), jnp.float32),
        ],
    )(x, W1_l, W1_r, b1.reshape(1, HIDDEN))

    p, cntp = _sc_aggregate(HALF, True, True)(y1s, eR2, z64, z16, ones16)

    y2, r2 = pl.pallas_call(
        _tc_mid_body,
        grid=(TCG,),
        in_specs=[
            pl.BlockSpec((1, TCB, HALF), lambda i: (0, i, 0)),
            pl.BlockSpec((1, TCB, HALF), lambda i: (1, i, 0)),
            pl.BlockSpec((1, TCB, 16), lambda i: (0, i, 0)),
            pl.BlockSpec((1, TCB, 16), lambda i: (1, i, 0)),
            pl.BlockSpec((TCB, HIDDEN), lambda i: (i, 0)),
            pl.BlockSpec((HIDDEN, NUM_CLASSES), lambda i: (0, 0)),
            pl.BlockSpec((HIDDEN, NUM_CLASSES), lambda i: (0, 0)),
            pl.BlockSpec((1, NUM_CLASSES), lambda i: (0, 0)),
        ],
        out_specs=[
            pl.BlockSpec((TCB, NUM_CLASSES), lambda i: (i, 0)),
            pl.BlockSpec((TCB, NUM_CLASSES), lambda i: (i, 0)),
        ],
        out_shape=[
            jax.ShapeDtypeStruct((N_PAD, NUM_CLASSES), jnp.float32),
            jax.ShapeDtypeStruct((N_NODES, NUM_CLASSES), jnp.float32),
        ],
    )(p, p, cntp, cntp, r1, W2_l, W2_r, b2.reshape(1, NUM_CLASSES))

    (q,) = _sc_aggregate(NUM_CLASSES, False, False)(y2, eR, z64)

    out = pl.pallas_call(
        _tc_post_body,
        grid=(TCG,),
        in_specs=[
            pl.BlockSpec((1, TCB, NUM_CLASSES), lambda i: (0, i, 0)),
            pl.BlockSpec((1, TCB, NUM_CLASSES), lambda i: (1, i, 0)),
            pl.BlockSpec((1, TCB, 16), lambda i: (0, i, 0)),
            pl.BlockSpec((1, TCB, 16), lambda i: (1, i, 0)),
            pl.BlockSpec((TCB, NUM_CLASSES), lambda i: (i, 0)),
        ],
        out_specs=pl.BlockSpec((TCB, NUM_CLASSES), lambda i: (i, 0)),
        out_shape=jax.ShapeDtypeStruct((N_NODES, NUM_CLASSES), jnp.float32),
    )(q, q, cntp, cntp, r2)
    return out

# --- scband reference (transcript-rebuilt; emitter-appended) ---
"""Pipeline reference for scband-graph-sagemodel-89902255439931 (READ-ONLY COPY).

The authoritative reference and input builder live on the scoring server;
editing this copy changes nothing except your own understanding.
"""

import jax, jax.numpy as jnp
import numpy as np

N_NODES = 10000
N_EDGES = 320000
IN_FEATS = 128
HIDDEN = 128
NUM_CLASSES = 64


def setup_inputs(seed: int = 0) -> dict:
    key = jax.random.key(seed)
    ks = jax.random.split(key, 8)
    x = jax.random.normal(ks[0], (N_NODES, IN_FEATS), dtype=jnp.float32)
    edge_index = jax.random.randint(ks[1], (2, N_EDGES), 0, N_NODES, dtype=jnp.int64)
    s1 = 1.0 / np.sqrt(IN_FEATS)
    s2 = 1.0 / np.sqrt(HIDDEN)
    # layer 1 params (SAGEConv: lin_l for aggregated neighbors w/ bias, lin_r for root w/o bias)
    W1_l = jax.random.uniform(ks[2], (IN_FEATS, HIDDEN), dtype=jnp.float32, minval=-s1, maxval=s1)
    b1 = jnp.zeros((HIDDEN,), dtype=jnp.float32)
    W1_r = jax.random.uniform(ks[3], (IN_FEATS, HIDDEN), dtype=jnp.float32, minval=-s1, maxval=s1)
    # layer 2 params
    W2_l = jax.random.uniform(ks[4], (HIDDEN, NUM_CLASSES), dtype=jnp.float32, minval=-s2, maxval=s2)
    b2 = jnp.zeros((NUM_CLASSES,), dtype=jnp.float32)
    W2_r = jax.random.uniform(ks[5], (HIDDEN, NUM_CLASSES), dtype=jnp.float32, minval=-s2, maxval=s2)
    return {"x": x, "edge_index": edge_index, "W1_l": W1_l, "b1": b1, "W1_r": W1_r, "W2_l": W2_l, "b2": b2, "W2_r": W2_r}


def _sage_conv(x, edge_index, W_l, b, W_r):
    src = edge_index[0]
    dst = edge_index[1]
    msgs = jnp.take(x, src, axis=0)                      # gather source node feats
    agg = jax.ops.segment_sum(msgs, dst, num_segments=x.shape[0])
    cnt = jax.ops.segment_sum(jnp.ones((edge_index.shape[1],), dtype=x.dtype), dst, num_segments=x.shape[0])
    mean = agg / jnp.clip(cnt, 1.0, None)[:, None]       # mean aggregation
    return mean @ W_l + b + x @ W_r


def reference(x, edge_index, W1_l, b1, W1_r, W2_l, b2, W2_r):
    h = jax.nn.relu(_sage_conv(x, edge_index, W1_l, b1, W1_r))
    out = _sage_conv(h, edge_index, W2_l, b2, W2_r)
    return out

if __name__ == "__main__":
    import jax
    _d = setup_inputs()
    print(jax.jit(kernel)(*tuple(_d.values())))

</pallas_src>

<mosaic_0001>
#map = affine_map<(d0, d1) -> (0, 0, 0)>
#map1 = affine_map<(d0, d1) -> (0, 0, 0, 0, 0)>
#map2 = affine_map<(d0, d1) -> (0, 0)>
module attributes {stable_mosaic.version = 14 : i64} {
  func.func @body_cnt(%arg0: i32, %arg1: i32, %arg2: memref<2x10240x64xf32, #tpu.memory_space<hbm>>, %arg3: memref<16x40x4x2x128xi32, #tpu.memory_space<hbm>>, %arg4: memref<128x64xf32, #tpu.memory_space<hbm>>, %arg5: memref<128x16xf32, #tpu.memory_space<hbm>>, %arg6: memref<128x16xf32, #tpu.memory_space<hbm>>, %arg7: memref<2x10240x64xf32, #tpu.memory_space<hbm>>, %arg8: memref<2x10240x16xf32, #tpu.memory_space<hbm>>, %arg9: memref<10240x64xf32, #tpu.memory_space<vmem_shared>>, %arg10: memref<10240x64xf32, #tpu.memory_space<vmem_shared>>, %arg11: memref<4x4x2x128xi32, #tpu.memory_space<vmem>>, %arg12: memref<2x128x64xf32, #tpu.memory_space<vmem>>, %arg13: memref<!tpu.dma_semaphore, #tpu.memory_space<semaphore_mem>>, %arg14: memref<!tpu.dma_semaphore, #tpu.memory_space<semaphore_mem>>, %arg15: memref<!tpu.dma_semaphore, #tpu.memory_space<semaphore_mem>>, %arg16: memref<!tpu.dma_semaphore, #tpu.memory_space<semaphore_mem>>, %arg17: memref<!tpu.dma_semaphore, #tpu.memory_space<semaphore_mem>>, %arg18: memref<!tpu.dma_semaphore, #tpu.memory_space<semaphore_mem>>, %arg19: memref<!tpu.dma_semaphore, #tpu.memory_space<semaphore_mem>>, %arg20: memref<!tpu.dma_semaphore, #tpu.memory_space<semaphore_mem>>, %arg21: memref<10240x16xf32, #tpu.memory_space<vmem_shared>>, %arg22: memref<128x16xf32, #tpu.memory_space<vmem>>, %arg23: memref<!tpu.dma_semaphore, #tpu.memory_space<semaphore_mem>>, %arg24: memref<!tpu.dma_semaphore, #tpu.memory_space<semaphore_mem>>) attributes {dimension_semantics = [#tpu.dimension_semantics<core_parallel>, #tpu.dimension_semantics<subcore_parallel>], iteration_bounds = array<i64: 2, 16>, scalar_prefetch = 0 : i64, scratch_operands = 16 : i64, tpu.core_type = #tpu.core_type<sc_vector_subcore>, window_params = [{transform_indices = #map}, {transform_indices = #map1}, {transform_indices = #map2}, {transform_indices = #map2}, {transform_indices = #map2}, {transform_indices = #map}, {transform_indices = #map}]} {
    %mul3A = arith.constant 16 : i32
    %mul3A_0 = arith.muli %arg0, %mul3A : i32
    %add3A = arith.addi %mul3A_0, %arg1 : i32
    %mul3A_1 = arith.constant 640 : i32
    %mul3A_2 = arith.muli %arg1, %mul3A_1 : i32
    %run_scoped3A = arith.constant 0 : i32
    "tpu.region"() ({
      %run_scoped3A_127 = tpu.sem_alloc : memref<!tpu.dma_semaphore, #tpu.memory_space<semaphore_mem>>
      %dma_start3A_128 = arith.constant 0 : i32
      %dma_start3A_129 = arith.constant 0 : i32
      %dma_start3A_130 = tpu.memref_slice %arg12[%run_scoped3A, %dma_start3A_128, %dma_start3A_129] : memref<2x128x64xf32, #tpu.memory_space<vmem>> -> memref<1x128x64xf32, #tpu.memory_space<vmem>>
      %dma_start3A_131 = tpu.memref_squeeze %dma_start3A_130 : memref<1x128x64xf32, #tpu.memory_space<vmem>> -> memref<128x64xf32, #tpu.memory_space<vmem>>
      %dma_start3A_132 = arith.constant 0 : i32
      %dma_start3A_133 = arith.constant 0 : i32
      %dma_start3A_134 = tpu.memref_slice %arg12[%run_scoped3A, %dma_start3A_132, %dma_start3A_133] : memref<2x128x64xf32, #tpu.memory_space<vmem>> -> memref<1x128x64xf32, #tpu.memory_space<vmem>>
      %dma_start3A_135 = tpu.memref_squeeze %dma_start3A_134 : memref<1x128x64xf32, #tpu.memory_space<vmem>> -> memref<128x64xf32, #tpu.memory_space<vmem>>
      tpu.enqueue_dma source(%arg4 : memref<128x64xf32, #tpu.memory_space<hbm>>) target(%dma_start3A_135 : memref<128x64xf32, #tpu.memory_space<vmem>>) target_semaphore(%run_scoped3A_127 : memref<!tpu.dma_semaphore, #tpu.memory_space<semaphore_mem>>)
      %dma_wait3A = arith.constant 0 : i32
      %dma_wait3A_136 = arith.constant 0 : i32
      %dma_wait3A_137 = tpu.memref_slice %arg12[%run_scoped3A, %dma_wait3A, %dma_wait3A_136] : memref<2x128x64xf32, #tpu.memory_space<vmem>> -> memref<1x128x64xf32, #tpu.memory_space<vmem>>
      %dma_wait3A_138 = tpu.memref_squeeze %dma_wait3A_137 : memref<1x128x64xf32, #tpu.memory_space<vmem>> -> memref<128x64xf32, #tpu.memory_space<vmem>>
      %dma_wait3A_139 = arith.constant 0 : i32
      %dma_wait3A_140 = arith.constant 0 : i32
      %dma_wait3A_141 = tpu.memref_slice %arg12[%run_scoped3A, %dma_wait3A_139, %dma_wait3A_140] : memref<2x128x64xf32, #tpu.memory_space<vmem>> -> memref<1x128x64xf32, #tpu.memory_space<vmem>>
      %dma_wait3A_142 = tpu.memref_squeeze %dma_wait3A_141 : memref<1x128x64xf32, #tpu.memory_space<vmem>> -> memref<128x64xf32, #tpu.memory_space<vmem>>
      tpu.wait_dma2 semaphore(%run_scoped3A_127 : memref<!tpu.dma_semaphore, #tpu.memory_space<semaphore_mem>>) src(%arg4 : memref<128x64xf32, #tpu.memory_space<hbm>>) dst(%dma_wait3A_142 : memref<128x64xf32, #tpu.memory_space<vmem>>)
      tpu.yield
    }) : () -> ()
    %add3A_3 = arith.constant 0 : i32
    %add3A_4 = arith.addi %mul3A_2, %add3A_3 : i32
    %run_scoped3A_5 = arith.constant 0 : i32
    "tpu.region"() ({
      %run_scoped3A_127 = tpu.sem_alloc : memref<!tpu.dma_semaphore, #tpu.memory_space<semaphore_mem>>
      %dma_start3A_128 = arith.constant 0 : i32
      %dma_start3A_129 = arith.constant 0 : i32
      %dma_start3A_130 = tpu.memref_slice %arg12[%run_scoped3A_5, %dma_start3A_128, %dma_start3A_129] : memref<2x128x64xf32, #tpu.memory_space<vmem>> -> memref<1x128x64xf32, #tpu.memory_space<vmem>>
      %dma_start3A_131 = tpu.memref_squeeze %dma_start3A_130 : memref<1x128x64xf32, #tpu.memory_space<vmem>> -> memref<128x64xf32, #tpu.memory_space<vmem>>
      %dma_start3A_132 = arith.constant 0 : i32
      %dma_start3A_133 = tpu.memref_slice %arg9[%add3A_4, %dma_start3A_132] : memref<10240x64xf32, #tpu.memory_space<vmem_shared>> -> memref<128x64xf32, #tpu.memory_space<vmem_shared>>
      %dma_start3A_134 = arith.constant 0 : i32
      %dma_start3A_135 = tpu.memref_slice %arg9[%add3A_4, %dma_start3A_134] : memref<10240x64xf32, #tpu.memory_space<vmem_shared>> -> memref<128x64xf32, #tpu.memory_space<vmem_shared>>
      %dma_start3A_136 = arith.constant 0 : i32
      %dma_start3A_137 = arith.constant 0 : i32
      %dma_start3A_138 = tpu.memref_slice %arg12[%run_scoped3A_5, %dma_start3A_136, %dma_start3A_137] : memref<2x128x64xf32, #tpu.memory_space<vmem>> -> memref<1x128x64xf32, #tpu.memory_space<vmem>>
      %dma_start3A_139 = tpu.memref_squeeze %dma_start3A_138 : memref<1x128x64xf32, #tpu.memory_space<vmem>> -> memref<128x64xf32, #tpu.memory_space<vmem>>
      tpu.enqueue_dma source(%dma_start3A_139 : memref<128x64xf32, #tpu.memory_space<vmem>>) target(%dma_start3A_135 : memref<128x64xf32, #tpu.memory_space<vmem_shared>>) target_semaphore(%run_scoped3A_127 : memref<!tpu.dma_semaphore, #tpu.memory_space<semaphore_mem>>)
      %dma_wait3A = arith.constant 0 : i32
      %dma_wait3A_140 = arith.constant 0 : i32
      %dma_wait3A_141 = tpu.memref_slice %arg12[%run_scoped3A_5, %dma_wait3A, %dma_wait3A_140] : memref<2x128x64xf32, #tpu.memory_space<vmem>> -> memref<1x128x64xf32, #tpu.memory_space<vmem>>
      %dma_wait3A_142 = tpu.memref_squeeze %dma_wait3A_141 : memref<1x128x64xf32, #tpu.memory_space<vmem>> -> memref<128x64xf32, #tpu.memory_space<vmem>>
      %dma_wait3A_143 = arith.constant 0 : i32
      %dma_wait3A_144 = tpu.memref_slice %arg9[%add3A_4, %dma_wait3A_143] : memref<10240x64xf32, #tpu.memory_space<vmem_shared>> -> memref<128x64xf32, #tpu.memory_space<vmem_shared>>
      %dma_wait3A_145 = arith.constant 0 : i32
      %dma_wait3A_146 = tpu.memref_slice %arg9[%add3A_4, %dma_wait3A_145] : memref<10240x64xf32, #tpu.memory_space<vmem_shared>> -> memref<128x64xf32, #tpu.memory_space<vmem_shared>>
      %dma_wait3A_147 = arith.constant 0 : i32
      %dma_wait3A_148 = arith.constant 0 : i32
      %dma_wait3A_149 = tpu.memref_slice %arg12[%run_scoped3A_5, %dma_wait3A_147, %dma_wait3A_148] : memref<2x128x64xf32, #tpu.memory_space<vmem>> -> memref<1x128x64xf32, #tpu.memory_space<vmem>>
      %dma_wait3A_150 = tpu.memref_squeeze %dma_wait3A_149 : memref<1x128x64xf32, #tpu.memory_space<vmem>> -> memref<128x64xf32, #tpu.memory_space<vmem>>
      tpu.wait_dma2 semaphore(%run_scoped3A_127 : memref<!tpu.dma_semaphore, #tpu.memory_space<semaphore_mem>>) src(%dma_wait3A_150 : memref<128x64xf32, #tpu.memory_space<vmem>>) dst(%dma_wait3A_146 : memref<128x64xf32, #tpu.memory_space<vmem_shared>>)
      tpu.yield
    }) : () -> ()
    %add3A_6 = arith.constant 128 : i32
    %add3A_7 = arith.addi %mul3A_2, %add3A_6 : i32
    %run_scoped3A_8 = arith.constant 0 : i32
    "tpu.region"() ({
      %run_scoped3A_127 = tpu.sem_alloc : memref<!tpu.dma_semaphore, #tpu.memory_space<semaphore_mem>>
      %dma_start3A_128 = arith.constant 0 : i32
      %dma_start3A_129 = arith.constant 0 : i32
      %dma_start3A_130 = tpu.memref_slice %arg12[%run_scoped3A_8, %dma_start3A_128, %dma_start3A_129] : memref<2x128x64xf32, #tpu.memory_space<vmem>> -> memref<1x128x64xf32, #tpu.memory_space<vmem>>
      %dma_start3A_131 = tpu.memref_squeeze %dma_start3A_130 : memref<1x128x64xf32, #tpu.memory_space<vmem>> -> memref<128x64xf32, #tpu.memory_space<vmem>>
      %dma_start3A_132 = arith.constant 0 : i32
      %dma_start3A_133 = tpu.memref_slice %arg9[%add3A_7, %dma_start3A_132] : memref<10240x64xf32, #tpu.memory_space<vmem_shared>> -> memref<128x64xf32, #tpu.memory_space<vmem_shared>>
      %dma_start3A_134 = arith.constant 0 : i32
      %dma_start3A_135 = tpu.memref_slice %arg9[%add3A_7, %dma_start3A_134] : memref<10240x64xf32, #tpu.memory_space<vmem_shared>> -> memref<128x64xf32, #tpu.memory_space<vmem_shared>>
      %dma_start3A_136 = arith.constant 0 : i32
      %dma_start3A_137 = arith.constant 0 : i32
      %dma_start3A_138 = tpu.memref_slice %arg12[%run_scoped3A_8, %dma_start3A_136, %dma_start3A_137] : memref<2x128x64xf32, #tpu.memory_space<vmem>> -> memref<1x128x64xf32, #tpu.memory_space<vmem>>
      %dma_start3A_139 = tpu.memref_squeeze %dma_start3A_138 : memref<1x128x64xf32, #tpu.memory_space<vmem>> -> memref<128x64xf32, #tpu.memory_space<vmem>>
      tpu.enqueue_dma source(%dma_start3A_139 : memref<128x64xf32, #tpu.memory_space<vmem>>) target(%dma_start3A_135 : memref<128x64xf32, #tpu.memory_space<vmem_shared>>) target_semaphore(%run_scoped3A_127 : memref<!tpu.dma_semaphore, #tpu.memory_space<semaphore_mem>>)
      %dma_wait3A = arith.constant 0 : i32
      %dma_wait3A_140 = arith.constant 0 : i32
      %dma_wait3A_141 = tpu.memref_slice %arg12[%run_scoped3A_8, %dma_wait3A, %dma_wait3A_140] : memref<2x128x64xf32, #tpu.memory_space<vmem>> -> memref<1x128x64xf32, #tpu.memory_space<vmem>>
      %dma_wait3A_142 = tpu.memref_squeeze %dma_wait3A_141 : memref<1x128x64xf32, #tpu.memory_space<vmem>> -> memref<128x64xf32, #tpu.memory_space<vmem>>
      %dma_wait3A_143 = arith.constant 0 : i32
      %dma_wait3A_144 = tpu.memref_slice %arg9[%add3A_7, %dma_wait3A_143] : memref<10240x64xf32, #tpu.memory_space<vmem_shared>> -> memref<128x64xf32, #tpu.memory_space<vmem_shared>>
      %dma_wait3A_145 = arith.constant 0 : i32
      %dma_wait3A_146 = tpu.memref_slice %arg9[%add3A_7, %dma_wait3A_145] : memref<10240x64xf32, #tpu.memory_space<vmem_shared>> -> memref<128x64xf32, #tpu.memory_space<vmem_shared>>
      %dma_wait3A_147 = arith.constant 0 : i32
      %dma_wait3A_148 = arith.constant 0 : i32
      %dma_wait3A_149 = tpu.memref_slice %arg12[%run_scoped3A_8, %dma_wait3A_147, %dma_wait3A_148] : memref<2x128x64xf32, #tpu.memory_space<vmem>> -> memref<1x128x64xf32, #tpu.memory_space<vmem>>
      %dma_wait3A_150 = tpu.memref_squeeze %dma_wait3A_149 : memref<1x128x64xf32, #tpu.memory_space<vmem>> -> memref<128x64xf32, #tpu.memory_space<vmem>>
      tpu.wait_dma2 semaphore(%run_scoped3A_127 : memref<!tpu.dma_semaphore, #tpu.memory_space<semaphore_mem>>) src(%dma_wait3A_150 : memref<128x64xf32, #tpu.memory_space<vmem>>) dst(%dma_wait3A_146 : memref<128x64xf32, #tpu.memory_space<vmem_shared>>)
      tpu.yield
    }) : () -> ()
    %add3A_9 = arith.constant 256 : i32
    %add3A_10 = arith.addi %mul3A_2, %add3A_9 : i32
    %run_scoped3A_11 = arith.constant 0 : i32
    "tpu.region"() ({
      %run_scoped3A_127 = tpu.sem_alloc : memref<!tpu.dma_semaphore, #tpu.memory_space<semaphore_mem>>
      %dma_start3A_128 = arith.constant 0 : i32
      %dma_start3A_129 = arith.constant 0 : i32
      %dma_start3A_130 = tpu.memref_slice %arg12[%run_scoped3A_11, %dma_start3A_128, %dma_start3A_129] : memref<2x128x64xf32, #tpu.memory_space<vmem>> -> memref<1x128x64xf32, #tpu.memory_space<vmem>>
      %dma_start3A_131 = tpu.memref_squeeze %dma_start3A_130 : memref<1x128x64xf32, #tpu.memory_space<vmem>> -> memref<128x64xf32, #tpu.memory_space<vmem>>
      %dma_start3A_132 = arith.constant 0 : i32
      %dma_start3A_133 = tpu.memref_slice %arg9[%add3A_10, %dma_start3A_132] : memref<10240x64xf32, #tpu.memory_space<vmem_shared>> -> memref<128x64xf32, #tpu.memory_space<vmem_shared>>
      %dma_start3A_134 = arith.constant 0 : i32
      %dma_start3A_135 = tpu.memref_slice %arg9[%add3A_10, %dma_start3A_134] : memref<10240x64xf32, #tpu.memory_space<vmem_shared>> -> memref<128x64xf32, #tpu.memory_space<vmem_shared>>
      %dma_start3A_136 = arith.constant 0 : i32
      %dma_start3A_137 = arith.constant 0 : i32
      %dma_start3A_138 = tpu.memref_slice %arg12[%run_scoped3A_11, %dma_start3A_136, %dma_start3A_137] : memref<2x128x64xf32, #tpu.memory_space<vmem>> -> memref<1x128x64xf32, #tpu.memory_space<vmem>>
      %dma_start3A_139 = tpu.memref_squeeze %dma_start3A_138 : memref<1x128x64xf32, #tpu.memory_space<vmem>> -> memref<128x64xf32, #tpu.memory_space<vmem>>
      tpu.enqueue_dma source(%dma_start3A_139 : memref<128x64xf32, #tpu.memory_space<vmem>>) target(%dma_start3A_135 : memref<128x64xf32, #tpu.memory_space<vmem_shared>>) target_semaphore(%run_scoped3A_127 : memref<!tpu.dma_semaphore, #tpu.memory_space<semaphore_mem>>)
      %dma_wait3A = arith.constant 0 : i32
      %dma_wait3A_140 = arith.constant 0 : i32
      %dma_wait3A_141 = tpu.memref_slice %arg12[%run_scoped3A_11, %dma_wait3A, %dma_wait3A_140] : memref<2x128x64xf32, #tpu.memory_space<vmem>> -> memref<1x128x64xf32, #tpu.memory_space<vmem>>
      %dma_wait3A_142 = tpu.memref_squeeze %dma_wait3A_141 : memref<1x128x64xf32, #tpu.memory_space<vmem>> -> memref<128x64xf32, #tpu.memory_space<vmem>>
      %dma_wait3A_143 = arith.constant 0 : i32
      %dma_wait3A_144 = tpu.memref_slice %arg9[%add3A_10, %dma_wait3A_143] : memref<10240x64xf32, #tpu.memory_space<vmem_shared>> -> memref<128x64xf32, #tpu.memory_space<vmem_shared>>
      %dma_wait3A_145 = arith.constant 0 : i32
      %dma_wait3A_146 = tpu.memref_slice %arg9[%add3A_10, %dma_wait3A_145] : memref<10240x64xf32, #tpu.memory_space<vmem_shared>> -> memref<128x64xf32, #tpu.memory_space<vmem_shared>>
      %dma_wait3A_147 = arith.constant 0 : i32
      %dma_wait3A_148 = arith.constant 0 : i32
      %dma_wait3A_149 = tpu.memref_slice %arg12[%run_scoped3A_11, %dma_wait3A_147, %dma_wait3A_148] : memref<2x128x64xf32, #tpu.memory_space<vmem>> -> memref<1x128x64xf32, #tpu.memory_space<vmem>>
      %dma_wait3A_150 = tpu.memref_squeeze %dma_wait3A_149 : memref<1x128x64xf32, #tpu.memory_space<vmem>> -> memref<128x64xf32, #tpu.memory_space<vmem>>
      tpu.wait_dma2 semaphore(%run_scoped3A_127 : memref<!tpu.dma_semaphore, #tpu.memory_space<semaphore_mem>>) src(%dma_wait3A_150 : memref<128x64xf32, #tpu.memory_space<vmem>>) dst(%dma_wait3A_146 : memref<128x64xf32, #tpu.memory_space<vmem_shared>>)
      tpu.yield
    }) : () -> ()
    %add3A_12 = arith.constant 384 : i32
    %add3A_13 = arith.addi %mul3A_2, %add3A_12 : i32
    %run_scoped3A_14 = arith.constant 0 : i32
    "tpu.region"() ({
      %run_scoped3A_127 = tpu.sem_alloc : memref<!tpu.dma_semaphore, #tpu.memory_space<semaphore_mem>>
      %dma_start3A_128 = arith.constant 0 : i32
      %dma_start3A_129 = arith.constant 0 : i32
      %dma_start3A_130 = tpu.memref_slice %arg12[%run_scoped3A_14, %dma_start3A_128, %dma_start3A_129] : memref<2x128x64xf32, #tpu.memory_space<vmem>> -> memref<1x128x64xf32, #tpu.memory_space<vmem>>
      %dma_start3A_131 = tpu.memref_squeeze %dma_start3A_130 : memref<1x128x64xf32, #tpu.memory_space<vmem>> -> memref<128x64xf32, #tpu.memory_space<vmem>>
      %dma_start3A_132 = arith.constant 0 : i32
      %dma_start3A_133 = tpu.memref_slice %arg9[%add3A_13, %dma_start3A_132] : memref<10240x64xf32, #tpu.memory_space<vmem_shared>> -> memref<128x64xf32, #tpu.memory_space<vmem_shared>>
      %dma_start3A_134 = arith.constant 0 : i32
      %dma_start3A_135 = tpu.memref_slice %arg9[%add3A_13, %dma_start3A_134] : memref<10240x64xf32, #tpu.memory_space<vmem_shared>> -> memref<128x64xf32, #tpu.memory_space<vmem_shared>>
      %dma_start3A_136 = arith.constant 0 : i32
      %dma_start3A_137 = arith.constant 0 : i32
      %dma_start3A_138 = tpu.memref_slice %arg12[%run_scoped3A_14, %dma_start3A_136, %dma_start3A_137] : memref<2x128x64xf32, #tpu.memory_space<vmem>> -> memref<1x128x64xf32, #tpu.memory_space<vmem>>
      %dma_start3A_139 = tpu.memref_squeeze %dma_start3A_138 : memref<1x128x64xf32, #tpu.memory_space<vmem>> -> memref<128x64xf32, #tpu.memory_space<vmem>>
      tpu.enqueue_dma source(%dma_start3A_139 : memref<128x64xf32, #tpu.memory_space<vmem>>) target(%dma_start3A_135 : memref<128x64xf32, #tpu.memory_space<vmem_shared>>) target_semaphore(%run_scoped3A_127 : memref<!tpu.dma_semaphore, #tpu.memory_space<semaphore_mem>>)
      %dma_wait3A = arith.constant 0 : i32
      %dma_wait3A_140 = arith.constant 0 : i32
      %dma_wait3A_141 = tpu.memref_slice %arg12[%run_scoped3A_14, %dma_wait3A, %dma_wait3A_140] : memref<2x128x64xf32, #tpu.memory_space<vmem>> -> memref<1x128x64xf32, #tpu.memory_space<vmem>>
      %dma_wait3A_142 = tpu.memref_squeeze %dma_wait3A_141 : memref<1x128x64xf32, #tpu.memory_space<vmem>> -> memref<128x64xf32, #tpu.memory_space<vmem>>
      %dma_wait3A_143 = arith.constant 0 : i32
      %dma_wait3A_144 = tpu.memref_slice %arg9[%add3A_13, %dma_wait3A_143] : memref<10240x64xf32, #tpu.memory_space<vmem_shared>> -> memref<128x64xf32, #tpu.memory_space<vmem_shared>>
      %dma_wait3A_145 = arith.constant 0 : i32
      %dma_wait3A_146 = tpu.memref_slice %arg9[%add3A_13, %dma_wait3A_145] : memref<10240x64xf32, #tpu.memory_space<vmem_shared>> -> memref<128x64xf32, #tpu.memory_space<vmem_shared>>
      %dma_wait3A_147 = arith.constant 0 : i32
      %dma_wait3A_148 = arith.constant 0 : i32
      %dma_wait3A_149 = tpu.memref_slice %arg12[%run_scoped3A_14, %dma_wait3A_147, %dma_wait3A_148] : memref<2x128x64xf32, #tpu.memory_space<vmem>> -> memref<1x128x64xf32, #tpu.memory_space<vmem>>
      %dma_wait3A_150 = tpu.memref_squeeze %dma_wait3A_149 : memref<1x128x64xf32, #tpu.memory_space<vmem>> -> memref<128x64xf32, #tpu.memory_space<vmem>>
      tpu.wait_dma2 semaphore(%run_scoped3A_127 : memref<!tpu.dma_semaphore, #tpu.memory_space<semaphore_mem>>) src(%dma_wait3A_150 : memref<128x64xf32, #tpu.memory_space<vmem>>) dst(%dma_wait3A_146 : memref<128x64xf32, #tpu.memory_space<vmem_shared>>)
      tpu.yield
    }) : () -> ()
    %add3A_15 = arith.constant 512 : i32
    %add3A_16 = arith.addi %mul3A_2, %add3A_15 : i32
    %run_scoped3A_17 = arith.constant 0 : i32
    "tpu.region"() ({
      %run_scoped3A_127 = tpu.sem_alloc : memref<!tpu.dma_semaphore, #tpu.memory_space<semaphore_mem>>
      %dma_start3A_128 = arith.constant 0 : i32
      %dma_start3A_129 = arith.constant 0 : i32
      %dma_start3A_130 = tpu.memref_slice %arg12[%run_scoped3A_17, %dma_start3A_128, %dma_start3A_129] : memref<2x128x64xf32, #tpu.memory_space<vmem>> -> memref<1x128x64xf32, #tpu.memory_space<vmem>>
      %dma_start3A_131 = tpu.memref_squeeze %dma_start3A_130 : memref<1x128x64xf32, #tpu.memory_space<vmem>> -> memref<128x64xf32, #tpu.memory_space<vmem>>
      %dma_start3A_132 = arith.constant 0 : i32
      %dma_start3A_133 = tpu.memref_slice %arg9[%add3A_16, %dma_start3A_132] : memref<10240x64xf32, #tpu.memory_space<vmem_shared>> -> memref<128x64xf32, #tpu.memory_space<vmem_shared>>
      %dma_start3A_134 = arith.constant 0 : i32
      %dma_start3A_135 = tpu.memref_slice %arg9[%add3A_16, %dma_start3A_134] : memref<10240x64xf32, #tpu.memory_space<vmem_shared>> -> memref<128x64xf32, #tpu.memory_space<vmem_shared>>
      %dma_start3A_136 = arith.constant 0 : i32
      %dma_start3A_137 = arith.constant 0 : i32
      %dma_start3A_138 = tpu.memref_slice %arg12[%run_scoped3A_17, %dma_start3A_136, %dma_start3A_137] : memref<2x128x64xf32, #tpu.memory_space<vmem>> -> memref<1x128x64xf32, #tpu.memory_space<vmem>>
      %dma_start3A_139 = tpu.memref_squeeze %dma_start3A_138 : memref<1x128x64xf32, #tpu.memory_space<vmem>> -> memref<128x64xf32, #tpu.memory_space<vmem>>
      tpu.enqueue_dma source(%dma_start3A_139 : memref<128x64xf32, #tpu.memory_space<vmem>>) target(%dma_start3A_135 : memref<128x64xf32, #tpu.memory_space<vmem_shared>>) target_semaphore(%run_scoped3A_127 : memref<!tpu.dma_semaphore, #tpu.memory_space<semaphore_mem>>)
      %dma_wait3A = arith.constant 0 : i32
      %dma_wait3A_140 = arith.constant 0 : i32
      %dma_wait3A_141 = tpu.memref_slice %arg12[%run_scoped3A_17, %dma_wait3A, %dma_wait3A_140] : memref<2x128x64xf32, #tpu.memory_space<vmem>> -> memref<1x128x64xf32, #tpu.memory_space<vmem>>
      %dma_wait3A_142 = tpu.memref_squeeze %dma_wait3A_141 : memref<1x128x64xf32, #tpu.memory_space<vmem>> -> memref<128x64xf32, #tpu.memory_space<vmem>>
      %dma_wait3A_143 = arith.constant 0 : i32
      %dma_wait3A_144 = tpu.memref_slice %arg9[%add3A_16, %dma_wait3A_143] : memref<10240x64xf32, #tpu.memory_space<vmem_shared>> -> memref<128x64xf32, #tpu.memory_space<vmem_shared>>
      %dma_wait3A_145 = arith.constant 0 : i32
      %dma_wait3A_146 = tpu.memref_slice %arg9[%add3A_16, %dma_wait3A_145] : memref<10240x64xf32, #tpu.memory_space<vmem_shared>> -> memref<128x64xf32, #tpu.memory_space<vmem_shared>>
      %dma_wait3A_147 = arith.constant 0 : i32
      %dma_wait3A_148 = arith.constant 0 : i32
      %dma_wait3A_149 = tpu.memref_slice %arg12[%run_scoped3A_17, %dma_wait3A_147, %dma_wait3A_148] : memref<2x128x64xf32, #tpu.memory_space<vmem>> -> memref<1x128x64xf32, #tpu.memory_space<vmem>>
      %dma_wait3A_150 = tpu.memref_squeeze %dma_wait3A_149 : memref<1x128x64xf32, #tpu.memory_space<vmem>> -> memref<128x64xf32, #tpu.memory_space<vmem>>
      tpu.wait_dma2 semaphore(%run_scoped3A_127 : memref<!tpu.dma_semaphore, #tpu.memory_space<semaphore_mem>>) src(%dma_wait3A_150 : memref<128x64xf32, #tpu.memory_space<vmem>>) dst(%dma_wait3A_146 : memref<128x64xf32, #tpu.memory_space<vmem_shared>>)
      tpu.yield
    }) : () -> ()
    "tpu.region"() ({
      %run_scoped3A_127 = tpu.sem_alloc : memref<!tpu.dma_semaphore, #tpu.memory_space<semaphore_mem>>
      tpu.enqueue_dma source(%arg5 : memref<128x16xf32, #tpu.memory_space<hbm>>) target(%arg22 : memref<128x16xf32, #tpu.memory_space<vmem>>) target_semaphore(%run_scoped3A_127 : memref<!tpu.dma_semaphore, #tpu.memory_space<semaphore_mem>>)
      tpu.wait_dma2 semaphore(%run_scoped3A_127 : memref<!tpu.dma_semaphore, #tpu.memory_space<semaphore_mem>>) src(%arg5 : memref<128x16xf32, #tpu.memory_space<hbm>>) dst(%arg22 : memref<128x16xf32, #tpu.memory_space<vmem>>)
      tpu.yield
    }) : () -> ()
    %add3A_18 = arith.constant 0 : i32
    %add3A_19 = arith.addi %mul3A_2, %add3A_18 : i32
    "tpu.region"() ({
      %run_scoped3A_127 = tpu.sem_alloc : memref<!tpu.dma_semaphore, #tpu.memory_space<semaphore_mem>>
      %dma_start3A_128 = arith.constant 0 : i32
      %dma_start3A_129 = tpu.memref_slice %arg21[%add3A_19, %dma_start3A_128] : memref<10240x16xf32, #tpu.memory_space<vmem_shared>> -> memref<128x16xf32, #tpu.memory_space<vmem_shared>>
      %dma_start3A_130 = arith.constant 0 : i32
      %dma_start3A_131 = tpu.memref_slice %arg21[%add3A_19, %dma_start3A_130] : memref<10240x16xf32, #tpu.memory_space<vmem_shared>> -> memref<128x16xf32, #tpu.memory_space<vmem_shared>>
      tpu.enqueue_dma source(%arg22 : memref<128x16xf32, #tpu.memory_space<vmem>>) target(%dma_start3A_131 : memref<128x16xf32, #tpu.memory_space<vmem_shared>>) target_semaphore(%run_scoped3A_127 : memref<!tpu.dma_semaphore, #tpu.memory_space<semaphore_mem>>)
      %dma_wait3A = arith.constant 0 : i32
      %dma_wait3A_132 = tpu.memref_slice %arg21[%add3A_19, %dma_wait3A] : memref<10240x16xf32, #tpu.memory_space<vmem_shared>> -> memref<128x16xf32, #tpu.memory_space<vmem_shared>>
      %dma_wait3A_133 = arith.constant 0 : i32
      %dma_wait3A_134 = tpu.memref_slice %arg21[%add3A_19, %dma_wait3A_133] : memref<10240x16xf32, #tpu.memory_space<vmem_shared>> -> memref<128x16xf32, #tpu.memory_space<vmem_shared>>
      tpu.wait_dma2 semaphore(%run_scoped3A_127 : memref<!tpu.dma_semaphore, #tpu.memory_space<semaphore_mem>>) src(%arg22 : memref<128x16xf32, #tpu.memory_space<vmem>>) dst(%dma_wait3A_134 : memref<128x16xf32, #tpu.memory_space<vmem_shared>>)
      tpu.yield
    }) : () -> ()
    %add3A_20 = arith.constant 128 : i32
    %add3A_21 = arith.addi %mul3A_2, %add3A_20 : i32
    "tpu.region"() ({
      %run_scoped3A_127 = tpu.sem_alloc : memref<!tpu.dma_semaphore, #tpu.memory_space<semaphore_mem>>
      %dma_start3A_128 = arith.constant 0 : i32
      %dma_start3A_129 = tpu.memref_slice %arg21[%add3A_21, %dma_start3A_128] : memref<10240x16xf32, #tpu.memory_space<vmem_shared>> -> memref<128x16xf32, #tpu.memory_space<vmem_shared>>
      %dma_start3A_130 = arith.constant 0 : i32
      %dma_start3A_131 = tpu.memref_slice %arg21[%add3A_21, %dma_start3A_130] : memref<10240x16xf32, #tpu.memory_space<vmem_shared>> -> memref<128x16xf32, #tpu.memory_space<vmem_shared>>
      tpu.enqueue_dma source(%arg22 : memref<128x16xf32, #tpu.memory_space<vmem>>) target(%dma_start3A_131 : memref<128x16xf32, #tpu.memory_space<vmem_shared>>) target_semaphore(%run_scoped3A_127 : memref<!tpu.dma_semaphore, #tpu.memory_space<semaphore_mem>>)
      %dma_wait3A = arith.constant 0 : i32
      %dma_wait3A_132 = tpu.memref_slice %arg21[%add3A_21, %dma_wait3A] : memref<10240x16xf32, #tpu.memory_space<vmem_shared>> -> memref<128x16xf32, #tpu.memory_space<vmem_shared>>
      %dma_wait3A_133 = arith.constant 0 : i32
      %dma_wait3A_134 = tpu.memref_slice %arg21[%add3A_21, %dma_wait3A_133] : memref<10240x16xf32, #tpu.memory_space<vmem_shared>> -> memref<128x16xf32, #tpu.memory_space<vmem_shared>>
      tpu.wait_dma2 semaphore(%run_scoped3A_127 : memref<!tpu.dma_semaphore, #tpu.memory_space<semaphore_mem>>) src(%arg22 : memref<128x16xf32, #tpu.memory_space<vmem>>) dst(%dma_wait3A_134 : memref<128x16xf32, #tpu.memory_space<vmem_shared>>)
      tpu.yield
    }) : () -> ()
    %add3A_22 = arith.constant 256 : i32
    %add3A_23 = arith.addi %mul3A_2, %add3A_22 : i32
    "tpu.region"() ({
      %run_scoped3A_127 = tpu.sem_alloc : memref<!tpu.dma_semaphore, #tpu.memory_space<semaphore_mem>>
      %dma_start3A_128 = arith.constant 0 : i32
      %dma_start3A_129 = tpu.memref_slice %arg21[%add3A_23, %dma_start3A_128] : memref<10240x16xf32, #tpu.memory_space<vmem_shared>> -> memref<128x16xf32, #tpu.memory_space<vmem_shared>>
      %dma_start3A_130 = arith.constant 0 : i32
      %dma_start3A_131 = tpu.memref_slice %arg21[%add3A_23, %dma_start3A_130] : memref<10240x16xf32, #tpu.memory_space<vmem_shared>> -> memref<128x16xf32, #tpu.memory_space<vmem_shared>>
      tpu.enqueue_dma source(%arg22 : memref<128x16xf32, #tpu.memory_space<vmem>>) target(%dma_start3A_131 : memref<128x16xf32, #tpu.memory_space<vmem_shared>>) target_semaphore(%run_scoped3A_127 : memref<!tpu.dma_semaphore, #tpu.memory_space<semaphore_mem>>)
      %dma_wait3A = arith.constant 0 : i32
      %dma_wait3A_132 = tpu.memref_slice %arg21[%add3A_23, %dma_wait3A] : memref<10240x16xf32, #tpu.memory_space<vmem_shared>> -> memref<128x16xf32, #tpu.memory_space<vmem_shared>>
      %dma_wait3A_133 = arith.constant 0 : i32
      %dma_wait3A_134 = tpu.memref_slice %arg21[%add3A_23, %dma_wait3A_133] : memref<10240x16xf32, #tpu.memory_space<vmem_shared>> -> memref<128x16xf32, #tpu.memory_space<vmem_shared>>
      tpu.wait_dma2 semaphore(%run_scoped3A_127 : memref<!tpu.dma_semaphore, #tpu.memory_space<semaphore_mem>>) src(%arg22 : memref<128x16xf32, #tpu.memory_space<vmem>>) dst(%dma_wait3A_134 : memref<128x16xf32, #tpu.memory_space<vmem_shared>>)
      tpu.yield
    }) : () -> ()
    %add3A_24 = arith.constant 384 : i32
    %add3A_25 = arith.addi %mul3A_2, %add3A_24 : i32
    "tpu.region"() ({
      %run_scoped3A_127 = tpu.sem_alloc : memref<!tpu.dma_semaphore, #tpu.memory_space<semaphore_mem>>
      %dma_start3A_128 = arith.constant 0 : i32
      %dma_start3A_129 = tpu.memref_slice %arg21[%add3A_25, %dma_start3A_128] : memref<10240x16xf32, #tpu.memory_space<vmem_shared>> -> memref<128x16xf32, #tpu.memory_space<vmem_shared>>
      %dma_start3A_130 = arith.constant 0 : i32
      %dma_start3A_131 = tpu.memref_slice %arg21[%add3A_25, %dma_start3A_130] : memref<10240x16xf32, #tpu.memory_space<vmem_shared>> -> memref<128x16xf32, #tpu.memory_space<vmem_shared>>
      tpu.enqueue_dma source(%arg22 : memref<128x16xf32, #tpu.memory_space<vmem>>) target(%dma_start3A_131 : memref<128x16xf32, #tpu.memory_space<vmem_shared>>) target_semaphore(%run_scoped3A_127 : memref<!tpu.dma_semaphore, #tpu.memory_space<semaphore_mem>>)
      %dma_wait3A = arith.constant 0 : i32
      %dma_wait3A_132 = tpu.memref_slice %arg21[%add3A_25, %dma_wait3A] : memref<10240x16xf32, #tpu.memory_space<vmem_shared>> -> memref<128x16xf32, #tpu.memory_space<vmem_shared>>
      %dma_wait3A_133 = arith.constant 0 : i32
      %dma_wait3A_134 = tpu.memref_slice %arg21[%add3A_25, %dma_wait3A_133] : memref<10240x16xf32, #tpu.memory_space<vmem_shared>> -> memref<128x16xf32, #tpu.memory_space<vmem_shared>>
      tpu.wait_dma2 semaphore(%run_scoped3A_127 : memref<!tpu.dma_semaphore, #tpu.memory_space<semaphore_mem>>) src(%arg22 : memref<128x16xf32, #tpu.memory_space<vmem>>) dst(%dma_wait3A_134 : memref<128x16xf32, #tpu.memory_space<vmem_shared>>)
      tpu.yield
    }) : () -> ()
    %add3A_26 = arith.constant 512 : i32
    %add3A_27 = arith.addi %mul3A_2, %add3A_26 : i32
    "tpu.region"() ({
      %run_scoped3A_127 = tpu.sem_alloc : memref<!tpu.dma_semaphore, #tpu.memory_space<semaphore_mem>>
      %dma_start3A_128 = arith.constant 0 : i32
      %dma_start3A_129 = tpu.memref_slice %arg21[%add3A_27, %dma_start3A_128] : memref<10240x16xf32, #tpu.memory_space<vmem_shared>> -> memref<128x16xf32, #tpu.memory_space<vmem_shared>>
      %dma_start3A_130 = arith.constant 0 : i32
      %dma_start3A_131 = tpu.memref_slice %arg21[%add3A_27, %dma_start3A_130] : memref<10240x16xf32, #tpu.memory_space<vmem_shared>> -> memref<128x16xf32, #tpu.memory_space<vmem_shared>>
      tpu.enqueue_dma source(%arg22 : memref<128x16xf32, #tpu.memory_space<vmem>>) target(%dma_start3A_131 : memref<128x16xf32, #tpu.memory_space<vmem_shared>>) target_semaphore(%run_scoped3A_127 : memref<!tpu.dma_semaphore, #tpu.memory_space<semaphore_mem>>)
      %dma_wait3A = arith.constant 0 : i32
      %dma_wait3A_132 = tpu.memref_slice %arg21[%add3A_27, %dma_wait3A] : memref<10240x16xf32, #tpu.memory_space<vmem_shared>> -> memref<128x16xf32, #tpu.memory_space<vmem_shared>>
      %dma_wait3A_133 = arith.constant 0 : i32
      %dma_wait3A_134 = tpu.memref_slice %arg21[%add3A_27, %dma_wait3A_133] : memref<10240x16xf32, #tpu.memory_space<vmem_shared>> -> memref<128x16xf32, #tpu.memory_space<vmem_shared>>
      tpu.wait_dma2 semaphore(%run_scoped3A_127 : memref<!tpu.dma_semaphore, #tpu.memory_space<semaphore_mem>>) src(%arg22 : memref<128x16xf32, #tpu.memory_space<vmem>>) dst(%dma_wait3A_134 : memref<128x16xf32, #tpu.memory_space<vmem_shared>>)
      tpu.yield
    }) : () -> ()
    "tpu.region"() ({
      %run_scoped3A_127 = tpu.sem_alloc : memref<!tpu.dma_semaphore, #tpu.memory_space<semaphore_mem>>
      tpu.enqueue_dma source(%arg6 : memref<128x16xf32, #tpu.memory_space<hbm>>) target(%arg22 : memref<128x16xf32, #tpu.memory_space<vmem>>) target_semaphore(%run_scoped3A_127 : memref<!tpu.dma_semaphore, #tpu.memory_space<semaphore_mem>>)
      tpu.wait_dma2 semaphore(%run_scoped3A_127 : memref<!tpu.dma_semaphore, #tpu.memory_space<semaphore_mem>>) src(%arg6 : memref<128x16xf32, #tpu.memory_space<hbm>>) dst(%arg22 : memref<128x16xf32, #tpu.memory_space<vmem>>)
      tpu.yield
    }) : () -> ()
    "tpu.region"() ({
      %run_scoped3A_127 = tpu.sem_alloc : memref<!tpu.dma_semaphore, #tpu.memory_space<semaphore_mem>>
      %dma_start3A_128 = arith.constant 0 : i32
      %dma_start3A_129 = tpu.memref_slice %arg10[%mul3A_2, %dma_start3A_128] : memref<10240x64xf32, #tpu.memory_space<vmem_shared>> -> memref<640x64xf32, #tpu.memory_space<vmem_shared>>
      %dma_start3A_130 = arith.constant 0 : i32
      %dma_start3A_131 = tpu.memref_slice %arg2[%arg0, %mul3A_2, %dma_start3A_130] : memref<2x10240x64xf32, #tpu.memory_space<hbm>> -> memref<1x640x64xf32, #tpu.memory_space<hbm>>
      %dma_start3A_132 = tpu.memref_squeeze %dma_start3A_131 : memref<1x640x64xf32, #tpu.memory_space<hbm>> -> memref<640x64xf32, #tpu.memory_space<hbm>>
      tpu.enqueue_dma source(%dma_start3A_132 : memref<640x64xf32, #tpu.memory_space<hbm>>) target(%dma_start3A_129 : memref<640x64xf32, #tpu.memory_space<vmem_shared>>) target_semaphore(%run_scoped3A_127 : memref<!tpu.dma_semaphore, #tpu.memory_space<semaphore_mem>>)
      %dma_wait3A = arith.constant 0 : i32
      %dma_wait3A_133 = tpu.memref_slice %arg10[%mul3A_2, %dma_wait3A] : memref<10240x64xf32, #tpu.memory_space<vmem_shared>> -> memref<640x64xf32, #tpu.memory_space<vmem_shared>>
      %dma_wait3A_134 = arith.constant 0 : i32
      %dma_wait3A_135 = tpu.memref_slice %arg2[%arg0, %mul3A_2, %dma_wait3A_134] : memref<2x10240x64xf32, #tpu.memory_space<hbm>> -> memref<1x640x64xf32, #tpu.memory_space<hbm>>
      %dma_wait3A_136 = tpu.memref_squeeze %dma_wait3A_135 : memref<1x640x64xf32, #tpu.memory_space<hbm>> -> memref<640x64xf32, #tpu.memory_space<hbm>>
      tpu.wait_dma2 semaphore(%run_scoped3A_127 : memref<!tpu.dma_semaphore, #tpu.memory_space<semaphore_mem>>) src(%dma_wait3A_136 : memref<640x64xf32, #tpu.memory_space<hbm>>) dst(%dma_wait3A_133 : memref<640x64xf32, #tpu.memory_space<vmem_shared>>)
      tpu.yield
    }) : () -> ()
    %barrier3A = arith.constant 0 : index
    tpu.barrier barrier_id(%barrier3A)
    %run_scoped3A_28 = arith.constant 0 : i32
    %run_scoped3A_29 = arith.constant 0 : i32
    "tpu.region"() ({
      %run_scoped3A_127 = tpu.sem_alloc : memref<!tpu.dma_semaphore, #tpu.memory_space<semaphore_mem>>
      %dma_start3A_128 = arith.constant 0 : i32
      %dma_start3A_129 = arith.constant 0 : i32
      %dma_start3A_130 = arith.constant 0 : i32
      %dma_start3A_131 = tpu.memref_slice %arg11[%run_scoped3A_29, %dma_start3A_128, %dma_start3A_129, %dma_start3A_130] : memref<4x4x2x128xi32, #tpu.memory_space<vmem>> -> memref<1x4x2x128xi32, #tpu.memory_space<vmem>>
      %dma_start3A_132 = tpu.memref_squeeze %dma_start3A_131 : memref<1x4x2x128xi32, #tpu.memory_space<vmem>> -> memref<4x2x128xi32, #tpu.memory_space<vmem>>
      %dma_start3A_133 = arith.constant 0 : i32
      %dma_start3A_134 = arith.constant 0 : i32
      %dma_start3A_135 = arith.constant 0 : i32
      %dma_start3A_136 = tpu.memref_slice %arg3[%arg1, %run_scoped3A_28, %dma_start3A_133, %dma_start3A_134, %dma_start3A_135] : memref<16x40x4x2x128xi32, #tpu.memory_space<hbm>> -> memref<1x1x4x2x128xi32, #tpu.memory_space<hbm>>
      %dma_start3A_137 = tpu.memref_squeeze %dma_start3A_136 : memref<1x1x4x2x128xi32, #tpu.memory_space<hbm>> -> memref<4x2x128xi32, #tpu.memory_space<hbm>>
      %dma_start3A_138 = arith.constant 0 : i32
      %dma_start3A_139 = arith.constant 0 : i32
      %dma_start3A_140 = arith.constant 0 : i32
      %dma_start3A_141 = tpu.memref_slice %arg11[%run_scoped3A_29, %dma_start3A_138, %dma_start3A_139, %dma_start3A_140] : memref<4x4x2x128xi32, #tpu.memory_space<vmem>> -> memref<1x4x2x128xi32, #tpu.memory_space<vmem>>
      %dma_start3A_142 = tpu.memref_squeeze %dma_start3A_141 : memref<1x4x2x128xi32, #tpu.memory_space<vmem>> -> memref<4x2x128xi32, #tpu.memory_space<vmem>>
      %dma_start3A_143 = arith.constant 0 : i32
      %dma_start3A_144 = arith.constant 0 : i32
      %dma_start3A_145 = arith.constant 0 : i32
      %dma_start3A_146 = tpu.memref_slice %arg3[%arg1, %run_scoped3A_28, %dma_start3A_143, %dma_start3A_144, %dma_start3A_145] : memref<16x40x4x2x128xi32, #tpu.memory_space<hbm>> -> memref<1x1x4x2x128xi32, #tpu.memory_space<hbm>>
      %dma_start3A_147 = tpu.memref_squeeze %dma_start3A_146 : memref<1x1x4x2x128xi32, #tpu.memory_space<hbm>> -> memref<4x2x128xi32, #tpu.memory_space<hbm>>
      tpu.enqueue_dma source(%dma_start3A_147 : memref<4x2x128xi32, #tpu.memory_space<hbm>>) target(%dma_start3A_142 : memref<4x2x128xi32, #tpu.memory_space<vmem>>) target_semaphore(%run_scoped3A_127 : memref<!tpu.dma_semaphore, #tpu.memory_space<semaphore_mem>>)
      %dma_wait3A = arith.constant 0 : i32
      %dma_wait3A_148 = arith.constant 0 : i32
      %dma_wait3A_149 = arith.constant 0 : i32
      %dma_wait3A_150 = tpu.memref_slice %arg11[%run_scoped3A_29, %dma_wait3A, %dma_wait3A_148, %dma_wait3A_149] : memref<4x4x2x128xi32, #tpu.memory_space<vmem>> -> memref<1x4x2x128xi32, #tpu.memory_space<vmem>>
      %dma_wait3A_151 = tpu.memref_squeeze %dma_wait3A_150 : memref<1x4x2x128xi32, #tpu.memory_space<vmem>> -> memref<4x2x128xi32, #tpu.memory_space<vmem>>
      %dma_wait3A_152 = arith.constant 0 : i32
      %dma_wait3A_153 = arith.constant 0 : i32
      %dma_wait3A_154 = arith.constant 0 : i32
      %dma_wait3A_155 = tpu.memref_slice %arg3[%arg1, %run_scoped3A_28, %dma_wait3A_152, %dma_wait3A_153, %dma_wait3A_154] : memref<16x40x4x2x128xi32, #tpu.memory_space<hbm>> -> memref<1x1x4x2x128xi32, #tpu.memory_space<hbm>>
      %dma_wait3A_156 = tpu.memref_squeeze %dma_wait3A_155 : memref<1x1x4x2x128xi32, #tpu.memory_space<hbm>> -> memref<4x2x128xi32, #tpu.memory_space<hbm>>
      %dma_wait3A_157 = arith.constant 0 : i32
      %dma_wait3A_158 = arith.constant 0 : i32
      %dma_wait3A_159 = arith.constant 0 : i32
      %dma_wait3A_160 = tpu.memref_slice %arg11[%run_scoped3A_29, %dma_wait3A_157, %dma_wait3A_158, %dma_wait3A_159] : memref<4x4x2x128xi32, #tpu.memory_space<vmem>> -> memref<1x4x2x128xi32, #tpu.memory_space<vmem>>
      %dma_wait3A_161 = tpu.memref_squeeze %dma_wait3A_160 : memref<1x4x2x128xi32, #tpu.memory_space<vmem>> -> memref<4x2x128xi32, #tpu.memory_space<vmem>>
      %dma_wait3A_162 = arith.constant 0 : i32
      %dma_wait3A_163 = arith.constant 0 : i32
      %dma_wait3A_164 = arith.constant 0 : i32
      %dma_wait3A_165 = tpu.memref_slice %arg3[%arg1, %run_scoped3A_28, %dma_wait3A_162, %dma_wait3A_163, %dma_wait3A_164] : memref<16x40x4x2x128xi32, #tpu.memory_space<hbm>> -> memref<1x1x4x2x128xi32, #tpu.memory_space<hbm>>
      %dma_wait3A_166 = tpu.memref_squeeze %dma_wait3A_165 : memref<1x1x4x2x128xi32, #tpu.memory_space<hbm>> -> memref<4x2x128xi32, #tpu.memory_space<hbm>>
      tpu.wait_dma2 semaphore(%run_scoped3A_127 : memref<!tpu.dma_semaphore, #tpu.memory_space<semaphore_mem>>) src(%dma_wait3A_166 : memref<4x2x128xi32, #tpu.memory_space<hbm>>) dst(%dma_wait3A_161 : memref<4x2x128xi32, #tpu.memory_space<vmem>>)
      tpu.yield
    }) : () -> ()
    %dma_start3A = arith.constant 1 : i32
    %dma_start3A_30 = arith.constant 1 : i32
    %dma_start3A_31 = arith.constant 0 : i32
    %dma_start3A_32 = arith.constant 0 : i32
    %dma_start3A_33 = arith.constant 0 : i32
    %dma_start3A_34 = tpu.memref_slice %arg11[%dma_start3A_30, %dma_start3A_31, %dma_start3A_32, %dma_start3A_33] : memref<4x4x2x128xi32, #tpu.memory_space<vmem>> -> memref<1x4x2x128xi32, #tpu.memory_space<vmem>>
    %dma_start3A_35 = tpu.memref_squeeze %dma_start3A_34 : memref<1x4x2x128xi32, #tpu.memory_space<vmem>> -> memref<4x2x128xi32, #tpu.memory_space<vmem>>
    %dma_start3A_36 = arith.constant 0 : i32
    %dma_start3A_37 = arith.constant 0 : i32
    %dma_start3A_38 = arith.constant 0 : i32
    %dma_start3A_39 = tpu.memref_slice %arg3[%arg1, %dma_start3A, %dma_start3A_36, %dma_start3A_37, %dma_start3A_38] : memref<16x40x4x2x128xi32, #tpu.memory_space<hbm>> -> memref<1x1x4x2x128xi32, #tpu.memory_space<hbm>>
    %dma_start3A_40 = tpu.memref_squeeze %dma_start3A_39 : memref<1x1x4x2x128xi32, #tpu.memory_space<hbm>> -> memref<4x2x128xi32, #tpu.memory_space<hbm>>
    %dma_start3A_41 = arith.constant 0 : i32
    %dma_start3A_42 = arith.constant 0 : i32
    %dma_start3A_43 = arith.constant 0 : i32
    %dma_start3A_44 = tpu.memref_slice %arg11[%dma_start3A_30, %dma_start3A_41, %dma_start3A_42, %dma_start3A_43] : memref<4x4x2x128xi32, #tpu.memory_space<vmem>> -> memref<1x4x2x128xi32, #tpu.memory_space<vmem>>
    %dma_start3A_45 = tpu.memref_squeeze %dma_start3A_44 : memref<1x4x2x128xi32, #tpu.memory_space<vmem>> -> memref<4x2x128xi32, #tpu.memory_space<vmem>>
    %dma_start3A_46 = arith.constant 0 : i32
    %dma_start3A_47 = arith.constant 0 : i32
    %dma_start3A_48 = arith.constant 0 : i32
    %dma_start3A_49 = tpu.memref_slice %arg3[%arg1, %dma_start3A, %dma_start3A_46, %dma_start3A_47, %dma_start3A_48] : memref<16x40x4x2x128xi32, #tpu.memory_space<hbm>> -> memref<1x1x4x2x128xi32, #tpu.memory_space<hbm>>
    %dma_start3A_50 = tpu.memref_squeeze %dma_start3A_49 : memref<1x1x4x2x128xi32, #tpu.memory_space<hbm>> -> memref<4x2x128xi32, #tpu.memory_space<hbm>>
    tpu.enqueue_dma source(%dma_start3A_50 : memref<4x2x128xi32, #tpu.memory_space<hbm>>) target(%dma_start3A_45 : memref<4x2x128xi32, #tpu.memory_space<vmem>>) target_semaphore(%arg18 : memref<!tpu.dma_semaphore, #tpu.memory_space<semaphore_mem>>)
    %dma_start3A_51 = arith.constant 2 : i32
    %dma_start3A_52 = arith.constant 2 : i32
    %dma_start3A_53 = arith.constant 0 : i32
    %dma_start3A_54 = arith.constant 0 : i32
    %dma_start3A_55 = arith.constant 0 : i32
    %dma_start3A_56 = tpu.memref_slice %arg11[%dma_start3A_52, %dma_start3A_53, %dma_start3A_54, %dma_start3A_55] : memref<4x4x2x128xi32, #tpu.memory_space<vmem>> -> memref<1x4x2x128xi32, #tpu.memory_space<vmem>>
    %dma_start3A_57 = tpu.memref_squeeze %dma_start3A_56 : memref<1x4x2x128xi32, #tpu.memory_space<vmem>> -> memref<4x2x128xi32, #tpu.memory_space<vmem>>
    %dma_start3A_58 = arith.constant 0 : i32
    %dma_start3A_59 = arith.constant 0 : i32
    %dma_start3A_60 = arith.constant 0 : i32
    %dma_start3A_61 = tpu.memref_slice %arg3[%arg1, %dma_start3A_51, %dma_start3A_58, %dma_start3A_59, %dma_start3A_60] : memref<16x40x4x2x128xi32, #tpu.memory_space<hbm>> -> memref<1x1x4x2x128xi32, #tpu.memory_space<hbm>>
    %dma_start3A_62 = tpu.memref_squeeze %dma_start3A_61 : memref<1x1x4x2x128xi32, #tpu.memory_space<hbm>> -> memref<4x2x128xi32, #tpu.memory_space<hbm>>
    %dma_start3A_63 = arith.constant 0 : i32
    %dma_start3A_64 = arith.constant 0 : i32
    %dma_start3A_65 = arith.constant 0 : i32
    %dma_start3A_66 = tpu.memref_slice %arg11[%dma_start3A_52, %dma_start3A_63, %dma_start3A_64, %dma_start3A_65] : memref<4x4x2x128xi32, #tpu.memory_space<vmem>> -> memref<1x4x2x128xi32, #tpu.memory_space<vmem>>
    %dma_start3A_67 = tpu.memref_squeeze %dma_start3A_66 : memref<1x4x2x128xi32, #tpu.memory_space<vmem>> -> memref<4x2x128xi32, #tpu.memory_space<vmem>>
    %dma_start3A_68 = arith.constant 0 : i32
    %dma_start3A_69 = arith.constant 0 : i32
    %dma_start3A_70 = arith.constant 0 : i32
    %dma_start3A_71 = tpu.memref_slice %arg3[%arg1, %dma_start3A_51, %dma_start3A_68, %dma_start3A_69, %dma_start3A_70] : memref<16x40x4x2x128xi32, #tpu.memory_space<hbm>> -> memref<1x1x4x2x128xi32, #tpu.memory_space<hbm>>
    %dma_start3A_72 = tpu.memref_squeeze %dma_start3A_71 : memref<1x1x4x2x128xi32, #tpu.memory_space<hbm>> -> memref<4x2x128xi32, #tpu.memory_space<hbm>>
    tpu.enqueue_dma source(%dma_start3A_72 : memref<4x2x128xi32, #tpu.memory_space<hbm>>) target(%dma_start3A_67 : memref<4x2x128xi32, #tpu.memory_space<vmem>>) target_semaphore(%arg19 : memref<!tpu.dma_semaphore, #tpu.memory_space<semaphore_mem>>)
    %dma_start3A_73 = arith.constant 0 : i32
    %dma_start3A_74 = arith.constant 0 : i32
    %dma_start3A_75 = arith.constant 0 : i32
    %dma_start3A_76 = arith.constant 0 : i32
    %dma_start3A_77 = arith.constant 0 : i32
    %dma_start3A_78 = arith.constant 0 : i32
    %dma_start3A_79 = tpu.memref_slice %arg12[%dma_start3A_76, %dma_start3A_77, %dma_start3A_78] : memref<2x128x64xf32, #tpu.memory_space<vmem>> -> memref<1x128x64xf32, #tpu.memory_space<vmem>>
    %dma_start3A_80 = tpu.memref_squeeze %dma_start3A_79 : memref<1x128x64xf32, #tpu.memory_space<vmem>> -> memref<128x64xf32, #tpu.memory_space<vmem>>
    %dma_start3A_81 = arith.constant 0 : i32
    %dma_start3A_82 = tpu.memref_slice %arg11[%dma_start3A_73, %dma_start3A_74, %dma_start3A_75, %dma_start3A_81] : memref<4x4x2x128xi32, #tpu.memory_space<vmem>> -> memref<1x1x1x128xi32, #tpu.memory_space<vmem>>
    %dma_start3A_83 = tpu.memref_squeeze %dma_start3A_82 : memref<1x1x1x128xi32, #tpu.memory_space<vmem>> -> memref<128xi32, #tpu.memory_space<vmem>>
    %dma_start3A_84 = arith.constant 0 : i32
    %dma_start3A_85 = arith.constant 0 : i32
    %dma_start3A_86 = tpu.memref_slice %arg10[%dma_start3A_84, %dma_start3A_85] : memref<10240x64xf32, #tpu.memory_space<vmem_shared>> -> memref<10240x64xf32, #tpu.memory_space<vmem_shared>>
    tpu.enqueue_indirect_dma source(%dma_start3A_86 : memref<10240x64xf32, #tpu.memory_space<vmem_shared>>) target(%dma_start3A_80 : memref<128x64xf32, #tpu.memory_space<vmem>>) offsets(%dma_start3A_83 : memref<128xi32, #tpu.memory_space<vmem>>) semaphore(%arg13 : memref<!tpu.dma_semaphore, #tpu.memory_space<semaphore_mem>>)
    %dma_start3A_87 = arith.constant 0 : i32
    %dma_start3A_88 = arith.constant 1 : i32
    %dma_start3A_89 = arith.constant 0 : i32
    %dma_start3A_90 = arith.constant 1 : i32
    %dma_start3A_91 = arith.constant 0 : i32
    %dma_start3A_92 = arith.constant 0 : i32
    %dma_start3A_93 = tpu.memref_slice %arg12[%dma_start3A_90, %dma_start3A_91, %dma_start3A_92] : memref<2x128x64xf32, #tpu.memory_space<vmem>> -> memref<1x128x64xf32, #tpu.memory_space<vmem>>
    %dma_start3A_94 = tpu.memref_squeeze %dma_start3A_93 : memref<1x128x64xf32, #tpu.memory_space<vmem>> -> memref<128x64xf32, #tpu.memory_space<vmem>>
    %dma_start3A_95 = arith.constant 0 : i32
    %dma_start3A_96 = tpu.memref_slice %arg11[%dma_start3A_87, %dma_start3A_88, %dma_start3A_89, %dma_start3A_95] : memref<4x4x2x128xi32, #tpu.memory_space<vmem>> -> memref<1x1x1x128xi32, #tpu.memory_space<vmem>>
    %dma_start3A_97 = tpu.memref_squeeze %dma_start3A_96 : memref<1x1x1x128xi32, #tpu.memory_space<vmem>> -> memref<128xi32, #tpu.memory_space<vmem>>
    %dma_start3A_98 = arith.constant 0 : i32
    %dma_start3A_99 = arith.constant 0 : i32
    %dma_start3A_100 = tpu.memref_slice %arg10[%dma_start3A_98, %dma_start3A_99] : memref<10240x64xf32, #tpu.memory_space<vmem_shared>> -> memref<10240x64xf32, #tpu.memory_space<vmem_shared>>
    tpu.enqueue_indirect_dma source(%dma_start3A_100 : memref<10240x64xf32, #tpu.memory_space<vmem_shared>>) target(%dma_start3A_94 : memref<128x64xf32, #tpu.memory_space<vmem>>) offsets(%dma_start3A_97 : memref<128xi32, #tpu.memory_space<vmem>>) semaphore(%arg14 : memref<!tpu.dma_semaphore, #tpu.memory_space<semaphore_mem>>)
    %scan3A = arith.constant 0 : i32
    %scan3A_101 = arith.constant 0 : i32
    %scan3A_102 = arith.constant 80 : i32
    %scan3A_103 = arith.addi %scan3A_101, %scan3A_102 : i32
    %scan3A_104 = arith.constant 1 : i32
    scf.for %scan3A_127 = %scan3A_101 to %scan3A_103 step %scan3A_104  : i32 {
      %jit3A = arith.constant 2 : i32
      %div3A = arith.divsi %scan3A_127, %jit3A : i32
      %sign3A = arith.constant 0 : i32
      %sign3A_128 = arith.cmpi sgt, %scan3A_127, %sign3A : i32
      %sign3A_129 = arith.extui %sign3A_128 : i1 to i32
      %sign3A_130 = arith.constant 0 : i32
      %sign3A_131 = arith.cmpi slt, %scan3A_127, %sign3A_130 : i32
      %sign3A_132 = arith.extui %sign3A_131 : i1 to i32
      %sign3A_133 = arith.subi %sign3A_129, %sign3A_132 : i32
      %sign3A_134 = arith.constant 0 : i32
      %sign3A_135 = arith.cmpi sgt, %jit3A, %sign3A_134 : i32
      %sign3A_136 = arith.extui %sign3A_135 : i1 to i32
      %sign3A_137 = arith.constant 0 : i32
      %sign3A_138 = arith.cmpi slt, %jit3A, %sign3A_137 : i32
      %sign3A_139 = arith.extui %sign3A_138 : i1 to i32
      %sign3A_140 = arith.subi %sign3A_136, %sign3A_139 : i32
      %ne3A = arith.cmpi ne, %sign3A_133, %sign3A_140 : i32
      %rem3A = arith.remsi %scan3A_127, %jit3A : i32
      %ne3A_141 = arith.constant 0 : i32
      %ne3A_142 = arith.cmpi ne, %rem3A, %ne3A_141 : i32
      %and3A = arith.andi %ne3A, %ne3A_142 : i1
      %sub3A = arith.constant 1 : i32
      %sub3A_143 = arith.subi %div3A, %sub3A : i32
      %select_n3A = arith.select %and3A, %sub3A_143, %div3A : i32
      %rem3A_144 = arith.constant 2 : i32
      %rem3A_145 = arith.remsi %scan3A_127, %rem3A_144 : i32
      %eq3A = arith.constant 0 : i32
      %eq3A_146 = arith.cmpi eq, %rem3A_145, %eq3A : i32
      %add3A_147 = arith.constant 1 : i32
      %add3A_148 = arith.addi %select_n3A, %add3A_147 : i32
      %lt3A = arith.constant 40 : i32
      %lt3A_149 = arith.cmpi slt, %add3A_148, %lt3A : i32
      %and3A_150 = arith.andi %eq3A_146, %lt3A_149 : i1
      %add3A_151 = arith.constant 1 : i32
      %add3A_152 = arith.addi %select_n3A, %add3A_151 : i32
      %rem3A_153 = arith.constant 4 : i32
      %rem3A_154 = arith.remsi %add3A_152, %rem3A_153 : i32
      %eq3A_155 = arith.constant 0 : i32
      %eq3A_156 = arith.cmpi eq, %rem3A_154, %eq3A_155 : i32
      %and3A_157 = arith.andi %and3A_150, %eq3A_156 : i1
      %convert_element_type3A = arith.extui %and3A_157 : i1 to i32
      %cond3A = arith.constant 0 : i32
      %cond3A_158 = arith.cmpi ne, %convert_element_type3A, %cond3A : i32
      scf.if %cond3A_158 {
        %dma_wait3A_417 = arith.constant 0 : i32
        %dma_wait3A_418 = arith.constant 0 : i32
        %dma_wait3A_419 = arith.constant 0 : i32
        %dma_wait3A_420 = arith.constant 0 : i32
        %dma_wait3A_421 = arith.constant 0 : i32
        %dma_wait3A_422 = tpu.memref_slice %arg11[%dma_wait3A_418, %dma_wait3A_419, %dma_wait3A_420, %dma_wait3A_421] : memref<4x4x2x128xi32, #tpu.memory_space<vmem>> -> memref<1x4x2x128xi32, #tpu.memory_space<vmem>>
        %dma_wait3A_423 = tpu.memref_squeeze %dma_wait3A_422 : memref<1x4x2x128xi32, #tpu.memory_space<vmem>> -> memref<4x2x128xi32, #tpu.memory_space<vmem>>
        %dma_wait3A_424 = arith.constant 0 : i32
        %dma_wait3A_425 = arith.constant 0 : i32
        %dma_wait3A_426 = arith.constant 0 : i32
        %dma_wait3A_427 = tpu.memref_slice %arg3[%arg1, %dma_wait3A_417, %dma_wait3A_424, %dma_wait3A_425, %dma_wait3A_426] : memref<16x40x4x2x128xi32, #tpu.memory_space<hbm>> -> memref<1x1x4x2x128xi32, #tpu.memory_space<hbm>>
        %dma_wait3A_428 = tpu.memref_squeeze %dma_wait3A_427 : memref<1x1x4x2x128xi32, #tpu.memory_space<hbm>> -> memref<4x2x128xi32, #tpu.memory_space<hbm>>
        %dma_wait3A_429 = arith.constant 0 : i32
        %dma_wait3A_430 = arith.constant 0 : i32
        %dma_wait3A_431 = arith.constant 0 : i32
        %dma_wait3A_432 = tpu.memref_slice %arg11[%dma_wait3A_418, %dma_wait3A_429, %dma_wait3A_430, %dma_wait3A_431] : memref<4x4x2x128xi32, #tpu.memory_space<vmem>> -> memref<1x4x2x128xi32, #tpu.memory_space<vmem>>
        %dma_wait3A_433 = tpu.memref_squeeze %dma_wait3A_432 : memref<1x4x2x128xi32, #tpu.memory_space<vmem>> -> memref<4x2x128xi32, #tpu.memory_space<vmem>>
        %dma_wait3A_434 = arith.constant 0 : i32
        %dma_wait3A_435 = arith.constant 0 : i32
        %dma_wait3A_436 = arith.constant 0 : i32
        %dma_wait3A_437 = tpu.memref_slice %arg3[%arg1, %dma_wait3A_417, %dma_wait3A_434, %dma_wait3A_435, %dma_wait3A_436] : memref<16x40x4x2x128xi32, #tpu.memory_space<hbm>> -> memref<1x1x4x2x128xi32, #tpu.memory_space<hbm>>
        %dma_wait3A_438 = tpu.memref_squeeze %dma_wait3A_437 : memref<1x1x4x2x128xi32, #tpu.memory_space<hbm>> -> memref<4x2x128xi32, #tpu.memory_space<hbm>>
        tpu.wait_dma2 semaphore(%arg17 : memref<!tpu.dma_semaphore, #tpu.memory_space<semaphore_mem>>) src(%dma_wait3A_438 : memref<4x2x128xi32, #tpu.memory_space<hbm>>) dst(%dma_wait3A_433 : memref<4x2x128xi32, #tpu.memory_space<vmem>>)
      } else {
      }
      %add3A_159 = arith.constant 3 : i32
      %add3A_160 = arith.addi %select_n3A, %add3A_159 : i32
      %lt3A_161 = arith.constant 40 : i32
      %lt3A_162 = arith.cmpi slt, %add3A_160, %lt3A_161 : i32
      %and3A_163 = arith.andi %eq3A_146, %lt3A_162 : i1
      %add3A_164 = arith.constant 3 : i32
      %add3A_165 = arith.addi %select_n3A, %add3A_164 : i32
      %rem3A_166 = arith.constant 4 : i32
      %rem3A_167 = arith.remsi %add3A_165, %rem3A_166 : i32
      %eq3A_168 = arith.constant 0 : i32
      %eq3A_169 = arith.cmpi eq, %rem3A_167, %eq3A_168 : i32
      %and3A_170 = arith.andi %and3A_163, %eq3A_169 : i1
      %convert_element_type3A_171 = arith.extui %and3A_170 : i1 to i32
      %cond3A_172 = arith.constant 0 : i32
      %cond3A_173 = arith.cmpi ne, %convert_element_type3A_171, %cond3A_172 : i32
      scf.if %cond3A_173 {
        %add3A_417 = arith.constant 3 : i32
        %add3A_418 = arith.addi %select_n3A, %add3A_417 : i32
        %dma_start3A_419 = arith.constant 0 : i32
        %dma_start3A_420 = arith.constant 0 : i32
        %dma_start3A_421 = arith.constant 0 : i32
        %dma_start3A_422 = arith.constant 0 : i32
        %dma_start3A_423 = tpu.memref_slice %arg11[%dma_start3A_419, %dma_start3A_420, %dma_start3A_421, %dma_start3A_422] : memref<4x4x2x128xi32, #tpu.memory_space<vmem>> -> memref<1x4x2x128xi32, #tpu.memory_space<vmem>>
        %dma_start3A_424 = tpu.memref_squeeze %dma_start3A_423 : memref<1x4x2x128xi32, #tpu.memory_space<vmem>> -> memref<4x2x128xi32, #tpu.memory_space<vmem>>
        %dma_start3A_425 = arith.constant 0 : i32
        %dma_start3A_426 = arith.constant 0 : i32
        %dma_start3A_427 = arith.constant 0 : i32
        %dma_start3A_428 = tpu.memref_slice %arg3[%arg1, %add3A_418, %dma_start3A_425, %dma_start3A_426, %dma_start3A_427] : memref<16x40x4x2x128xi32, #tpu.memory_space<hbm>> -> memref<1x1x4x2x128xi32, #tpu.memory_space<hbm>>
        %dma_start3A_429 = tpu.memref_squeeze %dma_start3A_428 : memref<1x1x4x2x128xi32, #tpu.memory_space<hbm>> -> memref<4x2x128xi32, #tpu.memory_space<hbm>>
        %dma_start3A_430 = arith.constant 0 : i32
        %dma_start3A_431 = arith.constant 0 : i32
        %dma_start3A_432 = arith.constant 0 : i32
        %dma_start3A_433 = tpu.memref_slice %arg11[%dma_start3A_419, %dma_start3A_430, %dma_start3A_431, %dma_start3A_432] : memref<4x4x2x128xi32, #tpu.memory_space<vmem>> -> memref<1x4x2x128xi32, #tpu.memory_space<vmem>>
        %dma_start3A_434 = tpu.memref_squeeze %dma_start3A_433 : memref<1x4x2x128xi32, #tpu.memory_space<vmem>> -> memref<4x2x128xi32, #tpu.memory_space<vmem>>
        %dma_start3A_435 = arith.constant 0 : i32
        %dma_start3A_436 = arith.constant 0 : i32
        %dma_start3A_437 = arith.constant 0 : i32
        %dma_start3A_438 = tpu.memref_slice %arg3[%arg1, %add3A_418, %dma_start3A_435, %dma_start3A_436, %dma_start3A_437] : memref<16x40x4x2x128xi32, #tpu.memory_space<hbm>> -> memref<1x1x4x2x128xi32, #tpu.memory_space<hbm>>
        %dma_start3A_439 = tpu.memref_squeeze %dma_start3A_438 : memref<1x1x4x2x128xi32, #tpu.memory_space<hbm>> -> memref<4x2x128xi32, #tpu.memory_space<hbm>>
        tpu.enqueue_dma source(%dma_start3A_439 : memref<4x2x128xi32, #tpu.memory_space<hbm>>) target(%dma_start3A_434 : memref<4x2x128xi32, #tpu.memory_space<vmem>>) target_semaphore(%arg17 : memref<!tpu.dma_semaphore, #tpu.memory_space<semaphore_mem>>)
      } else {
      }
      %add3A_174 = arith.constant 1 : i32
      %add3A_175 = arith.addi %select_n3A, %add3A_174 : i32
      %lt3A_176 = arith.constant 40 : i32
      %lt3A_177 = arith.cmpi slt, %add3A_175, %lt3A_176 : i32
      %and3A_178 = arith.andi %eq3A_146, %lt3A_177 : i1
      %add3A_179 = arith.constant 1 : i32
      %add3A_180 = arith.addi %select_n3A, %add3A_179 : i32
      %rem3A_181 = arith.constant 4 : i32
      %rem3A_182 = arith.remsi %add3A_180, %rem3A_181 : i32
      %eq3A_183 = arith.constant 1 : i32
      %eq3A_184 = arith.cmpi eq, %rem3A_182, %eq3A_183 : i32
      %and3A_185 = arith.andi %and3A_178, %eq3A_184 : i1
      %convert_element_type3A_186 = arith.extui %and3A_185 : i1 to i32
      %cond3A_187 = arith.constant 0 : i32
      %cond3A_188 = arith.cmpi ne, %convert_element_type3A_186, %cond3A_187 : i32
      scf.if %cond3A_188 {
        %dma_wait3A_417 = arith.constant 0 : i32
        %dma_wait3A_418 = arith.constant 1 : i32
        %dma_wait3A_419 = arith.constant 0 : i32
        %dma_wait3A_420 = arith.constant 0 : i32
        %dma_wait3A_421 = arith.constant 0 : i32
        %dma_wait3A_422 = tpu.memref_slice %arg11[%dma_wait3A_418, %dma_wait3A_419, %dma_wait3A_420, %dma_wait3A_421] : memref<4x4x2x128xi32, #tpu.memory_space<vmem>> -> memref<1x4x2x128xi32, #tpu.memory_space<vmem>>
        %dma_wait3A_423 = tpu.memref_squeeze %dma_wait3A_422 : memref<1x4x2x128xi32, #tpu.memory_space<vmem>> -> memref<4x2x128xi32, #tpu.memory_space<vmem>>
        %dma_wait3A_424 = arith.constant 0 : i32
        %dma_wait3A_425 = arith.constant 0 : i32
        %dma_wait3A_426 = arith.constant 0 : i32
        %dma_wait3A_427 = tpu.memref_slice %arg3[%arg1, %dma_wait3A_417, %dma_wait3A_424, %dma_wait3A_425, %dma_wait3A_426] : memref<16x40x4x2x128xi32, #tpu.memory_space<hbm>> -> memref<1x1x4x2x128xi32, #tpu.memory_space<hbm>>
        %dma_wait3A_428 = tpu.memref_squeeze %dma_wait3A_427 : memref<1x1x4x2x128xi32, #tpu.memory_space<hbm>> -> memref<4x2x128xi32, #tpu.memory_space<hbm>>
        %dma_wait3A_429 = arith.constant 0 : i32
        %dma_wait3A_430 = arith.constant 0 : i32
        %dma_wait3A_431 = arith.constant 0 : i32
        %dma_wait3A_432 = tpu.memref_slice %arg11[%dma_wait3A_418, %dma_wait3A_429, %dma_wait3A_430, %dma_wait3A_431] : memref<4x4x2x128xi32, #tpu.memory_space<vmem>> -> memref<1x4x2x128xi32, #tpu.memory_space<vmem>>
        %dma_wait3A_433 = tpu.memref_squeeze %dma_wait3A_432 : memref<1x4x2x128xi32, #tpu.memory_space<vmem>> -> memref<4x2x128xi32, #tpu.memory_space<vmem>>
        %dma_wait3A_434 = arith.constant 0 : i32
        %dma_wait3A_435 = arith.constant 0 : i32
        %dma_wait3A_436 = arith.constant 0 : i32
        %dma_wait3A_437 = tpu.memref_slice %arg3[%arg1, %dma_wait3A_417, %dma_wait3A_434, %dma_wait3A_435, %dma_wait3A_436] : memref<16x40x4x2x128xi32, #tpu.memory_space<hbm>> -> memref<1x1x4x2x128xi32, #tpu.memory_space<hbm>>
        %dma_wait3A_438 = tpu.memref_squeeze %dma_wait3A_437 : memref<1x1x4x2x128xi32, #tpu.memory_space<hbm>> -> memref<4x2x128xi32, #tpu.memory_space<hbm>>
        tpu.wait_dma2 semaphore(%arg18 : memref<!tpu.dma_semaphore, #tpu.memory_space<semaphore_mem>>) src(%dma_wait3A_438 : memref<4x2x128xi32, #tpu.memory_space<hbm>>) dst(%dma_wait3A_433 : memref<4x2x128xi32, #tpu.memory_space<vmem>>)
      } else {
      }
      %add3A_189 = arith.constant 3 : i32
      %add3A_190 = arith.addi %select_n3A, %add3A_189 : i32
      %lt3A_191 = arith.constant 40 : i32
      %lt3A_192 = arith.cmpi slt, %add3A_190, %lt3A_191 : i32
      %and3A_193 = arith.andi %eq3A_146, %lt3A_192 : i1
      %add3A_194 = arith.constant 3 : i32
      %add3A_195 = arith.addi %select_n3A, %add3A_194 : i32
      %rem3A_196 = arith.constant 4 : i32
      %rem3A_197 = arith.remsi %add3A_195, %rem3A_196 : i32
      %eq3A_198 = arith.constant 1 : i32
      %eq3A_199 = arith.cmpi eq, %rem3A_197, %eq3A_198 : i32
      %and3A_200 = arith.andi %and3A_193, %eq3A_199 : i1
      %convert_element_type3A_201 = arith.extui %and3A_200 : i1 to i32
      %cond3A_202 = arith.constant 0 : i32
      %cond3A_203 = arith.cmpi ne, %convert_element_type3A_201, %cond3A_202 : i32
      scf.if %cond3A_203 {
        %add3A_417 = arith.constant 3 : i32
        %add3A_418 = arith.addi %select_n3A, %add3A_417 : i32
        %dma_start3A_419 = arith.constant 1 : i32
        %dma_start3A_420 = arith.constant 0 : i32
        %dma_start3A_421 = arith.constant 0 : i32
        %dma_start3A_422 = arith.constant 0 : i32
        %dma_start3A_423 = tpu.memref_slice %arg11[%dma_start3A_419, %dma_start3A_420, %dma_start3A_421, %dma_start3A_422] : memref<4x4x2x128xi32, #tpu.memory_space<vmem>> -> memref<1x4x2x128xi32, #tpu.memory_space<vmem>>
        %dma_start3A_424 = tpu.memref_squeeze %dma_start3A_423 : memref<1x4x2x128xi32, #tpu.memory_space<vmem>> -> memref<4x2x128xi32, #tpu.memory_space<vmem>>
        %dma_start3A_425 = arith.constant 0 : i32
        %dma_start3A_426 = arith.constant 0 : i32
        %dma_start3A_427 = arith.constant 0 : i32
        %dma_start3A_428 = tpu.memref_slice %arg3[%arg1, %add3A_418, %dma_start3A_425, %dma_start3A_426, %dma_start3A_427] : memref<16x40x4x2x128xi32, #tpu.memory_space<hbm>> -> memref<1x1x4x2x128xi32, #tpu.memory_space<hbm>>
        %dma_start3A_429 = tpu.memref_squeeze %dma_start3A_428 : memref<1x1x4x2x128xi32, #tpu.memory_space<hbm>> -> memref<4x2x128xi32, #tpu.memory_space<hbm>>
        %dma_start3A_430 = arith.constant 0 : i32
        %dma_start3A_431 = arith.constant 0 : i32
        %dma_start3A_432 = arith.constant 0 : i32
        %dma_start3A_433 = tpu.memref_slice %arg11[%dma_start3A_419, %dma_start3A_430, %dma_start3A_431, %dma_start3A_432] : memref<4x4x2x128xi32, #tpu.memory_space<vmem>> -> memref<1x4x2x128xi32, #tpu.memory_space<vmem>>
        %dma_start3A_434 = tpu.memref_squeeze %dma_start3A_433 : memref<1x4x2x128xi32, #tpu.memory_space<vmem>> -> memref<4x2x128xi32, #tpu.memory_space<vmem>>
        %dma_start3A_435 = arith.constant 0 : i32
        %dma_start3A_436 = arith.constant 0 : i32
        %dma_start3A_437 = arith.constant 0 : i32
        %dma_start3A_438 = tpu.memref_slice %arg3[%arg1, %add3A_418, %dma_start3A_435, %dma_start3A_436, %dma_start3A_437] : memref<16x40x4x2x128xi32, #tpu.memory_space<hbm>> -> memref<1x1x4x2x128xi32, #tpu.memory_space<hbm>>
        %dma_start3A_439 = tpu.memref_squeeze %dma_start3A_438 : memref<1x1x4x2x128xi32, #tpu.memory_space<hbm>> -> memref<4x2x128xi32, #tpu.memory_space<hbm>>
        tpu.enqueue_dma source(%dma_start3A_439 : memref<4x2x128xi32, #tpu.memory_space<hbm>>) target(%dma_start3A_434 : memref<4x2x128xi32, #tpu.memory_space<vmem>>) target_semaphore(%arg18 : memref<!tpu.dma_semaphore, #tpu.memory_space<semaphore_mem>>)
      } else {
      }
      %add3A_204 = arith.constant 1 : i32
      %add3A_205 = arith.addi %select_n3A, %add3A_204 : i32
      %lt3A_206 = arith.constant 40 : i32
      %lt3A_207 = arith.cmpi slt, %add3A_205, %lt3A_206 : i32
      %and3A_208 = arith.andi %eq3A_146, %lt3A_207 : i1
      %add3A_209 = arith.constant 1 : i32
      %add3A_210 = arith.addi %select_n3A, %add3A_209 : i32
      %rem3A_211 = arith.constant 4 : i32
      %rem3A_212 = arith.remsi %add3A_210, %rem3A_211 : i32
      %eq3A_213 = arith.constant 2 : i32
      %eq3A_214 = arith.cmpi eq, %rem3A_212, %eq3A_213 : i32
      %and3A_215 = arith.andi %and3A_208, %eq3A_214 : i1
      %convert_element_type3A_216 = arith.extui %and3A_215 : i1 to i32
      %cond3A_217 = arith.constant 0 : i32
      %cond3A_218 = arith.cmpi ne, %convert_element_type3A_216, %cond3A_217 : i32
      scf.if %cond3A_218 {
        %dma_wait3A_417 = arith.constant 0 : i32
        %dma_wait3A_418 = arith.constant 2 : i32
        %dma_wait3A_419 = arith.constant 0 : i32
        %dma_wait3A_420 = arith.constant 0 : i32
        %dma_wait3A_421 = arith.constant 0 : i32
        %dma_wait3A_422 = tpu.memref_slice %arg11[%dma_wait3A_418, %dma_wait3A_419, %dma_wait3A_420, %dma_wait3A_421] : memref<4x4x2x128xi32, #tpu.memory_space<vmem>> -> memref<1x4x2x128xi32, #tpu.memory_space<vmem>>
        %dma_wait3A_423 = tpu.memref_squeeze %dma_wait3A_422 : memref<1x4x2x128xi32, #tpu.memory_space<vmem>> -> memref<4x2x128xi32, #tpu.memory_space<vmem>>
        %dma_wait3A_424 = arith.constant 0 : i32
        %dma_wait3A_425 = arith.constant 0 : i32
        %dma_wait3A_426 = arith.constant 0 : i32
        %dma_wait3A_427 = tpu.memref_slice %arg3[%arg1, %dma_wait3A_417, %dma_wait3A_424, %dma_wait3A_425, %dma_wait3A_426] : memref<16x40x4x2x128xi32, #tpu.memory_space<hbm>> -> memref<1x1x4x2x128xi32, #tpu.memory_space<hbm>>
        %dma_wait3A_428 = tpu.memref_squeeze %dma_wait3A_427 : memref<1x1x4x2x128xi32, #tpu.memory_space<hbm>> -> memref<4x2x128xi32, #tpu.memory_space<hbm>>
        %dma_wait3A_429 = arith.constant 0 : i32
        %dma_wait3A_430 = arith.constant 0 : i32
        %dma_wait3A_431 = arith.constant 0 : i32
        %dma_wait3A_432 = tpu.memref_slice %arg11[%dma_wait3A_418, %dma_wait3A_429, %dma_wait3A_430, %dma_wait3A_431] : memref<4x4x2x128xi32, #tpu.memory_space<vmem>> -> memref<1x4x2x128xi32, #tpu.memory_space<vmem>>
        %dma_wait3A_433 = tpu.memref_squeeze %dma_wait3A_432 : memref<1x4x2x128xi32, #tpu.memory_space<vmem>> -> memref<4x2x128xi32, #tpu.memory_space<vmem>>
        %dma_wait3A_434 = arith.constant 0 : i32
        %dma_wait3A_435 = arith.constant 0 : i32
        %dma_wait3A_436 = arith.constant 0 : i32
        %dma_wait3A_437 = tpu.memref_slice %arg3[%arg1, %dma_wait3A_417, %dma_wait3A_434, %dma_wait3A_435, %dma_wait3A_436] : memref<16x40x4x2x128xi32, #tpu.memory_space<hbm>> -> memref<1x1x4x2x128xi32, #tpu.memory_space<hbm>>
        %dma_wait3A_438 = tpu.memref_squeeze %dma_wait3A_437 : memref<1x1x4x2x128xi32, #tpu.memory_space<hbm>> -> memref<4x2x128xi32, #tpu.memory_space<hbm>>
        tpu.wait_dma2 semaphore(%arg19 : memref<!tpu.dma_semaphore, #tpu.memory_space<semaphore_mem>>) src(%dma_wait3A_438 : memref<4x2x128xi32, #tpu.memory_space<hbm>>) dst(%dma_wait3A_433 : memref<4x2x128xi32, #tpu.memory_space<vmem>>)
      } else {
      }
      %add3A_219 = arith.constant 3 : i32
      %add3A_220 = arith.addi %select_n3A, %add3A_219 : i32
      %lt3A_221 = arith.constant 40 : i32
      %lt3A_222 = arith.cmpi slt, %add3A_220, %lt3A_221 : i32
      %and3A_223 = arith.andi %eq3A_146, %lt3A_222 : i1
      %add3A_224 = arith.constant 3 : i32
      %add3A_225 = arith.addi %select_n3A, %add3A_224 : i32
      %rem3A_226 = arith.constant 4 : i32
      %rem3A_227 = arith.remsi %add3A_225, %rem3A_226 : i32
      %eq3A_228 = arith.constant 2 : i32
      %eq3A_229 = arith.cmpi eq, %rem3A_227, %eq3A_228 : i32
      %and3A_230 = arith.andi %and3A_223, %eq3A_229 : i1
      %convert_element_type3A_231 = arith.extui %and3A_230 : i1 to i32
      %cond3A_232 = arith.constant 0 : i32
      %cond3A_233 = arith.cmpi ne, %convert_element_type3A_231, %cond3A_232 : i32
      scf.if %cond3A_233 {
        %add3A_417 = arith.constant 3 : i32
        %add3A_418 = arith.addi %select_n3A, %add3A_417 : i32
        %dma_start3A_419 = arith.constant 2 : i32
        %dma_start3A_420 = arith.constant 0 : i32
        %dma_start3A_421 = arith.constant 0 : i32
        %dma_start3A_422 = arith.constant 0 : i32
        %dma_start3A_423 = tpu.memref_slice %arg11[%dma_start3A_419, %dma_start3A_420, %dma_start3A_421, %dma_start3A_422] : memref<4x4x2x128xi32, #tpu.memory_space<vmem>> -> memref<1x4x2x128xi32, #tpu.memory_space<vmem>>
        %dma_start3A_424 = tpu.memref_squeeze %dma_start3A_423 : memref<1x4x2x128xi32, #tpu.memory_space<vmem>> -> memref<4x2x128xi32, #tpu.memory_space<vmem>>
        %dma_start3A_425 = arith.constant 0 : i32
        %dma_start3A_426 = arith.constant 0 : i32
        %dma_start3A_427 = arith.constant 0 : i32
        %dma_start3A_428 = tpu.memref_slice %arg3[%arg1, %add3A_418, %dma_start3A_425, %dma_start3A_426, %dma_start3A_427] : memref<16x40x4x2x128xi32, #tpu.memory_space<hbm>> -> memref<1x1x4x2x128xi32, #tpu.memory_space<hbm>>
        %dma_start3A_429 = tpu.memref_squeeze %dma_start3A_428 : memref<1x1x4x2x128xi32, #tpu.memory_space<hbm>> -> memref<4x2x128xi32, #tpu.memory_space<hbm>>
        %dma_start3A_430 = arith.constant 0 : i32
        %dma_start3A_431 = arith.constant 0 : i32
        %dma_start3A_432 = arith.constant 0 : i32
        %dma_start3A_433 = tpu.memref_slice %arg11[%dma_start3A_419, %dma_start3A_430, %dma_start3A_431, %dma_start3A_432] : memref<4x4x2x128xi32, #tpu.memory_space<vmem>> -> memref<1x4x2x128xi32, #tpu.memory_space<vmem>>
        %dma_start3A_434 = tpu.memref_squeeze %dma_start3A_433 : memref<1x4x2x128xi32, #tpu.memory_space<vmem>> -> memref<4x2x128xi32, #tpu.memory_space<vmem>>
        %dma_start3A_435 = arith.constant 0 : i32
        %dma_start3A_436 = arith.constant 0 : i32
        %dma_start3A_437 = arith.constant 0 : i32
        %dma_start3A_438 = tpu.memref_slice %arg3[%arg1, %add3A_418, %dma_start3A_435, %dma_start3A_436, %dma_start3A_437] : memref<16x40x4x2x128xi32, #tpu.memory_space<hbm>> -> memref<1x1x4x2x128xi32, #tpu.memory_space<hbm>>
        %dma_start3A_439 = tpu.memref_squeeze %dma_start3A_438 : memref<1x1x4x2x128xi32, #tpu.memory_space<hbm>> -> memref<4x2x128xi32, #tpu.memory_space<hbm>>
        tpu.enqueue_dma source(%dma_start3A_439 : memref<4x2x128xi32, #tpu.memory_space<hbm>>) target(%dma_start3A_434 : memref<4x2x128xi32, #tpu.memory_space<vmem>>) target_semaphore(%arg19 : memref<!tpu.dma_semaphore, #tpu.memory_space<semaphore_mem>>)
      } else {
      }
      %add3A_234 = arith.constant 1 : i32
      %add3A_235 = arith.addi %select_n3A, %add3A_234 : i32
      %lt3A_236 = arith.constant 40 : i32
      %lt3A_237 = arith.cmpi slt, %add3A_235, %lt3A_236 : i32
      %and3A_238 = arith.andi %eq3A_146, %lt3A_237 : i1
      %add3A_239 = arith.constant 1 : i32
      %add3A_240 = arith.addi %select_n3A, %add3A_239 : i32
      %rem3A_241 = arith.constant 4 : i32
      %rem3A_242 = arith.remsi %add3A_240, %rem3A_241 : i32
      %eq3A_243 = arith.constant 3 : i32
      %eq3A_244 = arith.cmpi eq, %rem3A_242, %eq3A_243 : i32
      %and3A_245 = arith.andi %and3A_238, %eq3A_244 : i1
      %convert_element_type3A_246 = arith.extui %and3A_245 : i1 to i32
      %cond3A_247 = arith.constant 0 : i32
      %cond3A_248 = arith.cmpi ne, %convert_element_type3A_246, %cond3A_247 : i32
      scf.if %cond3A_248 {
        %dma_wait3A_417 = arith.constant 0 : i32
        %dma_wait3A_418 = arith.constant 3 : i32
        %dma_wait3A_419 = arith.constant 0 : i32
        %dma_wait3A_420 = arith.constant 0 : i32
        %dma_wait3A_421 = arith.constant 0 : i32
        %dma_wait3A_422 = tpu.memref_slice %arg11[%dma_wait3A_418, %dma_wait3A_419, %dma_wait3A_420, %dma_wait3A_421] : memref<4x4x2x128xi32, #tpu.memory_space<vmem>> -> memref<1x4x2x128xi32, #tpu.memory_space<vmem>>
        %dma_wait3A_423 = tpu.memref_squeeze %dma_wait3A_422 : memref<1x4x2x128xi32, #tpu.memory_space<vmem>> -> memref<4x2x128xi32, #tpu.memory_space<vmem>>
        %dma_wait3A_424 = arith.constant 0 : i32
        %dma_wait3A_425 = arith.constant 0 : i32
        %dma_wait3A_426 = arith.constant 0 : i32
        %dma_wait3A_427 = tpu.memref_slice %arg3[%arg1, %dma_wait3A_417, %dma_wait3A_424, %dma_wait3A_425, %dma_wait3A_426] : memref<16x40x4x2x128xi32, #tpu.memory_space<hbm>> -> memref<1x1x4x2x128xi32, #tpu.memory_space<hbm>>
        %dma_wait3A_428 = tpu.memref_squeeze %dma_wait3A_427 : memref<1x1x4x2x128xi32, #tpu.memory_space<hbm>> -> memref<4x2x128xi32, #tpu.memory_space<hbm>>
        %dma_wait3A_429 = arith.constant 0 : i32
        %dma_wait3A_430 = arith.constant 0 : i32
        %dma_wait3A_431 = arith.constant 0 : i32
        %dma_wait3A_432 = tpu.memref_slice %arg11[%dma_wait3A_418, %dma_wait3A_429, %dma_wait3A_430, %dma_wait3A_431] : memref<4x4x2x128xi32, #tpu.memory_space<vmem>> -> memref<1x4x2x128xi32, #tpu.memory_space<vmem>>
        %dma_wait3A_433 = tpu.memref_squeeze %dma_wait3A_432 : memref<1x4x2x128xi32, #tpu.memory_space<vmem>> -> memref<4x2x128xi32, #tpu.memory_space<vmem>>
        %dma_wait3A_434 = arith.constant 0 : i32
        %dma_wait3A_435 = arith.constant 0 : i32
        %dma_wait3A_436 = arith.constant 0 : i32
        %dma_wait3A_437 = tpu.memref_slice %arg3[%arg1, %dma_wait3A_417, %dma_wait3A_434, %dma_wait3A_435, %dma_wait3A_436] : memref<16x40x4x2x128xi32, #tpu.memory_space<hbm>> -> memref<1x1x4x2x128xi32, #tpu.memory_space<hbm>>
        %dma_wait3A_438 = tpu.memref_squeeze %dma_wait3A_437 : memref<1x1x4x2x128xi32, #tpu.memory_space<hbm>> -> memref<4x2x128xi32, #tpu.memory_space<hbm>>
        tpu.wait_dma2 semaphore(%arg20 : memref<!tpu.dma_semaphore, #tpu.memory_space<semaphore_mem>>) src(%dma_wait3A_438 : memref<4x2x128xi32, #tpu.memory_space<hbm>>) dst(%dma_wait3A_433 : memref<4x2x128xi32, #tpu.memory_space<vmem>>)
      } else {
      }
      %add3A_249 = arith.constant 3 : i32
      %add3A_250 = arith.addi %select_n3A, %add3A_249 : i32
      %lt3A_251 = arith.constant 40 : i32
      %lt3A_252 = arith.cmpi slt, %add3A_250, %lt3A_251 : i32
      %and3A_253 = arith.andi %eq3A_146, %lt3A_252 : i1
      %add3A_254 = arith.constant 3 : i32
      %add3A_255 = arith.addi %select_n3A, %add3A_254 : i32
      %rem3A_256 = arith.constant 4 : i32
      %rem3A_257 = arith.remsi %add3A_255, %rem3A_256 : i32
      %eq3A_258 = arith.constant 3 : i32
      %eq3A_259 = arith.cmpi eq, %rem3A_257, %eq3A_258 : i32
      %and3A_260 = arith.andi %and3A_253, %eq3A_259 : i1
      %convert_element_type3A_261 = arith.extui %and3A_260 : i1 to i32
      %cond3A_262 = arith.constant 0 : i32
      %cond3A_263 = arith.cmpi ne, %convert_element_type3A_261, %cond3A_262 : i32
      scf.if %cond3A_263 {
        %add3A_417 = arith.constant 3 : i32
        %add3A_418 = arith.addi %select_n3A, %add3A_417 : i32
        %dma_start3A_419 = arith.constant 3 : i32
        %dma_start3A_420 = arith.constant 0 : i32
        %dma_start3A_421 = arith.constant 0 : i32
        %dma_start3A_422 = arith.constant 0 : i32
        %dma_start3A_423 = tpu.memref_slice %arg11[%dma_start3A_419, %dma_start3A_420, %dma_start3A_421, %dma_start3A_422] : memref<4x4x2x128xi32, #tpu.memory_space<vmem>> -> memref<1x4x2x128xi32, #tpu.memory_space<vmem>>
        %dma_start3A_424 = tpu.memref_squeeze %dma_start3A_423 : memref<1x4x2x128xi32, #tpu.memory_space<vmem>> -> memref<4x2x128xi32, #tpu.memory_space<vmem>>
        %dma_start3A_425 = arith.constant 0 : i32
        %dma_start3A_426 = arith.constant 0 : i32
        %dma_start3A_427 = arith.constant 0 : i32
        %dma_start3A_428 = tpu.memref_slice %arg3[%arg1, %add3A_418, %dma_start3A_425, %dma_start3A_426, %dma_start3A_427] : memref<16x40x4x2x128xi32, #tpu.memory_space<hbm>> -> memref<1x1x4x2x128xi32, #tpu.memory_space<hbm>>
        %dma_start3A_429 = tpu.memref_squeeze %dma_start3A_428 : memref<1x1x4x2x128xi32, #tpu.memory_space<hbm>> -> memref<4x2x128xi32, #tpu.memory_space<hbm>>
        %dma_start3A_430 = arith.constant 0 : i32
        %dma_start3A_431 = arith.constant 0 : i32
        %dma_start3A_432 = arith.constant 0 : i32
        %dma_start3A_433 = tpu.memref_slice %arg11[%dma_start3A_419, %dma_start3A_430, %dma_start3A_431, %dma_start3A_432] : memref<4x4x2x128xi32, #tpu.memory_space<vmem>> -> memref<1x4x2x128xi32, #tpu.memory_space<vmem>>
        %dma_start3A_434 = tpu.memref_squeeze %dma_start3A_433 : memref<1x4x2x128xi32, #tpu.memory_space<vmem>> -> memref<4x2x128xi32, #tpu.memory_space<vmem>>
        %dma_start3A_435 = arith.constant 0 : i32
        %dma_start3A_436 = arith.constant 0 : i32
        %dma_start3A_437 = arith.constant 0 : i32
        %dma_start3A_438 = tpu.memref_slice %arg3[%arg1, %add3A_418, %dma_start3A_435, %dma_start3A_436, %dma_start3A_437] : memref<16x40x4x2x128xi32, #tpu.memory_space<hbm>> -> memref<1x1x4x2x128xi32, #tpu.memory_space<hbm>>
        %dma_start3A_439 = tpu.memref_squeeze %dma_start3A_438 : memref<1x1x4x2x128xi32, #tpu.memory_space<hbm>> -> memref<4x2x128xi32, #tpu.memory_space<hbm>>
        tpu.enqueue_dma source(%dma_start3A_439 : memref<4x2x128xi32, #tpu.memory_space<hbm>>) target(%dma_start3A_434 : memref<4x2x128xi32, #tpu.memory_space<vmem>>) target_semaphore(%arg20 : memref<!tpu.dma_semaphore, #tpu.memory_space<semaphore_mem>>)
      } else {
      }
      %rem3A_264 = arith.constant 4 : i32
      %rem3A_265 = arith.remsi %select_n3A, %rem3A_264 : i32
      %rem3A_266 = arith.constant 2 : i32
      %rem3A_267 = arith.remsi %scan3A_127, %rem3A_266 : i32
      %mul3A_268 = arith.constant 2 : i32
      %mul3A_269 = arith.muli %mul3A_268, %rem3A_267 : i32
      %add3A_270 = arith.constant 1 : i32
      %add3A_271 = arith.addi %mul3A_269, %add3A_270 : i32
      %add3A_272 = arith.constant 1 : i32
      %add3A_273 = arith.addi %mul3A_269, %add3A_272 : i32
      %dma_wait3A = arith.constant 0 : i32
      %dma_wait3A_274 = arith.constant 0 : i32
      %dma_wait3A_275 = arith.constant 0 : i32
      %dma_wait3A_276 = arith.constant 0 : i32
      %dma_wait3A_277 = tpu.memref_slice %arg12[%dma_wait3A_274, %dma_wait3A_275, %dma_wait3A_276] : memref<2x128x64xf32, #tpu.memory_space<vmem>> -> memref<1x128x64xf32, #tpu.memory_space<vmem>>
      %dma_wait3A_278 = tpu.memref_squeeze %dma_wait3A_277 : memref<1x128x64xf32, #tpu.memory_space<vmem>> -> memref<128x64xf32, #tpu.memory_space<vmem>>
      %dma_wait3A_279 = arith.constant 0 : i32
      %dma_wait3A_280 = tpu.memref_slice %arg11[%rem3A_265, %mul3A_269, %dma_wait3A, %dma_wait3A_279] : memref<4x4x2x128xi32, #tpu.memory_space<vmem>> -> memref<1x1x1x128xi32, #tpu.memory_space<vmem>>
      %dma_wait3A_281 = tpu.memref_squeeze %dma_wait3A_280 : memref<1x1x1x128xi32, #tpu.memory_space<vmem>> -> memref<128xi32, #tpu.memory_space<vmem>>
      %dma_wait3A_282 = arith.constant 0 : i32
      %dma_wait3A_283 = arith.constant 0 : i32
      %dma_wait3A_284 = tpu.memref_slice %arg10[%dma_wait3A_282, %dma_wait3A_283] : memref<10240x64xf32, #tpu.memory_space<vmem_shared>> -> memref<10240x64xf32, #tpu.memory_space<vmem_shared>>
      tpu.wait_indirect_dma semaphore(%arg13 : memref<!tpu.dma_semaphore, #tpu.memory_space<semaphore_mem>>) src(%dma_wait3A_284 : memref<10240x64xf32, #tpu.memory_space<vmem_shared>>) dst(%dma_wait3A_278 : memref<128x64xf32, #tpu.memory_space<vmem>>)
      %dma_start3A_285 = arith.constant 0 : i32
      %dma_start3A_286 = arith.constant 1 : i32
      %dma_start3A_287 = arith.constant 0 : i32
      %dma_start3A_288 = arith.constant 0 : i32
      %dma_start3A_289 = tpu.memref_slice %arg12[%dma_start3A_285, %dma_start3A_287, %dma_start3A_288] : memref<2x128x64xf32, #tpu.memory_space<vmem>> -> memref<1x128x64xf32, #tpu.memory_space<vmem>>
      %dma_start3A_290 = tpu.memref_squeeze %dma_start3A_289 : memref<1x128x64xf32, #tpu.memory_space<vmem>> -> memref<128x64xf32, #tpu.memory_space<vmem>>
      %dma_start3A_291 = arith.constant 0 : i32
      %dma_start3A_292 = tpu.memref_slice %arg11[%rem3A_265, %mul3A_269, %dma_start3A_286, %dma_start3A_291] : memref<4x4x2x128xi32, #tpu.memory_space<vmem>> -> memref<1x1x1x128xi32, #tpu.memory_space<vmem>>
      %dma_start3A_293 = tpu.memref_squeeze %dma_start3A_292 : memref<1x1x1x128xi32, #tpu.memory_space<vmem>> -> memref<128xi32, #tpu.memory_space<vmem>>
      %dma_start3A_294 = arith.constant 0 : i32
      %dma_start3A_295 = arith.constant 0 : i32
      %dma_start3A_296 = tpu.memref_slice %arg9[%dma_start3A_294, %dma_start3A_295] : memref<10240x64xf32, #tpu.memory_space<vmem_shared>> -> memref<10240x64xf32, #tpu.memory_space<vmem_shared>>
      tpu.enqueue_indirect_dma source(%dma_start3A_290 : memref<128x64xf32, #tpu.memory_space<vmem>>) target(%dma_start3A_296 : memref<10240x64xf32, #tpu.memory_space<vmem_shared>>) offsets(%dma_start3A_293 : memref<128xi32, #tpu.memory_space<vmem>>) semaphore(%arg15 : memref<!tpu.dma_semaphore, #tpu.memory_space<semaphore_mem>>) {add = true}
      %eq3A_297 = arith.constant 1 : i32
      %eq3A_298 = arith.cmpi eq, %arg0, %eq3A_297 : i32
      %convert_element_type3A_299 = arith.extui %eq3A_298 : i1 to i32
      %cond3A_300 = arith.constant 1 : i32
      %cond3A_301 = arith.constant 0 : i32
      %cond3A_302 = arith.cmpi ne, %convert_element_type3A_299, %cond3A_301 : i32
      scf.if %cond3A_302 {
        %dma_start3A_417 = arith.constant 0 : i32
        %dma_start3A_418 = tpu.memref_slice %arg11[%rem3A_265, %mul3A_269, %cond3A_300, %dma_start3A_417] : memref<4x4x2x128xi32, #tpu.memory_space<vmem>> -> memref<1x1x1x128xi32, #tpu.memory_space<vmem>>
        %dma_start3A_419 = tpu.memref_squeeze %dma_start3A_418 : memref<1x1x1x128xi32, #tpu.memory_space<vmem>> -> memref<128xi32, #tpu.memory_space<vmem>>
        %dma_start3A_420 = arith.constant 0 : i32
        %dma_start3A_421 = arith.constant 0 : i32
        %dma_start3A_422 = tpu.memref_slice %arg21[%dma_start3A_420, %dma_start3A_421] : memref<10240x16xf32, #tpu.memory_space<vmem_shared>> -> memref<10240x16xf32, #tpu.memory_space<vmem_shared>>
        tpu.enqueue_indirect_dma source(%arg22 : memref<128x16xf32, #tpu.memory_space<vmem>>) target(%dma_start3A_422 : memref<10240x16xf32, #tpu.memory_space<vmem_shared>>) offsets(%dma_start3A_419 : memref<128xi32, #tpu.memory_space<vmem>>) semaphore(%arg23 : memref<!tpu.dma_semaphore, #tpu.memory_space<semaphore_mem>>) {add = true}
      } else {
      }
      %dma_wait3A_303 = arith.constant 0 : i32
      %dma_wait3A_304 = arith.constant 1 : i32
      %dma_wait3A_305 = arith.constant 0 : i32
      %dma_wait3A_306 = arith.constant 0 : i32
      %dma_wait3A_307 = tpu.memref_slice %arg12[%dma_wait3A_304, %dma_wait3A_305, %dma_wait3A_306] : memref<2x128x64xf32, #tpu.memory_space<vmem>> -> memref<1x128x64xf32, #tpu.memory_space<vmem>>
      %dma_wait3A_308 = tpu.memref_squeeze %dma_wait3A_307 : memref<1x128x64xf32, #tpu.memory_space<vmem>> -> memref<128x64xf32, #tpu.memory_space<vmem>>
      %dma_wait3A_309 = arith.constant 0 : i32
      %dma_wait3A_310 = tpu.memref_slice %arg11[%rem3A_265, %add3A_271, %dma_wait3A_303, %dma_wait3A_309] : memref<4x4x2x128xi32, #tpu.memory_space<vmem>> -> memref<1x1x1x128xi32, #tpu.memory_space<vmem>>
      %dma_wait3A_311 = tpu.memref_squeeze %dma_wait3A_310 : memref<1x1x1x128xi32, #tpu.memory_space<vmem>> -> memref<128xi32, #tpu.memory_space<vmem>>
      %dma_wait3A_312 = arith.constant 0 : i32
      %dma_wait3A_313 = arith.constant 0 : i32
      %dma_wait3A_314 = tpu.memref_slice %arg10[%dma_wait3A_312, %dma_wait3A_313] : memref<10240x64xf32, #tpu.memory_space<vmem_shared>> -> memref<10240x64xf32, #tpu.memory_space<vmem_shared>>
      tpu.wait_indirect_dma semaphore(%arg14 : memref<!tpu.dma_semaphore, #tpu.memory_space<semaphore_mem>>) src(%dma_wait3A_314 : memref<10240x64xf32, #tpu.memory_space<vmem_shared>>) dst(%dma_wait3A_308 : memref<128x64xf32, #tpu.memory_space<vmem>>)
      %dma_start3A_315 = arith.constant 1 : i32
      %dma_start3A_316 = arith.constant 1 : i32
      %dma_start3A_317 = arith.constant 0 : i32
      %dma_start3A_318 = arith.constant 0 : i32
      %dma_start3A_319 = tpu.memref_slice %arg12[%dma_start3A_315, %dma_start3A_317, %dma_start3A_318] : memref<2x128x64xf32, #tpu.memory_space<vmem>> -> memref<1x128x64xf32, #tpu.memory_space<vmem>>
      %dma_start3A_320 = tpu.memref_squeeze %dma_start3A_319 : memref<1x128x64xf32, #tpu.memory_space<vmem>> -> memref<128x64xf32, #tpu.memory_space<vmem>>
      %dma_start3A_321 = arith.constant 0 : i32
      %dma_start3A_322 = tpu.memref_slice %arg11[%rem3A_265, %add3A_273, %dma_start3A_316, %dma_start3A_321] : memref<4x4x2x128xi32, #tpu.memory_space<vmem>> -> memref<1x1x1x128xi32, #tpu.memory_space<vmem>>
      %dma_start3A_323 = tpu.memref_squeeze %dma_start3A_322 : memref<1x1x1x128xi32, #tpu.memory_space<vmem>> -> memref<128xi32, #tpu.memory_space<vmem>>
      %dma_start3A_324 = arith.constant 0 : i32
      %dma_start3A_325 = arith.constant 0 : i32
      %dma_start3A_326 = tpu.memref_slice %arg9[%dma_start3A_324, %dma_start3A_325] : memref<10240x64xf32, #tpu.memory_space<vmem_shared>> -> memref<10240x64xf32, #tpu.memory_space<vmem_shared>>
      tpu.enqueue_indirect_dma source(%dma_start3A_320 : memref<128x64xf32, #tpu.memory_space<vmem>>) target(%dma_start3A_326 : memref<10240x64xf32, #tpu.memory_space<vmem_shared>>) offsets(%dma_start3A_323 : memref<128xi32, #tpu.memory_space<vmem>>) semaphore(%arg16 : memref<!tpu.dma_semaphore, #tpu.memory_space<semaphore_mem>>) {add = true}
      %eq3A_327 = arith.constant 1 : i32
      %eq3A_328 = arith.cmpi eq, %arg0, %eq3A_327 : i32
      %convert_element_type3A_329 = arith.extui %eq3A_328 : i1 to i32
      %cond3A_330 = arith.constant 1 : i32
      %cond3A_331 = arith.constant 0 : i32
      %cond3A_332 = arith.cmpi ne, %convert_element_type3A_329, %cond3A_331 : i32
      scf.if %cond3A_332 {
        %dma_start3A_417 = arith.constant 0 : i32
        %dma_start3A_418 = tpu.memref_slice %arg11[%rem3A_265, %add3A_273, %cond3A_330, %dma_start3A_417] : memref<4x4x2x128xi32, #tpu.memory_space<vmem>> -> memref<1x1x1x128xi32, #tpu.memory_space<vmem>>
        %dma_start3A_419 = tpu.memref_squeeze %dma_start3A_418 : memref<1x1x1x128xi32, #tpu.memory_space<vmem>> -> memref<128xi32, #tpu.memory_space<vmem>>
        %dma_start3A_420 = arith.constant 0 : i32
        %dma_start3A_421 = arith.constant 0 : i32
        %dma_start3A_422 = tpu.memref_slice %arg21[%dma_start3A_420, %dma_start3A_421] : memref<10240x16xf32, #tpu.memory_space<vmem_shared>> -> memref<10240x16xf32, #tpu.memory_space<vmem_shared>>
        tpu.enqueue_indirect_dma source(%arg22 : memref<128x16xf32, #tpu.memory_space<vmem>>) target(%dma_start3A_422 : memref<10240x16xf32, #tpu.memory_space<vmem_shared>>) offsets(%dma_start3A_419 : memref<128xi32, #tpu.memory_space<vmem>>) semaphore(%arg24 : memref<!tpu.dma_semaphore, #tpu.memory_space<semaphore_mem>>) {add = true}
      } else {
      }
      %add3A_333 = arith.constant 1 : i32
      %add3A_334 = arith.addi %scan3A_127, %add3A_333 : i32
      %jit3A_335 = arith.constant 2 : i32
      %div3A_336 = arith.divsi %add3A_334, %jit3A_335 : i32
      %sign3A_337 = arith.constant 0 : i32
      %sign3A_338 = arith.cmpi sgt, %add3A_334, %sign3A_337 : i32
      %sign3A_339 = arith.extui %sign3A_338 : i1 to i32
      %sign3A_340 = arith.constant 0 : i32
      %sign3A_341 = arith.cmpi slt, %add3A_334, %sign3A_340 : i32
      %sign3A_342 = arith.extui %sign3A_341 : i1 to i32
      %sign3A_343 = arith.subi %sign3A_339, %sign3A_342 : i32
      %sign3A_344 = arith.constant 0 : i32
      %sign3A_345 = arith.cmpi sgt, %jit3A_335, %sign3A_344 : i32
      %sign3A_346 = arith.extui %sign3A_345 : i1 to i32
      %sign3A_347 = arith.constant 0 : i32
      %sign3A_348 = arith.cmpi slt, %jit3A_335, %sign3A_347 : i32
      %sign3A_349 = arith.extui %sign3A_348 : i1 to i32
      %sign3A_350 = arith.subi %sign3A_346, %sign3A_349 : i32
      %ne3A_351 = arith.cmpi ne, %sign3A_343, %sign3A_350 : i32
      %rem3A_352 = arith.remsi %add3A_334, %jit3A_335 : i32
      %ne3A_353 = arith.constant 0 : i32
      %ne3A_354 = arith.cmpi ne, %rem3A_352, %ne3A_353 : i32
      %and3A_355 = arith.andi %ne3A_351, %ne3A_354 : i1
      %sub3A_356 = arith.constant 1 : i32
      %sub3A_357 = arith.subi %div3A_336, %sub3A_356 : i32
      %select_n3A_358 = arith.select %and3A_355, %sub3A_357, %div3A_336 : i32
      %rem3A_359 = arith.constant 4 : i32
      %rem3A_360 = arith.remsi %select_n3A_358, %rem3A_359 : i32
      %add3A_361 = arith.constant 1 : i32
      %add3A_362 = arith.addi %scan3A_127, %add3A_361 : i32
      %rem3A_363 = arith.constant 2 : i32
      %rem3A_364 = arith.remsi %add3A_362, %rem3A_363 : i32
      %mul3A_365 = arith.constant 2 : i32
      %mul3A_366 = arith.muli %mul3A_365, %rem3A_364 : i32
      %dma_wait3A_367 = arith.constant 0 : i32
      %dma_wait3A_368 = arith.constant 1 : i32
      %dma_wait3A_369 = arith.constant 0 : i32
      %dma_wait3A_370 = arith.constant 0 : i32
      %dma_wait3A_371 = tpu.memref_slice %arg12[%dma_wait3A_367, %dma_wait3A_369, %dma_wait3A_370] : memref<2x128x64xf32, #tpu.memory_space<vmem>> -> memref<1x128x64xf32, #tpu.memory_space<vmem>>
      %dma_wait3A_372 = tpu.memref_squeeze %dma_wait3A_371 : memref<1x128x64xf32, #tpu.memory_space<vmem>> -> memref<128x64xf32, #tpu.memory_space<vmem>>
      %dma_wait3A_373 = arith.constant 0 : i32
      %dma_wait3A_374 = tpu.memref_slice %arg11[%rem3A_265, %mul3A_269, %dma_wait3A_368, %dma_wait3A_373] : memref<4x4x2x128xi32, #tpu.memory_space<vmem>> -> memref<1x1x1x128xi32, #tpu.memory_space<vmem>>
      %dma_wait3A_375 = tpu.memref_squeeze %dma_wait3A_374 : memref<1x1x1x128xi32, #tpu.memory_space<vmem>> -> memref<128xi32, #tpu.memory_space<vmem>>
      %dma_wait3A_376 = arith.constant 0 : i32
      %dma_wait3A_377 = arith.constant 0 : i32
      %dma_wait3A_378 = tpu.memref_slice %arg9[%dma_wait3A_376, %dma_wait3A_377] : memref<10240x64xf32, #tpu.memory_space<vmem_shared>> -> memref<10240x64xf32, #tpu.memory_space<vmem_shared>>
      tpu.wait_indirect_dma semaphore(%arg15 : memref<!tpu.dma_semaphore, #tpu.memory_space<semaphore_mem>>) src(%dma_wait3A_372 : memref<128x64xf32, #tpu.memory_space<vmem>>) dst(%dma_wait3A_378 : memref<10240x64xf32, #tpu.memory_space<vmem_shared>>)
      %eq3A_379 = arith.constant 1 : i32
      %eq3A_380 = arith.cmpi eq, %arg0, %eq3A_379 : i32
      %convert_element_type3A_381 = arith.extui %eq3A_380 : i1 to i32
      %cond3A_382 = arith.constant 1 : i32
      %cond3A_383 = arith.constant 0 : i32
      %cond3A_384 = arith.cmpi ne, %convert_element_type3A_381, %cond3A_383 : i32
      scf.if %cond3A_384 {
        %dma_wait3A_417 = arith.constant 0 : i32
        %dma_wait3A_418 = tpu.memref_slice %arg11[%rem3A_265, %mul3A_269, %cond3A_382, %dma_wait3A_417] : memref<4x4x2x128xi32, #tpu.memory_space<vmem>> -> memref<1x1x1x128xi32, #tpu.memory_space<vmem>>
        %dma_wait3A_419 = tpu.memref_squeeze %dma_wait3A_418 : memref<1x1x1x128xi32, #tpu.memory_space<vmem>> -> memref<128xi32, #tpu.memory_space<vmem>>
        %dma_wait3A_420 = arith.constant 0 : i32
        %dma_wait3A_421 = arith.constant 0 : i32
        %dma_wait3A_422 = tpu.memref_slice %arg21[%dma_wait3A_420, %dma_wait3A_421] : memref<10240x16xf32, #tpu.memory_space<vmem_shared>> -> memref<10240x16xf32, #tpu.memory_space<vmem_shared>>
        tpu.wait_indirect_dma semaphore(%arg23 : memref<!tpu.dma_semaphore, #tpu.memory_space<semaphore_mem>>) src(%arg22 : memref<128x16xf32, #tpu.memory_space<vmem>>) dst(%dma_wait3A_422 : memref<10240x16xf32, #tpu.memory_space<vmem_shared>>)
      } else {
      }
      %add3A_385 = arith.constant 1 : i32
      %add3A_386 = arith.addi %scan3A_127, %add3A_385 : i32
      %lt3A_387 = arith.constant 80 : i32
      %lt3A_388 = arith.cmpi slt, %add3A_386, %lt3A_387 : i32
      %convert_element_type3A_389 = arith.extui %lt3A_388 : i1 to i32
      %cond3A_390 = arith.constant 0 : i32
      %cond3A_391 = arith.cmpi ne, %convert_element_type3A_389, %cond3A_390 : i32
      scf.if %cond3A_391 {
        %dma_start3A_417 = arith.constant 0 : i32
        %dma_start3A_418 = arith.constant 0 : i32
        %dma_start3A_419 = arith.constant 0 : i32
        %dma_start3A_420 = arith.constant 0 : i32
        %dma_start3A_421 = tpu.memref_slice %arg12[%dma_start3A_418, %dma_start3A_419, %dma_start3A_420] : memref<2x128x64xf32, #tpu.memory_space<vmem>> -> memref<1x128x64xf32, #tpu.memory_space<vmem>>
        %dma_start3A_422 = tpu.memref_squeeze %dma_start3A_421 : memref<1x128x64xf32, #tpu.memory_space<vmem>> -> memref<128x64xf32, #tpu.memory_space<vmem>>
        %dma_start3A_423 = arith.constant 0 : i32
        %dma_start3A_424 = tpu.memref_slice %arg11[%rem3A_360, %mul3A_366, %dma_start3A_417, %dma_start3A_423] : memref<4x4x2x128xi32, #tpu.memory_space<vmem>> -> memref<1x1x1x128xi32, #tpu.memory_space<vmem>>
        %dma_start3A_425 = tpu.memref_squeeze %dma_start3A_424 : memref<1x1x1x128xi32, #tpu.memory_space<vmem>> -> memref<128xi32, #tpu.memory_space<vmem>>
        %dma_start3A_426 = arith.constant 0 : i32
        %dma_start3A_427 = arith.constant 0 : i32
        %dma_start3A_428 = tpu.memref_slice %arg10[%dma_start3A_426, %dma_start3A_427] : memref<10240x64xf32, #tpu.memory_space<vmem_shared>> -> memref<10240x64xf32, #tpu.memory_space<vmem_shared>>
        tpu.enqueue_indirect_dma source(%dma_start3A_428 : memref<10240x64xf32, #tpu.memory_space<vmem_shared>>) target(%dma_start3A_422 : memref<128x64xf32, #tpu.memory_space<vmem>>) offsets(%dma_start3A_425 : memref<128xi32, #tpu.memory_space<vmem>>) semaphore(%arg13 : memref<!tpu.dma_semaphore, #tpu.memory_space<semaphore_mem>>)
      } else {
      }
      %dma_wait3A_392 = arith.constant 1 : i32
      %dma_wait3A_393 = arith.constant 1 : i32
      %dma_wait3A_394 = arith.constant 0 : i32
      %dma_wait3A_395 = arith.constant 0 : i32
      %dma_wait3A_396 = tpu.memref_slice %arg12[%dma_wait3A_392, %dma_wait3A_394, %dma_wait3A_395] : memref<2x128x64xf32, #tpu.memory_space<vmem>> -> memref<1x128x64xf32, #tpu.memory_space<vmem>>
      %dma_wait3A_397 = tpu.memref_squeeze %dma_wait3A_396 : memref<1x128x64xf32, #tpu.memory_space<vmem>> -> memref<128x64xf32, #tpu.memory_space<vmem>>
      %dma_wait3A_398 = arith.constant 0 : i32
      %dma_wait3A_399 = tpu.memref_slice %arg11[%rem3A_265, %add3A_273, %dma_wait3A_393, %dma_wait3A_398] : memref<4x4x2x128xi32, #tpu.memory_space<vmem>> -> memref<1x1x1x128xi32, #tpu.memory_space<vmem>>
      %dma_wait3A_400 = tpu.memref_squeeze %dma_wait3A_399 : memref<1x1x1x128xi32, #tpu.memory_space<vmem>> -> memref<128xi32, #tpu.memory_space<vmem>>
      %dma_wait3A_401 = arith.constant 0 : i32
      %dma_wait3A_402 = arith.constant 0 : i32
      %dma_wait3A_403 = tpu.memref_slice %arg9[%dma_wait3A_401, %dma_wait3A_402] : memref<10240x64xf32, #tpu.memory_space<vmem_shared>> -> memref<10240x64xf32, #tpu.memory_space<vmem_shared>>
      tpu.wait_indirect_dma semaphore(%arg16 : memref<!tpu.dma_semaphore, #tpu.memory_space<semaphore_mem>>) src(%dma_wait3A_397 : memref<128x64xf32, #tpu.memory_space<vmem>>) dst(%dma_wait3A_403 : memref<10240x64xf32, #tpu.memory_space<vmem_shared>>)
      %eq3A_404 = arith.constant 1 : i32
      %eq3A_405 = arith.cmpi eq, %arg0, %eq3A_404 : i32
      %convert_element_type3A_406 = arith.extui %eq3A_405 : i1 to i32
      %cond3A_407 = arith.constant 1 : i32
      %cond3A_408 = arith.constant 0 : i32
      %cond3A_409 = arith.cmpi ne, %convert_element_type3A_406, %cond3A_408 : i32
      scf.if %cond3A_409 {
        %dma_wait3A_417 = arith.constant 0 : i32
        %dma_wait3A_418 = tpu.memref_slice %arg11[%rem3A_265, %add3A_273, %cond3A_407, %dma_wait3A_417] : memref<4x4x2x128xi32, #tpu.memory_space<vmem>> -> memref<1x1x1x128xi32, #tpu.memory_space<vmem>>
        %dma_wait3A_419 = tpu.memref_squeeze %dma_wait3A_418 : memref<1x1x1x128xi32, #tpu.memory_space<vmem>> -> memref<128xi32, #tpu.memory_space<vmem>>
        %dma_wait3A_420 = arith.constant 0 : i32
        %dma_wait3A_421 = arith.constant 0 : i32
        %dma_wait3A_422 = tpu.memref_slice %arg21[%dma_wait3A_420, %dma_wait3A_421] : memref<10240x16xf32, #tpu.memory_space<vmem_shared>> -> memref<10240x16xf32, #tpu.memory_space<vmem_shared>>
        tpu.wait_indirect_dma semaphore(%arg24 : memref<!tpu.dma_semaphore, #tpu.memory_space<semaphore_mem>>) src(%arg22 : memref<128x16xf32, #tpu.memory_space<vmem>>) dst(%dma_wait3A_422 : memref<10240x16xf32, #tpu.memory_space<vmem_shared>>)
      } else {
      }
      %add3A_410 = arith.constant 1 : i32
      %add3A_411 = arith.addi %scan3A_127, %add3A_410 : i32
      %lt3A_412 = arith.constant 80 : i32
      %lt3A_413 = arith.cmpi slt, %add3A_411, %lt3A_412 : i32
      %convert_element_type3A_414 = arith.extui %lt3A_413 : i1 to i32
      %cond3A_415 = arith.constant 0 : i32
      %cond3A_416 = arith.cmpi ne, %convert_element_type3A_414, %cond3A_415 : i32
      scf.if %cond3A_416 {
        %add3A_417 = arith.constant 1 : i32
        %add3A_418 = arith.addi %mul3A_366, %add3A_417 : i32
        %dma_start3A_419 = arith.constant 0 : i32
        %dma_start3A_420 = arith.constant 1 : i32
        %dma_start3A_421 = arith.constant 0 : i32
        %dma_start3A_422 = arith.constant 0 : i32
        %dma_start3A_423 = tpu.memref_slice %arg12[%dma_start3A_420, %dma_start3A_421, %dma_start3A_422] : memref<2x128x64xf32, #tpu.memory_space<vmem>> -> memref<1x128x64xf32, #tpu.memory_space<vmem>>
        %dma_start3A_424 = tpu.memref_squeeze %dma_start3A_423 : memref<1x128x64xf32, #tpu.memory_space<vmem>> -> memref<128x64xf32, #tpu.memory_space<vmem>>
        %dma_start3A_425 = arith.constant 0 : i32
        %dma_start3A_426 = tpu.memref_slice %arg11[%rem3A_360, %add3A_418, %dma_start3A_419, %dma_start3A_425] : memref<4x4x2x128xi32, #tpu.memory_space<vmem>> -> memref<1x1x1x128xi32, #tpu.memory_space<vmem>>
        %dma_start3A_427 = tpu.memref_squeeze %dma_start3A_426 : memref<1x1x1x128xi32, #tpu.memory_space<vmem>> -> memref<128xi32, #tpu.memory_space<vmem>>
        %dma_start3A_428 = arith.constant 0 : i32
        %dma_start3A_429 = arith.constant 0 : i32
        %dma_start3A_430 = tpu.memref_slice %arg10[%dma_start3A_428, %dma_start3A_429] : memref<10240x64xf32, #tpu.memory_space<vmem_shared>> -> memref<10240x64xf32, #tpu.memory_space<vmem_shared>>
        tpu.enqueue_indirect_dma source(%dma_start3A_430 : memref<10240x64xf32, #tpu.memory_space<vmem_shared>>) target(%dma_start3A_424 : memref<128x64xf32, #tpu.memory_space<vmem>>) offsets(%dma_start3A_427 : memref<128xi32, #tpu.memory_space<vmem>>) semaphore(%arg14 : memref<!tpu.dma_semaphore, #tpu.memory_space<semaphore_mem>>)
      } else {
      }
    }
    %scan3A_105 = arith.constant 80 : i32
    %barrier3A_106 = arith.constant 0 : index
    tpu.barrier barrier_id(%barrier3A_106)
    %add3A_107 = arith.constant 0 : i32
    %add3A_108 = arith.addi %mul3A_2, %add3A_107 : i32
    %run_scoped3A_109 = arith.constant 0 : i32
    "tpu.region"() ({
      %run_scoped3A_127 = tpu.sem_alloc : memref<!tpu.dma_semaphore, #tpu.memory_space<semaphore_mem>>
      %dma_start3A_128 = arith.constant 0 : i32
      %dma_start3A_129 = arith.constant 0 : i32
      %dma_start3A_130 = tpu.memref_slice %arg12[%run_scoped3A_109, %dma_start3A_128, %dma_start3A_129] : memref<2x128x64xf32, #tpu.memory_space<vmem>> -> memref<1x128x64xf32, #tpu.memory_space<vmem>>
      %dma_start3A_131 = tpu.memref_squeeze %dma_start3A_130 : memref<1x128x64xf32, #tpu.memory_space<vmem>> -> memref<128x64xf32, #tpu.memory_space<vmem>>
      %dma_start3A_132 = arith.constant 0 : i32
      %dma_start3A_133 = tpu.memref_slice %arg9[%add3A_108, %dma_start3A_132] : memref<10240x64xf32, #tpu.memory_space<vmem_shared>> -> memref<128x64xf32, #tpu.memory_space<vmem_shared>>
      %dma_start3A_134 = arith.constant 0 : i32
      %dma_start3A_135 = arith.constant 0 : i32
      %dma_start3A_136 = tpu.memref_slice %arg12[%run_scoped3A_109, %dma_start3A_134, %dma_start3A_135] : memref<2x128x64xf32, #tpu.memory_space<vmem>> -> memref<1x128x64xf32, #tpu.memory_space<vmem>>
      %dma_start3A_137 = tpu.memref_squeeze %dma_start3A_136 : memref<1x128x64xf32, #tpu.memory_space<vmem>> -> memref<128x64xf32, #tpu.memory_space<vmem>>
      %dma_start3A_138 = arith.constant 0 : i32
      %dma_start3A_139 = tpu.memref_slice %arg9[%add3A_108, %dma_start3A_138] : memref<10240x64xf32, #tpu.memory_space<vmem_shared>> -> memref<128x64xf32, #tpu.memory_space<vmem_shared>>
      tpu.enqueue_dma source(%dma_start3A_139 : memref<128x64xf32, #tpu.memory_space<vmem_shared>>) target(%dma_start3A_137 : memref<128x64xf32, #tpu.memory_space<vmem>>) target_semaphore(%run_scoped3A_127 : memref<!tpu.dma_semaphore, #tpu.memory_space<semaphore_mem>>)
      %dma_wait3A = arith.constant 0 : i32
      %dma_wait3A_140 = arith.constant 0 : i32
      %dma_wait3A_141 = tpu.memref_slice %arg12[%run_scoped3A_109, %dma_wait3A, %dma_wait3A_140] : memref<2x128x64xf32, #tpu.memory_space<vmem>> -> memref<1x128x64xf32, #tpu.memory_space<vmem>>
      %dma_wait3A_142 = tpu.memref_squeeze %dma_wait3A_141 : memref<1x128x64xf32, #tpu.memory_space<vmem>> -> memref<128x64xf32, #tpu.memory_space<vmem>>
      %dma_wait3A_143 = arith.constant 0 : i32
      %dma_wait3A_144 = tpu.memref_slice %arg9[%add3A_108, %dma_wait3A_143] : memref<10240x64xf32, #tpu.memory_space<vmem_shared>> -> memref<128x64xf32, #tpu.memory_space<vmem_shared>>
      %dma_wait3A_145 = arith.constant 0 : i32
      %dma_wait3A_146 = arith.constant 0 : i32
      %dma_wait3A_147 = tpu.memref_slice %arg12[%run_scoped3A_109, %dma_wait3A_145, %dma_wait3A_146] : memref<2x128x64xf32, #tpu.memory_space<vmem>> -> memref<1x128x64xf32, #tpu.memory_space<vmem>>
      %dma_wait3A_148 = tpu.memref_squeeze %dma_wait3A_147 : memref<1x128x64xf32, #tpu.memory_space<vmem>> -> memref<128x64xf32, #tpu.memory_space<vmem>>
      %dma_wait3A_149 = arith.constant 0 : i32
      %dma_wait3A_150 = tpu.memref_slice %arg9[%add3A_108, %dma_wait3A_149] : memref<10240x64xf32, #tpu.memory_space<vmem_shared>> -> memref<128x64xf32, #tpu.memory_space<vmem_shared>>
      tpu.wait_dma2 semaphore(%run_scoped3A_127 : memref<!tpu.dma_semaphore, #tpu.memory_space<semaphore_mem>>) src(%dma_wait3A_150 : memref<128x64xf32, #tpu.memory_space<vmem_shared>>) dst(%dma_wait3A_148 : memref<128x64xf32, #tpu.memory_space<vmem>>)
      tpu.yield
    }) : () -> ()
    %run_scoped3A_110 = arith.constant 0 : i32
    "tpu.region"() ({
      %run_scoped3A_127 = tpu.sem_alloc : memref<!tpu.dma_semaphore, #tpu.memory_space<semaphore_mem>>
      %dma_start3A_128 = arith.constant 0 : i32
      %dma_start3A_129 = arith.constant 0 : i32
      %dma_start3A_130 = tpu.memref_slice %arg12[%run_scoped3A_110, %dma_start3A_128, %dma_start3A_129] : memref<2x128x64xf32, #tpu.memory_space<vmem>> -> memref<1x128x64xf32, #tpu.memory_space<vmem>>
      %dma_start3A_131 = tpu.memref_squeeze %dma_start3A_130 : memref<1x128x64xf32, #tpu.memory_space<vmem>> -> memref<128x64xf32, #tpu.memory_space<vmem>>
      %dma_start3A_132 = arith.constant 0 : i32
      %dma_start3A_133 = tpu.memref_slice %arg7[%arg0, %add3A_108, %dma_start3A_132] : memref<2x10240x64xf32, #tpu.memory_space<hbm>> -> memref<1x128x64xf32, #tpu.memory_space<hbm>>
      %dma_start3A_134 = tpu.memref_squeeze %dma_start3A_133 : memref<1x128x64xf32, #tpu.memory_space<hbm>> -> memref<128x64xf32, #tpu.memory_space<hbm>>
      %dma_start3A_135 = arith.constant 0 : i32
      %dma_start3A_136 = tpu.memref_slice %arg7[%arg0, %add3A_108, %dma_start3A_135] : memref<2x10240x64xf32, #tpu.memory_space<hbm>> -> memref<1x128x64xf32, #tpu.memory_space<hbm>>
      %dma_start3A_137 = tpu.memref_squeeze %dma_start3A_136 : memref<1x128x64xf32, #tpu.memory_space<hbm>> -> memref<128x64xf32, #tpu.memory_space<hbm>>
      %dma_start3A_138 = arith.constant 0 : i32
      %dma_start3A_139 = arith.constant 0 : i32
      %dma_start3A_140 = tpu.memref_slice %arg12[%run_scoped3A_110, %dma_start3A_138, %dma_start3A_139] : memref<2x128x64xf32, #tpu.memory_space<vmem>> -> memref<1x128x64xf32, #tpu.memory_space<vmem>>
      %dma_start3A_141 = tpu.memref_squeeze %dma_start3A_140 : memref<1x128x64xf32, #tpu.memory_space<vmem>> -> memref<128x64xf32, #tpu.memory_space<vmem>>
      tpu.enqueue_dma source(%dma_start3A_141 : memref<128x64xf32, #tpu.memory_space<vmem>>) target(%dma_start3A_137 : memref<128x64xf32, #tpu.memory_space<hbm>>) target_semaphore(%run_scoped3A_127 : memref<!tpu.dma_semaphore, #tpu.memory_space<semaphore_mem>>)
      %dma_wait3A = arith.constant 0 : i32
      %dma_wait3A_142 = arith.constant 0 : i32
      %dma_wait3A_143 = tpu.memref_slice %arg12[%run_scoped3A_110, %dma_wait3A, %dma_wait3A_142] : memref<2x128x64xf32, #tpu.memory_space<vmem>> -> memref<1x128x64xf32, #tpu.memory_space<vmem>>
      %dma_wait3A_144 = tpu.memref_squeeze %dma_wait3A_143 : memref<1x128x64xf32, #tpu.memory_space<vmem>> -> memref<128x64xf32, #tpu.memory_space<vmem>>
      %dma_wait3A_145 = arith.constant 0 : i32
      %dma_wait3A_146 = tpu.memref_slice %arg7[%arg0, %add3A_108, %dma_wait3A_145] : memref<2x10240x64xf32, #tpu.memory_space<hbm>> -> memref<1x128x64xf32, #tpu.memory_space<hbm>>
      %dma_wait3A_147 = tpu.memref_squeeze %dma_wait3A_146 : memref<1x128x64xf32, #tpu.memory_space<hbm>> -> memref<128x64xf32, #tpu.memory_space<hbm>>
      %dma_wait3A_148 = arith.constant 0 : i32
      %dma_wait3A_149 = tpu.memref_slice %arg7[%arg0, %add3A_108, %dma_wait3A_148] : memref<2x10240x64xf32, #tpu.memory_space<hbm>> -> memref<1x128x64xf32, #tpu.memory_space<hbm>>
      %dma_wait3A_150 = tpu.memref_squeeze %dma_wait3A_149 : memref<1x128x64xf32, #tpu.memory_space<hbm>> -> memref<128x64xf32, #tpu.memory_space<hbm>>
      %dma_wait3A_151 = arith.constant 0 : i32
      %dma_wait3A_152 = arith.constant 0 : i32
      %dma_wait3A_153 = tpu.memref_slice %arg12[%run_scoped3A_110, %dma_wait3A_151, %dma_wait3A_152] : memref<2x128x64xf32, #tpu.memory_space<vmem>> -> memref<1x128x64xf32, #tpu.memory_space<vmem>>
      %dma_wait3A_154 = tpu.memref_squeeze %dma_wait3A_153 : memref<1x128x64xf32, #tpu.memory_space<vmem>> -> memref<128x64xf32, #tpu.memory_space<vmem>>
      tpu.wait_dma2 semaphore(%run_scoped3A_127 : memref<!tpu.dma_semaphore, #tpu.memory_space<semaphore_mem>>) src(%dma_wait3A_154 : memref<128x64xf32, #tpu.memory_space<vmem>>) dst(%dma_wait3A_150 : memref<128x64xf32, #tpu.memory_space<hbm>>)
      tpu.yield
    }) : () -> ()
    "tpu.region"() ({
      %run_scoped3A_127 = tpu.sem_alloc : memref<!tpu.dma_semaphore, #tpu.memory_space<semaphore_mem>>
      %dma_start3A_128 = arith.constant 0 : i32
      %dma_start3A_129 = tpu.memref_slice %arg21[%add3A_108, %dma_start3A_128] : memref<10240x16xf32, #tpu.memory_space<vmem_shared>> -> memref<128x16xf32, #tpu.memory_space<vmem_shared>>
      %dma_start3A_130 = arith.constant 0 : i32
      %dma_start3A_131 = tpu.memref_slice %arg21[%add3A_108, %dma_start3A_130] : memref<10240x16xf32, #tpu.memory_space<vmem_shared>> -> memref<128x16xf32, #tpu.memory_space<vmem_shared>>
      tpu.enqueue_dma source(%dma_start3A_131 : memref<128x16xf32, #tpu.memory_space<vmem_shared>>) target(%arg22 : memref<128x16xf32, #tpu.memory_space<vmem>>) target_semaphore(%run_scoped3A_127 : memref<!tpu.dma_semaphore, #tpu.memory_space<semaphore_mem>>)
      %dma_wait3A = arith.constant 0 : i32
      %dma_wait3A_132 = tpu.memref_slice %arg21[%add3A_108, %dma_wait3A] : memref<10240x16xf32, #tpu.memory_space<vmem_shared>> -> memref<128x16xf32, #tpu.memory_space<vmem_shared>>
      %dma_wait3A_133 = arith.constant 0 : i32
      %dma_wait3A_134 = tpu.memref_slice %arg21[%add3A_108, %dma_wait3A_133] : memref<10240x16xf32, #tpu.memory_space<vmem_shared>> -> memref<128x16xf32, #tpu.memory_space<vmem_shared>>
      tpu.wait_dma2 semaphore(%run_scoped3A_127 : memref<!tpu.dma_semaphore, #tpu.memory_space<semaphore_mem>>) src(%dma_wait3A_134 : memref<128x16xf32, #tpu.memory_space<vmem_shared>>) dst(%arg22 : memref<128x16xf32, #tpu.memory_space<vmem>>)
      tpu.yield
    }) : () -> ()
    "tpu.region"() ({
      %run_scoped3A_127 = tpu.sem_alloc : memref<!tpu.dma_semaphore, #tpu.memory_space<semaphore_mem>>
      %dma_start3A_128 = arith.constant 0 : i32
      %dma_start3A_129 = tpu.memref_slice %arg8[%arg0, %add3A_108, %dma_start3A_128] : memref<2x10240x16xf32, #tpu.memory_space<hbm>> -> memref<1x128x16xf32, #tpu.memory_space<hbm>>
      %dma_start3A_130 = tpu.memref_squeeze %dma_start3A_129 : memref<1x128x16xf32, #tpu.memory_space<hbm>> -> memref<128x16xf32, #tpu.memory_space<hbm>>
      %dma_start3A_131 = arith.constant 0 : i32
      %dma_start3A_132 = tpu.memref_slice %arg8[%arg0, %add3A_108, %dma_start3A_131] : memref<2x10240x16xf32, #tpu.memory_space<hbm>> -> memref<1x128x16xf32, #tpu.memory_space<hbm>>
      %dma_start3A_133 = tpu.memref_squeeze %dma_start3A_132 : memref<1x128x16xf32, #tpu.memory_space<hbm>> -> memref<128x16xf32, #tpu.memory_space<hbm>>
      tpu.enqueue_dma source(%arg22 : memref<128x16xf32, #tpu.memory_space<vmem>>) target(%dma_start3A_133 : memref<128x16xf32, #tpu.memory_space<hbm>>) target_semaphore(%run_scoped3A_127 : memref<!tpu.dma_semaphore, #tpu.memory_space<semaphore_mem>>)
      %dma_wait3A = arith.constant 0 : i32
      %dma_wait3A_134 = tpu.memref_slice %arg8[%arg0, %add3A_108, %dma_wait3A] : memref<2x10240x16xf32, #tpu.memory_space<hbm>> -> memref<1x128x16xf32, #tpu.memory_space<hbm>>
      %dma_wait3A_135 = tpu.memref_squeeze %dma_wait3A_134 : memref<1x128x16xf32, #tpu.memory_space<hbm>> -> memref<128x16xf32, #tpu.memory_space<hbm>>
      %dma_wait3A_136 = arith.constant 0 : i32
      %dma_wait3A_137 = tpu.memref_slice %arg8[%arg0, %add3A_108, %dma_wait3A_136] : memref<2x10240x16xf32, #tpu.memory_space<hbm>> -> memref<1x128x16xf32, #tpu.memory_space<hbm>>
      %dma_wait3A_138 = tpu.memref_squeeze %dma_wait3A_137 : memref<1x128x16xf32, #tpu.memory_space<hbm>> -> memref<128x16xf32, #tpu.memory_space<hbm>>
      tpu.wait_dma2 semaphore(%run_scoped3A_127 : memref<!tpu.dma_semaphore, #tpu.memory_space<semaphore_mem>>) src(%arg22 : memref<128x16xf32, #tpu.memory_space<vmem>>) dst(%dma_wait3A_138 : memref<128x16xf32, #tpu.memory_space<hbm>>)
      tpu.yield
    }) : () -> ()
    %add3A_111 = arith.constant 128 : i32
    %add3A_112 = arith.addi %mul3A_2, %add3A_111 : i32
    %run_scoped3A_113 = arith.constant 0 : i32
    "tpu.region"() ({
      %run_scoped3A_127 = tpu.sem_alloc : memref<!tpu.dma_semaphore, #tpu.memory_space<semaphore_mem>>
      %dma_start3A_128 = arith.constant 0 : i32
      %dma_start3A_129 = arith.constant 0 : i32
      %dma_start3A_130 = tpu.memref_slice %arg12[%run_scoped3A_113, %dma_start3A_128, %dma_start3A_129] : memref<2x128x64xf32, #tpu.memory_space<vmem>> -> memref<1x128x64xf32, #tpu.memory_space<vmem>>
      %dma_start3A_131 = tpu.memref_squeeze %dma_start3A_130 : memref<1x128x64xf32, #tpu.memory_space<vmem>> -> memref<128x64xf32, #tpu.memory_space<vmem>>
      %dma_start3A_132 = arith.constant 0 : i32
      %dma_start3A_133 = tpu.memref_slice %arg9[%add3A_112, %dma_start3A_132] : memref<10240x64xf32, #tpu.memory_space<vmem_shared>> -> memref<128x64xf32, #tpu.memory_space<vmem_shared>>
      %dma_start3A_134 = arith.constant 0 : i32
      %dma_start3A_135 = arith.constant 0 : i32
      %dma_start3A_136 = tpu.memref_slice %arg12[%run_scoped3A_113, %dma_start3A_134, %dma_start3A_135] : memref<2x128x64xf32, #tpu.memory_space<vmem>> -> memref<1x128x64xf32, #tpu.memory_space<vmem>>
      %dma_start3A_137 = tpu.memref_squeeze %dma_start3A_136 : memref<1x128x64xf32, #tpu.memory_space<vmem>> -> memref<128x64xf32, #tpu.memory_space<vmem>>
      %dma_start3A_138 = arith.constant 0 : i32
      %dma_start3A_139 = tpu.memref_slice %arg9[%add3A_112, %dma_start3A_138] : memref<10240x64xf32, #tpu.memory_space<vmem_shared>> -> memref<128x64xf32, #tpu.memory_space<vmem_shared>>
      tpu.enqueue_dma source(%dma_start3A_139 : memref<128x64xf32, #tpu.memory_space<vmem_shared>>) target(%dma_start3A_137 : memref<128x64xf32, #tpu.memory_space<vmem>>) target_semaphore(%run_scoped3A_127 : memref<!tpu.dma_semaphore, #tpu.memory_space<semaphore_mem>>)
      %dma_wait3A = arith.constant 0 : i32
      %dma_wait3A_140 = arith.constant 0 : i32
      %dma_wait3A_141 = tpu.memref_slice %arg12[%run_scoped3A_113, %dma_wait3A, %dma_wait3A_140] : memref<2x128x64xf32, #tpu.memory_space<vmem>> -> memref<1x128x64xf32, #tpu.memory_space<vmem>>
      %dma_wait3A_142 = tpu.memref_squeeze %dma_wait3A_141 : memref<1x128x64xf32, #tpu.memory_space<vmem>> -> memref<128x64xf32, #tpu.memory_space<vmem>>
      %dma_wait3A_143 = arith.constant 0 : i32
      %dma_wait3A_144 = tpu.memref_slice %arg9[%add3A_112, %dma_wait3A_143] : memref<10240x64xf32, #tpu.memory_space<vmem_shared>> -> memref<128x64xf32, #tpu.memory_space<vmem_shared>>
      %dma_wait3A_145 = arith.constant 0 : i32
      %dma_wait3A_146 = arith.constant 0 : i32
      %dma_wait3A_147 = tpu.memref_slice %arg12[%run_scoped3A_113, %dma_wait3A_145, %dma_wait3A_146] : memref<2x128x64xf32, #tpu.memory_space<vmem>> -> memref<1x128x64xf32, #tpu.memory_space<vmem>>
      %dma_wait3A_148 = tpu.memref_squeeze %dma_wait3A_147 : memref<1x128x64xf32, #tpu.memory_space<vmem>> -> memref<128x64xf32, #tpu.memory_space<vmem>>
      %dma_wait3A_149 = arith.constant 0 : i32
      %dma_wait3A_150 = tpu.memref_slice %arg9[%add3A_112, %dma_wait3A_149] : memref<10240x64xf32, #tpu.memory_space<vmem_shared>> -> memref<128x64xf32, #tpu.memory_space<vmem_shared>>
      tpu.wait_dma2 semaphore(%run_scoped3A_127 : memref<!tpu.dma_semaphore, #tpu.memory_space<semaphore_mem>>) src(%dma_wait3A_150 : memref<128x64xf32, #tpu.memory_space<vmem_shared>>) dst(%dma_wait3A_148 : memref<128x64xf32, #tpu.memory_space<vmem>>)
      tpu.yield
    }) : () -> ()
    %run_scoped3A_114 = arith.constant 0 : i32
    "tpu.region"() ({
      %run_scoped3A_127 = tpu.sem_alloc : memref<!tpu.dma_semaphore, #tpu.memory_space<semaphore_mem>>
      %dma_start3A_128 = arith.constant 0 : i32
      %dma_start3A_129 = arith.constant 0 : i32
      %dma_start3A_130 = tpu.memref_slice %arg12[%run_scoped3A_114, %dma_start3A_128, %dma_start3A_129] : memref<2x128x64xf32, #tpu.memory_space<vmem>> -> memref<1x128x64xf32, #tpu.memory_space<vmem>>
      %dma_start3A_131 = tpu.memref_squeeze %dma_start3A_130 : memref<1x128x64xf32, #tpu.memory_space<vmem>> -> memref<128x64xf32, #tpu.memory_space<vmem>>
      %dma_start3A_132 = arith.constant 0 : i32
      %dma_start3A_133 = tpu.memref_slice %arg7[%arg0, %add3A_112, %dma_start3A_132] : memref<2x10240x64xf32, #tpu.memory_space<hbm>> -> memref<1x128x64xf32, #tpu.memory_space<hbm>>
      %dma_start3A_134 = tpu.memref_squeeze %dma_start3A_133 : memref<1x128x64xf32, #tpu.memory_space<hbm>> -> memref<128x64xf32, #tpu.memory_space<hbm>>
      %dma_start3A_135 = arith.constant 0 : i32
      %dma_start3A_136 = tpu.memref_slice %arg7[%arg0, %add3A_112, %dma_start3A_135] : memref<2x10240x64xf32, #tpu.memory_space<hbm>> -> memref<1x128x64xf32, #tpu.memory_space<hbm>>
      %dma_start3A_137 = tpu.memref_squeeze %dma_start3A_136 : memref<1x128x64xf32, #tpu.memory_space<hbm>> -> memref<128x64xf32, #tpu.memory_space<hbm>>
      %dma_start3A_138 = arith.constant 0 : i32
      %dma_start3A_139 = arith.constant 0 : i32
      %dma_start3A_140 = tpu.memref_slice %arg12[%run_scoped3A_114, %dma_start3A_138, %dma_start3A_139] : memref<2x128x64xf32, #tpu.memory_space<vmem>> -> memref<1x128x64xf32, #tpu.memory_space<vmem>>
      %dma_start3A_141 = tpu.memref_squeeze %dma_start3A_140 : memref<1x128x64xf32, #tpu.memory_space<vmem>> -> memref<128x64xf32, #tpu.memory_space<vmem>>
      tpu.enqueue_dma source(%dma_start3A_141 : memref<128x64xf32, #tpu.memory_space<vmem>>) target(%dma_start3A_137 : memref<128x64xf32, #tpu.memory_space<hbm>>) target_semaphore(%run_scoped3A_127 : memref<!tpu.dma_semaphore, #tpu.memory_space<semaphore_mem>>)
      %dma_wait3A = arith.constant 0 : i32
      %dma_wait3A_142 = arith.constant 0 : i32
      %dma_wait3A_143 = tpu.memref_slice %arg12[%run_scoped3A_114, %dma_wait3A, %dma_wait3A_142] : memref<2x128x64xf32, #tpu.memory_space<vmem>> -> memref<1x128x64xf32, #tpu.memory_space<vmem>>
      %dma_wait3A_144 = tpu.memref_squeeze %dma_wait3A_143 : memref<1x128x64xf32, #tpu.memory_space<vmem>> -> memref<128x64xf32, #tpu.memory_space<vmem>>
      %dma_wait3A_145 = arith.constant 0 : i32
      %dma_wait3A_146 = tpu.memref_slice %arg7[%arg0, %add3A_112, %dma_wait3A_145] : memref<2x10240x64xf32, #tpu.memory_space<hbm>> -> memref<1x128x64xf32, #tpu.memory_space<hbm>>
      %dma_wait3A_147 = tpu.memref_squeeze %dma_wait3A_146 : memref<1x128x64xf32, #tpu.memory_space<hbm>> -> memref<128x64xf32, #tpu.memory_space<hbm>>
      %dma_wait3A_148 = arith.constant 0 : i32
      %dma_wait3A_149 = tpu.memref_slice %arg7[%arg0, %add3A_112, %dma_wait3A_148] : memref<2x10240x64xf32, #tpu.memory_space<hbm>> -> memref<1x128x64xf32, #tpu.memory_space<hbm>>
      %dma_wait3A_150 = tpu.memref_squeeze %dma_wait3A_149 : memref<1x128x64xf32, #tpu.memory_space<hbm>> -> memref<128x64xf32, #tpu.memory_space<hbm>>
      %dma_wait3A_151 = arith.constant 0 : i32
      %dma_wait3A_152 = arith.constant 0 : i32
      %dma_wait3A_153 = tpu.memref_slice %arg12[%run_scoped3A_114, %dma_wait3A_151, %dma_wait3A_152] : memref<2x128x64xf32, #tpu.memory_space<vmem>> -> memref<1x128x64xf32, #tpu.memory_space<vmem>>
      %dma_wait3A_154 = tpu.memref_squeeze %dma_wait3A_153 : memref<1x128x64xf32, #tpu.memory_space<vmem>> -> memref<128x64xf32, #tpu.memory_space<vmem>>
      tpu.wait_dma2 semaphore(%run_scoped3A_127 : memref<!tpu.dma_semaphore, #tpu.memory_space<semaphore_mem>>) src(%dma_wait3A_154 : memref<128x64xf32, #tpu.memory_space<vmem>>) dst(%dma_wait3A_150 : memref<128x64xf32, #tpu.memory_space<hbm>>)
      tpu.yield
    }) : () -> ()
    "tpu.region"() ({
      %run_scoped3A_127 = tpu.sem_alloc : memref<!tpu.dma_semaphore, #tpu.memory_space<semaphore_mem>>
      %dma_start3A_128 = arith.constant 0 : i32
      %dma_start3A_129 = tpu.memref_slice %arg21[%add3A_112, %dma_start3A_128] : memref<10240x16xf32, #tpu.memory_space<vmem_shared>> -> memref<128x16xf32, #tpu.memory_space<vmem_shared>>
      %dma_start3A_130 = arith.constant 0 : i32
      %dma_start3A_131 = tpu.memref_slice %arg21[%add3A_112, %dma_start3A_130] : memref<10240x16xf32, #tpu.memory_space<vmem_shared>> -> memref<128x16xf32, #tpu.memory_space<vmem_shared>>
      tpu.enqueue_dma source(%dma_start3A_131 : memref<128x16xf32, #tpu.memory_space<vmem_shared>>) target(%arg22 : memref<128x16xf32, #tpu.memory_space<vmem>>) target_semaphore(%run_scoped3A_127 : memref<!tpu.dma_semaphore, #tpu.memory_space<semaphore_mem>>)
      %dma_wait3A = arith.constant 0 : i32
      %dma_wait3A_132 = tpu.memref_slice %arg21[%add3A_112, %dma_wait3A] : memref<10240x16xf32, #tpu.memory_space<vmem_shared>> -> memref<128x16xf32, #tpu.memory_space<vmem_shared>>
      %dma_wait3A_133 = arith.constant 0 : i32
      %dma_wait3A_134 = tpu.memref_slice %arg21[%add3A_112, %dma_wait3A_133] : memref<10240x16xf32, #tpu.memory_space<vmem_shared>> -> memref<128x16xf32, #tpu.memory_space<vmem_shared>>
      tpu.wait_dma2 semaphore(%run_scoped3A_127 : memref<!tpu.dma_semaphore, #tpu.memory_space<semaphore_mem>>) src(%dma_wait3A_134 : memref<128x16xf32, #tpu.memory_space<vmem_shared>>) dst(%arg22 : memref<128x16xf32, #tpu.memory_space<vmem>>)
      tpu.yield
    }) : () -> ()
    "tpu.region"() ({
      %run_scoped3A_127 = tpu.sem_alloc : memref<!tpu.dma_semaphore, #tpu.memory_space<semaphore_mem>>
      %dma_start3A_128 = arith.constant 0 : i32
      %dma_start3A_129 = tpu.memref_slice %arg8[%arg0, %add3A_112, %dma_start3A_128] : memref<2x10240x16xf32, #tpu.memory_space<hbm>> -> memref<1x128x16xf32, #tpu.memory_space<hbm>>
      %dma_start3A_130 = tpu.memref_squeeze %dma_start3A_129 : memref<1x128x16xf32, #tpu.memory_space<hbm>> -> memref<128x16xf32, #tpu.memory_space<hbm>>
      %dma_start3A_131 = arith.constant 0 : i32
      %dma_start3A_132 = tpu.memref_slice %arg8[%arg0, %add3A_112, %dma_start3A_131] : memref<2x10240x16xf32, #tpu.memory_space<hbm>> -> memref<1x128x16xf32, #tpu.memory_space<hbm>>
      %dma_start3A_133 = tpu.memref_squeeze %dma_start3A_132 : memref<1x128x16xf32, #tpu.memory_space<hbm>> -> memref<128x16xf32, #tpu.memory_space<hbm>>
      tpu.enqueue_dma source(%arg22 : memref<128x16xf32, #tpu.memory_space<vmem>>) target(%dma_start3A_133 : memref<128x16xf32, #tpu.memory_space<hbm>>) target_semaphore(%run_scoped3A_127 : memref<!tpu.dma_semaphore, #tpu.memory_space<semaphore_mem>>)
      %dma_wait3A = arith.constant 0 : i32
      %dma_wait3A_134 = tpu.memref_slice %arg8[%arg0, %add3A_112, %dma_wait3A] : memref<2x10240x16xf32, #tpu.memory_space<hbm>> -> memref<1x128x16xf32, #tpu.memory_space<hbm>>
      %dma_wait3A_135 = tpu.memref_squeeze %dma_wait3A_134 : memref<1x128x16xf32, #tpu.memory_space<hbm>> -> memref<128x16xf32, #tpu.memory_space<hbm>>
      %dma_wait3A_136 = arith.constant 0 : i32
      %dma_wait3A_137 = tpu.memref_slice %arg8[%arg0, %add3A_112, %dma_wait3A_136] : memref<2x10240x16xf32, #tpu.memory_space<hbm>> -> memref<1x128x16xf32, #tpu.memory_space<hbm>>
      %dma_wait3A_138 = tpu.memref_squeeze %dma_wait3A_137 : memref<1x128x16xf32, #tpu.memory_space<hbm>> -> memref<128x16xf32, #tpu.memory_space<hbm>>
      tpu.wait_dma2 semaphore(%run_scoped3A_127 : memref<!tpu.dma_semaphore, #tpu.memory_space<semaphore_mem>>) src(%arg22 : memref<128x16xf32, #tpu.memory_space<vmem>>) dst(%dma_wait3A_138 : memref<128x16xf32, #tpu.memory_space<hbm>>)
      tpu.yield
    }) : () -> ()
    %add3A_115 = arith.constant 256 : i32
    %add3A_116 = arith.addi %mul3A_2, %add3A_115 : i32
    %run_scoped3A_117 = arith.constant 0 : i32
    "tpu.region"() ({
      %run_scoped3A_127 = tpu.sem_alloc : memref<!tpu.dma_semaphore, #tpu.memory_space<semaphore_mem>>
      %dma_start3A_128 = arith.constant 0 : i32
      %dma_start3A_129 = arith.constant 0 : i32
      %dma_start3A_130 = tpu.memref_slice %arg12[%run_scoped3A_117, %dma_start3A_128, %dma_start3A_129] : memref<2x128x64xf32, #tpu.memory_space<vmem>> -> memref<1x128x64xf32, #tpu.memory_space<vmem>>
      %dma_start3A_131 = tpu.memref_squeeze %dma_start3A_130 : memref<1x128x64xf32, #tpu.memory_space<vmem>> -> memref<128x64xf32, #tpu.memory_space<vmem>>
      %dma_start3A_132 = arith.constant 0 : i32
      %dma_start3A_133 = tpu.memref_slice %arg9[%add3A_116, %dma_start3A_132] : memref<10240x64xf32, #tpu.memory_space<vmem_shared>> -> memref<128x64xf32, #tpu.memory_space<vmem_shared>>
      %dma_start3A_134 = arith.constant 0 : i32
      %dma_start3A_135 = arith.constant 0 : i32
      %dma_start3A_136 = tpu.memref_slice %arg12[%run_scoped3A_117, %dma_start3A_134, %dma_start3A_135] : memref<2x128x64xf32, #tpu.memory_space<vmem>> -> memref<1x128x64xf32, #tpu.memory_space<vmem>>
      %dma_start3A_137 = tpu.memref_squeeze %dma_start3A_136 : memref<1x128x64xf32, #tpu.memory_space<vmem>> -> memref<128x64xf32, #tpu.memory_space<vmem>>
      %dma_start3A_138 = arith.constant 0 : i32
      %dma_start3A_139 = tpu.memref_slice %arg9[%add3A_116, %dma_start3A_138] : memref<10240x64xf32, #tpu.memory_space<vmem_shared>> -> memref<128x64xf32, #tpu.memory_space<vmem_shared>>
      tpu.enqueue_dma source(%dma_start3A_139 : memref<128x64xf32, #tpu.memory_space<vmem_shared>>) target(%dma_start3A_137 : memref<128x64xf32, #tpu.memory_space<vmem>>) target_semaphore(%run_scoped3A_127 : memref<!tpu.dma_semaphore, #tpu.memory_space<semaphore_mem>>)
      %dma_wait3A = arith.constant 0 : i32
      %dma_wait3A_140 = arith.constant 0 : i32
      %dma_wait3A_141 = tpu.memref_slice %arg12[%run_scoped3A_117, %dma_wait3A, %dma_wait3A_140] : memref<2x128x64xf32, #tpu.memory_space<vmem>> -> memref<1x128x64xf32, #tpu.memory_space<vmem>>
      %dma_wait3A_142 = tpu.memref_squeeze %dma_wait3A_141 : memref<1x128x64xf32, #tpu.memory_space<vmem>> -> memref<128x64xf32, #tpu.memory_space<vmem>>
      %dma_wait3A_143 = arith.constant 0 : i32
      %dma_wait3A_144 = tpu.memref_slice %arg9[%add3A_116, %dma_wait3A_143] : memref<10240x64xf32, #tpu.memory_space<vmem_shared>> -> memref<128x64xf32, #tpu.memory_space<vmem_shared>>
      %dma_wait3A_145 = arith.constant 0 : i32
      %dma_wait3A_146 = arith.constant 0 : i32
      %dma_wait3A_147 = tpu.memref_slice %arg12[%run_scoped3A_117, %dma_wait3A_145, %dma_wait3A_146] : memref<2x128x64xf32, #tpu.memory_space<vmem>> -> memref<1x128x64xf32, #tpu.memory_space<vmem>>
      %dma_wait3A_148 = tpu.memref_squeeze %dma_wait3A_147 : memref<1x128x64xf32, #tpu.memory_space<vmem>> -> memref<128x64xf32, #tpu.memory_space<vmem>>
      %dma_wait3A_149 = arith.constant 0 : i32
      %dma_wait3A_150 = tpu.memref_slice %arg9[%add3A_116, %dma_wait3A_149] : memref<10240x64xf32, #tpu.memory_space<vmem_shared>> -> memref<128x64xf32, #tpu.memory_space<vmem_shared>>
      tpu.wait_dma2 semaphore(%run_scoped3A_127 : memref<!tpu.dma_semaphore, #tpu.memory_space<semaphore_mem>>) src(%dma_wait3A_150 : memref<128x64xf32, #tpu.memory_space<vmem_shared>>) dst(%dma_wait3A_148 : memref<128x64xf32, #tpu.memory_space<vmem>>)
      tpu.yield
    }) : () -> ()
    %run_scoped3A_118 = arith.constant 0 : i32
    "tpu.region"() ({
      %run_scoped3A_127 = tpu.sem_alloc : memref<!tpu.dma_semaphore, #tpu.memory_space<semaphore_mem>>
      %dma_start3A_128 = arith.constant 0 : i32
      %dma_start3A_129 = arith.constant 0 : i32
      %dma_start3A_130 = tpu.memref_slice %arg12[%run_scoped3A_118, %dma_start3A_128, %dma_start3A_129] : memref<2x128x64xf32, #tpu.memory_space<vmem>> -> memref<1x128x64xf32, #tpu.memory_space<vmem>>
      %dma_start3A_131 = tpu.memref_squeeze %dma_start3A_130 : memref<1x128x64xf32, #tpu.memory_space<vmem>> -> memref<128x64xf32, #tpu.memory_space<vmem>>
      %dma_start3A_132 = arith.constant 0 : i32
      %dma_start3A_133 = tpu.memref_slice %arg7[%arg0, %add3A_116, %dma_start3A_132] : memref<2x10240x64xf32, #tpu.memory_space<hbm>> -> memref<1x128x64xf32, #tpu.memory_space<hbm>>
      %dma_start3A_134 = tpu.memref_squeeze %dma_start3A_133 : memref<1x128x64xf32, #tpu.memory_space<hbm>> -> memref<128x64xf32, #tpu.memory_space<hbm>>
      %dma_start3A_135 = arith.constant 0 : i32
      %dma_start3A_136 = tpu.memref_slice %arg7[%arg0, %add3A_116, %dma_start3A_135] : memref<2x10240x64xf32, #tpu.memory_space<hbm>> -> memref<1x128x64xf32, #tpu.memory_space<hbm>>
      %dma_start3A_137 = tpu.memref_squeeze %dma_start3A_136 : memref<1x128x64xf32, #tpu.memory_space<hbm>> -> memref<128x64xf32, #tpu.memory_space<hbm>>
      %dma_start3A_138 = arith.constant 0 : i32
      %dma_start3A_139 = arith.constant 0 : i32
      %dma_start3A_140 = tpu.memref_slice %arg12[%run_scoped3A_118, %dma_start3A_138, %dma_start3A_139] : memref<2x128x64xf32, #tpu.memory_space<vmem>> -> memref<1x128x64xf32, #tpu.memory_space<vmem>>
      %dma_start3A_141 = tpu.memref_squeeze %dma_start3A_140 : memref<1x128x64xf32, #tpu.memory_space<vmem>> -> memref<128x64xf32, #tpu.memory_space<vmem>>
      tpu.enqueue_dma source(%dma_start3A_141 : memref<128x64xf32, #tpu.memory_space<vmem>>) target(%dma_start3A_137 : memref<128x64xf32, #tpu.memory_space<hbm>>) target_semaphore(%run_scoped3A_127 : memref<!tpu.dma_semaphore, #tpu.memory_space<semaphore_mem>>)
      %dma_wait3A = arith.constant 0 : i32
      %dma_wait3A_142 = arith.constant 0 : i32
      %dma_wait3A_143 = tpu.memref_slice %arg12[%run_scoped3A_118, %dma_wait3A, %dma_wait3A_142] : memref<2x128x64xf32, #tpu.memory_space<vmem>> -> memref<1x128x64xf32, #tpu.memory_space<vmem>>
      %dma_wait3A_144 = tpu.memref_squeeze %dma_wait3A_143 : memref<1x128x64xf32, #tpu.memory_space<vmem>> -> memref<128x64xf32, #tpu.memory_space<vmem>>
      %dma_wait3A_145 = arith.constant 0 : i32
      %dma_wait3A_146 = tpu.memref_slice %arg7[%arg0, %add3A_116, %dma_wait3A_145] : memref<2x10240x64xf32, #tpu.memory_space<hbm>> -> memref<1x128x64xf32, #tpu.memory_space<hbm>>
      %dma_wait3A_147 = tpu.memref_squeeze %dma_wait3A_146 : memref<1x128x64xf32, #tpu.memory_space<hbm>> -> memref<128x64xf32, #tpu.memory_space<hbm>>
      %dma_wait3A_148 = arith.constant 0 : i32
      %dma_wait3A_149 = tpu.memref_slice %arg7[%arg0, %add3A_116, %dma_wait3A_148] : memref<2x10240x64xf32, #tpu.memory_space<hbm>> -> memref<1x128x64xf32, #tpu.memory_space<hbm>>
      %dma_wait3A_150 = tpu.memref_squeeze %dma_wait3A_149 : memref<1x128x64xf32, #tpu.memory_space<hbm>> -> memref<128x64xf32, #tpu.memory_space<hbm>>
      %dma_wait3A_151 = arith.constant 0 : i32
      %dma_wait3A_152 = arith.constant 0 : i32
      %dma_wait3A_153 = tpu.memref_slice %arg12[%run_scoped3A_118, %dma_wait3A_151, %dma_wait3A_152] : memref<2x128x64xf32, #tpu.memory_space<vmem>> -> memref<1x128x64xf32, #tpu.memory_space<vmem>>
      %dma_wait3A_154 = tpu.memref_squeeze %dma_wait3A_153 : memref<1x128x64xf32, #tpu.memory_space<vmem>> -> memref<128x64xf32, #tpu.memory_space<vmem>>
      tpu.wait_dma2 semaphore(%run_scoped3A_127 : memref<!tpu.dma_semaphore, #tpu.memory_space<semaphore_mem>>) src(%dma_wait3A_154 : memref<128x64xf32, #tpu.memory_space<vmem>>) dst(%dma_wait3A_150 : memref<128x64xf32, #tpu.memory_space<hbm>>)
      tpu.yield
    }) : () -> ()
    "tpu.region"() ({
      %run_scoped3A_127 = tpu.sem_alloc : memref<!tpu.dma_semaphore, #tpu.memory_space<semaphore_mem>>
      %dma_start3A_128 = arith.constant 0 : i32
      %dma_start3A_129 = tpu.memref_slice %arg21[%add3A_116, %dma_start3A_128] : memref<10240x16xf32, #tpu.memory_space<vmem_shared>> -> memref<128x16xf32, #tpu.memory_space<vmem_shared>>
      %dma_start3A_130 = arith.constant 0 : i32
      %dma_start3A_131 = tpu.memref_slice %arg21[%add3A_116, %dma_start3A_130] : memref<10240x16xf32, #tpu.memory_space<vmem_shared>> -> memref<128x16xf32, #tpu.memory_space<vmem_shared>>
      tpu.enqueue_dma source(%dma_start3A_131 : memref<128x16xf32, #tpu.memory_space<vmem_shared>>) target(%arg22 : memref<128x16xf32, #tpu.memory_space<vmem>>) target_semaphore(%run_scoped3A_127 : memref<!tpu.dma_semaphore, #tpu.memory_space<semaphore_mem>>)
      %dma_wait3A = arith.constant 0 : i32
      %dma_wait3A_132 = tpu.memref_slice %arg21[%add3A_116, %dma_wait3A] : memref<10240x16xf32, #tpu.memory_space<vmem_shared>> -> memref<128x16xf32, #tpu.memory_space<vmem_shared>>
      %dma_wait3A_133 = arith.constant 0 : i32
      %dma_wait3A_134 = tpu.memref_slice %arg21[%add3A_116, %dma_wait3A_133] : memref<10240x16xf32, #tpu.memory_space<vmem_shared>> -> memref<128x16xf32, #tpu.memory_space<vmem_shared>>
      tpu.wait_dma2 semaphore(%run_scoped3A_127 : memref<!tpu.dma_semaphore, #tpu.memory_space<semaphore_mem>>) src(%dma_wait3A_134 : memref<128x16xf32, #tpu.memory_space<vmem_shared>>) dst(%arg22 : memref<128x16xf32, #tpu.memory_space<vmem>>)
      tpu.yield
    }) : () -> ()
    "tpu.region"() ({
      %run_scoped3A_127 = tpu.sem_alloc : memref<!tpu.dma_semaphore, #tpu.memory_space<semaphore_mem>>
      %dma_start3A_128 = arith.constant 0 : i32
      %dma_start3A_129 = tpu.memref_slice %arg8[%arg0, %add3A_116, %dma_start3A_128] : memref<2x10240x16xf32, #tpu.memory_space<hbm>> -> memref<1x128x16xf32, #tpu.memory_space<hbm>>
      %dma_start3A_130 = tpu.memref_squeeze %dma_start3A_129 : memref<1x128x16xf32, #tpu.memory_space<hbm>> -> memref<128x16xf32, #tpu.memory_space<hbm>>
      %dma_start3A_131 = arith.constant 0 : i32
      %dma_start3A_132 = tpu.memref_slice %arg8[%arg0, %add3A_116, %dma_start3A_131] : memref<2x10240x16xf32, #tpu.memory_space<hbm>> -> memref<1x128x16xf32, #tpu.memory_space<hbm>>
      %dma_start3A_133 = tpu.memref_squeeze %dma_start3A_132 : memref<1x128x16xf32, #tpu.memory_space<hbm>> -> memref<128x16xf32, #tpu.memory_space<hbm>>
      tpu.enqueue_dma source(%arg22 : memref<128x16xf32, #tpu.memory_space<vmem>>) target(%dma_start3A_133 : memref<128x16xf32, #tpu.memory_space<hbm>>) target_semaphore(%run_scoped3A_127 : memref<!tpu.dma_semaphore, #tpu.memory_space<semaphore_mem>>)
      %dma_wait3A = arith.constant 0 : i32
      %dma_wait3A_134 = tpu.memref_slice %arg8[%arg0, %add3A_116, %dma_wait3A] : memref<2x10240x16xf32, #tpu.memory_space<hbm>> -> memref<1x128x16xf32, #tpu.memory_space<hbm>>
      %dma_wait3A_135 = tpu.memref_squeeze %dma_wait3A_134 : memref<1x128x16xf32, #tpu.memory_space<hbm>> -> memref<128x16xf32, #tpu.memory_space<hbm>>
      %dma_wait3A_136 = arith.constant 0 : i32
      %dma_wait3A_137 = tpu.memref_slice %arg8[%arg0, %add3A_116, %dma_wait3A_136] : memref<2x10240x16xf32, #tpu.memory_space<hbm>> -> memref<1x128x16xf32, #tpu.memory_space<hbm>>
      %dma_wait3A_138 = tpu.memref_squeeze %dma_wait3A_137 : memref<1x128x16xf32, #tpu.memory_space<hbm>> -> memref<128x16xf32, #tpu.memory_space<hbm>>
      tpu.wait_dma2 semaphore(%run_scoped3A_127 : memref<!tpu.dma_semaphore, #tpu.memory_space<semaphore_mem>>) src(%arg22 : memref<128x16xf32, #tpu.memory_space<vmem>>) dst(%dma_wait3A_138 : memref<128x16xf32, #tpu.memory_space<hbm>>)
      tpu.yield
    }) : () -> ()
    %add3A_119 = arith.constant 384 : i32
    %add3A_120 = arith.addi %mul3A_2, %add3A_119 : i32
    %run_scoped3A_121 = arith.constant 0 : i32
    "tpu.region"() ({
      %run_scoped3A_127 = tpu.sem_alloc : memref<!tpu.dma_semaphore, #tpu.memory_space<semaphore_mem>>
      %dma_start3A_128 = arith.constant 0 : i32
      %dma_start3A_129 = arith.constant 0 : i32
      %dma_start3A_130 = tpu.memref_slice %arg12[%run_scoped3A_121, %dma_start3A_128, %dma_start3A_129] : memref<2x128x64xf32, #tpu.memory_space<vmem>> -> memref<1x128x64xf32, #tpu.memory_space<vmem>>
      %dma_start3A_131 = tpu.memref_squeeze %dma_start3A_130 : memref<1x128x64xf32, #tpu.memory_space<vmem>> -> memref<128x64xf32, #tpu.memory_space<vmem>>
      %dma_start3A_132 = arith.constant 0 : i32
      %dma_start3A_133 = tpu.memref_slice %arg9[%add3A_120, %dma_start3A_132] : memref<10240x64xf32, #tpu.memory_space<vmem_shared>> -> memref<128x64xf32, #tpu.memory_space<vmem_shared>>
      %dma_start3A_134 = arith.constant 0 : i32
      %dma_start3A_135 = arith.constant 0 : i32
      %dma_start3A_136 = tpu.memref_slice %arg12[%run_scoped3A_121, %dma_start3A_134, %dma_start3A_135] : memref<2x128x64xf32, #tpu.memory_space<vmem>> -> memref<1x128x64xf32, #tpu.memory_space<vmem>>
      %dma_start3A_137 = tpu.memref_squeeze %dma_start3A_136 : memref<1x128x64xf32, #tpu.memory_space<vmem>> -> memref<128x64xf32, #tpu.memory_space<vmem>>
      %dma_start3A_138 = arith.constant 0 : i32
      %dma_start3A_139 = tpu.memref_slice %arg9[%add3A_120, %dma_start3A_138] : memref<10240x64xf32, #tpu.memory_space<vmem_shared>> -> memref<128x64xf32, #tpu.memory_space<vmem_shared>>
      tpu.enqueue_dma source(%dma_start3A_139 : memref<128x64xf32, #tpu.memory_space<vmem_shared>>) target(%dma_start3A_137 : memref<128x64xf32, #tpu.memory_space<vmem>>) target_semaphore(%run_scoped3A_127 : memref<!tpu.dma_semaphore, #tpu.memory_space<semaphore_mem>>)
      %dma_wait3A = arith.constant 0 : i32
      %dma_wait3A_140 = arith.constant 0 : i32
      %dma_wait3A_141 = tpu.memref_slice %arg12[%run_scoped3A_121, %dma_wait3A, %dma_wait3A_140] : memref<2x128x64xf32, #tpu.memory_space<vmem>> -> memref<1x128x64xf32, #tpu.memory_space<vmem>>
      %dma_wait3A_142 = tpu.memref_squeeze %dma_wait3A_141 : memref<1x128x64xf32, #tpu.memory_space<vmem>> -> memref<128x64xf32, #tpu.memory_space<vmem>>
      %dma_wait3A_143 = arith.constant 0 : i32
      %dma_wait3A_144 = tpu.memref_slice %arg9[%add3A_120, %dma_wait3A_143] : memref<10240x64xf32, #tpu.memory_space<vmem_shared>> -> memref<128x64xf32, #tpu.memory_space<vmem_shared>>
      %dma_wait3A_145 = arith.constant 0 : i32
      %dma_wait3A_146 = arith.constant 0 : i32
      %dma_wait3A_147 = tpu.memref_slice %arg12[%run_scoped3A_121, %dma_wait3A_145, %dma_wait3A_146] : memref<2x128x64xf32, #tpu.memory_space<vmem>> -> memref<1x128x64xf32, #tpu.memory_space<vmem>>
      %dma_wait3A_148 = tpu.memref_squeeze %dma_wait3A_147 : memref<1x128x64xf32, #tpu.memory_space<vmem>> -> memref<128x64xf32, #tpu.memory_space<vmem>>
      %dma_wait3A_149 = arith.constant 0 : i32
      %dma_wait3A_150 = tpu.memref_slice %arg9[%add3A_120, %dma_wait3A_149] : memref<10240x64xf32, #tpu.memory_space<vmem_shared>> -> memref<128x64xf32, #tpu.memory_space<vmem_shared>>
      tpu.wait_dma2 semaphore(%run_scoped3A_127 : memref<!tpu.dma_semaphore, #tpu.memory_space<semaphore_mem>>) src(%dma_wait3A_150 : memref<128x64xf32, #tpu.memory_space<vmem_shared>>) dst(%dma_wait3A_148 : memref<128x64xf32, #tpu.memory_space<vmem>>)
      tpu.yield
    }) : () -> ()
    %run_scoped3A_122 = arith.constant 0 : i32
    "tpu.region"() ({
      %run_scoped3A_127 = tpu.sem_alloc : memref<!tpu.dma_semaphore, #tpu.memory_space<semaphore_mem>>
      %dma_start3A_128 = arith.constant 0 : i32
      %dma_start3A_129 = arith.constant 0 : i32
      %dma_start3A_130 = tpu.memref_slice %arg12[%run_scoped3A_122, %dma_start3A_128, %dma_start3A_129] : memref<2x128x64xf32, #tpu.memory_space<vmem>> -> memref<1x128x64xf32, #tpu.memory_space<vmem>>
      %dma_start3A_131 = tpu.memref_squeeze %dma_start3A_130 : memref<1x128x64xf32, #tpu.memory_space<vmem>> -> memref<128x64xf32, #tpu.memory_space<vmem>>
      %dma_start3A_132 = arith.constant 0 : i32
      %dma_start3A_133 = tpu.memref_slice %arg7[%arg0, %add3A_120, %dma_start3A_132] : memref<2x10240x64xf32, #tpu.memory_space<hbm>> -> memref<1x128x64xf32, #tpu.memory_space<hbm>>
      %dma_start3A_134 = tpu.memref_squeeze %dma_start3A_133 : memref<1x128x64xf32, #tpu.memory_space<hbm>> -> memref<128x64xf32, #tpu.memory_space<hbm>>
      %dma_start3A_135 = arith.constant 0 : i32
      %dma_start3A_136 = tpu.memref_slice %arg7[%arg0, %add3A_120, %dma_start3A_135] : memref<2x10240x64xf32, #tpu.memory_space<hbm>> -> memref<1x128x64xf32, #tpu.memory_space<hbm>>
      %dma_start3A_137 = tpu.memref_squeeze %dma_start3A_136 : memref<1x128x64xf32, #tpu.memory_space<hbm>> -> memref<128x64xf32, #tpu.memory_space<hbm>>
      %dma_start3A_138 = arith.constant 0 : i32
      %dma_start3A_139 = arith.constant 0 : i32
      %dma_start3A_140 = tpu.memref_slice %arg12[%run_scoped3A_122, %dma_start3A_138, %dma_start3A_139] : memref<2x128x64xf32, #tpu.memory_space<vmem>> -> memref<1x128x64xf32, #tpu.memory_space<vmem>>
      %dma_start3A_141 = tpu.memref_squeeze %dma_start3A_140 : memref<1x128x64xf32, #tpu.memory_space<vmem>> -> memref<128x64xf32, #tpu.memory_space<vmem>>
      tpu.enqueue_dma source(%dma_start3A_141 : memref<128x64xf32, #tpu.memory_space<vmem>>) target(%dma_start3A_137 : memref<128x64xf32, #tpu.memory_space<hbm>>) target_semaphore(%run_scoped3A_127 : memref<!tpu.dma_semaphore, #tpu.memory_space<semaphore_mem>>)
      %dma_wait3A = arith.constant 0 : i32
      %dma_wait3A_142 = arith.constant 0 : i32
      %dma_wait3A_143 = tpu.memref_slice %arg12[%run_scoped3A_122, %dma_wait3A, %dma_wait3A_142] : memref<2x128x64xf32, #tpu.memory_space<vmem>> -> memref<1x128x64xf32, #tpu.memory_space<vmem>>
      %dma_wait3A_144 = tpu.memref_squeeze %dma_wait3A_143 : memref<1x128x64xf32, #tpu.memory_space<vmem>> -> memref<128x64xf32, #tpu.memory_space<vmem>>
      %dma_wait3A_145 = arith.constant 0 : i32
      %dma_wait3A_146 = tpu.memref_slice %arg7[%arg0, %add3A_120, %dma_wait3A_145] : memref<2x10240x64xf32, #tpu.memory_space<hbm>> -> memref<1x128x64xf32, #tpu.memory_space<hbm>>
      %dma_wait3A_147 = tpu.memref_squeeze %dma_wait3A_146 : memref<1x128x64xf32, #tpu.memory_space<hbm>> -> memref<128x64xf32, #tpu.memory_space<hbm>>
      %dma_wait3A_148 = arith.constant 0 : i32
      %dma_wait3A_149 = tpu.memref_slice %arg7[%arg0, %add3A_120, %dma_wait3A_148] : memref<2x10240x64xf32, #tpu.memory_space<hbm>> -> memref<1x128x64xf32, #tpu.memory_space<hbm>>
      %dma_wait3A_150 = tpu.memref_squeeze %dma_wait3A_149 : memref<1x128x64xf32, #tpu.memory_space<hbm>> -> memref<128x64xf32, #tpu.memory_space<hbm>>
      %dma_wait3A_151 = arith.constant 0 : i32
      %dma_wait3A_152 = arith.constant 0 : i32
      %dma_wait3A_153 = tpu.memref_slice %arg12[%run_scoped3A_122, %dma_wait3A_151, %dma_wait3A_152] : memref<2x128x64xf32, #tpu.memory_space<vmem>> -> memref<1x128x64xf32, #tpu.memory_space<vmem>>
      %dma_wait3A_154 = tpu.memref_squeeze %dma_wait3A_153 : memref<1x128x64xf32, #tpu.memory_space<vmem>> -> memref<128x64xf32, #tpu.memory_space<vmem>>
      tpu.wait_dma2 semaphore(%run_scoped3A_127 : memref<!tpu.dma_semaphore, #tpu.memory_space<semaphore_mem>>) src(%dma_wait3A_154 : memref<128x64xf32, #tpu.memory_space<vmem>>) dst(%dma_wait3A_150 : memref<128x64xf32, #tpu.memory_space<hbm>>)
      tpu.yield
    }) : () -> ()
    "tpu.region"() ({
      %run_scoped3A_127 = tpu.sem_alloc : memref<!tpu.dma_semaphore, #tpu.memory_space<semaphore_mem>>
      %dma_start3A_128 = arith.constant 0 : i32
      %dma_start3A_129 = tpu.memref_slice %arg21[%add3A_120, %dma_start3A_128] : memref<10240x16xf32, #tpu.memory_space<vmem_shared>> -> memref<128x16xf32, #tpu.memory_space<vmem_shared>>
      %dma_start3A_130 = arith.constant 0 : i32
      %dma_start3A_131 = tpu.memref_slice %arg21[%add3A_120, %dma_start3A_130] : memref<10240x16xf32, #tpu.memory_space<vmem_shared>> -> memref<128x16xf32, #tpu.memory_space<vmem_shared>>
      tpu.enqueue_dma source(%dma_start3A_131 : memref<128x16xf32, #tpu.memory_space<vmem_shared>>) target(%arg22 : memref<128x16xf32, #tpu.memory_space<vmem>>) target_semaphore(%run_scoped3A_127 : memref<!tpu.dma_semaphore, #tpu.memory_space<semaphore_mem>>)
      %dma_wait3A = arith.constant 0 : i32
      %dma_wait3A_132 = tpu.memref_slice %arg21[%add3A_120, %dma_wait3A] : memref<10240x16xf32, #tpu.memory_space<vmem_shared>> -> memref<128x16xf32, #tpu.memory_space<vmem_shared>>
      %dma_wait3A_133 = arith.constant 0 : i32
      %dma_wait3A_134 = tpu.memref_slice %arg21[%add3A_120, %dma_wait3A_133] : memref<10240x16xf32, #tpu.memory_space<vmem_shared>> -> memref<128x16xf32, #tpu.memory_space<vmem_shared>>
      tpu.wait_dma2 semaphore(%run_scoped3A_127 : memref<!tpu.dma_semaphore, #tpu.memory_space<semaphore_mem>>) src(%dma_wait3A_134 : memref<128x16xf32, #tpu.memory_space<vmem_shared>>) dst(%arg22 : memref<128x16xf32, #tpu.memory_space<vmem>>)
      tpu.yield
    }) : () -> ()
    "tpu.region"() ({
      %run_scoped3A_127 = tpu.sem_alloc : memref<!tpu.dma_semaphore, #tpu.memory_space<semaphore_mem>>
      %dma_start3A_128 = arith.constant 0 : i32
      %dma_start3A_129 = tpu.memref_slice %arg8[%arg0, %add3A_120, %dma_start3A_128] : memref<2x10240x16xf32, #tpu.memory_space<hbm>> -> memref<1x128x16xf32, #tpu.memory_space<hbm>>
      %dma_start3A_130 = tpu.memref_squeeze %dma_start3A_129 : memref<1x128x16xf32, #tpu.memory_space<hbm>> -> memref<128x16xf32, #tpu.memory_space<hbm>>
      %dma_start3A_131 = arith.constant 0 : i32
      %dma_start3A_132 = tpu.memref_slice %arg8[%arg0, %add3A_120, %dma_start3A_131] : memref<2x10240x16xf32, #tpu.memory_space<hbm>> -> memref<1x128x16xf32, #tpu.memory_space<hbm>>
      %dma_start3A_133 = tpu.memref_squeeze %dma_start3A_132 : memref<1x128x16xf32, #tpu.memory_space<hbm>> -> memref<128x16xf32, #tpu.memory_space<hbm>>
      tpu.enqueue_dma source(%arg22 : memref<128x16xf32, #tpu.memory_space<vmem>>) target(%dma_start3A_133 : memref<128x16xf32, #tpu.memory_space<hbm>>) target_semaphore(%run_scoped3A_127 : memref<!tpu.dma_semaphore, #tpu.memory_space<semaphore_mem>>)
      %dma_wait3A = arith.constant 0 : i32
      %dma_wait3A_134 = tpu.memref_slice %arg8[%arg0, %add3A_120, %dma_wait3A] : memref<2x10240x16xf32, #tpu.memory_space<hbm>> -> memref<1x128x16xf32, #tpu.memory_space<hbm>>
      %dma_wait3A_135 = tpu.memref_squeeze %dma_wait3A_134 : memref<1x128x16xf32, #tpu.memory_space<hbm>> -> memref<128x16xf32, #tpu.memory_space<hbm>>
      %dma_wait3A_136 = arith.constant 0 : i32
      %dma_wait3A_137 = tpu.memref_slice %arg8[%arg0, %add3A_120, %dma_wait3A_136] : memref<2x10240x16xf32, #tpu.memory_space<hbm>> -> memref<1x128x16xf32, #tpu.memory_space<hbm>>
      %dma_wait3A_138 = tpu.memref_squeeze %dma_wait3A_137 : memref<1x128x16xf32, #tpu.memory_space<hbm>> -> memref<128x16xf32, #tpu.memory_space<hbm>>
      tpu.wait_dma2 semaphore(%run_scoped3A_127 : memref<!tpu.dma_semaphore, #tpu.memory_space<semaphore_mem>>) src(%arg22 : memref<128x16xf32, #tpu.memory_space<vmem>>) dst(%dma_wait3A_138 : memref<128x16xf32, #tpu.memory_space<hbm>>)
      tpu.yield
    }) : () -> ()
    %add3A_123 = arith.constant 512 : i32
    %add3A_124 = arith.addi %mul3A_2, %add3A_123 : i32
    %run_scoped3A_125 = arith.constant 0 : i32
    "tpu.region"() ({
      %run_scoped3A_127 = tpu.sem_alloc : memref<!tpu.dma_semaphore, #tpu.memory_space<semaphore_mem>>
      %dma_start3A_128 = arith.constant 0 : i32
      %dma_start3A_129 = arith.constant 0 : i32
      %dma_start3A_130 = tpu.memref_slice %arg12[%run_scoped3A_125, %dma_start3A_128, %dma_start3A_129] : memref<2x128x64xf32, #tpu.memory_space<vmem>> -> memref<1x128x64xf32, #tpu.memory_space<vmem>>
      %dma_start3A_131 = tpu.memref_squeeze %dma_start3A_130 : memref<1x128x64xf32, #tpu.memory_space<vmem>> -> memref<128x64xf32, #tpu.memory_space<vmem>>
      %dma_start3A_132 = arith.constant 0 : i32
      %dma_start3A_133 = tpu.memref_slice %arg9[%add3A_124, %dma_start3A_132] : memref<10240x64xf32, #tpu.memory_space<vmem_shared>> -> memref<128x64xf32, #tpu.memory_space<vmem_shared>>
      %dma_start3A_134 = arith.constant 0 : i32
      %dma_start3A_135 = arith.constant 0 : i32
      %dma_start3A_136 = tpu.memref_slice %arg12[%run_scoped3A_125, %dma_start3A_134, %dma_start3A_135] : memref<2x128x64xf32, #tpu.memory_space<vmem>> -> memref<1x128x64xf32, #tpu.memory_space<vmem>>
      %dma_start3A_137 = tpu.memref_squeeze %dma_start3A_136 : memref<1x128x64xf32, #tpu.memory_space<vmem>> -> memref<128x64xf32, #tpu.memory_space<vmem>>
      %dma_start3A_138 = arith.constant 0 : i32
      %dma_start3A_139 = tpu.memref_slice %arg9[%add3A_124, %dma_start3A_138] : memref<10240x64xf32, #tpu.memory_space<vmem_shared>> -> memref<128x64xf32, #tpu.memory_space<vmem_shared>>
      tpu.enqueue_dma source(%dma_start3A_139 : memref<128x64xf32, #tpu.memory_space<vmem_shared>>) target(%dma_start3A_137 : memref<128x64xf32, #tpu.memory_space<vmem>>) target_semaphore(%run_scoped3A_127 : memref<!tpu.dma_semaphore, #tpu.memory_space<semaphore_mem>>)
      %dma_wait3A = arith.constant 0 : i32
      %dma_wait3A_140 = arith.constant 0 : i32
      %dma_wait3A_141 = tpu.memref_slice %arg12[%run_scoped3A_125, %dma_wait3A, %dma_wait3A_140] : memref<2x128x64xf32, #tpu.memory_space<vmem>> -> memref<1x128x64xf32, #tpu.memory_space<vmem>>
      %dma_wait3A_142 = tpu.memref_squeeze %dma_wait3A_141 : memref<1x128x64xf32, #tpu.memory_space<vmem>> -> memref<128x64xf32, #tpu.memory_space<vmem>>
      %dma_wait3A_143 = arith.constant 0 : i32
      %dma_wait3A_144 = tpu.memref_slice %arg9[%add3A_124, %dma_wait3A_143] : memref<10240x64xf32, #tpu.memory_space<vmem_shared>> -> memref<128x64xf32, #tpu.memory_space<vmem_shared>>
      %dma_wait3A_145 = arith.constant 0 : i32
      %dma_wait3A_146 = arith.constant 0 : i32
      %dma_wait3A_147 = tpu.memref_slice %arg12[%run_scoped3A_125, %dma_wait3A_145, %dma_wait3A_146] : memref<2x128x64xf32, #tpu.memory_space<vmem>> -> memref<1x128x64xf32, #tpu.memory_space<vmem>>
      %dma_wait3A_148 = tpu.memref_squeeze %dma_wait3A_147 : memref<1x128x64xf32, #tpu.memory_space<vmem>> -> memref<128x64xf32, #tpu.memory_space<vmem>>
      %dma_wait3A_149 = arith.constant 0 : i32
      %dma_wait3A_150 = tpu.memref_slice %arg9[%add3A_124, %dma_wait3A_149] : memref<10240x64xf32, #tpu.memory_space<vmem_shared>> -> memref<128x64xf32, #tpu.memory_space<vmem_shared>>
      tpu.wait_dma2 semaphore(%run_scoped3A_127 : memref<!tpu.dma_semaphore, #tpu.memory_space<semaphore_mem>>) src(%dma_wait3A_150 : memref<128x64xf32, #tpu.memory_space<vmem_shared>>) dst(%dma_wait3A_148 : memref<128x64xf32, #tpu.memory_space<vmem>>)
      tpu.yield
    }) : () -> ()
    %run_scoped3A_126 = arith.constant 0 : i32
    "tpu.region"() ({
      %run_scoped3A_127 = tpu.sem_alloc : memref<!tpu.dma_semaphore, #tpu.memory_space<semaphore_mem>>
      %dma_start3A_128 = arith.constant 0 : i32
      %dma_start3A_129 = arith.constant 0 : i32
      %dma_start3A_130 = tpu.memref_slice %arg12[%run_scoped3A_126, %dma_start3A_128, %dma_start3A_129] : memref<2x128x64xf32, #tpu.memory_space<vmem>> -> memref<1x128x64xf32, #tpu.memory_space<vmem>>
      %dma_start3A_131 = tpu.memref_squeeze %dma_start3A_130 : memref<1x128x64xf32, #tpu.memory_space<vmem>> -> memref<128x64xf32, #tpu.memory_space<vmem>>
      %dma_start3A_132 = arith.constant 0 : i32
      %dma_start3A_133 = tpu.memref_slice %arg7[%arg0, %add3A_124, %dma_start3A_132] : memref<2x10240x64xf32, #tpu.memory_space<hbm>> -> memref<1x128x64xf32, #tpu.memory_space<hbm>>
      %dma_start3A_134 = tpu.memref_squeeze %dma_start3A_133 : memref<1x128x64xf32, #tpu.memory_space<hbm>> -> memref<128x64xf32, #tpu.memory_space<hbm>>
      %dma_start3A_135 = arith.constant 0 : i32
      %dma_start3A_136 = tpu.memref_slice %arg7[%arg0, %add3A_124, %dma_start3A_135] : memref<2x10240x64xf32, #tpu.memory_space<hbm>> -> memref<1x128x64xf32, #tpu.memory_space<hbm>>
      %dma_start3A_137 = tpu.memref_squeeze %dma_start3A_136 : memref<1x128x64xf32, #tpu.memory_space<hbm>> -> memref<128x64xf32, #tpu.memory_space<hbm>>
      %dma_start3A_138 = arith.constant 0 : i32
      %dma_start3A_139 = arith.constant 0 : i32
      %dma_start3A_140 = tpu.memref_slice %arg12[%run_scoped3A_126, %dma_start3A_138, %dma_start3A_139] : memref<2x128x64xf32, #tpu.memory_space<vmem>> -> memref<1x128x64xf32, #tpu.memory_space<vmem>>
      %dma_start3A_141 = tpu.memref_squeeze %dma_start3A_140 : memref<1x128x64xf32, #tpu.memory_space<vmem>> -> memref<128x64xf32, #tpu.memory_space<vmem>>
      tpu.enqueue_dma source(%dma_start3A_141 : memref<128x64xf32, #tpu.memory_space<vmem>>) target(%dma_start3A_137 : memref<128x64xf32, #tpu.memory_space<hbm>>) target_semaphore(%run_scoped3A_127 : memref<!tpu.dma_semaphore, #tpu.memory_space<semaphore_mem>>)
      %dma_wait3A = arith.constant 0 : i32
      %dma_wait3A_142 = arith.constant 0 : i32
      %dma_wait3A_143 = tpu.memref_slice %arg12[%run_scoped3A_126, %dma_wait3A, %dma_wait3A_142] : memref<2x128x64xf32, #tpu.memory_space<vmem>> -> memref<1x128x64xf32, #tpu.memory_space<vmem>>
      %dma_wait3A_144 = tpu.memref_squeeze %dma_wait3A_143 : memref<1x128x64xf32, #tpu.memory_space<vmem>> -> memref<128x64xf32, #tpu.memory_space<vmem>>
      %dma_wait3A_145 = arith.constant 0 : i32
      %dma_wait3A_146 = tpu.memref_slice %arg7[%arg0, %add3A_124, %dma_wait3A_145] : memref<2x10240x64xf32, #tpu.memory_space<hbm>> -> memref<1x128x64xf32, #tpu.memory_space<hbm>>
      %dma_wait3A_147 = tpu.memref_squeeze %dma_wait3A_146 : memref<1x128x64xf32, #tpu.memory_space<hbm>> -> memref<128x64xf32, #tpu.memory_space<hbm>>
      %dma_wait3A_148 = arith.constant 0 : i32
      %dma_wait3A_149 = tpu.memref_slice %arg7[%arg0, %add3A_124, %dma_wait3A_148] : memref<2x10240x64xf32, #tpu.memory_space<hbm>> -> memref<1x128x64xf32, #tpu.memory_space<hbm>>
      %dma_wait3A_150 = tpu.memref_squeeze %dma_wait3A_149 : memref<1x128x64xf32, #tpu.memory_space<hbm>> -> memref<128x64xf32, #tpu.memory_space<hbm>>
      %dma_wait3A_151 = arith.constant 0 : i32
      %dma_wait3A_152 = arith.constant 0 : i32
      %dma_wait3A_153 = tpu.memref_slice %arg12[%run_scoped3A_126, %dma_wait3A_151, %dma_wait3A_152] : memref<2x128x64xf32, #tpu.memory_space<vmem>> -> memref<1x128x64xf32, #tpu.memory_space<vmem>>
      %dma_wait3A_154 = tpu.memref_squeeze %dma_wait3A_153 : memref<1x128x64xf32, #tpu.memory_space<vmem>> -> memref<128x64xf32, #tpu.memory_space<vmem>>
      tpu.wait_dma2 semaphore(%run_scoped3A_127 : memref<!tpu.dma_semaphore, #tpu.memory_space<semaphore_mem>>) src(%dma_wait3A_154 : memref<128x64xf32, #tpu.memory_space<vmem>>) dst(%dma_wait3A_150 : memref<128x64xf32, #tpu.memory_space<hbm>>)
      tpu.yield
    }) : () -> ()
    "tpu.region"() ({
      %run_scoped3A_127 = tpu.sem_alloc : memref<!tpu.dma_semaphore, #tpu.memory_space<semaphore_mem>>
      %dma_start3A_128 = arith.constant 0 : i32
      %dma_start3A_129 = tpu.memref_slice %arg21[%add3A_124, %dma_start3A_128] : memref<10240x16xf32, #tpu.memory_space<vmem_shared>> -> memref<128x16xf32, #tpu.memory_space<vmem_shared>>
      %dma_start3A_130 = arith.constant 0 : i32
      %dma_start3A_131 = tpu.memref_slice %arg21[%add3A_124, %dma_start3A_130] : memref<10240x16xf32, #tpu.memory_space<vmem_shared>> -> memref<128x16xf32, #tpu.memory_space<vmem_shared>>
      tpu.enqueue_dma source(%dma_start3A_131 : memref<128x16xf32, #tpu.memory_space<vmem_shared>>) target(%arg22 : memref<128x16xf32, #tpu.memory_space<vmem>>) target_semaphore(%run_scoped3A_127 : memref<!tpu.dma_semaphore, #tpu.memory_space<semaphore_mem>>)
      %dma_wait3A = arith.constant 0 : i32
      %dma_wait3A_132 = tpu.memref_slice %arg21[%add3A_124, %dma_wait3A] : memref<10240x16xf32, #tpu.memory_space<vmem_shared>> -> memref<128x16xf32, #tpu.memory_space<vmem_shared>>
      %dma_wait3A_133 = arith.constant 0 : i32
      %dma_wait3A_134 = tpu.memref_slice %arg21[%add3A_124, %dma_wait3A_133] : memref<10240x16xf32, #tpu.memory_space<vmem_shared>> -> memref<128x16xf32, #tpu.memory_space<vmem_shared>>
      tpu.wait_dma2 semaphore(%run_scoped3A_127 : memref<!tpu.dma_semaphore, #tpu.memory_space<semaphore_mem>>) src(%dma_wait3A_134 : memref<128x16xf32, #tpu.memory_space<vmem_shared>>) dst(%arg22 : memref<128x16xf32, #tpu.memory_space<vmem>>)
      tpu.yield
    }) : () -> ()
    "tpu.region"() ({
      %run_scoped3A_127 = tpu.sem_alloc : memref<!tpu.dma_semaphore, #tpu.memory_space<semaphore_mem>>
      %dma_start3A_128 = arith.constant 0 : i32
      %dma_start3A_129 = tpu.memref_slice %arg8[%arg0, %add3A_124, %dma_start3A_128] : memref<2x10240x16xf32, #tpu.memory_space<hbm>> -> memref<1x128x16xf32, #tpu.memory_space<hbm>>
      %dma_start3A_130 = tpu.memref_squeeze %dma_start3A_129 : memref<1x128x16xf32, #tpu.memory_space<hbm>> -> memref<128x16xf32, #tpu.memory_space<hbm>>
      %dma_start3A_131 = arith.constant 0 : i32
      %dma_start3A_132 = tpu.memref_slice %arg8[%arg0, %add3A_124, %dma_start3A_131] : memref<2x10240x16xf32, #tpu.memory_space<hbm>> -> memref<1x128x16xf32, #tpu.memory_space<hbm>>
      %dma_start3A_133 = tpu.memref_squeeze %dma_start3A_132 : memref<1x128x16xf32, #tpu.memory_space<hbm>> -> memref<128x16xf32, #tpu.memory_space<hbm>>
      tpu.enqueue_dma source(%arg22 : memref<128x16xf32, #tpu.memory_space<vmem>>) target(%dma_start3A_133 : memref<128x16xf32, #tpu.memory_space<hbm>>) target_semaphore(%run_scoped3A_127 : memref<!tpu.dma_semaphore, #tpu.memory_space<semaphore_mem>>)
      %dma_wait3A = arith.constant 0 : i32
      %dma_wait3A_134 = tpu.memref_slice %arg8[%arg0, %add3A_124, %dma_wait3A] : memref<2x10240x16xf32, #tpu.memory_space<hbm>> -> memref<1x128x16xf32, #tpu.memory_space<hbm>>
      %dma_wait3A_135 = tpu.memref_squeeze %dma_wait3A_134 : memref<1x128x16xf32, #tpu.memory_space<hbm>> -> memref<128x16xf32, #tpu.memory_space<hbm>>
      %dma_wait3A_136 = arith.constant 0 : i32
      %dma_wait3A_137 = tpu.memref_slice %arg8[%arg0, %add3A_124, %dma_wait3A_136] : memref<2x10240x16xf32, #tpu.memory_space<hbm>> -> memref<1x128x16xf32, #tpu.memory_space<hbm>>
      %dma_wait3A_138 = tpu.memref_squeeze %dma_wait3A_137 : memref<1x128x16xf32, #tpu.memory_space<hbm>> -> memref<128x16xf32, #tpu.memory_space<hbm>>
      tpu.wait_dma2 semaphore(%run_scoped3A_127 : memref<!tpu.dma_semaphore, #tpu.memory_space<semaphore_mem>>) src(%arg22 : memref<128x16xf32, #tpu.memory_space<vmem>>) dst(%dma_wait3A_138 : memref<128x16xf32, #tpu.memory_space<hbm>>)
      tpu.yield
    }) : () -> ()
    return
  }
}

#map = affine_map<(d0, d1) -> (0, 0)>
#map1 = affine_map<(d0, d1) -> (0, 0, 0, 0, 0)>
#map2 = affine_map<(d0, d1) -> (0, 0, 0)>
module attributes {stable_mosaic.version = 14 : i64} {
  func.func @body_nocnt(%arg0: i32, %arg1: i32, %arg2: memref<10240x64xf32, #tpu.memory_space<hbm>>, %arg3: memref<32x20x4x2x128xi32, #tpu.memory_space<hbm>>, %arg4: memref<128x64xf32, #tpu.memory_space<hbm>>, %arg5: memref<2x10240x64xf32, #tpu.memory_space<hbm>>, %arg6: memref<10240x64xf32, #tpu.memory_space<vmem_shared>>, %arg7: memref<10240x64xf32, #tpu.memory_space<vmem_shared>>, %arg8: memref<4x4x2x128xi32, #tpu.memory_space<vmem>>, %arg9: memref<2x128x64xf32, #tpu.memory_space<vmem>>, %arg10: memref<!tpu.dma_semaphore, #tpu.memory_space<semaphore_mem>>, %arg11: memref<!tpu.dma_semaphore, #tpu.memory_space<semaphore_mem>>, %arg12: memref<!tpu.dma_semaphore, #tpu.memory_space<semaphore_mem>>, %arg13: memref<!tpu.dma_semaphore, #tpu.memory_space<semaphore_mem>>, %arg14: memref<!tpu.dma_semaphore, #tpu.memory_space<semaphore_mem>>, %arg15: memref<!tpu.dma_semaphore, #tpu.memory_space<semaphore_mem>>, %arg16: memref<!tpu.dma_semaphore, #tpu.memory_space<semaphore_mem>>, %arg17: memref<!tpu.dma_semaphore, #tpu.memory_space<semaphore_mem>>) attributes {dimension_semantics = [#tpu.dimension_semantics<core_parallel>, #tpu.dimension_semantics<subcore_parallel>], iteration_bounds = array<i64: 2, 16>, scalar_prefetch = 0 : i64, scratch_operands = 12 : i64, tpu.core_type = #tpu.core_type<sc_vector_subcore>, window_params = [{transform_indices = #map}, {transform_indices = #map1}, {transform_indices = #map}, {transform_indices = #map2}]} {
    %mul3A = arith.constant 16 : i32
    %mul3A_0 = arith.muli %arg0, %mul3A : i32
    %add3A = arith.addi %mul3A_0, %arg1 : i32
    %mul3A_1 = arith.constant 640 : i32
    %mul3A_2 = arith.muli %arg1, %mul3A_1 : i32
    %run_scoped3A = arith.constant 0 : i32
    "tpu.region"() ({
      %run_scoped3A_117 = tpu.sem_alloc : memref<!tpu.dma_semaphore, #tpu.memory_space<semaphore_mem>>
      %dma_start3A_118 = arith.constant 0 : i32
      %dma_start3A_119 = arith.constant 0 : i32
      %dma_start3A_120 = tpu.memref_slice %arg9[%run_scoped3A, %dma_start3A_118, %dma_start3A_119] : memref<2x128x64xf32, #tpu.memory_space<vmem>> -> memref<1x128x64xf32, #tpu.memory_space<vmem>>
      %dma_start3A_121 = tpu.memref_squeeze %dma_start3A_120 : memref<1x128x64xf32, #tpu.memory_space<vmem>> -> memref<128x64xf32, #tpu.memory_space<vmem>>
      %dma_start3A_122 = arith.constant 0 : i32
      %dma_start3A_123 = arith.constant 0 : i32
      %dma_start3A_124 = tpu.memref_slice %arg9[%run_scoped3A, %dma_start3A_122, %dma_start3A_123] : memref<2x128x64xf32, #tpu.memory_space<vmem>> -> memref<1x128x64xf32, #tpu.memory_space<vmem>>
      %dma_start3A_125 = tpu.memref_squeeze %dma_start3A_124 : memref<1x128x64xf32, #tpu.memory_space<vmem>> -> memref<128x64xf32, #tpu.memory_space<vmem>>
      tpu.enqueue_dma source(%arg4 : memref<128x64xf32, #tpu.memory_space<hbm>>) target(%dma_start3A_125 : memref<128x64xf32, #tpu.memory_space<vmem>>) target_semaphore(%run_scoped3A_117 : memref<!tpu.dma_semaphore, #tpu.memory_space<semaphore_mem>>)
      %dma_wait3A = arith.constant 0 : i32
      %dma_wait3A_126 = arith.constant 0 : i32
      %dma_wait3A_127 = tpu.memref_slice %arg9[%run_scoped3A, %dma_wait3A, %dma_wait3A_126] : memref<2x128x64xf32, #tpu.memory_space<vmem>> -> memref<1x128x64xf32, #tpu.memory_space<vmem>>
      %dma_wait3A_128 = tpu.memref_squeeze %dma_wait3A_127 : memref<1x128x64xf32, #tpu.memory_space<vmem>> -> memref<128x64xf32, #tpu.memory_space<vmem>>
      %dma_wait3A_129 = arith.constant 0 : i32
      %dma_wait3A_130 = arith.constant 0 : i32
      %dma_wait3A_131 = tpu.memref_slice %arg9[%run_scoped3A, %dma_wait3A_129, %dma_wait3A_130] : memref<2x128x64xf32, #tpu.memory_space<vmem>> -> memref<1x128x64xf32, #tpu.memory_space<vmem>>
      %dma_wait3A_132 = tpu.memref_squeeze %dma_wait3A_131 : memref<1x128x64xf32, #tpu.memory_space<vmem>> -> memref<128x64xf32, #tpu.memory_space<vmem>>
      tpu.wait_dma2 semaphore(%run_scoped3A_117 : memref<!tpu.dma_semaphore, #tpu.memory_space<semaphore_mem>>) src(%arg4 : memref<128x64xf32, #tpu.memory_space<hbm>>) dst(%dma_wait3A_132 : memref<128x64xf32, #tpu.memory_space<vmem>>)
      tpu.yield
    }) : () -> ()
    %add3A_3 = arith.constant 0 : i32
    %add3A_4 = arith.addi %mul3A_2, %add3A_3 : i32
    %run_scoped3A_5 = arith.constant 0 : i32
    "tpu.region"() ({
      %run_scoped3A_117 = tpu.sem_alloc : memref<!tpu.dma_semaphore, #tpu.memory_space<semaphore_mem>>
      %dma_start3A_118 = arith.constant 0 : i32
      %dma_start3A_119 = arith.constant 0 : i32
      %dma_start3A_120 = tpu.memref_slice %arg9[%run_scoped3A_5, %dma_start3A_118, %dma_start3A_119] : memref<2x128x64xf32, #tpu.memory_space<vmem>> -> memref<1x128x64xf32, #tpu.memory_space<vmem>>
      %dma_start3A_121 = tpu.memref_squeeze %dma_start3A_120 : memref<1x128x64xf32, #tpu.memory_space<vmem>> -> memref<128x64xf32, #tpu.memory_space<vmem>>
      %dma_start3A_122 = arith.constant 0 : i32
      %dma_start3A_123 = tpu.memref_slice %arg6[%add3A_4, %dma_start3A_122] : memref<10240x64xf32, #tpu.memory_space<vmem_shared>> -> memref<128x64xf32, #tpu.memory_space<vmem_shared>>
      %dma_start3A_124 = arith.constant 0 : i32
      %dma_start3A_125 = tpu.memref_slice %arg6[%add3A_4, %dma_start3A_124] : memref<10240x64xf32, #tpu.memory_space<vmem_shared>> -> memref<128x64xf32, #tpu.memory_space<vmem_shared>>
      %dma_start3A_126 = arith.constant 0 : i32
      %dma_start3A_127 = arith.constant 0 : i32
      %dma_start3A_128 = tpu.memref_slice %arg9[%run_scoped3A_5, %dma_start3A_126, %dma_start3A_127] : memref<2x128x64xf32, #tpu.memory_space<vmem>> -> memref<1x128x64xf32, #tpu.memory_space<vmem>>
      %dma_start3A_129 = tpu.memref_squeeze %dma_start3A_128 : memref<1x128x64xf32, #tpu.memory_space<vmem>> -> memref<128x64xf32, #tpu.memory_space<vmem>>
      tpu.enqueue_dma source(%dma_start3A_129 : memref<128x64xf32, #tpu.memory_space<vmem>>) target(%dma_start3A_125 : memref<128x64xf32, #tpu.memory_space<vmem_shared>>) target_semaphore(%run_scoped3A_117 : memref<!tpu.dma_semaphore, #tpu.memory_space<semaphore_mem>>)
      %dma_wait3A = arith.constant 0 : i32
      %dma_wait3A_130 = arith.constant 0 : i32
      %dma_wait3A_131 = tpu.memref_slice %arg9[%run_scoped3A_5, %dma_wait3A, %dma_wait3A_130] : memref<2x128x64xf32, #tpu.memory_space<vmem>> -> memref<1x128x64xf32, #tpu.memory_space<vmem>>
      %dma_wait3A_132 = tpu.memref_squeeze %dma_wait3A_131 : memref<1x128x64xf32, #tpu.memory_space<vmem>> -> memref<128x64xf32, #tpu.memory_space<vmem>>
      %dma_wait3A_133 = arith.constant 0 : i32
      %dma_wait3A_134 = tpu.memref_slice %arg6[%add3A_4, %dma_wait3A_133] : memref<10240x64xf32, #tpu.memory_space<vmem_shared>> -> memref<128x64xf32, #tpu.memory_space<vmem_shared>>
      %dma_wait3A_135 = arith.constant 0 : i32
      %dma_wait3A_136 = tpu.memref_slice %arg6[%add3A_4, %dma_wait3A_135] : memref<10240x64xf32, #tpu.memory_space<vmem_shared>> -> memref<128x64xf32, #tpu.memory_space<vmem_shared>>
      %dma_wait3A_137 = arith.constant 0 : i32
      %dma_wait3A_138 = arith.constant 0 : i32
      %dma_wait3A_139 = tpu.memref_slice %arg9[%run_scoped3A_5, %dma_wait3A_137, %dma_wait3A_138] : memref<2x128x64xf32, #tpu.memory_space<vmem>> -> memref<1x128x64xf32, #tpu.memory_space<vmem>>
      %dma_wait3A_140 = tpu.memref_squeeze %dma_wait3A_139 : memref<1x128x64xf32, #tpu.memory_space<vmem>> -> memref<128x64xf32, #tpu.memory_space<vmem>>
      tpu.wait_dma2 semaphore(%run_scoped3A_117 : memref<!tpu.dma_semaphore, #tpu.memory_space<semaphore_mem>>) src(%dma_wait3A_140 : memref<128x64xf32, #tpu.memory_space<vmem>>) dst(%dma_wait3A_136 : memref<128x64xf32, #tpu.memory_space<vmem_shared>>)
      tpu.yield
    }) : () -> ()
    %add3A_6 = arith.constant 128 : i32
    %add3A_7 = arith.addi %mul3A_2, %add3A_6 : i32
    %run_scoped3A_8 = arith.constant 0 : i32
    "tpu.region"() ({
      %run_scoped3A_117 = tpu.sem_alloc : memref<!tpu.dma_semaphore, #tpu.memory_space<semaphore_mem>>
      %dma_start3A_118 = arith.constant 0 : i32
      %dma_start3A_119 = arith.constant 0 : i32
      %dma_start3A_120 = tpu.memref_slice %arg9[%run_scoped3A_8, %dma_start3A_118, %dma_start3A_119] : memref<2x128x64xf32, #tpu.memory_space<vmem>> -> memref<1x128x64xf32, #tpu.memory_space<vmem>>
      %dma_start3A_121 = tpu.memref_squeeze %dma_start3A_120 : memref<1x128x64xf32, #tpu.memory_space<vmem>> -> memref<128x64xf32, #tpu.memory_space<vmem>>
      %dma_start3A_122 = arith.constant 0 : i32
      %dma_start3A_123 = tpu.memref_slice %arg6[%add3A_7, %dma_start3A_122] : memref<10240x64xf32, #tpu.memory_space<vmem_shared>> -> memref<128x64xf32, #tpu.memory_space<vmem_shared>>
      %dma_start3A_124 = arith.constant 0 : i32
      %dma_start3A_125 = tpu.memref_slice %arg6[%add3A_7, %dma_start3A_124] : memref<10240x64xf32, #tpu.memory_space<vmem_shared>> -> memref<128x64xf32, #tpu.memory_space<vmem_shared>>
      %dma_start3A_126 = arith.constant 0 : i32
      %dma_start3A_127 = arith.constant 0 : i32
      %dma_start3A_128 = tpu.memref_slice %arg9[%run_scoped3A_8, %dma_start3A_126, %dma_start3A_127] : memref<2x128x64xf32, #tpu.memory_space<vmem>> -> memref<1x128x64xf32, #tpu.memory_space<vmem>>
      %dma_start3A_129 = tpu.memref_squeeze %dma_start3A_128 : memref<1x128x64xf32, #tpu.memory_space<vmem>> -> memref<128x64xf32, #tpu.memory_space<vmem>>
      tpu.enqueue_dma source(%dma_start3A_129 : memref<128x64xf32, #tpu.memory_space<vmem>>) target(%dma_start3A_125 : memref<128x64xf32, #tpu.memory_space<vmem_shared>>) target_semaphore(%run_scoped3A_117 : memref<!tpu.dma_semaphore, #tpu.memory_space<semaphore_mem>>)
      %dma_wait3A = arith.constant 0 : i32
      %dma_wait3A_130 = arith.constant 0 : i32
      %dma_wait3A_131 = tpu.memref_slice %arg9[%run_scoped3A_8, %dma_wait3A, %dma_wait3A_130] : memref<2x128x64xf32, #tpu.memory_space<vmem>> -> memref<1x128x64xf32, #tpu.memory_space<vmem>>
      %dma_wait3A_132 = tpu.memref_squeeze %dma_wait3A_131 : memref<1x128x64xf32, #tpu.memory_space<vmem>> -> memref<128x64xf32, #tpu.memory_space<vmem>>
      %dma_wait3A_133 = arith.constant 0 : i32
      %dma_wait3A_134 = tpu.memref_slice %arg6[%add3A_7, %dma_wait3A_133] : memref<10240x64xf32, #tpu.memory_space<vmem_shared>> -> memref<128x64xf32, #tpu.memory_space<vmem_shared>>
      %dma_wait3A_135 = arith.constant 0 : i32
      %dma_wait3A_136 = tpu.memref_slice %arg6[%add3A_7, %dma_wait3A_135] : memref<10240x64xf32, #tpu.memory_space<vmem_shared>> -> memref<128x64xf32, #tpu.memory_space<vmem_shared>>
      %dma_wait3A_137 = arith.constant 0 : i32
      %dma_wait3A_138 = arith.constant 0 : i32
      %dma_wait3A_139 = tpu.memref_slice %arg9[%run_scoped3A_8, %dma_wait3A_137, %dma_wait3A_138] : memref<2x128x64xf32, #tpu.memory_space<vmem>> -> memref<1x128x64xf32, #tpu.memory_space<vmem>>
      %dma_wait3A_140 = tpu.memref_squeeze %dma_wait3A_139 : memref<1x128x64xf32, #tpu.memory_space<vmem>> -> memref<128x64xf32, #tpu.memory_space<vmem>>
      tpu.wait_dma2 semaphore(%run_scoped3A_117 : memref<!tpu.dma_semaphore, #tpu.memory_space<semaphore_mem>>) src(%dma_wait3A_140 : memref<128x64xf32, #tpu.memory_space<vmem>>) dst(%dma_wait3A_136 : memref<128x64xf32, #tpu.memory_space<vmem_shared>>)
      tpu.yield
    }) : () -> ()
    %add3A_9 = arith.constant 256 : i32
    %add3A_10 = arith.addi %mul3A_2, %add3A_9 : i32
    %run_scoped3A_11 = arith.constant 0 : i32
    "tpu.region"() ({
      %run_scoped3A_117 = tpu.sem_alloc : memref<!tpu.dma_semaphore, #tpu.memory_space<semaphore_mem>>
      %dma_start3A_118 = arith.constant 0 : i32
      %dma_start3A_119 = arith.constant 0 : i32
      %dma_start3A_120 = tpu.memref_slice %arg9[%run_scoped3A_11, %dma_start3A_118, %dma_start3A_119] : memref<2x128x64xf32, #tpu.memory_space<vmem>> -> memref<1x128x64xf32, #tpu.memory_space<vmem>>
      %dma_start3A_121 = tpu.memref_squeeze %dma_start3A_120 : memref<1x128x64xf32, #tpu.memory_space<vmem>> -> memref<128x64xf32, #tpu.memory_space<vmem>>
      %dma_start3A_122 = arith.constant 0 : i32
      %dma_start3A_123 = tpu.memref_slice %arg6[%add3A_10, %dma_start3A_122] : memref<10240x64xf32, #tpu.memory_space<vmem_shared>> -> memref<128x64xf32, #tpu.memory_space<vmem_shared>>
      %dma_start3A_124 = arith.constant 0 : i32
      %dma_start3A_125 = tpu.memref_slice %arg6[%add3A_10, %dma_start3A_124] : memref<10240x64xf32, #tpu.memory_space<vmem_shared>> -> memref<128x64xf32, #tpu.memory_space<vmem_shared>>
      %dma_start3A_126 = arith.constant 0 : i32
      %dma_start3A_127 = arith.constant 0 : i32
      %dma_start3A_128 = tpu.memref_slice %arg9[%run_scoped3A_11, %dma_start3A_126, %dma_start3A_127] : memref<2x128x64xf32, #tpu.memory_space<vmem>> -> memref<1x128x64xf32, #tpu.memory_space<vmem>>
      %dma_start3A_129 = tpu.memref_squeeze %dma_start3A_128 : memref<1x128x64xf32, #tpu.memory_space<vmem>> -> memref<128x64xf32, #tpu.memory_space<vmem>>
      tpu.enqueue_dma source(%dma_start3A_129 : memref<128x64xf32, #tpu.memory_space<vmem>>) target(%dma_start3A_125 : memref<128x64xf32, #tpu.memory_space<vmem_shared>>) target_semaphore(%run_scoped3A_117 : memref<!tpu.dma_semaphore, #tpu.memory_space<semaphore_mem>>)
      %dma_wait3A = arith.constant 0 : i32
      %dma_wait3A_130 = arith.constant 0 : i32
      %dma_wait3A_131 = tpu.memref_slice %arg9[%run_scoped3A_11, %dma_wait3A, %dma_wait3A_130] : memref<2x128x64xf32, #tpu.memory_space<vmem>> -> memref<1x128x64xf32, #tpu.memory_space<vmem>>
      %dma_wait3A_132 = tpu.memref_squeeze %dma_wait3A_131 : memref<1x128x64xf32, #tpu.memory_space<vmem>> -> memref<128x64xf32, #tpu.memory_space<vmem>>
      %dma_wait3A_133 = arith.constant 0 : i32
      %dma_wait3A_134 = tpu.memref_slice %arg6[%add3A_10, %dma_wait3A_133] : memref<10240x64xf32, #tpu.memory_space<vmem_shared>> -> memref<128x64xf32, #tpu.memory_space<vmem_shared>>
      %dma_wait3A_135 = arith.constant 0 : i32
      %dma_wait3A_136 = tpu.memref_slice %arg6[%add3A_10, %dma_wait3A_135] : memref<10240x64xf32, #tpu.memory_space<vmem_shared>> -> memref<128x64xf32, #tpu.memory_space<vmem_shared>>
      %dma_wait3A_137 = arith.constant 0 : i32
      %dma_wait3A_138 = arith.constant 0 : i32
      %dma_wait3A_139 = tpu.memref_slice %arg9[%run_scoped3A_11, %dma_wait3A_137, %dma_wait3A_138] : memref<2x128x64xf32, #tpu.memory_space<vmem>> -> memref<1x128x64xf32, #tpu.memory_space<vmem>>
      %dma_wait3A_140 = tpu.memref_squeeze %dma_wait3A_139 : memref<1x128x64xf32, #tpu.memory_space<vmem>> -> memref<128x64xf32, #tpu.memory_space<vmem>>
      tpu.wait_dma2 semaphore(%run_scoped3A_117 : memref<!tpu.dma_semaphore, #tpu.memory_space<semaphore_mem>>) src(%dma_wait3A_140 : memref<128x64xf32, #tpu.memory_space<vmem>>) dst(%dma_wait3A_136 : memref<128x64xf32, #tpu.memory_space<vmem_shared>>)
      tpu.yield
    }) : () -> ()
    %add3A_12 = arith.constant 384 : i32
    %add3A_13 = arith.addi %mul3A_2, %add3A_12 : i32
    %run_scoped3A_14 = arith.constant 0 : i32
    "tpu.region"() ({
      %run_scoped3A_117 = tpu.sem_alloc : memref<!tpu.dma_semaphore, #tpu.memory_space<semaphore_mem>>
      %dma_start3A_118 = arith.constant 0 : i32
      %dma_start3A_119 = arith.constant 0 : i32
      %dma_start3A_120 = tpu.memref_slice %arg9[%run_scoped3A_14, %dma_start3A_118, %dma_start3A_119] : memref<2x128x64xf32, #tpu.memory_space<vmem>> -> memref<1x128x64xf32, #tpu.memory_space<vmem>>
      %dma_start3A_121 = tpu.memref_squeeze %dma_start3A_120 : memref<1x128x64xf32, #tpu.memory_space<vmem>> -> memref<128x64xf32, #tpu.memory_space<vmem>>
      %dma_start3A_122 = arith.constant 0 : i32
      %dma_start3A_123 = tpu.memref_slice %arg6[%add3A_13, %dma_start3A_122] : memref<10240x64xf32, #tpu.memory_space<vmem_shared>> -> memref<128x64xf32, #tpu.memory_space<vmem_shared>>
      %dma_start3A_124 = arith.constant 0 : i32
      %dma_start3A_125 = tpu.memref_slice %arg6[%add3A_13, %dma_start3A_124] : memref<10240x64xf32, #tpu.memory_space<vmem_shared>> -> memref<128x64xf32, #tpu.memory_space<vmem_shared>>
      %dma_start3A_126 = arith.constant 0 : i32
      %dma_start3A_127 = arith.constant 0 : i32
      %dma_start3A_128 = tpu.memref_slice %arg9[%run_scoped3A_14, %dma_start3A_126, %dma_start3A_127] : memref<2x128x64xf32, #tpu.memory_space<vmem>> -> memref<1x128x64xf32, #tpu.memory_space<vmem>>
      %dma_start3A_129 = tpu.memref_squeeze %dma_start3A_128 : memref<1x128x64xf32, #tpu.memory_space<vmem>> -> memref<128x64xf32, #tpu.memory_space<vmem>>
      tpu.enqueue_dma source(%dma_start3A_129 : memref<128x64xf32, #tpu.memory_space<vmem>>) target(%dma_start3A_125 : memref<128x64xf32, #tpu.memory_space<vmem_shared>>) target_semaphore(%run_scoped3A_117 : memref<!tpu.dma_semaphore, #tpu.memory_space<semaphore_mem>>)
      %dma_wait3A = arith.constant 0 : i32
      %dma_wait3A_130 = arith.constant 0 : i32
      %dma_wait3A_131 = tpu.memref_slice %arg9[%run_scoped3A_14, %dma_wait3A, %dma_wait3A_130] : memref<2x128x64xf32, #tpu.memory_space<vmem>> -> memref<1x128x64xf32, #tpu.memory_space<vmem>>
      %dma_wait3A_132 = tpu.memref_squeeze %dma_wait3A_131 : memref<1x128x64xf32, #tpu.memory_space<vmem>> -> memref<128x64xf32, #tpu.memory_space<vmem>>
      %dma_wait3A_133 = arith.constant 0 : i32
      %dma_wait3A_134 = tpu.memref_slice %arg6[%add3A_13, %dma_wait3A_133] : memref<10240x64xf32, #tpu.memory_space<vmem_shared>> -> memref<128x64xf32, #tpu.memory_space<vmem_shared>>
      %dma_wait3A_135 = arith.constant 0 : i32
      %dma_wait3A_136 = tpu.memref_slice %arg6[%add3A_13, %dma_wait3A_135] : memref<10240x64xf32, #tpu.memory_space<vmem_shared>> -> memref<128x64xf32, #tpu.memory_space<vmem_shared>>
      %dma_wait3A_137 = arith.constant 0 : i32
      %dma_wait3A_138 = arith.constant 0 : i32
      %dma_wait3A_139 = tpu.memref_slice %arg9[%run_scoped3A_14, %dma_wait3A_137, %dma_wait3A_138] : memref<2x128x64xf32, #tpu.memory_space<vmem>> -> memref<1x128x64xf32, #tpu.memory_space<vmem>>
      %dma_wait3A_140 = tpu.memref_squeeze %dma_wait3A_139 : memref<1x128x64xf32, #tpu.memory_space<vmem>> -> memref<128x64xf32, #tpu.memory_space<vmem>>
      tpu.wait_dma2 semaphore(%run_scoped3A_117 : memref<!tpu.dma_semaphore, #tpu.memory_space<semaphore_mem>>) src(%dma_wait3A_140 : memref<128x64xf32, #tpu.memory_space<vmem>>) dst(%dma_wait3A_136 : memref<128x64xf32, #tpu.memory_space<vmem_shared>>)
      tpu.yield
    }) : () -> ()
    %add3A_15 = arith.constant 512 : i32
    %add3A_16 = arith.addi %mul3A_2, %add3A_15 : i32
    %run_scoped3A_17 = arith.constant 0 : i32
    "tpu.region"() ({
      %run_scoped3A_117 = tpu.sem_alloc : memref<!tpu.dma_semaphore, #tpu.memory_space<semaphore_mem>>
      %dma_start3A_118 = arith.constant 0 : i32
      %dma_start3A_119 = arith.constant 0 : i32
      %dma_start3A_120 = tpu.memref_slice %arg9[%run_scoped3A_17, %dma_start3A_118, %dma_start3A_119] : memref<2x128x64xf32, #tpu.memory_space<vmem>> -> memref<1x128x64xf32, #tpu.memory_space<vmem>>
      %dma_start3A_121 = tpu.memref_squeeze %dma_start3A_120 : memref<1x128x64xf32, #tpu.memory_space<vmem>> -> memref<128x64xf32, #tpu.memory_space<vmem>>
      %dma_start3A_122 = arith.constant 0 : i32
      %dma_start3A_123 = tpu.memref_slice %arg6[%add3A_16, %dma_start3A_122] : memref<10240x64xf32, #tpu.memory_space<vmem_shared>> -> memref<128x64xf32, #tpu.memory_space<vmem_shared>>
      %dma_start3A_124 = arith.constant 0 : i32
      %dma_start3A_125 = tpu.memref_slice %arg6[%add3A_16, %dma_start3A_124] : memref<10240x64xf32, #tpu.memory_space<vmem_shared>> -> memref<128x64xf32, #tpu.memory_space<vmem_shared>>
      %dma_start3A_126 = arith.constant 0 : i32
      %dma_start3A_127 = arith.constant 0 : i32
      %dma_start3A_128 = tpu.memref_slice %arg9[%run_scoped3A_17, %dma_start3A_126, %dma_start3A_127] : memref<2x128x64xf32, #tpu.memory_space<vmem>> -> memref<1x128x64xf32, #tpu.memory_space<vmem>>
      %dma_start3A_129 = tpu.memref_squeeze %dma_start3A_128 : memref<1x128x64xf32, #tpu.memory_space<vmem>> -> memref<128x64xf32, #tpu.memory_space<vmem>>
      tpu.enqueue_dma source(%dma_start3A_129 : memref<128x64xf32, #tpu.memory_space<vmem>>) target(%dma_start3A_125 : memref<128x64xf32, #tpu.memory_space<vmem_shared>>) target_semaphore(%run_scoped3A_117 : memref<!tpu.dma_semaphore, #tpu.memory_space<semaphore_mem>>)
      %dma_wait3A = arith.constant 0 : i32
      %dma_wait3A_130 = arith.constant 0 : i32
      %dma_wait3A_131 = tpu.memref_slice %arg9[%run_scoped3A_17, %dma_wait3A, %dma_wait3A_130] : memref<2x128x64xf32, #tpu.memory_space<vmem>> -> memref<1x128x64xf32, #tpu.memory_space<vmem>>
      %dma_wait3A_132 = tpu.memref_squeeze %dma_wait3A_131 : memref<1x128x64xf32, #tpu.memory_space<vmem>> -> memref<128x64xf32, #tpu.memory_space<vmem>>
      %dma_wait3A_133 = arith.constant 0 : i32
      %dma_wait3A_134 = tpu.memref_slice %arg6[%add3A_16, %dma_wait3A_133] : memref<10240x64xf32, #tpu.memory_space<vmem_shared>> -> memref<128x64xf32, #tpu.memory_space<vmem_shared>>
      %dma_wait3A_135 = arith.constant 0 : i32
      %dma_wait3A_136 = tpu.memref_slice %arg6[%add3A_16, %dma_wait3A_135] : memref<10240x64xf32, #tpu.memory_space<vmem_shared>> -> memref<128x64xf32, #tpu.memory_space<vmem_shared>>
      %dma_wait3A_137 = arith.constant 0 : i32
      %dma_wait3A_138 = arith.constant 0 : i32
      %dma_wait3A_139 = tpu.memref_slice %arg9[%run_scoped3A_17, %dma_wait3A_137, %dma_wait3A_138] : memref<2x128x64xf32, #tpu.memory_space<vmem>> -> memref<1x128x64xf32, #tpu.memory_space<vmem>>
      %dma_wait3A_140 = tpu.memref_squeeze %dma_wait3A_139 : memref<1x128x64xf32, #tpu.memory_space<vmem>> -> memref<128x64xf32, #tpu.memory_space<vmem>>
      tpu.wait_dma2 semaphore(%run_scoped3A_117 : memref<!tpu.dma_semaphore, #tpu.memory_space<semaphore_mem>>) src(%dma_wait3A_140 : memref<128x64xf32, #tpu.memory_space<vmem>>) dst(%dma_wait3A_136 : memref<128x64xf32, #tpu.memory_space<vmem_shared>>)
      tpu.yield
    }) : () -> ()
    "tpu.region"() ({
      %run_scoped3A_117 = tpu.sem_alloc : memref<!tpu.dma_semaphore, #tpu.memory_space<semaphore_mem>>
      %dma_start3A_118 = arith.constant 0 : i32
      %dma_start3A_119 = tpu.memref_slice %arg7[%mul3A_2, %dma_start3A_118] : memref<10240x64xf32, #tpu.memory_space<vmem_shared>> -> memref<640x64xf32, #tpu.memory_space<vmem_shared>>
      %dma_start3A_120 = arith.constant 0 : i32
      %dma_start3A_121 = tpu.memref_slice %arg2[%mul3A_2, %dma_start3A_120] : memref<10240x64xf32, #tpu.memory_space<hbm>> -> memref<640x64xf32, #tpu.memory_space<hbm>>
      tpu.enqueue_dma source(%dma_start3A_121 : memref<640x64xf32, #tpu.memory_space<hbm>>) target(%dma_start3A_119 : memref<640x64xf32, #tpu.memory_space<vmem_shared>>) target_semaphore(%run_scoped3A_117 : memref<!tpu.dma_semaphore, #tpu.memory_space<semaphore_mem>>)
      %dma_wait3A = arith.constant 0 : i32
      %dma_wait3A_122 = tpu.memref_slice %arg7[%mul3A_2, %dma_wait3A] : memref<10240x64xf32, #tpu.memory_space<vmem_shared>> -> memref<640x64xf32, #tpu.memory_space<vmem_shared>>
      %dma_wait3A_123 = arith.constant 0 : i32
      %dma_wait3A_124 = tpu.memref_slice %arg2[%mul3A_2, %dma_wait3A_123] : memref<10240x64xf32, #tpu.memory_space<hbm>> -> memref<640x64xf32, #tpu.memory_space<hbm>>
      tpu.wait_dma2 semaphore(%run_scoped3A_117 : memref<!tpu.dma_semaphore, #tpu.memory_space<semaphore_mem>>) src(%dma_wait3A_124 : memref<640x64xf32, #tpu.memory_space<hbm>>) dst(%dma_wait3A_122 : memref<640x64xf32, #tpu.memory_space<vmem_shared>>)
      tpu.yield
    }) : () -> ()
    %barrier3A = arith.constant 0 : index
    tpu.barrier barrier_id(%barrier3A)
    %run_scoped3A_18 = arith.constant 0 : i32
    %run_scoped3A_19 = arith.constant 0 : i32
    "tpu.region"() ({
      %run_scoped3A_117 = tpu.sem_alloc : memref<!tpu.dma_semaphore, #tpu.memory_space<semaphore_mem>>
      %dma_start3A_118 = arith.constant 0 : i32
      %dma_start3A_119 = arith.constant 0 : i32
      %dma_start3A_120 = arith.constant 0 : i32
      %dma_start3A_121 = tpu.memref_slice %arg8[%run_scoped3A_19, %dma_start3A_118, %dma_start3A_119, %dma_start3A_120] : memref<4x4x2x128xi32, #tpu.memory_space<vmem>> -> memref<1x4x2x128xi32, #tpu.memory_space<vmem>>
      %dma_start3A_122 = tpu.memref_squeeze %dma_start3A_121 : memref<1x4x2x128xi32, #tpu.memory_space<vmem>> -> memref<4x2x128xi32, #tpu.memory_space<vmem>>
      %dma_start3A_123 = arith.constant 0 : i32
      %dma_start3A_124 = arith.constant 0 : i32
      %dma_start3A_125 = arith.constant 0 : i32
      %dma_start3A_126 = tpu.memref_slice %arg3[%add3A, %run_scoped3A_18, %dma_start3A_123, %dma_start3A_124, %dma_start3A_125] : memref<32x20x4x2x128xi32, #tpu.memory_space<hbm>> -> memref<1x1x4x2x128xi32, #tpu.memory_space<hbm>>
      %dma_start3A_127 = tpu.memref_squeeze %dma_start3A_126 : memref<1x1x4x2x128xi32, #tpu.memory_space<hbm>> -> memref<4x2x128xi32, #tpu.memory_space<hbm>>
      %dma_start3A_128 = arith.constant 0 : i32
      %dma_start3A_129 = arith.constant 0 : i32
      %dma_start3A_130 = arith.constant 0 : i32
      %dma_start3A_131 = tpu.memref_slice %arg8[%run_scoped3A_19, %dma_start3A_128, %dma_start3A_129, %dma_start3A_130] : memref<4x4x2x128xi32, #tpu.memory_space<vmem>> -> memref<1x4x2x128xi32, #tpu.memory_space<vmem>>
      %dma_start3A_132 = tpu.memref_squeeze %dma_start3A_131 : memref<1x4x2x128xi32, #tpu.memory_space<vmem>> -> memref<4x2x128xi32, #tpu.memory_space<vmem>>
      %dma_start3A_133 = arith.constant 0 : i32
      %dma_start3A_134 = arith.constant 0 : i32
      %dma_start3A_135 = arith.constant 0 : i32
      %dma_start3A_136 = tpu.memref_slice %arg3[%add3A, %run_scoped3A_18, %dma_start3A_133, %dma_start3A_134, %dma_start3A_135] : memref<32x20x4x2x128xi32, #tpu.memory_space<hbm>> -> memref<1x1x4x2x128xi32, #tpu.memory_space<hbm>>
      %dma_start3A_137 = tpu.memref_squeeze %dma_start3A_136 : memref<1x1x4x2x128xi32, #tpu.memory_space<hbm>> -> memref<4x2x128xi32, #tpu.memory_space<hbm>>
      tpu.enqueue_dma source(%dma_start3A_137 : memref<4x2x128xi32, #tpu.memory_space<hbm>>) target(%dma_start3A_132 : memref<4x2x128xi32, #tpu.memory_space<vmem>>) target_semaphore(%run_scoped3A_117 : memref<!tpu.dma_semaphore, #tpu.memory_space<semaphore_mem>>)
      %dma_wait3A = arith.constant 0 : i32
      %dma_wait3A_138 = arith.constant 0 : i32
      %dma_wait3A_139 = arith.constant 0 : i32
      %dma_wait3A_140 = tpu.memref_slice %arg8[%run_scoped3A_19, %dma_wait3A, %dma_wait3A_138, %dma_wait3A_139] : memref<4x4x2x128xi32, #tpu.memory_space<vmem>> -> memref<1x4x2x128xi32, #tpu.memory_space<vmem>>
      %dma_wait3A_141 = tpu.memref_squeeze %dma_wait3A_140 : memref<1x4x2x128xi32, #tpu.memory_space<vmem>> -> memref<4x2x128xi32, #tpu.memory_space<vmem>>
      %dma_wait3A_142 = arith.constant 0 : i32
      %dma_wait3A_143 = arith.constant 0 : i32
      %dma_wait3A_144 = arith.constant 0 : i32
      %dma_wait3A_145 = tpu.memref_slice %arg3[%add3A, %run_scoped3A_18, %dma_wait3A_142, %dma_wait3A_143, %dma_wait3A_144] : memref<32x20x4x2x128xi32, #tpu.memory_space<hbm>> -> memref<1x1x4x2x128xi32, #tpu.memory_space<hbm>>
      %dma_wait3A_146 = tpu.memref_squeeze %dma_wait3A_145 : memref<1x1x4x2x128xi32, #tpu.memory_space<hbm>> -> memref<4x2x128xi32, #tpu.memory_space<hbm>>
      %dma_wait3A_147 = arith.constant 0 : i32
      %dma_wait3A_148 = arith.constant 0 : i32
      %dma_wait3A_149 = arith.constant 0 : i32
      %dma_wait3A_150 = tpu.memref_slice %arg8[%run_scoped3A_19, %dma_wait3A_147, %dma_wait3A_148, %dma_wait3A_149] : memref<4x4x2x128xi32, #tpu.memory_space<vmem>> -> memref<1x4x2x128xi32, #tpu.memory_space<vmem>>
      %dma_wait3A_151 = tpu.memref_squeeze %dma_wait3A_150 : memref<1x4x2x128xi32, #tpu.memory_space<vmem>> -> memref<4x2x128xi32, #tpu.memory_space<vmem>>
      %dma_wait3A_152 = arith.constant 0 : i32
      %dma_wait3A_153 = arith.constant 0 : i32
      %dma_wait3A_154 = arith.constant 0 : i32
      %dma_wait3A_155 = tpu.memref_slice %arg3[%add3A, %run_scoped3A_18, %dma_wait3A_152, %dma_wait3A_153, %dma_wait3A_154] : memref<32x20x4x2x128xi32, #tpu.memory_space<hbm>> -> memref<1x1x4x2x128xi32, #tpu.memory_space<hbm>>
      %dma_wait3A_156 = tpu.memref_squeeze %dma_wait3A_155 : memref<1x1x4x2x128xi32, #tpu.memory_space<hbm>> -> memref<4x2x128xi32, #tpu.memory_space<hbm>>
      tpu.wait_dma2 semaphore(%run_scoped3A_117 : memref<!tpu.dma_semaphore, #tpu.memory_space<semaphore_mem>>) src(%dma_wait3A_156 : memref<4x2x128xi32, #tpu.memory_space<hbm>>) dst(%dma_wait3A_151 : memref<4x2x128xi32, #tpu.memory_space<vmem>>)
      tpu.yield
    }) : () -> ()
    %dma_start3A = arith.constant 1 : i32
    %dma_start3A_20 = arith.constant 1 : i32
    %dma_start3A_21 = arith.constant 0 : i32
    %dma_start3A_22 = arith.constant 0 : i32
    %dma_start3A_23 = arith.constant 0 : i32
    %dma_start3A_24 = tpu.memref_slice %arg8[%dma_start3A_20, %dma_start3A_21, %dma_start3A_22, %dma_start3A_23] : memref<4x4x2x128xi32, #tpu.memory_space<vmem>> -> memref<1x4x2x128xi32, #tpu.memory_space<vmem>>
    %dma_start3A_25 = tpu.memref_squeeze %dma_start3A_24 : memref<1x4x2x128xi32, #tpu.memory_space<vmem>> -> memref<4x2x128xi32, #tpu.memory_space<vmem>>
    %dma_start3A_26 = arith.constant 0 : i32
    %dma_start3A_27 = arith.constant 0 : i32
    %dma_start3A_28 = arith.constant 0 : i32
    %dma_start3A_29 = tpu.memref_slice %arg3[%add3A, %dma_start3A, %dma_start3A_26, %dma_start3A_27, %dma_start3A_28] : memref<32x20x4x2x128xi32, #tpu.memory_space<hbm>> -> memref<1x1x4x2x128xi32, #tpu.memory_space<hbm>>
    %dma_start3A_30 = tpu.memref_squeeze %dma_start3A_29 : memref<1x1x4x2x128xi32, #tpu.memory_space<hbm>> -> memref<4x2x128xi32, #tpu.memory_space<hbm>>
    %dma_start3A_31 = arith.constant 0 : i32
    %dma_start3A_32 = arith.constant 0 : i32
    %dma_start3A_33 = arith.constant 0 : i32
    %dma_start3A_34 = tpu.memref_slice %arg8[%dma_start3A_20, %dma_start3A_31, %dma_start3A_32, %dma_start3A_33] : memref<4x4x2x128xi32, #tpu.memory_space<vmem>> -> memref<1x4x2x128xi32, #tpu.memory_space<vmem>>
    %dma_start3A_35 = tpu.memref_squeeze %dma_start3A_34 : memref<1x4x2x128xi32, #tpu.memory_space<vmem>> -> memref<4x2x128xi32, #tpu.memory_space<vmem>>
    %dma_start3A_36 = arith.constant 0 : i32
    %dma_start3A_37 = arith.constant 0 : i32
    %dma_start3A_38 = arith.constant 0 : i32
    %dma_start3A_39 = tpu.memref_slice %arg3[%add3A, %dma_start3A, %dma_start3A_36, %dma_start3A_37, %dma_start3A_38] : memref<32x20x4x2x128xi32, #tpu.memory_space<hbm>> -> memref<1x1x4x2x128xi32, #tpu.memory_space<hbm>>
    %dma_start3A_40 = tpu.memref_squeeze %dma_start3A_39 : memref<1x1x4x2x128xi32, #tpu.memory_space<hbm>> -> memref<4x2x128xi32, #tpu.memory_space<hbm>>
    tpu.enqueue_dma source(%dma_start3A_40 : memref<4x2x128xi32, #tpu.memory_space<hbm>>) target(%dma_start3A_35 : memref<4x2x128xi32, #tpu.memory_space<vmem>>) target_semaphore(%arg15 : memref<!tpu.dma_semaphore, #tpu.memory_space<semaphore_mem>>)
    %dma_start3A_41 = arith.constant 2 : i32
    %dma_start3A_42 = arith.constant 2 : i32
    %dma_start3A_43 = arith.constant 0 : i32
    %dma_start3A_44 = arith.constant 0 : i32
    %dma_start3A_45 = arith.constant 0 : i32
    %dma_start3A_46 = tpu.memref_slice %arg8[%dma_start3A_42, %dma_start3A_43, %dma_start3A_44, %dma_start3A_45] : memref<4x4x2x128xi32, #tpu.memory_space<vmem>> -> memref<1x4x2x128xi32, #tpu.memory_space<vmem>>
    %dma_start3A_47 = tpu.memref_squeeze %dma_start3A_46 : memref<1x4x2x128xi32, #tpu.memory_space<vmem>> -> memref<4x2x128xi32, #tpu.memory_space<vmem>>
    %dma_start3A_48 = arith.constant 0 : i32
    %dma_start3A_49 = arith.constant 0 : i32
    %dma_start3A_50 = arith.constant 0 : i32
    %dma_start3A_51 = tpu.memref_slice %arg3[%add3A, %dma_start3A_41, %dma_start3A_48, %dma_start3A_49, %dma_start3A_50] : memref<32x20x4x2x128xi32, #tpu.memory_space<hbm>> -> memref<1x1x4x2x128xi32, #tpu.memory_space<hbm>>
    %dma_start3A_52 = tpu.memref_squeeze %dma_start3A_51 : memref<1x1x4x2x128xi32, #tpu.memory_space<hbm>> -> memref<4x2x128xi32, #tpu.memory_space<hbm>>
    %dma_start3A_53 = arith.constant 0 : i32
    %dma_start3A_54 = arith.constant 0 : i32
    %dma_start3A_55 = arith.constant 0 : i32
    %dma_start3A_56 = tpu.memref_slice %arg8[%dma_start3A_42, %dma_start3A_53, %dma_start3A_54, %dma_start3A_55] : memref<4x4x2x128xi32, #tpu.memory_space<vmem>> -> memref<1x4x2x128xi32, #tpu.memory_space<vmem>>
    %dma_start3A_57 = tpu.memref_squeeze %dma_start3A_56 : memref<1x4x2x128xi32, #tpu.memory_space<vmem>> -> memref<4x2x128xi32, #tpu.memory_space<vmem>>
    %dma_start3A_58 = arith.constant 0 : i32
    %dma_start3A_59 = arith.constant 0 : i32
    %dma_start3A_60 = arith.constant 0 : i32
    %dma_start3A_61 = tpu.memref_slice %arg3[%add3A, %dma_start3A_41, %dma_start3A_58, %dma_start3A_59, %dma_start3A_60] : memref<32x20x4x2x128xi32, #tpu.memory_space<hbm>> -> memref<1x1x4x2x128xi32, #tpu.memory_space<hbm>>
    %dma_start3A_62 = tpu.memref_squeeze %dma_start3A_61 : memref<1x1x4x2x128xi32, #tpu.memory_space<hbm>> -> memref<4x2x128xi32, #tpu.memory_space<hbm>>
    tpu.enqueue_dma source(%dma_start3A_62 : memref<4x2x128xi32, #tpu.memory_space<hbm>>) target(%dma_start3A_57 : memref<4x2x128xi32, #tpu.memory_space<vmem>>) target_semaphore(%arg16 : memref<!tpu.dma_semaphore, #tpu.memory_space<semaphore_mem>>)
    %dma_start3A_63 = arith.constant 0 : i32
    %dma_start3A_64 = arith.constant 0 : i32
    %dma_start3A_65 = arith.constant 0 : i32
    %dma_start3A_66 = arith.constant 0 : i32
    %dma_start3A_67 = arith.constant 0 : i32
    %dma_start3A_68 = arith.constant 0 : i32
    %dma_start3A_69 = tpu.memref_slice %arg9[%dma_start3A_66, %dma_start3A_67, %dma_start3A_68] : memref<2x128x64xf32, #tpu.memory_space<vmem>> -> memref<1x128x64xf32, #tpu.memory_space<vmem>>
    %dma_start3A_70 = tpu.memref_squeeze %dma_start3A_69 : memref<1x128x64xf32, #tpu.memory_space<vmem>> -> memref<128x64xf32, #tpu.memory_space<vmem>>
    %dma_start3A_71 = arith.constant 0 : i32
    %dma_start3A_72 = tpu.memref_slice %arg8[%dma_start3A_63, %dma_start3A_64, %dma_start3A_65, %dma_start3A_71] : memref<4x4x2x128xi32, #tpu.memory_space<vmem>> -> memref<1x1x1x128xi32, #tpu.memory_space<vmem>>
    %dma_start3A_73 = tpu.memref_squeeze %dma_start3A_72 : memref<1x1x1x128xi32, #tpu.memory_space<vmem>> -> memref<128xi32, #tpu.memory_space<vmem>>
    %dma_start3A_74 = arith.constant 0 : i32
    %dma_start3A_75 = arith.constant 0 : i32
    %dma_start3A_76 = tpu.memref_slice %arg7[%dma_start3A_74, %dma_start3A_75] : memref<10240x64xf32, #tpu.memory_space<vmem_shared>> -> memref<10240x64xf32, #tpu.memory_space<vmem_shared>>
    tpu.enqueue_indirect_dma source(%dma_start3A_76 : memref<10240x64xf32, #tpu.memory_space<vmem_shared>>) target(%dma_start3A_70 : memref<128x64xf32, #tpu.memory_space<vmem>>) offsets(%dma_start3A_73 : memref<128xi32, #tpu.memory_space<vmem>>) semaphore(%arg10 : memref<!tpu.dma_semaphore, #tpu.memory_space<semaphore_mem>>)
    %dma_start3A_77 = arith.constant 0 : i32
    %dma_start3A_78 = arith.constant 1 : i32
    %dma_start3A_79 = arith.constant 0 : i32
    %dma_start3A_80 = arith.constant 1 : i32
    %dma_start3A_81 = arith.constant 0 : i32
    %dma_start3A_82 = arith.constant 0 : i32
    %dma_start3A_83 = tpu.memref_slice %arg9[%dma_start3A_80, %dma_start3A_81, %dma_start3A_82] : memref<2x128x64xf32, #tpu.memory_space<vmem>> -> memref<1x128x64xf32, #tpu.memory_space<vmem>>
    %dma_start3A_84 = tpu.memref_squeeze %dma_start3A_83 : memref<1x128x64xf32, #tpu.memory_space<vmem>> -> memref<128x64xf32, #tpu.memory_space<vmem>>
    %dma_start3A_85 = arith.constant 0 : i32
    %dma_start3A_86 = tpu.memref_slice %arg8[%dma_start3A_77, %dma_start3A_78, %dma_start3A_79, %dma_start3A_85] : memref<4x4x2x128xi32, #tpu.memory_space<vmem>> -> memref<1x1x1x128xi32, #tpu.memory_space<vmem>>
    %dma_start3A_87 = tpu.memref_squeeze %dma_start3A_86 : memref<1x1x1x128xi32, #tpu.memory_space<vmem>> -> memref<128xi32, #tpu.memory_space<vmem>>
    %dma_start3A_88 = arith.constant 0 : i32
    %dma_start3A_89 = arith.constant 0 : i32
    %dma_start3A_90 = tpu.memref_slice %arg7[%dma_start3A_88, %dma_start3A_89] : memref<10240x64xf32, #tpu.memory_space<vmem_shared>> -> memref<10240x64xf32, #tpu.memory_space<vmem_shared>>
    tpu.enqueue_indirect_dma source(%dma_start3A_90 : memref<10240x64xf32, #tpu.memory_space<vmem_shared>>) target(%dma_start3A_84 : memref<128x64xf32, #tpu.memory_space<vmem>>) offsets(%dma_start3A_87 : memref<128xi32, #tpu.memory_space<vmem>>) semaphore(%arg11 : memref<!tpu.dma_semaphore, #tpu.memory_space<semaphore_mem>>)
    %scan3A = arith.constant 0 : i32
    %scan3A_91 = arith.constant 0 : i32
    %scan3A_92 = arith.constant 40 : i32
    %scan3A_93 = arith.addi %scan3A_91, %scan3A_92 : i32
    %scan3A_94 = arith.constant 1 : i32
    scf.for %scan3A_117 = %scan3A_91 to %scan3A_93 step %scan3A_94  : i32 {
      %jit3A = arith.constant 2 : i32
      %div3A = arith.divsi %scan3A_117, %jit3A : i32
      %sign3A = arith.constant 0 : i32
      %sign3A_118 = arith.cmpi sgt, %scan3A_117, %sign3A : i32
      %sign3A_119 = arith.extui %sign3A_118 : i1 to i32
      %sign3A_120 = arith.constant 0 : i32
      %sign3A_121 = arith.cmpi slt, %scan3A_117, %sign3A_120 : i32
      %sign3A_122 = arith.extui %sign3A_121 : i1 to i32
      %sign3A_123 = arith.subi %sign3A_119, %sign3A_122 : i32
      %sign3A_124 = arith.constant 0 : i32
      %sign3A_125 = arith.cmpi sgt, %jit3A, %sign3A_124 : i32
      %sign3A_126 = arith.extui %sign3A_125 : i1 to i32
      %sign3A_127 = arith.constant 0 : i32
      %sign3A_128 = arith.cmpi slt, %jit3A, %sign3A_127 : i32
      %sign3A_129 = arith.extui %sign3A_128 : i1 to i32
      %sign3A_130 = arith.subi %sign3A_126, %sign3A_129 : i32
      %ne3A = arith.cmpi ne, %sign3A_123, %sign3A_130 : i32
      %rem3A = arith.remsi %scan3A_117, %jit3A : i32
      %ne3A_131 = arith.constant 0 : i32
      %ne3A_132 = arith.cmpi ne, %rem3A, %ne3A_131 : i32
      %and3A = arith.andi %ne3A, %ne3A_132 : i1
      %sub3A = arith.constant 1 : i32
      %sub3A_133 = arith.subi %div3A, %sub3A : i32
      %select_n3A = arith.select %and3A, %sub3A_133, %div3A : i32
      %rem3A_134 = arith.constant 2 : i32
      %rem3A_135 = arith.remsi %scan3A_117, %rem3A_134 : i32
      %eq3A = arith.constant 0 : i32
      %eq3A_136 = arith.cmpi eq, %rem3A_135, %eq3A : i32
      %add3A_137 = arith.constant 1 : i32
      %add3A_138 = arith.addi %select_n3A, %add3A_137 : i32
      %lt3A = arith.constant 20 : i32
      %lt3A_139 = arith.cmpi slt, %add3A_138, %lt3A : i32
      %and3A_140 = arith.andi %eq3A_136, %lt3A_139 : i1
      %add3A_141 = arith.constant 1 : i32
      %add3A_142 = arith.addi %select_n3A, %add3A_141 : i32
      %rem3A_143 = arith.constant 4 : i32
      %rem3A_144 = arith.remsi %add3A_142, %rem3A_143 : i32
      %eq3A_145 = arith.constant 0 : i32
      %eq3A_146 = arith.cmpi eq, %rem3A_144, %eq3A_145 : i32
      %and3A_147 = arith.andi %and3A_140, %eq3A_146 : i1
      %convert_element_type3A = arith.extui %and3A_147 : i1 to i32
      %cond3A = arith.constant 0 : i32
      %cond3A_148 = arith.cmpi ne, %convert_element_type3A, %cond3A : i32
      scf.if %cond3A_148 {
        %dma_wait3A_383 = arith.constant 0 : i32
        %dma_wait3A_384 = arith.constant 0 : i32
        %dma_wait3A_385 = arith.constant 0 : i32
        %dma_wait3A_386 = arith.constant 0 : i32
        %dma_wait3A_387 = arith.constant 0 : i32
        %dma_wait3A_388 = tpu.memref_slice %arg8[%dma_wait3A_384, %dma_wait3A_385, %dma_wait3A_386, %dma_wait3A_387] : memref<4x4x2x128xi32, #tpu.memory_space<vmem>> -> memref<1x4x2x128xi32, #tpu.memory_space<vmem>>
        %dma_wait3A_389 = tpu.memref_squeeze %dma_wait3A_388 : memref<1x4x2x128xi32, #tpu.memory_space<vmem>> -> memref<4x2x128xi32, #tpu.memory_space<vmem>>
        %dma_wait3A_390 = arith.constant 0 : i32
        %dma_wait3A_391 = arith.constant 0 : i32
        %dma_wait3A_392 = arith.constant 0 : i32
        %dma_wait3A_393 = tpu.memref_slice %arg3[%add3A, %dma_wait3A_383, %dma_wait3A_390, %dma_wait3A_391, %dma_wait3A_392] : memref<32x20x4x2x128xi32, #tpu.memory_space<hbm>> -> memref<1x1x4x2x128xi32, #tpu.memory_space<hbm>>
        %dma_wait3A_394 = tpu.memref_squeeze %dma_wait3A_393 : memref<1x1x4x2x128xi32, #tpu.memory_space<hbm>> -> memref<4x2x128xi32, #tpu.memory_space<hbm>>
        %dma_wait3A_395 = arith.constant 0 : i32
        %dma_wait3A_396 = arith.constant 0 : i32
        %dma_wait3A_397 = arith.constant 0 : i32
        %dma_wait3A_398 = tpu.memref_slice %arg8[%dma_wait3A_384, %dma_wait3A_395, %dma_wait3A_396, %dma_wait3A_397] : memref<4x4x2x128xi32, #tpu.memory_space<vmem>> -> memref<1x4x2x128xi32, #tpu.memory_space<vmem>>
        %dma_wait3A_399 = tpu.memref_squeeze %dma_wait3A_398 : memref<1x4x2x128xi32, #tpu.memory_space<vmem>> -> memref<4x2x128xi32, #tpu.memory_space<vmem>>
        %dma_wait3A_400 = arith.constant 0 : i32
        %dma_wait3A_401 = arith.constant 0 : i32
        %dma_wait3A_402 = arith.constant 0 : i32
        %dma_wait3A_403 = tpu.memref_slice %arg3[%add3A, %dma_wait3A_383, %dma_wait3A_400, %dma_wait3A_401, %dma_wait3A_402] : memref<32x20x4x2x128xi32, #tpu.memory_space<hbm>> -> memref<1x1x4x2x128xi32, #tpu.memory_space<hbm>>
        %dma_wait3A_404 = tpu.memref_squeeze %dma_wait3A_403 : memref<1x1x4x2x128xi32, #tpu.memory_space<hbm>> -> memref<4x2x128xi32, #tpu.memory_space<hbm>>
        tpu.wait_dma2 semaphore(%arg14 : memref<!tpu.dma_semaphore, #tpu.memory_space<semaphore_mem>>) src(%dma_wait3A_404 : memref<4x2x128xi32, #tpu.memory_space<hbm>>) dst(%dma_wait3A_399 : memref<4x2x128xi32, #tpu.memory_space<vmem>>)
      } else {
      }
      %add3A_149 = arith.constant 3 : i32
      %add3A_150 = arith.addi %select_n3A, %add3A_149 : i32
      %lt3A_151 = arith.constant 20 : i32
      %lt3A_152 = arith.cmpi slt, %add3A_150, %lt3A_151 : i32
      %and3A_153 = arith.andi %eq3A_136, %lt3A_152 : i1
      %add3A_154 = arith.constant 3 : i32
      %add3A_155 = arith.addi %select_n3A, %add3A_154 : i32
      %rem3A_156 = arith.constant 4 : i32
      %rem3A_157 = arith.remsi %add3A_155, %rem3A_156 : i32
      %eq3A_158 = arith.constant 0 : i32
      %eq3A_159 = arith.cmpi eq, %rem3A_157, %eq3A_158 : i32
      %and3A_160 = arith.andi %and3A_153, %eq3A_159 : i1
      %convert_element_type3A_161 = arith.extui %and3A_160 : i1 to i32
      %cond3A_162 = arith.constant 0 : i32
      %cond3A_163 = arith.cmpi ne, %convert_element_type3A_161, %cond3A_162 : i32
      scf.if %cond3A_163 {
        %add3A_383 = arith.constant 3 : i32
        %add3A_384 = arith.addi %select_n3A, %add3A_383 : i32
        %dma_start3A_385 = arith.constant 0 : i32
        %dma_start3A_386 = arith.constant 0 : i32
        %dma_start3A_387 = arith.constant 0 : i32
        %dma_start3A_388 = arith.constant 0 : i32
        %dma_start3A_389 = tpu.memref_slice %arg8[%dma_start3A_385, %dma_start3A_386, %dma_start3A_387, %dma_start3A_388] : memref<4x4x2x128xi32, #tpu.memory_space<vmem>> -> memref<1x4x2x128xi32, #tpu.memory_space<vmem>>
        %dma_start3A_390 = tpu.memref_squeeze %dma_start3A_389 : memref<1x4x2x128xi32, #tpu.memory_space<vmem>> -> memref<4x2x128xi32, #tpu.memory_space<vmem>>
        %dma_start3A_391 = arith.constant 0 : i32
        %dma_start3A_392 = arith.constant 0 : i32
        %dma_start3A_393 = arith.constant 0 : i32
        %dma_start3A_394 = tpu.memref_slice %arg3[%add3A, %add3A_384, %dma_start3A_391, %dma_start3A_392, %dma_start3A_393] : memref<32x20x4x2x128xi32, #tpu.memory_space<hbm>> -> memref<1x1x4x2x128xi32, #tpu.memory_space<hbm>>
        %dma_start3A_395 = tpu.memref_squeeze %dma_start3A_394 : memref<1x1x4x2x128xi32, #tpu.memory_space<hbm>> -> memref<4x2x128xi32, #tpu.memory_space<hbm>>
        %dma_start3A_396 = arith.constant 0 : i32
        %dma_start3A_397 = arith.constant 0 : i32
        %dma_start3A_398 = arith.constant 0 : i32
        %dma_start3A_399 = tpu.memref_slice %arg8[%dma_start3A_385, %dma_start3A_396, %dma_start3A_397, %dma_start3A_398] : memref<4x4x2x128xi32, #tpu.memory_space<vmem>> -> memref<1x4x2x128xi32, #tpu.memory_space<vmem>>
        %dma_start3A_400 = tpu.memref_squeeze %dma_start3A_399 : memref<1x4x2x128xi32, #tpu.memory_space<vmem>> -> memref<4x2x128xi32, #tpu.memory_space<vmem>>
        %dma_start3A_401 = arith.constant 0 : i32
        %dma_start3A_402 = arith.constant 0 : i32
        %dma_start3A_403 = arith.constant 0 : i32
        %dma_start3A_404 = tpu.memref_slice %arg3[%add3A, %add3A_384, %dma_start3A_401, %dma_start3A_402, %dma_start3A_403] : memref<32x20x4x2x128xi32, #tpu.memory_space<hbm>> -> memref<1x1x4x2x128xi32, #tpu.memory_space<hbm>>
        %dma_start3A_405 = tpu.memref_squeeze %dma_start3A_404 : memref<1x1x4x2x128xi32, #tpu.memory_space<hbm>> -> memref<4x2x128xi32, #tpu.memory_space<hbm>>
        tpu.enqueue_dma source(%dma_start3A_405 : memref<4x2x128xi32, #tpu.memory_space<hbm>>) target(%dma_start3A_400 : memref<4x2x128xi32, #tpu.memory_space<vmem>>) target_semaphore(%arg14 : memref<!tpu.dma_semaphore, #tpu.memory_space<semaphore_mem>>)
      } else {
      }
      %add3A_164 = arith.constant 1 : i32
      %add3A_165 = arith.addi %select_n3A, %add3A_164 : i32
      %lt3A_166 = arith.constant 20 : i32
      %lt3A_167 = arith.cmpi slt, %add3A_165, %lt3A_166 : i32
      %and3A_168 = arith.andi %eq3A_136, %lt3A_167 : i1
      %add3A_169 = arith.constant 1 : i32
      %add3A_170 = arith.addi %select_n3A, %add3A_169 : i32
      %rem3A_171 = arith.constant 4 : i32
      %rem3A_172 = arith.remsi %add3A_170, %rem3A_171 : i32
      %eq3A_173 = arith.constant 1 : i32
      %eq3A_174 = arith.cmpi eq, %rem3A_172, %eq3A_173 : i32
      %and3A_175 = arith.andi %and3A_168, %eq3A_174 : i1
      %convert_element_type3A_176 = arith.extui %and3A_175 : i1 to i32
      %cond3A_177 = arith.constant 0 : i32
      %cond3A_178 = arith.cmpi ne, %convert_element_type3A_176, %cond3A_177 : i32
      scf.if %cond3A_178 {
        %dma_wait3A_383 = arith.constant 0 : i32
        %dma_wait3A_384 = arith.constant 1 : i32
        %dma_wait3A_385 = arith.constant 0 : i32
        %dma_wait3A_386 = arith.constant 0 : i32
        %dma_wait3A_387 = arith.constant 0 : i32
        %dma_wait3A_388 = tpu.memref_slice %arg8[%dma_wait3A_384, %dma_wait3A_385, %dma_wait3A_386, %dma_wait3A_387] : memref<4x4x2x128xi32, #tpu.memory_space<vmem>> -> memref<1x4x2x128xi32, #tpu.memory_space<vmem>>
        %dma_wait3A_389 = tpu.memref_squeeze %dma_wait3A_388 : memref<1x4x2x128xi32, #tpu.memory_space<vmem>> -> memref<4x2x128xi32, #tpu.memory_space<vmem>>
        %dma_wait3A_390 = arith.constant 0 : i32
        %dma_wait3A_391 = arith.constant 0 : i32
        %dma_wait3A_392 = arith.constant 0 : i32
        %dma_wait3A_393 = tpu.memref_slice %arg3[%add3A, %dma_wait3A_383, %dma_wait3A_390, %dma_wait3A_391, %dma_wait3A_392] : memref<32x20x4x2x128xi32, #tpu.memory_space<hbm>> -> memref<1x1x4x2x128xi32, #tpu.memory_space<hbm>>
        %dma_wait3A_394 = tpu.memref_squeeze %dma_wait3A_393 : memref<1x1x4x2x128xi32, #tpu.memory_space<hbm>> -> memref<4x2x128xi32, #tpu.memory_space<hbm>>
        %dma_wait3A_395 = arith.constant 0 : i32
        %dma_wait3A_396 = arith.constant 0 : i32
        %dma_wait3A_397 = arith.constant 0 : i32
        %dma_wait3A_398 = tpu.memref_slice %arg8[%dma_wait3A_384, %dma_wait3A_395, %dma_wait3A_396, %dma_wait3A_397] : memref<4x4x2x128xi32, #tpu.memory_space<vmem>> -> memref<1x4x2x128xi32, #tpu.memory_space<vmem>>
        %dma_wait3A_399 = tpu.memref_squeeze %dma_wait3A_398 : memref<1x4x2x128xi32, #tpu.memory_space<vmem>> -> memref<4x2x128xi32, #tpu.memory_space<vmem>>
        %dma_wait3A_400 = arith.constant 0 : i32
        %dma_wait3A_401 = arith.constant 0 : i32
        %dma_wait3A_402 = arith.constant 0 : i32
        %dma_wait3A_403 = tpu.memref_slice %arg3[%add3A, %dma_wait3A_383, %dma_wait3A_400, %dma_wait3A_401, %dma_wait3A_402] : memref<32x20x4x2x128xi32, #tpu.memory_space<hbm>> -> memref<1x1x4x2x128xi32, #tpu.memory_space<hbm>>
        %dma_wait3A_404 = tpu.memref_squeeze %dma_wait3A_403 : memref<1x1x4x2x128xi32, #tpu.memory_space<hbm>> -> memref<4x2x128xi32, #tpu.memory_space<hbm>>
        tpu.wait_dma2 semaphore(%arg15 : memref<!tpu.dma_semaphore, #tpu.memory_space<semaphore_mem>>) src(%dma_wait3A_404 : memref<4x2x128xi32, #tpu.memory_space<hbm>>) dst(%dma_wait3A_399 : memref<4x2x128xi32, #tpu.memory_space<vmem>>)
      } else {
      }
      %add3A_179 = arith.constant 3 : i32
      %add3A_180 = arith.addi %select_n3A, %add3A_179 : i32
      %lt3A_181 = arith.constant 20 : i32
      %lt3A_182 = arith.cmpi slt, %add3A_180, %lt3A_181 : i32
      %and3A_183 = arith.andi %eq3A_136, %lt3A_182 : i1
      %add3A_184 = arith.constant 3 : i32
      %add3A_185 = arith.addi %select_n3A, %add3A_184 : i32
      %rem3A_186 = arith.constant 4 : i32
      %rem3A_187 = arith.remsi %add3A_185, %rem3A_186 : i32
      %eq3A_188 = arith.constant 1 : i32
      %eq3A_189 = arith.cmpi eq, %rem3A_187, %eq3A_188 : i32
      %and3A_190 = arith.andi %and3A_183, %eq3A_189 : i1
      %convert_element_type3A_191 = arith.extui %and3A_190 : i1 to i32
      %cond3A_192 = arith.constant 0 : i32
      %cond3A_193 = arith.cmpi ne, %convert_element_type3A_191, %cond3A_192 : i32
      scf.if %cond3A_193 {
        %add3A_383 = arith.constant 3 : i32
        %add3A_384 = arith.addi %select_n3A, %add3A_383 : i32
        %dma_start3A_385 = arith.constant 1 : i32
        %dma_start3A_386 = arith.constant 0 : i32
        %dma_start3A_387 = arith.constant 0 : i32
        %dma_start3A_388 = arith.constant 0 : i32
        %dma_start3A_389 = tpu.memref_slice %arg8[%dma_start3A_385, %dma_start3A_386, %dma_start3A_387, %dma_start3A_388] : memref<4x4x2x128xi32, #tpu.memory_space<vmem>> -> memref<1x4x2x128xi32, #tpu.memory_space<vmem>>
        %dma_start3A_390 = tpu.memref_squeeze %dma_start3A_389 : memref<1x4x2x128xi32, #tpu.memory_space<vmem>> -> memref<4x2x128xi32, #tpu.memory_space<vmem>>
        %dma_start3A_391 = arith.constant 0 : i32
        %dma_start3A_392 = arith.constant 0 : i32
        %dma_start3A_393 = arith.constant 0 : i32
        %dma_start3A_394 = tpu.memref_slice %arg3[%add3A, %add3A_384, %dma_start3A_391, %dma_start3A_392, %dma_start3A_393] : memref<32x20x4x2x128xi32, #tpu.memory_space<hbm>> -> memref<1x1x4x2x128xi32, #tpu.memory_space<hbm>>
        %dma_start3A_395 = tpu.memref_squeeze %dma_start3A_394 : memref<1x1x4x2x128xi32, #tpu.memory_space<hbm>> -> memref<4x2x128xi32, #tpu.memory_space<hbm>>
        %dma_start3A_396 = arith.constant 0 : i32
        %dma_start3A_397 = arith.constant 0 : i32
        %dma_start3A_398 = arith.constant 0 : i32
        %dma_start3A_399 = tpu.memref_slice %arg8[%dma_start3A_385, %dma_start3A_396, %dma_start3A_397, %dma_start3A_398] : memref<4x4x2x128xi32, #tpu.memory_space<vmem>> -> memref<1x4x2x128xi32, #tpu.memory_space<vmem>>
        %dma_start3A_400 = tpu.memref_squeeze %dma_start3A_399 : memref<1x4x2x128xi32, #tpu.memory_space<vmem>> -> memref<4x2x128xi32, #tpu.memory_space<vmem>>
        %dma_start3A_401 = arith.constant 0 : i32
        %dma_start3A_402 = arith.constant 0 : i32
        %dma_start3A_403 = arith.constant 0 : i32
        %dma_start3A_404 = tpu.memref_slice %arg3[%add3A, %add3A_384, %dma_start3A_401, %dma_start3A_402, %dma_start3A_403] : memref<32x20x4x2x128xi32, #tpu.memory_space<hbm>> -> memref<1x1x4x2x128xi32, #tpu.memory_space<hbm>>
        %dma_start3A_405 = tpu.memref_squeeze %dma_start3A_404 : memref<1x1x4x2x128xi32, #tpu.memory_space<hbm>> -> memref<4x2x128xi32, #tpu.memory_space<hbm>>
        tpu.enqueue_dma source(%dma_start3A_405 : memref<4x2x128xi32, #tpu.memory_space<hbm>>) target(%dma_start3A_400 : memref<4x2x128xi32, #tpu.memory_space<vmem>>) target_semaphore(%arg15 : memref<!tpu.dma_semaphore, #tpu.memory_space<semaphore_mem>>)
      } else {
      }
      %add3A_194 = arith.constant 1 : i32
      %add3A_195 = arith.addi %select_n3A, %add3A_194 : i32
      %lt3A_196 = arith.constant 20 : i32
      %lt3A_197 = arith.cmpi slt, %add3A_195, %lt3A_196 : i32
      %and3A_198 = arith.andi %eq3A_136, %lt3A_197 : i1
      %add3A_199 = arith.constant 1 : i32
      %add3A_200 = arith.addi %select_n3A, %add3A_199 : i32
      %rem3A_201 = arith.constant 4 : i32
      %rem3A_202 = arith.remsi %add3A_200, %rem3A_201 : i32
      %eq3A_203 = arith.constant 2 : i32
      %eq3A_204 = arith.cmpi eq, %rem3A_202, %eq3A_203 : i32
      %and3A_205 = arith.andi %and3A_198, %eq3A_204 : i1
      %convert_element_type3A_206 = arith.extui %and3A_205 : i1 to i32
      %cond3A_207 = arith.constant 0 : i32
      %cond3A_208 = arith.cmpi ne, %convert_element_type3A_206, %cond3A_207 : i32
      scf.if %cond3A_208 {
        %dma_wait3A_383 = arith.constant 0 : i32
        %dma_wait3A_384 = arith.constant 2 : i32
        %dma_wait3A_385 = arith.constant 0 : i32
        %dma_wait3A_386 = arith.constant 0 : i32
        %dma_wait3A_387 = arith.constant 0 : i32
        %dma_wait3A_388 = tpu.memref_slice %arg8[%dma_wait3A_384, %dma_wait3A_385, %dma_wait3A_386, %dma_wait3A_387] : memref<4x4x2x128xi32, #tpu.memory_space<vmem>> -> memref<1x4x2x128xi32, #tpu.memory_space<vmem>>
        %dma_wait3A_389 = tpu.memref_squeeze %dma_wait3A_388 : memref<1x4x2x128xi32, #tpu.memory_space<vmem>> -> memref<4x2x128xi32, #tpu.memory_space<vmem>>
        %dma_wait3A_390 = arith.constant 0 : i32
        %dma_wait3A_391 = arith.constant 0 : i32
        %dma_wait3A_392 = arith.constant 0 : i32
        %dma_wait3A_393 = tpu.memref_slice %arg3[%add3A, %dma_wait3A_383, %dma_wait3A_390, %dma_wait3A_391, %dma_wait3A_392] : memref<32x20x4x2x128xi32, #tpu.memory_space<hbm>> -> memref<1x1x4x2x128xi32, #tpu.memory_space<hbm>>
        %dma_wait3A_394 = tpu.memref_squeeze %dma_wait3A_393 : memref<1x1x4x2x128xi32, #tpu.memory_space<hbm>> -> memref<4x2x128xi32, #tpu.memory_space<hbm>>
        %dma_wait3A_395 = arith.constant 0 : i32
        %dma_wait3A_396 = arith.constant 0 : i32
        %dma_wait3A_397 = arith.constant 0 : i32
        %dma_wait3A_398 = tpu.memref_slice %arg8[%dma_wait3A_384, %dma_wait3A_395, %dma_wait3A_396, %dma_wait3A_397] : memref<4x4x2x128xi32, #tpu.memory_space<vmem>> -> memref<1x4x2x128xi32, #tpu.memory_space<vmem>>
        %dma_wait3A_399 = tpu.memref_squeeze %dma_wait3A_398 : memref<1x4x2x128xi32, #tpu.memory_space<vmem>> -> memref<4x2x128xi32, #tpu.memory_space<vmem>>
        %dma_wait3A_400 = arith.constant 0 : i32
        %dma_wait3A_401 = arith.constant 0 : i32
        %dma_wait3A_402 = arith.constant 0 : i32
        %dma_wait3A_403 = tpu.memref_slice %arg3[%add3A, %dma_wait3A_383, %dma_wait3A_400, %dma_wait3A_401, %dma_wait3A_402] : memref<32x20x4x2x128xi32, #tpu.memory_space<hbm>> -> memref<1x1x4x2x128xi32, #tpu.memory_space<hbm>>
        %dma_wait3A_404 = tpu.memref_squeeze %dma_wait3A_403 : memref<1x1x4x2x128xi32, #tpu.memory_space<hbm>> -> memref<4x2x128xi32, #tpu.memory_space<hbm>>
        tpu.wait_dma2 semaphore(%arg16 : memref<!tpu.dma_semaphore, #tpu.memory_space<semaphore_mem>>) src(%dma_wait3A_404 : memref<4x2x128xi32, #tpu.memory_space<hbm>>) dst(%dma_wait3A_399 : memref<4x2x128xi32, #tpu.memory_space<vmem>>)
      } else {
      }
      %add3A_209 = arith.constant 3 : i32
      %add3A_210 = arith.addi %select_n3A, %add3A_209 : i32
      %lt3A_211 = arith.constant 20 : i32
      %lt3A_212 = arith.cmpi slt, %add3A_210, %lt3A_211 : i32
      %and3A_213 = arith.andi %eq3A_136, %lt3A_212 : i1
      %add3A_214 = arith.constant 3 : i32
      %add3A_215 = arith.addi %select_n3A, %add3A_214 : i32
      %rem3A_216 = arith.constant 4 : i32
      %rem3A_217 = arith.remsi %add3A_215, %rem3A_216 : i32
      %eq3A_218 = arith.constant 2 : i32
      %eq3A_219 = arith.cmpi eq, %rem3A_217, %eq3A_218 : i32
      %and3A_220 = arith.andi %and3A_213, %eq3A_219 : i1
      %convert_element_type3A_221 = arith.extui %and3A_220 : i1 to i32
      %cond3A_222 = arith.constant 0 : i32
      %cond3A_223 = arith.cmpi ne, %convert_element_type3A_221, %cond3A_222 : i32
      scf.if %cond3A_223 {
        %add3A_383 = arith.constant 3 : i32
        %add3A_384 = arith.addi %select_n3A, %add3A_383 : i32
        %dma_start3A_385 = arith.constant 2 : i32
        %dma_start3A_386 = arith.constant 0 : i32
        %dma_start3A_387 = arith.constant 0 : i32
        %dma_start3A_388 = arith.constant 0 : i32
        %dma_start3A_389 = tpu.memref_slice %arg8[%dma_start3A_385, %dma_start3A_386, %dma_start3A_387, %dma_start3A_388] : memref<4x4x2x128xi32, #tpu.memory_space<vmem>> -> memref<1x4x2x128xi32, #tpu.memory_space<vmem>>
        %dma_start3A_390 = tpu.memref_squeeze %dma_start3A_389 : memref<1x4x2x128xi32, #tpu.memory_space<vmem>> -> memref<4x2x128xi32, #tpu.memory_space<vmem>>
        %dma_start3A_391 = arith.constant 0 : i32
        %dma_start3A_392 = arith.constant 0 : i32
        %dma_start3A_393 = arith.constant 0 : i32
        %dma_start3A_394 = tpu.memref_slice %arg3[%add3A, %add3A_384, %dma_start3A_391, %dma_start3A_392, %dma_start3A_393] : memref<32x20x4x2x128xi32, #tpu.memory_space<hbm>> -> memref<1x1x4x2x128xi32, #tpu.memory_space<hbm>>
        %dma_start3A_395 = tpu.memref_squeeze %dma_start3A_394 : memref<1x1x4x2x128xi32, #tpu.memory_space<hbm>> -> memref<4x2x128xi32, #tpu.memory_space<hbm>>
        %dma_start3A_396 = arith.constant 0 : i32
        %dma_start3A_397 = arith.constant 0 : i32
        %dma_start3A_398 = arith.constant 0 : i32
        %dma_start3A_399 = tpu.memref_slice %arg8[%dma_start3A_385, %dma_start3A_396, %dma_start3A_397, %dma_start3A_398] : memref<4x4x2x128xi32, #tpu.memory_space<vmem>> -> memref<1x4x2x128xi32, #tpu.memory_space<vmem>>
        %dma_start3A_400 = tpu.memref_squeeze %dma_start3A_399 : memref<1x4x2x128xi32, #tpu.memory_space<vmem>> -> memref<4x2x128xi32, #tpu.memory_space<vmem>>
        %dma_start3A_401 = arith.constant 0 : i32
        %dma_start3A_402 = arith.constant 0 : i32
        %dma_start3A_403 = arith.constant 0 : i32
        %dma_start3A_404 = tpu.memref_slice %arg3[%add3A, %add3A_384, %dma_start3A_401, %dma_start3A_402, %dma_start3A_403] : memref<32x20x4x2x128xi32, #tpu.memory_space<hbm>> -> memref<1x1x4x2x128xi32, #tpu.memory_space<hbm>>
        %dma_start3A_405 = tpu.memref_squeeze %dma_start3A_404 : memref<1x1x4x2x128xi32, #tpu.memory_space<hbm>> -> memref<4x2x128xi32, #tpu.memory_space<hbm>>
        tpu.enqueue_dma source(%dma_start3A_405 : memref<4x2x128xi32, #tpu.memory_space<hbm>>) target(%dma_start3A_400 : memref<4x2x128xi32, #tpu.memory_space<vmem>>) target_semaphore(%arg16 : memref<!tpu.dma_semaphore, #tpu.memory_space<semaphore_mem>>)
      } else {
      }
      %add3A_224 = arith.constant 1 : i32
      %add3A_225 = arith.addi %select_n3A, %add3A_224 : i32
      %lt3A_226 = arith.constant 20 : i32
      %lt3A_227 = arith.cmpi slt, %add3A_225, %lt3A_226 : i32
      %and3A_228 = arith.andi %eq3A_136, %lt3A_227 : i1
      %add3A_229 = arith.constant 1 : i32
      %add3A_230 = arith.addi %select_n3A, %add3A_229 : i32
      %rem3A_231 = arith.constant 4 : i32
      %rem3A_232 = arith.remsi %add3A_230, %rem3A_231 : i32
      %eq3A_233 = arith.constant 3 : i32
      %eq3A_234 = arith.cmpi eq, %rem3A_232, %eq3A_233 : i32
      %and3A_235 = arith.andi %and3A_228, %eq3A_234 : i1
      %convert_element_type3A_236 = arith.extui %and3A_235 : i1 to i32
      %cond3A_237 = arith.constant 0 : i32
      %cond3A_238 = arith.cmpi ne, %convert_element_type3A_236, %cond3A_237 : i32
      scf.if %cond3A_238 {
        %dma_wait3A_383 = arith.constant 0 : i32
        %dma_wait3A_384 = arith.constant 3 : i32
        %dma_wait3A_385 = arith.constant 0 : i32
        %dma_wait3A_386 = arith.constant 0 : i32
        %dma_wait3A_387 = arith.constant 0 : i32
        %dma_wait3A_388 = tpu.memref_slice %arg8[%dma_wait3A_384, %dma_wait3A_385, %dma_wait3A_386, %dma_wait3A_387] : memref<4x4x2x128xi32, #tpu.memory_space<vmem>> -> memref<1x4x2x128xi32, #tpu.memory_space<vmem>>
        %dma_wait3A_389 = tpu.memref_squeeze %dma_wait3A_388 : memref<1x4x2x128xi32, #tpu.memory_space<vmem>> -> memref<4x2x128xi32, #tpu.memory_space<vmem>>
        %dma_wait3A_390 = arith.constant 0 : i32
        %dma_wait3A_391 = arith.constant 0 : i32
        %dma_wait3A_392 = arith.constant 0 : i32
        %dma_wait3A_393 = tpu.memref_slice %arg3[%add3A, %dma_wait3A_383, %dma_wait3A_390, %dma_wait3A_391, %dma_wait3A_392] : memref<32x20x4x2x128xi32, #tpu.memory_space<hbm>> -> memref<1x1x4x2x128xi32, #tpu.memory_space<hbm>>
        %dma_wait3A_394 = tpu.memref_squeeze %dma_wait3A_393 : memref<1x1x4x2x128xi32, #tpu.memory_space<hbm>> -> memref<4x2x128xi32, #tpu.memory_space<hbm>>
        %dma_wait3A_395 = arith.constant 0 : i32
        %dma_wait3A_396 = arith.constant 0 : i32
        %dma_wait3A_397 = arith.constant 0 : i32
        %dma_wait3A_398 = tpu.memref_slice %arg8[%dma_wait3A_384, %dma_wait3A_395, %dma_wait3A_396, %dma_wait3A_397] : memref<4x4x2x128xi32, #tpu.memory_space<vmem>> -> memref<1x4x2x128xi32, #tpu.memory_space<vmem>>
        %dma_wait3A_399 = tpu.memref_squeeze %dma_wait3A_398 : memref<1x4x2x128xi32, #tpu.memory_space<vmem>> -> memref<4x2x128xi32, #tpu.memory_space<vmem>>
        %dma_wait3A_400 = arith.constant 0 : i32
        %dma_wait3A_401 = arith.constant 0 : i32
        %dma_wait3A_402 = arith.constant 0 : i32
        %dma_wait3A_403 = tpu.memref_slice %arg3[%add3A, %dma_wait3A_383, %dma_wait3A_400, %dma_wait3A_401, %dma_wait3A_402] : memref<32x20x4x2x128xi32, #tpu.memory_space<hbm>> -> memref<1x1x4x2x128xi32, #tpu.memory_space<hbm>>
        %dma_wait3A_404 = tpu.memref_squeeze %dma_wait3A_403 : memref<1x1x4x2x128xi32, #tpu.memory_space<hbm>> -> memref<4x2x128xi32, #tpu.memory_space<hbm>>
        tpu.wait_dma2 semaphore(%arg17 : memref<!tpu.dma_semaphore, #tpu.memory_space<semaphore_mem>>) src(%dma_wait3A_404 : memref<4x2x128xi32, #tpu.memory_space<hbm>>) dst(%dma_wait3A_399 : memref<4x2x128xi32, #tpu.memory_space<vmem>>)
      } else {
      }
      %add3A_239 = arith.constant 3 : i32
      %add3A_240 = arith.addi %select_n3A, %add3A_239 : i32
      %lt3A_241 = arith.constant 20 : i32
      %lt3A_242 = arith.cmpi slt, %add3A_240, %lt3A_241 : i32
      %and3A_243 = arith.andi %eq3A_136, %lt3A_242 : i1
      %add3A_244 = arith.constant 3 : i32
      %add3A_245 = arith.addi %select_n3A, %add3A_244 : i32
      %rem3A_246 = arith.constant 4 : i32
      %rem3A_247 = arith.remsi %add3A_245, %rem3A_246 : i32
      %eq3A_248 = arith.constant 3 : i32
      %eq3A_249 = arith.cmpi eq, %rem3A_247, %eq3A_248 : i32
      %and3A_250 = arith.andi %and3A_243, %eq3A_249 : i1
      %convert_element_type3A_251 = arith.extui %and3A_250 : i1 to i32
      %cond3A_252 = arith.constant 0 : i32
      %cond3A_253 = arith.cmpi ne, %convert_element_type3A_251, %cond3A_252 : i32
      scf.if %cond3A_253 {
        %add3A_383 = arith.constant 3 : i32
        %add3A_384 = arith.addi %select_n3A, %add3A_383 : i32
        %dma_start3A_385 = arith.constant 3 : i32
        %dma_start3A_386 = arith.constant 0 : i32
        %dma_start3A_387 = arith.constant 0 : i32
        %dma_start3A_388 = arith.constant 0 : i32
        %dma_start3A_389 = tpu.memref_slice %arg8[%dma_start3A_385, %dma_start3A_386, %dma_start3A_387, %dma_start3A_388] : memref<4x4x2x128xi32, #tpu.memory_space<vmem>> -> memref<1x4x2x128xi32, #tpu.memory_space<vmem>>
        %dma_start3A_390 = tpu.memref_squeeze %dma_start3A_389 : memref<1x4x2x128xi32, #tpu.memory_space<vmem>> -> memref<4x2x128xi32, #tpu.memory_space<vmem>>
        %dma_start3A_391 = arith.constant 0 : i32
        %dma_start3A_392 = arith.constant 0 : i32
        %dma_start3A_393 = arith.constant 0 : i32
        %dma_start3A_394 = tpu.memref_slice %arg3[%add3A, %add3A_384, %dma_start3A_391, %dma_start3A_392, %dma_start3A_393] : memref<32x20x4x2x128xi32, #tpu.memory_space<hbm>> -> memref<1x1x4x2x128xi32, #tpu.memory_space<hbm>>
        %dma_start3A_395 = tpu.memref_squeeze %dma_start3A_394 : memref<1x1x4x2x128xi32, #tpu.memory_space<hbm>> -> memref<4x2x128xi32, #tpu.memory_space<hbm>>
        %dma_start3A_396 = arith.constant 0 : i32
        %dma_start3A_397 = arith.constant 0 : i32
        %dma_start3A_398 = arith.constant 0 : i32
        %dma_start3A_399 = tpu.memref_slice %arg8[%dma_start3A_385, %dma_start3A_396, %dma_start3A_397, %dma_start3A_398] : memref<4x4x2x128xi32, #tpu.memory_space<vmem>> -> memref<1x4x2x128xi32, #tpu.memory_space<vmem>>
        %dma_start3A_400 = tpu.memref_squeeze %dma_start3A_399 : memref<1x4x2x128xi32, #tpu.memory_space<vmem>> -> memref<4x2x128xi32, #tpu.memory_space<vmem>>
        %dma_start3A_401 = arith.constant 0 : i32
        %dma_start3A_402 = arith.constant 0 : i32
        %dma_start3A_403 = arith.constant 0 : i32
        %dma_start3A_404 = tpu.memref_slice %arg3[%add3A, %add3A_384, %dma_start3A_401, %dma_start3A_402, %dma_start3A_403] : memref<32x20x4x2x128xi32, #tpu.memory_space<hbm>> -> memref<1x1x4x2x128xi32, #tpu.memory_space<hbm>>
        %dma_start3A_405 = tpu.memref_squeeze %dma_start3A_404 : memref<1x1x4x2x128xi32, #tpu.memory_space<hbm>> -> memref<4x2x128xi32, #tpu.memory_space<hbm>>
        tpu.enqueue_dma source(%dma_start3A_405 : memref<4x2x128xi32, #tpu.memory_space<hbm>>) target(%dma_start3A_400 : memref<4x2x128xi32, #tpu.memory_space<vmem>>) target_semaphore(%arg17 : memref<!tpu.dma_semaphore, #tpu.memory_space<semaphore_mem>>)
      } else {
      }
      %rem3A_254 = arith.constant 4 : i32
      %rem3A_255 = arith.remsi %select_n3A, %rem3A_254 : i32
      %rem3A_256 = arith.constant 2 : i32
      %rem3A_257 = arith.remsi %scan3A_117, %rem3A_256 : i32
      %mul3A_258 = arith.constant 2 : i32
      %mul3A_259 = arith.muli %mul3A_258, %rem3A_257 : i32
      %add3A_260 = arith.constant 1 : i32
      %add3A_261 = arith.addi %mul3A_259, %add3A_260 : i32
      %add3A_262 = arith.constant 1 : i32
      %add3A_263 = arith.addi %mul3A_259, %add3A_262 : i32
      %dma_wait3A = arith.constant 0 : i32
      %dma_wait3A_264 = arith.constant 0 : i32
      %dma_wait3A_265 = arith.constant 0 : i32
      %dma_wait3A_266 = arith.constant 0 : i32
      %dma_wait3A_267 = tpu.memref_slice %arg9[%dma_wait3A_264, %dma_wait3A_265, %dma_wait3A_266] : memref<2x128x64xf32, #tpu.memory_space<vmem>> -> memref<1x128x64xf32, #tpu.memory_space<vmem>>
      %dma_wait3A_268 = tpu.memref_squeeze %dma_wait3A_267 : memref<1x128x64xf32, #tpu.memory_space<vmem>> -> memref<128x64xf32, #tpu.memory_space<vmem>>
      %dma_wait3A_269 = arith.constant 0 : i32
      %dma_wait3A_270 = tpu.memref_slice %arg8[%rem3A_255, %mul3A_259, %dma_wait3A, %dma_wait3A_269] : memref<4x4x2x128xi32, #tpu.memory_space<vmem>> -> memref<1x1x1x128xi32, #tpu.memory_space<vmem>>
      %dma_wait3A_271 = tpu.memref_squeeze %dma_wait3A_270 : memref<1x1x1x128xi32, #tpu.memory_space<vmem>> -> memref<128xi32, #tpu.memory_space<vmem>>
      %dma_wait3A_272 = arith.constant 0 : i32
      %dma_wait3A_273 = arith.constant 0 : i32
      %dma_wait3A_274 = tpu.memref_slice %arg7[%dma_wait3A_272, %dma_wait3A_273] : memref<10240x64xf32, #tpu.memory_space<vmem_shared>> -> memref<10240x64xf32, #tpu.memory_space<vmem_shared>>
      tpu.wait_indirect_dma semaphore(%arg10 : memref<!tpu.dma_semaphore, #tpu.memory_space<semaphore_mem>>) src(%dma_wait3A_274 : memref<10240x64xf32, #tpu.memory_space<vmem_shared>>) dst(%dma_wait3A_268 : memref<128x64xf32, #tpu.memory_space<vmem>>)
      %dma_start3A_275 = arith.constant 0 : i32
      %dma_start3A_276 = arith.constant 1 : i32
      %dma_start3A_277 = arith.constant 0 : i32
      %dma_start3A_278 = arith.constant 0 : i32
      %dma_start3A_279 = tpu.memref_slice %arg9[%dma_start3A_275, %dma_start3A_277, %dma_start3A_278] : memref<2x128x64xf32, #tpu.memory_space<vmem>> -> memref<1x128x64xf32, #tpu.memory_space<vmem>>
      %dma_start3A_280 = tpu.memref_squeeze %dma_start3A_279 : memref<1x128x64xf32, #tpu.memory_space<vmem>> -> memref<128x64xf32, #tpu.memory_space<vmem>>
      %dma_start3A_281 = arith.constant 0 : i32
      %dma_start3A_282 = tpu.memref_slice %arg8[%rem3A_255, %mul3A_259, %dma_start3A_276, %dma_start3A_281] : memref<4x4x2x128xi32, #tpu.memory_space<vmem>> -> memref<1x1x1x128xi32, #tpu.memory_space<vmem>>
      %dma_start3A_283 = tpu.memref_squeeze %dma_start3A_282 : memref<1x1x1x128xi32, #tpu.memory_space<vmem>> -> memref<128xi32, #tpu.memory_space<vmem>>
      %dma_start3A_284 = arith.constant 0 : i32
      %dma_start3A_285 = arith.constant 0 : i32
      %dma_start3A_286 = tpu.memref_slice %arg6[%dma_start3A_284, %dma_start3A_285] : memref<10240x64xf32, #tpu.memory_space<vmem_shared>> -> memref<10240x64xf32, #tpu.memory_space<vmem_shared>>
      tpu.enqueue_indirect_dma source(%dma_start3A_280 : memref<128x64xf32, #tpu.memory_space<vmem>>) target(%dma_start3A_286 : memref<10240x64xf32, #tpu.memory_space<vmem_shared>>) offsets(%dma_start3A_283 : memref<128xi32, #tpu.memory_space<vmem>>) semaphore(%arg12 : memref<!tpu.dma_semaphore, #tpu.memory_space<semaphore_mem>>) {add = true}
      %dma_wait3A_287 = arith.constant 0 : i32
      %dma_wait3A_288 = arith.constant 1 : i32
      %dma_wait3A_289 = arith.constant 0 : i32
      %dma_wait3A_290 = arith.constant 0 : i32
      %dma_wait3A_291 = tpu.memref_slice %arg9[%dma_wait3A_288, %dma_wait3A_289, %dma_wait3A_290] : memref<2x128x64xf32, #tpu.memory_space<vmem>> -> memref<1x128x64xf32, #tpu.memory_space<vmem>>
      %dma_wait3A_292 = tpu.memref_squeeze %dma_wait3A_291 : memref<1x128x64xf32, #tpu.memory_space<vmem>> -> memref<128x64xf32, #tpu.memory_space<vmem>>
      %dma_wait3A_293 = arith.constant 0 : i32
      %dma_wait3A_294 = tpu.memref_slice %arg8[%rem3A_255, %add3A_261, %dma_wait3A_287, %dma_wait3A_293] : memref<4x4x2x128xi32, #tpu.memory_space<vmem>> -> memref<1x1x1x128xi32, #tpu.memory_space<vmem>>
      %dma_wait3A_295 = tpu.memref_squeeze %dma_wait3A_294 : memref<1x1x1x128xi32, #tpu.memory_space<vmem>> -> memref<128xi32, #tpu.memory_space<vmem>>
      %dma_wait3A_296 = arith.constant 0 : i32
      %dma_wait3A_297 = arith.constant 0 : i32
      %dma_wait3A_298 = tpu.memref_slice %arg7[%dma_wait3A_296, %dma_wait3A_297] : memref<10240x64xf32, #tpu.memory_space<vmem_shared>> -> memref<10240x64xf32, #tpu.memory_space<vmem_shared>>
      tpu.wait_indirect_dma semaphore(%arg11 : memref<!tpu.dma_semaphore, #tpu.memory_space<semaphore_mem>>) src(%dma_wait3A_298 : memref<10240x64xf32, #tpu.memory_space<vmem_shared>>) dst(%dma_wait3A_292 : memref<128x64xf32, #tpu.memory_space<vmem>>)
      %dma_start3A_299 = arith.constant 1 : i32
      %dma_start3A_300 = arith.constant 1 : i32
      %dma_start3A_301 = arith.constant 0 : i32
      %dma_start3A_302 = arith.constant 0 : i32
      %dma_start3A_303 = tpu.memref_slice %arg9[%dma_start3A_299, %dma_start3A_301, %dma_start3A_302] : memref<2x128x64xf32, #tpu.memory_space<vmem>> -> memref<1x128x64xf32, #tpu.memory_space<vmem>>
      %dma_start3A_304 = tpu.memref_squeeze %dma_start3A_303 : memref<1x128x64xf32, #tpu.memory_space<vmem>> -> memref<128x64xf32, #tpu.memory_space<vmem>>
      %dma_start3A_305 = arith.constant 0 : i32
      %dma_start3A_306 = tpu.memref_slice %arg8[%rem3A_255, %add3A_263, %dma_start3A_300, %dma_start3A_305] : memref<4x4x2x128xi32, #tpu.memory_space<vmem>> -> memref<1x1x1x128xi32, #tpu.memory_space<vmem>>
      %dma_start3A_307 = tpu.memref_squeeze %dma_start3A_306 : memref<1x1x1x128xi32, #tpu.memory_space<vmem>> -> memref<128xi32, #tpu.memory_space<vmem>>
      %dma_start3A_308 = arith.constant 0 : i32
      %dma_start3A_309 = arith.constant 0 : i32
      %dma_start3A_310 = tpu.memref_slice %arg6[%dma_start3A_308, %dma_start3A_309] : memref<10240x64xf32, #tpu.memory_space<vmem_shared>> -> memref<10240x64xf32, #tpu.memory_space<vmem_shared>>
      tpu.enqueue_indirect_dma source(%dma_start3A_304 : memref<128x64xf32, #tpu.memory_space<vmem>>) target(%dma_start3A_310 : memref<10240x64xf32, #tpu.memory_space<vmem_shared>>) offsets(%dma_start3A_307 : memref<128xi32, #tpu.memory_space<vmem>>) semaphore(%arg13 : memref<!tpu.dma_semaphore, #tpu.memory_space<semaphore_mem>>) {add = true}
      %add3A_311 = arith.constant 1 : i32
      %add3A_312 = arith.addi %scan3A_117, %add3A_311 : i32
      %jit3A_313 = arith.constant 2 : i32
      %div3A_314 = arith.divsi %add3A_312, %jit3A_313 : i32
      %sign3A_315 = arith.constant 0 : i32
      %sign3A_316 = arith.cmpi sgt, %add3A_312, %sign3A_315 : i32
      %sign3A_317 = arith.extui %sign3A_316 : i1 to i32
      %sign3A_318 = arith.constant 0 : i32
      %sign3A_319 = arith.cmpi slt, %add3A_312, %sign3A_318 : i32
      %sign3A_320 = arith.extui %sign3A_319 : i1 to i32
      %sign3A_321 = arith.subi %sign3A_317, %sign3A_320 : i32
      %sign3A_322 = arith.constant 0 : i32
      %sign3A_323 = arith.cmpi sgt, %jit3A_313, %sign3A_322 : i32
      %sign3A_324 = arith.extui %sign3A_323 : i1 to i32
      %sign3A_325 = arith.constant 0 : i32
      %sign3A_326 = arith.cmpi slt, %jit3A_313, %sign3A_325 : i32
      %sign3A_327 = arith.extui %sign3A_326 : i1 to i32
      %sign3A_328 = arith.subi %sign3A_324, %sign3A_327 : i32
      %ne3A_329 = arith.cmpi ne, %sign3A_321, %sign3A_328 : i32
      %rem3A_330 = arith.remsi %add3A_312, %jit3A_313 : i32
      %ne3A_331 = arith.constant 0 : i32
      %ne3A_332 = arith.cmpi ne, %rem3A_330, %ne3A_331 : i32
      %and3A_333 = arith.andi %ne3A_329, %ne3A_332 : i1
      %sub3A_334 = arith.constant 1 : i32
      %sub3A_335 = arith.subi %div3A_314, %sub3A_334 : i32
      %select_n3A_336 = arith.select %and3A_333, %sub3A_335, %div3A_314 : i32
      %rem3A_337 = arith.constant 4 : i32
      %rem3A_338 = arith.remsi %select_n3A_336, %rem3A_337 : i32
      %add3A_339 = arith.constant 1 : i32
      %add3A_340 = arith.addi %scan3A_117, %add3A_339 : i32
      %rem3A_341 = arith.constant 2 : i32
      %rem3A_342 = arith.remsi %add3A_340, %rem3A_341 : i32
      %mul3A_343 = arith.constant 2 : i32
      %mul3A_344 = arith.muli %mul3A_343, %rem3A_342 : i32
      %dma_wait3A_345 = arith.constant 0 : i32
      %dma_wait3A_346 = arith.constant 1 : i32
      %dma_wait3A_347 = arith.constant 0 : i32
      %dma_wait3A_348 = arith.constant 0 : i32
      %dma_wait3A_349 = tpu.memref_slice %arg9[%dma_wait3A_345, %dma_wait3A_347, %dma_wait3A_348] : memref<2x128x64xf32, #tpu.memory_space<vmem>> -> memref<1x128x64xf32, #tpu.memory_space<vmem>>
      %dma_wait3A_350 = tpu.memref_squeeze %dma_wait3A_349 : memref<1x128x64xf32, #tpu.memory_space<vmem>> -> memref<128x64xf32, #tpu.memory_space<vmem>>
      %dma_wait3A_351 = arith.constant 0 : i32
      %dma_wait3A_352 = tpu.memref_slice %arg8[%rem3A_255, %mul3A_259, %dma_wait3A_346, %dma_wait3A_351] : memref<4x4x2x128xi32, #tpu.memory_space<vmem>> -> memref<1x1x1x128xi32, #tpu.memory_space<vmem>>
      %dma_wait3A_353 = tpu.memref_squeeze %dma_wait3A_352 : memref<1x1x1x128xi32, #tpu.memory_space<vmem>> -> memref<128xi32, #tpu.memory_space<vmem>>
      %dma_wait3A_354 = arith.constant 0 : i32
      %dma_wait3A_355 = arith.constant 0 : i32
      %dma_wait3A_356 = tpu.memref_slice %arg6[%dma_wait3A_354, %dma_wait3A_355] : memref<10240x64xf32, #tpu.memory_space<vmem_shared>> -> memref<10240x64xf32, #tpu.memory_space<vmem_shared>>
      tpu.wait_indirect_dma semaphore(%arg12 : memref<!tpu.dma_semaphore, #tpu.memory_space<semaphore_mem>>) src(%dma_wait3A_350 : memref<128x64xf32, #tpu.memory_space<vmem>>) dst(%dma_wait3A_356 : memref<10240x64xf32, #tpu.memory_space<vmem_shared>>)
      %add3A_357 = arith.constant 1 : i32
      %add3A_358 = arith.addi %scan3A_117, %add3A_357 : i32
      %lt3A_359 = arith.constant 40 : i32
      %lt3A_360 = arith.cmpi slt, %add3A_358, %lt3A_359 : i32
      %convert_element_type3A_361 = arith.extui %lt3A_360 : i1 to i32
      %cond3A_362 = arith.constant 0 : i32
      %cond3A_363 = arith.cmpi ne, %convert_element_type3A_361, %cond3A_362 : i32
      scf.if %cond3A_363 {
        %dma_start3A_383 = arith.constant 0 : i32
        %dma_start3A_384 = arith.constant 0 : i32
        %dma_start3A_385 = arith.constant 0 : i32
        %dma_start3A_386 = arith.constant 0 : i32
        %dma_start3A_387 = tpu.memref_slice %arg9[%dma_start3A_384, %dma_start3A_385, %dma_start3A_386] : memref<2x128x64xf32, #tpu.memory_space<vmem>> -> memref<1x128x64xf32, #tpu.memory_space<vmem>>
        %dma_start3A_388 = tpu.memref_squeeze %dma_start3A_387 : memref<1x128x64xf32, #tpu.memory_space<vmem>> -> memref<128x64xf32, #tpu.memory_space<vmem>>
        %dma_start3A_389 = arith.constant 0 : i32
        %dma_start3A_390 = tpu.memref_slice %arg8[%rem3A_338, %mul3A_344, %dma_start3A_383, %dma_start3A_389] : memref<4x4x2x128xi32, #tpu.memory_space<vmem>> -> memref<1x1x1x128xi32, #tpu.memory_space<vmem>>
        %dma_start3A_391 = tpu.memref_squeeze %dma_start3A_390 : memref<1x1x1x128xi32, #tpu.memory_space<vmem>> -> memref<128xi32, #tpu.memory_space<vmem>>
        %dma_start3A_392 = arith.constant 0 : i32
        %dma_start3A_393 = arith.constant 0 : i32
        %dma_start3A_394 = tpu.memref_slice %arg7[%dma_start3A_392, %dma_start3A_393] : memref<10240x64xf32, #tpu.memory_space<vmem_shared>> -> memref<10240x64xf32, #tpu.memory_space<vmem_shared>>
        tpu.enqueue_indirect_dma source(%dma_start3A_394 : memref<10240x64xf32, #tpu.memory_space<vmem_shared>>) target(%dma_start3A_388 : memref<128x64xf32, #tpu.memory_space<vmem>>) offsets(%dma_start3A_391 : memref<128xi32, #tpu.memory_space<vmem>>) semaphore(%arg10 : memref<!tpu.dma_semaphore, #tpu.memory_space<semaphore_mem>>)
      } else {
      }
      %dma_wait3A_364 = arith.constant 1 : i32
      %dma_wait3A_365 = arith.constant 1 : i32
      %dma_wait3A_366 = arith.constant 0 : i32
      %dma_wait3A_367 = arith.constant 0 : i32
      %dma_wait3A_368 = tpu.memref_slice %arg9[%dma_wait3A_364, %dma_wait3A_366, %dma_wait3A_367] : memref<2x128x64xf32, #tpu.memory_space<vmem>> -> memref<1x128x64xf32, #tpu.memory_space<vmem>>
      %dma_wait3A_369 = tpu.memref_squeeze %dma_wait3A_368 : memref<1x128x64xf32, #tpu.memory_space<vmem>> -> memref<128x64xf32, #tpu.memory_space<vmem>>
      %dma_wait3A_370 = arith.constant 0 : i32
      %dma_wait3A_371 = tpu.memref_slice %arg8[%rem3A_255, %add3A_263, %dma_wait3A_365, %dma_wait3A_370] : memref<4x4x2x128xi32, #tpu.memory_space<vmem>> -> memref<1x1x1x128xi32, #tpu.memory_space<vmem>>
      %dma_wait3A_372 = tpu.memref_squeeze %dma_wait3A_371 : memref<1x1x1x128xi32, #tpu.memory_space<vmem>> -> memref<128xi32, #tpu.memory_space<vmem>>
      %dma_wait3A_373 = arith.constant 0 : i32
      %dma_wait3A_374 = arith.constant 0 : i32
      %dma_wait3A_375 = tpu.memref_slice %arg6[%dma_wait3A_373, %dma_wait3A_374] : memref<10240x64xf32, #tpu.memory_space<vmem_shared>> -> memref<10240x64xf32, #tpu.memory_space<vmem_shared>>
      tpu.wait_indirect_dma semaphore(%arg13 : memref<!tpu.dma_semaphore, #tpu.memory_space<semaphore_mem>>) src(%dma_wait3A_369 : memref<128x64xf32, #tpu.memory_space<vmem>>) dst(%dma_wait3A_375 : memref<10240x64xf32, #tpu.memory_space<vmem_shared>>)
      %add3A_376 = arith.constant 1 : i32
      %add3A_377 = arith.addi %scan3A_117, %add3A_376 : i32
      %lt3A_378 = arith.constant 40 : i32
      %lt3A_379 = arith.cmpi slt, %add3A_377, %lt3A_378 : i32
      %convert_element_type3A_380 = arith.extui %lt3A_379 : i1 to i32
      %cond3A_381 = arith.constant 0 : i32
      %cond3A_382 = arith.cmpi ne, %convert_element_type3A_380, %cond3A_381 : i32
      scf.if %cond3A_382 {
        %add3A_383 = arith.constant 1 : i32
        %add3A_384 = arith.addi %mul3A_344, %add3A_383 : i32
        %dma_start3A_385 = arith.constant 0 : i32
        %dma_start3A_386 = arith.constant 1 : i32
        %dma_start3A_387 = arith.constant 0 : i32
        %dma_start3A_388 = arith.constant 0 : i32
        %dma_start3A_389 = tpu.memref_slice %arg9[%dma_start3A_386, %dma_start3A_387, %dma_start3A_388] : memref<2x128x64xf32, #tpu.memory_space<vmem>> -> memref<1x128x64xf32, #tpu.memory_space<vmem>>
        %dma_start3A_390 = tpu.memref_squeeze %dma_start3A_389 : memref<1x128x64xf32, #tpu.memory_space<vmem>> -> memref<128x64xf32, #tpu.memory_space<vmem>>
        %dma_start3A_391 = arith.constant 0 : i32
        %dma_start3A_392 = tpu.memref_slice %arg8[%rem3A_338, %add3A_384, %dma_start3A_385, %dma_start3A_391] : memref<4x4x2x128xi32, #tpu.memory_space<vmem>> -> memref<1x1x1x128xi32, #tpu.memory_space<vmem>>
        %dma_start3A_393 = tpu.memref_squeeze %dma_start3A_392 : memref<1x1x1x128xi32, #tpu.memory_space<vmem>> -> memref<128xi32, #tpu.memory_space<vmem>>
        %dma_start3A_394 = arith.constant 0 : i32
        %dma_start3A_395 = arith.constant 0 : i32
        %dma_start3A_396 = tpu.memref_slice %arg7[%dma_start3A_394, %dma_start3A_395] : memref<10240x64xf32, #tpu.memory_space<vmem_shared>> -> memref<10240x64xf32, #tpu.memory_space<vmem_shared>>
        tpu.enqueue_indirect_dma source(%dma_start3A_396 : memref<10240x64xf32, #tpu.memory_space<vmem_shared>>) target(%dma_start3A_390 : memref<128x64xf32, #tpu.memory_space<vmem>>) offsets(%dma_start3A_393 : memref<128xi32, #tpu.memory_space<vmem>>) semaphore(%arg11 : memref<!tpu.dma_semaphore, #tpu.memory_space<semaphore_mem>>)
      } else {
      }
    }
    %scan3A_95 = arith.constant 40 : i32
    %barrier3A_96 = arith.constant 0 : index
    tpu.barrier barrier_id(%barrier3A_96)
    %add3A_97 = arith.constant 0 : i32
    %add3A_98 = arith.addi %mul3A_2, %add3A_97 : i32
    %run_scoped3A_99 = arith.constant 0 : i32
    "tpu.region"() ({
      %run_scoped3A_117 = tpu.sem_alloc : memref<!tpu.dma_semaphore, #tpu.memory_space<semaphore_mem>>
      %dma_start3A_118 = arith.constant 0 : i32
      %dma_start3A_119 = arith.constant 0 : i32
      %dma_start3A_120 = tpu.memref_slice %arg9[%run_scoped3A_99, %dma_start3A_118, %dma_start3A_119] : memref<2x128x64xf32, #tpu.memory_space<vmem>> -> memref<1x128x64xf32, #tpu.memory_space<vmem>>
      %dma_start3A_121 = tpu.memref_squeeze %dma_start3A_120 : memref<1x128x64xf32, #tpu.memory_space<vmem>> -> memref<128x64xf32, #tpu.memory_space<vmem>>
      %dma_start3A_122 = arith.constant 0 : i32
      %dma_start3A_123 = tpu.memref_slice %arg6[%add3A_98, %dma_start3A_122] : memref<10240x64xf32, #tpu.memory_space<vmem_shared>> -> memref<128x64xf32, #tpu.memory_space<vmem_shared>>
      %dma_start3A_124 = arith.constant 0 : i32
      %dma_start3A_125 = arith.constant 0 : i32
      %dma_start3A_126 = tpu.memref_slice %arg9[%run_scoped3A_99, %dma_start3A_124, %dma_start3A_125] : memref<2x128x64xf32, #tpu.memory_space<vmem>> -> memref<1x128x64xf32, #tpu.memory_space<vmem>>
      %dma_start3A_127 = tpu.memref_squeeze %dma_start3A_126 : memref<1x128x64xf32, #tpu.memory_space<vmem>> -> memref<128x64xf32, #tpu.memory_space<vmem>>
      %dma_start3A_128 = arith.constant 0 : i32
      %dma_start3A_129 = tpu.memref_slice %arg6[%add3A_98, %dma_start3A_128] : memref<10240x64xf32, #tpu.memory_space<vmem_shared>> -> memref<128x64xf32, #tpu.memory_space<vmem_shared>>
      tpu.enqueue_dma source(%dma_start3A_129 : memref<128x64xf32, #tpu.memory_space<vmem_shared>>) target(%dma_start3A_127 : memref<128x64xf32, #tpu.memory_space<vmem>>) target_semaphore(%run_scoped3A_117 : memref<!tpu.dma_semaphore, #tpu.memory_space<semaphore_mem>>)
      %dma_wait3A = arith.constant 0 : i32
      %dma_wait3A_130 = arith.constant 0 : i32
      %dma_wait3A_131 = tpu.memref_slice %arg9[%run_scoped3A_99, %dma_wait3A, %dma_wait3A_130] : memref<2x128x64xf32, #tpu.memory_space<vmem>> -> memref<1x128x64xf32, #tpu.memory_space<vmem>>
      %dma_wait3A_132 = tpu.memref_squeeze %dma_wait3A_131 : memref<1x128x64xf32, #tpu.memory_space<vmem>> -> memref<128x64xf32, #tpu.memory_space<vmem>>
      %dma_wait3A_133 = arith.constant 0 : i32
      %dma_wait3A_134 = tpu.memref_slice %arg6[%add3A_98, %dma_wait3A_133] : memref<10240x64xf32, #tpu.memory_space<vmem_shared>> -> memref<128x64xf32, #tpu.memory_space<vmem_shared>>
      %dma_wait3A_135 = arith.constant 0 : i32
      %dma_wait3A_136 = arith.constant 0 : i32
      %dma_wait3A_137 = tpu.memref_slice %arg9[%run_scoped3A_99, %dma_wait3A_135, %dma_wait3A_136] : memref<2x128x64xf32, #tpu.memory_space<vmem>> -> memref<1x128x64xf32, #tpu.memory_space<vmem>>
      %dma_wait3A_138 = tpu.memref_squeeze %dma_wait3A_137 : memref<1x128x64xf32, #tpu.memory_space<vmem>> -> memref<128x64xf32, #tpu.memory_space<vmem>>
      %dma_wait3A_139 = arith.constant 0 : i32
      %dma_wait3A_140 = tpu.memref_slice %arg6[%add3A_98, %dma_wait3A_139] : memref<10240x64xf32, #tpu.memory_space<vmem_shared>> -> memref<128x64xf32, #tpu.memory_space<vmem_shared>>
      tpu.wait_dma2 semaphore(%run_scoped3A_117 : memref<!tpu.dma_semaphore, #tpu.memory_space<semaphore_mem>>) src(%dma_wait3A_140 : memref<128x64xf32, #tpu.memory_space<vmem_shared>>) dst(%dma_wait3A_138 : memref<128x64xf32, #tpu.memory_space<vmem>>)
      tpu.yield
    }) : () -> ()
    %run_scoped3A_100 = arith.constant 0 : i32
    "tpu.region"() ({
      %run_scoped3A_117 = tpu.sem_alloc : memref<!tpu.dma_semaphore, #tpu.memory_space<semaphore_mem>>
      %dma_start3A_118 = arith.constant 0 : i32
      %dma_start3A_119 = arith.constant 0 : i32
      %dma_start3A_120 = tpu.memref_slice %arg9[%run_scoped3A_100, %dma_start3A_118, %dma_start3A_119] : memref<2x128x64xf32, #tpu.memory_space<vmem>> -> memref<1x128x64xf32, #tpu.memory_space<vmem>>
      %dma_start3A_121 = tpu.memref_squeeze %dma_start3A_120 : memref<1x128x64xf32, #tpu.memory_space<vmem>> -> memref<128x64xf32, #tpu.memory_space<vmem>>
      %dma_start3A_122 = arith.constant 0 : i32
      %dma_start3A_123 = tpu.memref_slice %arg5[%arg0, %add3A_98, %dma_start3A_122] : memref<2x10240x64xf32, #tpu.memory_space<hbm>> -> memref<1x128x64xf32, #tpu.memory_space<hbm>>
      %dma_start3A_124 = tpu.memref_squeeze %dma_start3A_123 : memref<1x128x64xf32, #tpu.memory_space<hbm>> -> memref<128x64xf32, #tpu.memory_space<hbm>>
      %dma_start3A_125 = arith.constant 0 : i32
      %dma_start3A_126 = tpu.memref_slice %arg5[%arg0, %add3A_98, %dma_start3A_125] : memref<2x10240x64xf32, #tpu.memory_space<hbm>> -> memref<1x128x64xf32, #tpu.memory_space<hbm>>
      %dma_start3A_127 = tpu.memref_squeeze %dma_start3A_126 : memref<1x128x64xf32, #tpu.memory_space<hbm>> -> memref<128x64xf32, #tpu.memory_space<hbm>>
      %dma_start3A_128 = arith.constant 0 : i32
      %dma_start3A_129 = arith.constant 0 : i32
      %dma_start3A_130 = tpu.memref_slice %arg9[%run_scoped3A_100, %dma_start3A_128, %dma_start3A_129] : memref<2x128x64xf32, #tpu.memory_space<vmem>> -> memref<1x128x64xf32, #tpu.memory_space<vmem>>
      %dma_start3A_131 = tpu.memref_squeeze %dma_start3A_130 : memref<1x128x64xf32, #tpu.memory_space<vmem>> -> memref<128x64xf32, #tpu.memory_space<vmem>>
      tpu.enqueue_dma source(%dma_start3A_131 : memref<128x64xf32, #tpu.memory_space<vmem>>) target(%dma_start3A_127 : memref<128x64xf32, #tpu.memory_space<hbm>>) target_semaphore(%run_scoped3A_117 : memref<!tpu.dma_semaphore, #tpu.memory_space<semaphore_mem>>)
      %dma_wait3A = arith.constant 0 : i32
      %dma_wait3A_132 = arith.constant 0 : i32
      %dma_wait3A_133 = tpu.memref_slice %arg9[%run_scoped3A_100, %dma_wait3A, %dma_wait3A_132] : memref<2x128x64xf32, #tpu.memory_space<vmem>> -> memref<1x128x64xf32, #tpu.memory_space<vmem>>
      %dma_wait3A_134 = tpu.memref_squeeze %dma_wait3A_133 : memref<1x128x64xf32, #tpu.memory_space<vmem>> -> memref<128x64xf32, #tpu.memory_space<vmem>>
      %dma_wait3A_135 = arith.constant 0 : i32
      %dma_wait3A_136 = tpu.memref_slice %arg5[%arg0, %add3A_98, %dma_wait3A_135] : memref<2x10240x64xf32, #tpu.memory_space<hbm>> -> memref<1x128x64xf32, #tpu.memory_space<hbm>>
      %dma_wait3A_137 = tpu.memref_squeeze %dma_wait3A_136 : memref<1x128x64xf32, #tpu.memory_space<hbm>> -> memref<128x64xf32, #tpu.memory_space<hbm>>
      %dma_wait3A_138 = arith.constant 0 : i32
      %dma_wait3A_139 = tpu.memref_slice %arg5[%arg0, %add3A_98, %dma_wait3A_138] : memref<2x10240x64xf32, #tpu.memory_space<hbm>> -> memref<1x128x64xf32, #tpu.memory_space<hbm>>
      %dma_wait3A_140 = tpu.memref_squeeze %dma_wait3A_139 : memref<1x128x64xf32, #tpu.memory_space<hbm>> -> memref<128x64xf32, #tpu.memory_space<hbm>>
      %dma_wait3A_141 = arith.constant 0 : i32
      %dma_wait3A_142 = arith.constant 0 : i32
      %dma_wait3A_143 = tpu.memref_slice %arg9[%run_scoped3A_100, %dma_wait3A_141, %dma_wait3A_142] : memref<2x128x64xf32, #tpu.memory_space<vmem>> -> memref<1x128x64xf32, #tpu.memory_space<vmem>>
      %dma_wait3A_144 = tpu.memref_squeeze %dma_wait3A_143 : memref<1x128x64xf32, #tpu.memory_space<vmem>> -> memref<128x64xf32, #tpu.memory_space<vmem>>
      tpu.wait_dma2 semaphore(%run_scoped3A_117 : memref<!tpu.dma_semaphore, #tpu.memory_space<semaphore_mem>>) src(%dma_wait3A_144 : memref<128x64xf32, #tpu.memory_space<vmem>>) dst(%dma_wait3A_140 : memref<128x64xf32, #tpu.memory_space<hbm>>)
      tpu.yield
    }) : () -> ()
    %add3A_101 = arith.constant 128 : i32
    %add3A_102 = arith.addi %mul3A_2, %add3A_101 : i32
    %run_scoped3A_103 = arith.constant 0 : i32
    "tpu.region"() ({
      %run_scoped3A_117 = tpu.sem_alloc : memref<!tpu.dma_semaphore, #tpu.memory_space<semaphore_mem>>
      %dma_start3A_118 = arith.constant 0 : i32
      %dma_start3A_119 = arith.constant 0 : i32
      %dma_start3A_120 = tpu.memref_slice %arg9[%run_scoped3A_103, %dma_start3A_118, %dma_start3A_119] : memref<2x128x64xf32, #tpu.memory_space<vmem>> -> memref<1x128x64xf32, #tpu.memory_space<vmem>>
      %dma_start3A_121 = tpu.memref_squeeze %dma_start3A_120 : memref<1x128x64xf32, #tpu.memory_space<vmem>> -> memref<128x64xf32, #tpu.memory_space<vmem>>
      %dma_start3A_122 = arith.constant 0 : i32
      %dma_start3A_123 = tpu.memref_slice %arg6[%add3A_102, %dma_start3A_122] : memref<10240x64xf32, #tpu.memory_space<vmem_shared>> -> memref<128x64xf32, #tpu.memory_space<vmem_shared>>
      %dma_start3A_124 = arith.constant 0 : i32
      %dma_start3A_125 = arith.constant 0 : i32
      %dma_start3A_126 = tpu.memref_slice %arg9[%run_scoped3A_103, %dma_start3A_124, %dma_start3A_125] : memref<2x128x64xf32, #tpu.memory_space<vmem>> -> memref<1x128x64xf32, #tpu.memory_space<vmem>>
      %dma_start3A_127 = tpu.memref_squeeze %dma_start3A_126 : memref<1x128x64xf32, #tpu.memory_space<vmem>> -> memref<128x64xf32, #tpu.memory_space<vmem>>
      %dma_start3A_128 = arith.constant 0 : i32
      %dma_start3A_129 = tpu.memref_slice %arg6[%add3A_102, %dma_start3A_128] : memref<10240x64xf32, #tpu.memory_space<vmem_shared>> -> memref<128x64xf32, #tpu.memory_space<vmem_shared>>
      tpu.enqueue_dma source(%dma_start3A_129 : memref<128x64xf32, #tpu.memory_space<vmem_shared>>) target(%dma_start3A_127 : memref<128x64xf32, #tpu.memory_space<vmem>>) target_semaphore(%run_scoped3A_117 : memref<!tpu.dma_semaphore, #tpu.memory_space<semaphore_mem>>)
      %dma_wait3A = arith.constant 0 : i32
      %dma_wait3A_130 = arith.constant 0 : i32
      %dma_wait3A_131 = tpu.memref_slice %arg9[%run_scoped3A_103, %dma_wait3A, %dma_wait3A_130] : memref<2x128x64xf32, #tpu.memory_space<vmem>> -> memref<1x128x64xf32, #tpu.memory_space<vmem>>
      %dma_wait3A_132 = tpu.memref_squeeze %dma_wait3A_131 : memref<1x128x64xf32, #tpu.memory_space<vmem>> -> memref<128x64xf32, #tpu.memory_space<vmem>>
      %dma_wait3A_133 = arith.constant 0 : i32
      %dma_wait3A_134 = tpu.memref_slice %arg6[%add3A_102, %dma_wait3A_133] : memref<10240x64xf32, #tpu.memory_space<vmem_shared>> -> memref<128x64xf32, #tpu.memory_space<vmem_shared>>
      %dma_wait3A_135 = arith.constant 0 : i32
      %dma_wait3A_136 = arith.constant 0 : i32
      %dma_wait3A_137 = tpu.memref_slice %arg9[%run_scoped3A_103, %dma_wait3A_135, %dma_wait3A_136] : memref<2x128x64xf32, #tpu.memory_space<vmem>> -> memref<1x128x64xf32, #tpu.memory_space<vmem>>
      %dma_wait3A_138 = tpu.memref_squeeze %dma_wait3A_137 : memref<1x128x64xf32, #tpu.memory_space<vmem>> -> memref<128x64xf32, #tpu.memory_space<vmem>>
      %dma_wait3A_139 = arith.constant 0 : i32
      %dma_wait3A_140 = tpu.memref_slice %arg6[%add3A_102, %dma_wait3A_139] : memref<10240x64xf32, #tpu.memory_space<vmem_shared>> -> memref<128x64xf32, #tpu.memory_space<vmem_shared>>
      tpu.wait_dma2 semaphore(%run_scoped3A_117 : memref<!tpu.dma_semaphore, #tpu.memory_space<semaphore_mem>>) src(%dma_wait3A_140 : memref<128x64xf32, #tpu.memory_space<vmem_shared>>) dst(%dma_wait3A_138 : memref<128x64xf32, #tpu.memory_space<vmem>>)
      tpu.yield
    }) : () -> ()
    %run_scoped3A_104 = arith.constant 0 : i32
    "tpu.region"() ({
      %run_scoped3A_117 = tpu.sem_alloc : memref<!tpu.dma_semaphore, #tpu.memory_space<semaphore_mem>>
      %dma_start3A_118 = arith.constant 0 : i32
      %dma_start3A_119 = arith.constant 0 : i32
      %dma_start3A_120 = tpu.memref_slice %arg9[%run_scoped3A_104, %dma_start3A_118, %dma_start3A_119] : memref<2x128x64xf32, #tpu.memory_space<vmem>> -> memref<1x128x64xf32, #tpu.memory_space<vmem>>
      %dma_start3A_121 = tpu.memref_squeeze %dma_start3A_120 : memref<1x128x64xf32, #tpu.memory_space<vmem>> -> memref<128x64xf32, #tpu.memory_space<vmem>>
      %dma_start3A_122 = arith.constant 0 : i32
      %dma_start3A_123 = tpu.memref_slice %arg5[%arg0, %add3A_102, %dma_start3A_122] : memref<2x10240x64xf32, #tpu.memory_space<hbm>> -> memref<1x128x64xf32, #tpu.memory_space<hbm>>
      %dma_start3A_124 = tpu.memref_squeeze %dma_start3A_123 : memref<1x128x64xf32, #tpu.memory_space<hbm>> -> memref<128x64xf32, #tpu.memory_space<hbm>>
      %dma_start3A_125 = arith.constant 0 : i32
      %dma_start3A_126 = tpu.memref_slice %arg5[%arg0, %add3A_102, %dma_start3A_125] : memref<2x10240x64xf32, #tpu.memory_space<hbm>> -> memref<1x128x64xf32, #tpu.memory_space<hbm>>
      %dma_start3A_127 = tpu.memref_squeeze %dma_start3A_126 : memref<1x128x64xf32, #tpu.memory_space<hbm>> -> memref<128x64xf32, #tpu.memory_space<hbm>>
      %dma_start3A_128 = arith.constant 0 : i32
      %dma_start3A_129 = arith.constant 0 : i32
      %dma_start3A_130 = tpu.memref_slice %arg9[%run_scoped3A_104, %dma_start3A_128, %dma_start3A_129] : memref<2x128x64xf32, #tpu.memory_space<vmem>> -> memref<1x128x64xf32, #tpu.memory_space<vmem>>
      %dma_start3A_131 = tpu.memref_squeeze %dma_start3A_130 : memref<1x128x64xf32, #tpu.memory_space<vmem>> -> memref<128x64xf32, #tpu.memory_space<vmem>>
      tpu.enqueue_dma source(%dma_start3A_131 : memref<128x64xf32, #tpu.memory_space<vmem>>) target(%dma_start3A_127 : memref<128x64xf32, #tpu.memory_space<hbm>>) target_semaphore(%run_scoped3A_117 : memref<!tpu.dma_semaphore, #tpu.memory_space<semaphore_mem>>)
      %dma_wait3A = arith.constant 0 : i32
      %dma_wait3A_132 = arith.constant 0 : i32
      %dma_wait3A_133 = tpu.memref_slice %arg9[%run_scoped3A_104, %dma_wait3A, %dma_wait3A_132] : memref<2x128x64xf32, #tpu.memory_space<vmem>> -> memref<1x128x64xf32, #tpu.memory_space<vmem>>
      %dma_wait3A_134 = tpu.memref_squeeze %dma_wait3A_133 : memref<1x128x64xf32, #tpu.memory_space<vmem>> -> memref<128x64xf32, #tpu.memory_space<vmem>>
      %dma_wait3A_135 = arith.constant 0 : i32
      %dma_wait3A_136 = tpu.memref_slice %arg5[%arg0, %add3A_102, %dma_wait3A_135] : memref<2x10240x64xf32, #tpu.memory_space<hbm>> -> memref<1x128x64xf32, #tpu.memory_space<hbm>>
      %dma_wait3A_137 = tpu.memref_squeeze %dma_wait3A_136 : memref<1x128x64xf32, #tpu.memory_space<hbm>> -> memref<128x64xf32, #tpu.memory_space<hbm>>
      %dma_wait3A_138 = arith.constant 0 : i32
      %dma_wait3A_139 = tpu.memref_slice %arg5[%arg0, %add3A_102, %dma_wait3A_138] : memref<2x10240x64xf32, #tpu.memory_space<hbm>> -> memref<1x128x64xf32, #tpu.memory_space<hbm>>
      %dma_wait3A_140 = tpu.memref_squeeze %dma_wait3A_139 : memref<1x128x64xf32, #tpu.memory_space<hbm>> -> memref<128x64xf32, #tpu.memory_space<hbm>>
      %dma_wait3A_141 = arith.constant 0 : i32
      %dma_wait3A_142 = arith.constant 0 : i32
      %dma_wait3A_143 = tpu.memref_slice %arg9[%run_scoped3A_104, %dma_wait3A_141, %dma_wait3A_142] : memref<2x128x64xf32, #tpu.memory_space<vmem>> -> memref<1x128x64xf32, #tpu.memory_space<vmem>>
      %dma_wait3A_144 = tpu.memref_squeeze %dma_wait3A_143 : memref<1x128x64xf32, #tpu.memory_space<vmem>> -> memref<128x64xf32, #tpu.memory_space<vmem>>
      tpu.wait_dma2 semaphore(%run_scoped3A_117 : memref<!tpu.dma_semaphore, #tpu.memory_space<semaphore_mem>>) src(%dma_wait3A_144 : memref<128x64xf32, #tpu.memory_space<vmem>>) dst(%dma_wait3A_140 : memref<128x64xf32, #tpu.memory_space<hbm>>)
      tpu.yield
    }) : () -> ()
    %add3A_105 = arith.constant 256 : i32
    %add3A_106 = arith.addi %mul3A_2, %add3A_105 : i32
    %run_scoped3A_107 = arith.constant 0 : i32
    "tpu.region"() ({
      %run_scoped3A_117 = tpu.sem_alloc : memref<!tpu.dma_semaphore, #tpu.memory_space<semaphore_mem>>
      %dma_start3A_118 = arith.constant 0 : i32
      %dma_start3A_119 = arith.constant 0 : i32
      %dma_start3A_120 = tpu.memref_slice %arg9[%run_scoped3A_107, %dma_start3A_118, %dma_start3A_119] : memref<2x128x64xf32, #tpu.memory_space<vmem>> -> memref<1x128x64xf32, #tpu.memory_space<vmem>>
      %dma_start3A_121 = tpu.memref_squeeze %dma_start3A_120 : memref<1x128x64xf32, #tpu.memory_space<vmem>> -> memref<128x64xf32, #tpu.memory_space<vmem>>
      %dma_start3A_122 = arith.constant 0 : i32
      %dma_start3A_123 = tpu.memref_slice %arg6[%add3A_106, %dma_start3A_122] : memref<10240x64xf32, #tpu.memory_space<vmem_shared>> -> memref<128x64xf32, #tpu.memory_space<vmem_shared>>
      %dma_start3A_124 = arith.constant 0 : i32
      %dma_start3A_125 = arith.constant 0 : i32
      %dma_start3A_126 = tpu.memref_slice %arg9[%run_scoped3A_107, %dma_start3A_124, %dma_start3A_125] : memref<2x128x64xf32, #tpu.memory_space<vmem>> -> memref<1x128x64xf32, #tpu.memory_space<vmem>>
      %dma_start3A_127 = tpu.memref_squeeze %dma_start3A_126 : memref<1x128x64xf32, #tpu.memory_space<vmem>> -> memref<128x64xf32, #tpu.memory_space<vmem>>
      %dma_start3A_128 = arith.constant 0 : i32
      %dma_start3A_129 = tpu.memref_slice %arg6[%add3A_106, %dma_start3A_128] : memref<10240x64xf32, #tpu.memory_space<vmem_shared>> -> memref<128x64xf32, #tpu.memory_space<vmem_shared>>
      tpu.enqueue_dma source(%dma_start3A_129 : memref<128x64xf32, #tpu.memory_space<vmem_shared>>) target(%dma_start3A_127 : memref<128x64xf32, #tpu.memory_space<vmem>>) target_semaphore(%run_scoped3A_117 : memref<!tpu.dma_semaphore, #tpu.memory_space<semaphore_mem>>)
      %dma_wait3A = arith.constant 0 : i32
      %dma_wait3A_130 = arith.constant 0 : i32
      %dma_wait3A_131 = tpu.memref_slice %arg9[%run_scoped3A_107, %dma_wait3A, %dma_wait3A_130] : memref<2x128x64xf32, #tpu.memory_space<vmem>> -> memref<1x128x64xf32, #tpu.memory_space<vmem>>
      %dma_wait3A_132 = tpu.memref_squeeze %dma_wait3A_131 : memref<1x128x64xf32, #tpu.memory_space<vmem>> -> memref<128x64xf32, #tpu.memory_space<vmem>>
      %dma_wait3A_133 = arith.constant 0 : i32
      %dma_wait3A_134 = tpu.memref_slice %arg6[%add3A_106, %dma_wait3A_133] : memref<10240x64xf32, #tpu.memory_space<vmem_shared>> -> memref<128x64xf32, #tpu.memory_space<vmem_shared>>
      %dma_wait3A_135 = arith.constant 0 : i32
      %dma_wait3A_136 = arith.constant 0 : i32
      %dma_wait3A_137 = tpu.memref_slice %arg9[%run_scoped3A_107, %dma_wait3A_135, %dma_wait3A_136] : memref<2x128x64xf32, #tpu.memory_space<vmem>> -> memref<1x128x64xf32, #tpu.memory_space<vmem>>
      %dma_wait3A_138 = tpu.memref_squeeze %dma_wait3A_137 : memref<1x128x64xf32, #tpu.memory_space<vmem>> -> memref<128x64xf32, #tpu.memory_space<vmem>>
      %dma_wait3A_139 = arith.constant 0 : i32
      %dma_wait3A_140 = tpu.memref_slice %arg6[%add3A_106, %dma_wait3A_139] : memref<10240x64xf32, #tpu.memory_space<vmem_shared>> -> memref<128x64xf32, #tpu.memory_space<vmem_shared>>
      tpu.wait_dma2 semaphore(%run_scoped3A_117 : memref<!tpu.dma_semaphore, #tpu.memory_space<semaphore_mem>>) src(%dma_wait3A_140 : memref<128x64xf32, #tpu.memory_space<vmem_shared>>) dst(%dma_wait3A_138 : memref<128x64xf32, #tpu.memory_space<vmem>>)
      tpu.yield
    }) : () -> ()
    %run_scoped3A_108 = arith.constant 0 : i32
    "tpu.region"() ({
      %run_scoped3A_117 = tpu.sem_alloc : memref<!tpu.dma_semaphore, #tpu.memory_space<semaphore_mem>>
      %dma_start3A_118 = arith.constant 0 : i32
      %dma_start3A_119 = arith.constant 0 : i32
      %dma_start3A_120 = tpu.memref_slice %arg9[%run_scoped3A_108, %dma_start3A_118, %dma_start3A_119] : memref<2x128x64xf32, #tpu.memory_space<vmem>> -> memref<1x128x64xf32, #tpu.memory_space<vmem>>
      %dma_start3A_121 = tpu.memref_squeeze %dma_start3A_120 : memref<1x128x64xf32, #tpu.memory_space<vmem>> -> memref<128x64xf32, #tpu.memory_space<vmem>>
      %dma_start3A_122 = arith.constant 0 : i32
      %dma_start3A_123 = tpu.memref_slice %arg5[%arg0, %add3A_106, %dma_start3A_122] : memref<2x10240x64xf32, #tpu.memory_space<hbm>> -> memref<1x128x64xf32, #tpu.memory_space<hbm>>
      %dma_start3A_124 = tpu.memref_squeeze %dma_start3A_123 : memref<1x128x64xf32, #tpu.memory_space<hbm>> -> memref<128x64xf32, #tpu.memory_space<hbm>>
      %dma_start3A_125 = arith.constant 0 : i32
      %dma_start3A_126 = tpu.memref_slice %arg5[%arg0, %add3A_106, %dma_start3A_125] : memref<2x10240x64xf32, #tpu.memory_space<hbm>> -> memref<1x128x64xf32, #tpu.memory_space<hbm>>
      %dma_start3A_127 = tpu.memref_squeeze %dma_start3A_126 : memref<1x128x64xf32, #tpu.memory_space<hbm>> -> memref<128x64xf32, #tpu.memory_space<hbm>>
      %dma_start3A_128 = arith.constant 0 : i32
      %dma_start3A_129 = arith.constant 0 : i32
      %dma_start3A_130 = tpu.memref_slice %arg9[%run_scoped3A_108, %dma_start3A_128, %dma_start3A_129] : memref<2x128x64xf32, #tpu.memory_space<vmem>> -> memref<1x128x64xf32, #tpu.memory_space<vmem>>
      %dma_start3A_131 = tpu.memref_squeeze %dma_start3A_130 : memref<1x128x64xf32, #tpu.memory_space<vmem>> -> memref<128x64xf32, #tpu.memory_space<vmem>>
      tpu.enqueue_dma source(%dma_start3A_131 : memref<128x64xf32, #tpu.memory_space<vmem>>) target(%dma_start3A_127 : memref<128x64xf32, #tpu.memory_space<hbm>>) target_semaphore(%run_scoped3A_117 : memref<!tpu.dma_semaphore, #tpu.memory_space<semaphore_mem>>)
      %dma_wait3A = arith.constant 0 : i32
      %dma_wait3A_132 = arith.constant 0 : i32
      %dma_wait3A_133 = tpu.memref_slice %arg9[%run_scoped3A_108, %dma_wait3A, %dma_wait3A_132] : memref<2x128x64xf32, #tpu.memory_space<vmem>> -> memref<1x128x64xf32, #tpu.memory_space<vmem>>
      %dma_wait3A_134 = tpu.memref_squeeze %dma_wait3A_133 : memref<1x128x64xf32, #tpu.memory_space<vmem>> -> memref<128x64xf32, #tpu.memory_space<vmem>>
      %dma_wait3A_135 = arith.constant 0 : i32
      %dma_wait3A_136 = tpu.memref_slice %arg5[%arg0, %add3A_106, %dma_wait3A_135] : memref<2x10240x64xf32, #tpu.memory_space<hbm>> -> memref<1x128x64xf32, #tpu.memory_space<hbm>>
      %dma_wait3A_137 = tpu.memref_squeeze %dma_wait3A_136 : memref<1x128x64xf32, #tpu.memory_space<hbm>> -> memref<128x64xf32, #tpu.memory_space<hbm>>
      %dma_wait3A_138 = arith.constant 0 : i32
      %dma_wait3A_139 = tpu.memref_slice %arg5[%arg0, %add3A_106, %dma_wait3A_138] : memref<2x10240x64xf32, #tpu.memory_space<hbm>> -> memref<1x128x64xf32, #tpu.memory_space<hbm>>
      %dma_wait3A_140 = tpu.memref_squeeze %dma_wait3A_139 : memref<1x128x64xf32, #tpu.memory_space<hbm>> -> memref<128x64xf32, #tpu.memory_space<hbm>>
      %dma_wait3A_141 = arith.constant 0 : i32
      %dma_wait3A_142 = arith.constant 0 : i32
      %dma_wait3A_143 = tpu.memref_slice %arg9[%run_scoped3A_108, %dma_wait3A_141, %dma_wait3A_142] : memref<2x128x64xf32, #tpu.memory_space<vmem>> -> memref<1x128x64xf32, #tpu.memory_space<vmem>>
      %dma_wait3A_144 = tpu.memref_squeeze %dma_wait3A_143 : memref<1x128x64xf32, #tpu.memory_space<vmem>> -> memref<128x64xf32, #tpu.memory_space<vmem>>
      tpu.wait_dma2 semaphore(%run_scoped3A_117 : memref<!tpu.dma_semaphore, #tpu.memory_space<semaphore_mem>>) src(%dma_wait3A_144 : memref<128x64xf32, #tpu.memory_space<vmem>>) dst(%dma_wait3A_140 : memref<128x64xf32, #tpu.memory_space<hbm>>)
      tpu.yield
    }) : () -> ()
    %add3A_109 = arith.constant 384 : i32
    %add3A_110 = arith.addi %mul3A_2, %add3A_109 : i32
    %run_scoped3A_111 = arith.constant 0 : i32
    "tpu.region"() ({
      %run_scoped3A_117 = tpu.sem_alloc : memref<!tpu.dma_semaphore, #tpu.memory_space<semaphore_mem>>
      %dma_start3A_118 = arith.constant 0 : i32
      %dma_start3A_119 = arith.constant 0 : i32
      %dma_start3A_120 = tpu.memref_slice %arg9[%run_scoped3A_111, %dma_start3A_118, %dma_start3A_119] : memref<2x128x64xf32, #tpu.memory_space<vmem>> -> memref<1x128x64xf32, #tpu.memory_space<vmem>>
      %dma_start3A_121 = tpu.memref_squeeze %dma_start3A_120 : memref<1x128x64xf32, #tpu.memory_space<vmem>> -> memref<128x64xf32, #tpu.memory_space<vmem>>
      %dma_start3A_122 = arith.constant 0 : i32
      %dma_start3A_123 = tpu.memref_slice %arg6[%add3A_110, %dma_start3A_122] : memref<10240x64xf32, #tpu.memory_space<vmem_shared>> -> memref<128x64xf32, #tpu.memory_space<vmem_shared>>
      %dma_start3A_124 = arith.constant 0 : i32
      %dma_start3A_125 = arith.constant 0 : i32
      %dma_start3A_126 = tpu.memref_slice %arg9[%run_scoped3A_111, %dma_start3A_124, %dma_start3A_125] : memref<2x128x64xf32, #tpu.memory_space<vmem>> -> memref<1x128x64xf32, #tpu.memory_space<vmem>>
      %dma_start3A_127 = tpu.memref_squeeze %dma_start3A_126 : memref<1x128x64xf32, #tpu.memory_space<vmem>> -> memref<128x64xf32, #tpu.memory_space<vmem>>
      %dma_start3A_128 = arith.constant 0 : i32
      %dma_start3A_129 = tpu.memref_slice %arg6[%add3A_110, %dma_start3A_128] : memref<10240x64xf32, #tpu.memory_space<vmem_shared>> -> memref<128x64xf32, #tpu.memory_space<vmem_shared>>
      tpu.enqueue_dma source(%dma_start3A_129 : memref<128x64xf32, #tpu.memory_space<vmem_shared>>) target(%dma_start3A_127 : memref<128x64xf32, #tpu.memory_space<vmem>>) target_semaphore(%run_scoped3A_117 : memref<!tpu.dma_semaphore, #tpu.memory_space<semaphore_mem>>)
      %dma_wait3A = arith.constant 0 : i32
      %dma_wait3A_130 = arith.constant 0 : i32
      %dma_wait3A_131 = tpu.memref_slice %arg9[%run_scoped3A_111, %dma_wait3A, %dma_wait3A_130] : memref<2x128x64xf32, #tpu.memory_space<vmem>> -> memref<1x128x64xf32, #tpu.memory_space<vmem>>
      %dma_wait3A_132 = tpu.memref_squeeze %dma_wait3A_131 : memref<1x128x64xf32, #tpu.memory_space<vmem>> -> memref<128x64xf32, #tpu.memory_space<vmem>>
      %dma_wait3A_133 = arith.constant 0 : i32
      %dma_wait3A_134 = tpu.memref_slice %arg6[%add3A_110, %dma_wait3A_133] : memref<10240x64xf32, #tpu.memory_space<vmem_shared>> -> memref<128x64xf32, #tpu.memory_space<vmem_shared>>
      %dma_wait3A_135 = arith.constant 0 : i32
      %dma_wait3A_136 = arith.constant 0 : i32
      %dma_wait3A_137 = tpu.memref_slice %arg9[%run_scoped3A_111, %dma_wait3A_135, %dma_wait3A_136] : memref<2x128x64xf32, #tpu.memory_space<vmem>> -> memref<1x128x64xf32, #tpu.memory_space<vmem>>
      %dma_wait3A_138 = tpu.memref_squeeze %dma_wait3A_137 : memref<1x128x64xf32, #tpu.memory_space<vmem>> -> memref<128x64xf32, #tpu.memory_space<vmem>>
      %dma_wait3A_139 = arith.constant 0 : i32
      %dma_wait3A_140 = tpu.memref_slice %arg6[%add3A_110, %dma_wait3A_139] : memref<10240x64xf32, #tpu.memory_space<vmem_shared>> -> memref<128x64xf32, #tpu.memory_space<vmem_shared>>
      tpu.wait_dma2 semaphore(%run_scoped3A_117 : memref<!tpu.dma_semaphore, #tpu.memory_space<semaphore_mem>>) src(%dma_wait3A_140 : memref<128x64xf32, #tpu.memory_space<vmem_shared>>) dst(%dma_wait3A_138 : memref<128x64xf32, #tpu.memory_space<vmem>>)
      tpu.yield
    }) : () -> ()
    %run_scoped3A_112 = arith.constant 0 : i32
    "tpu.region"() ({
      %run_scoped3A_117 = tpu.sem_alloc : memref<!tpu.dma_semaphore, #tpu.memory_space<semaphore_mem>>
      %dma_start3A_118 = arith.constant 0 : i32
      %dma_start3A_119 = arith.constant 0 : i32
      %dma_start3A_120 = tpu.memref_slice %arg9[%run_scoped3A_112, %dma_start3A_118, %dma_start3A_119] : memref<2x128x64xf32, #tpu.memory_space<vmem>> -> memref<1x128x64xf32, #tpu.memory_space<vmem>>
      %dma_start3A_121 = tpu.memref_squeeze %dma_start3A_120 : memref<1x128x64xf32, #tpu.memory_space<vmem>> -> memref<128x64xf32, #tpu.memory_space<vmem>>
      %dma_start3A_122 = arith.constant 0 : i32
      %dma_start3A_123 = tpu.memref_slice %arg5[%arg0, %add3A_110, %dma_start3A_122] : memref<2x10240x64xf32, #tpu.memory_space<hbm>> -> memref<1x128x64xf32, #tpu.memory_space<hbm>>
      %dma_start3A_124 = tpu.memref_squeeze %dma_start3A_123 : memref<1x128x64xf32, #tpu.memory_space<hbm>> -> memref<128x64xf32, #tpu.memory_space<hbm>>
      %dma_start3A_125 = arith.constant 0 : i32
      %dma_start3A_126 = tpu.memref_slice %arg5[%arg0, %add3A_110, %dma_start3A_125] : memref<2x10240x64xf32, #tpu.memory_space<hbm>> -> memref<1x128x64xf32, #tpu.memory_space<hbm>>
      %dma_start3A_127 = tpu.memref_squeeze %dma_start3A_126 : memref<1x128x64xf32, #tpu.memory_space<hbm>> -> memref<128x64xf32, #tpu.memory_space<hbm>>
      %dma_start3A_128 = arith.constant 0 : i32
      %dma_start3A_129 = arith.constant 0 : i32
      %dma_start3A_130 = tpu.memref_slice %arg9[%run_scoped3A_112, %dma_start3A_128, %dma_start3A_129] : memref<2x128x64xf32, #tpu.memory_space<vmem>> -> memref<1x128x64xf32, #tpu.memory_space<vmem>>
      %dma_start3A_131 = tpu.memref_squeeze %dma_start3A_130 : memref<1x128x64xf32, #tpu.memory_space<vmem>> -> memref<128x64xf32, #tpu.memory_space<vmem>>
      tpu.enqueue_dma source(%dma_start3A_131 : memref<128x64xf32, #tpu.memory_space<vmem>>) target(%dma_start3A_127 : memref<128x64xf32, #tpu.memory_space<hbm>>) target_semaphore(%run_scoped3A_117 : memref<!tpu.dma_semaphore, #tpu.memory_space<semaphore_mem>>)
      %dma_wait3A = arith.constant 0 : i32
      %dma_wait3A_132 = arith.constant 0 : i32
      %dma_wait3A_133 = tpu.memref_slice %arg9[%run_scoped3A_112, %dma_wait3A, %dma_wait3A_132] : memref<2x128x64xf32, #tpu.memory_space<vmem>> -> memref<1x128x64xf32, #tpu.memory_space<vmem>>
      %dma_wait3A_134 = tpu.memref_squeeze %dma_wait3A_133 : memref<1x128x64xf32, #tpu.memory_space<vmem>> -> memref<128x64xf32, #tpu.memory_space<vmem>>
      %dma_wait3A_135 = arith.constant 0 : i32
      %dma_wait3A_136 = tpu.memref_slice %arg5[%arg0, %add3A_110, %dma_wait3A_135] : memref<2x10240x64xf32, #tpu.memory_space<hbm>> -> memref<1x128x64xf32, #tpu.memory_space<hbm>>
      %dma_wait3A_137 = tpu.memref_squeeze %dma_wait3A_136 : memref<1x128x64xf32, #tpu.memory_space<hbm>> -> memref<128x64xf32, #tpu.memory_space<hbm>>
      %dma_wait3A_138 = arith.constant 0 : i32
      %dma_wait3A_139 = tpu.memref_slice %arg5[%arg0, %add3A_110, %dma_wait3A_138] : memref<2x10240x64xf32, #tpu.memory_space<hbm>> -> memref<1x128x64xf32, #tpu.memory_space<hbm>>
      %dma_wait3A_140 = tpu.memref_squeeze %dma_wait3A_139 : memref<1x128x64xf32, #tpu.memory_space<hbm>> -> memref<128x64xf32, #tpu.memory_space<hbm>>
      %dma_wait3A_141 = arith.constant 0 : i32
      %dma_wait3A_142 = arith.constant 0 : i32
      %dma_wait3A_143 = tpu.memref_slice %arg9[%run_scoped3A_112, %dma_wait3A_141, %dma_wait3A_142] : memref<2x128x64xf32, #tpu.memory_space<vmem>> -> memref<1x128x64xf32, #tpu.memory_space<vmem>>
      %dma_wait3A_144 = tpu.memref_squeeze %dma_wait3A_143 : memref<1x128x64xf32, #tpu.memory_space<vmem>> -> memref<128x64xf32, #tpu.memory_space<vmem>>
      tpu.wait_dma2 semaphore(%run_scoped3A_117 : memref<!tpu.dma_semaphore, #tpu.memory_space<semaphore_mem>>) src(%dma_wait3A_144 : memref<128x64xf32, #tpu.memory_space<vmem>>) dst(%dma_wait3A_140 : memref<128x64xf32, #tpu.memory_space<hbm>>)
      tpu.yield
    }) : () -> ()
    %add3A_113 = arith.constant 512 : i32
    %add3A_114 = arith.addi %mul3A_2, %add3A_113 : i32
    %run_scoped3A_115 = arith.constant 0 : i32
    "tpu.region"() ({
      %run_scoped3A_117 = tpu.sem_alloc : memref<!tpu.dma_semaphore, #tpu.memory_space<semaphore_mem>>
      %dma_start3A_118 = arith.constant 0 : i32
      %dma_start3A_119 = arith.constant 0 : i32
      %dma_start3A_120 = tpu.memref_slice %arg9[%run_scoped3A_115, %dma_start3A_118, %dma_start3A_119] : memref<2x128x64xf32, #tpu.memory_space<vmem>> -> memref<1x128x64xf32, #tpu.memory_space<vmem>>
      %dma_start3A_121 = tpu.memref_squeeze %dma_start3A_120 : memref<1x128x64xf32, #tpu.memory_space<vmem>> -> memref<128x64xf32, #tpu.memory_space<vmem>>
      %dma_start3A_122 = arith.constant 0 : i32
      %dma_start3A_123 = tpu.memref_slice %arg6[%add3A_114, %dma_start3A_122] : memref<10240x64xf32, #tpu.memory_space<vmem_shared>> -> memref<128x64xf32, #tpu.memory_space<vmem_shared>>
      %dma_start3A_124 = arith.constant 0 : i32
      %dma_start3A_125 = arith.constant 0 : i32
      %dma_start3A_126 = tpu.memref_slice %arg9[%run_scoped3A_115, %dma_start3A_124, %dma_start3A_125] : memref<2x128x64xf32, #tpu.memory_space<vmem>> -> memref<1x128x64xf32, #tpu.memory_space<vmem>>
      %dma_start3A_127 = tpu.memref_squeeze %dma_start3A_126 : memref<1x128x64xf32, #tpu.memory_space<vmem>> -> memref<128x64xf32, #tpu.memory_space<vmem>>
      %dma_start3A_128 = arith.constant 0 : i32
      %dma_start3A_129 = tpu.memref_slice %arg6[%add3A_114, %dma_start3A_128] : memref<10240x64xf32, #tpu.memory_space<vmem_shared>> -> memref<128x64xf32, #tpu.memory_space<vmem_shared>>
      tpu.enqueue_dma source(%dma_start3A_129 : memref<128x64xf32, #tpu.memory_space<vmem_shared>>) target(%dma_start3A_127 : memref<128x64xf32, #tpu.memory_space<vmem>>) target_semaphore(%run_scoped3A_117 : memref<!tpu.dma_semaphore, #tpu.memory_space<semaphore_mem>>)
      %dma_wait3A = arith.constant 0 : i32
      %dma_wait3A_130 = arith.constant 0 : i32
      %dma_wait3A_131 = tpu.memref_slice %arg9[%run_scoped3A_115, %dma_wait3A, %dma_wait3A_130] : memref<2x128x64xf32, #tpu.memory_space<vmem>> -> memref<1x128x64xf32, #tpu.memory_space<vmem>>
      %dma_wait3A_132 = tpu.memref_squeeze %dma_wait3A_131 : memref<1x128x64xf32, #tpu.memory_space<vmem>> -> memref<128x64xf32, #tpu.memory_space<vmem>>
      %dma_wait3A_133 = arith.constant 0 : i32
      %dma_wait3A_134 = tpu.memref_slice %arg6[%add3A_114, %dma_wait3A_133] : memref<10240x64xf32, #tpu.memory_space<vmem_shared>> -> memref<128x64xf32, #tpu.memory_space<vmem_shared>>
      %dma_wait3A_135 = arith.constant 0 : i32
      %dma_wait3A_136 = arith.constant 0 : i32
      %dma_wait3A_137 = tpu.memref_slice %arg9[%run_scoped3A_115, %dma_wait3A_135, %dma_wait3A_136] : memref<2x128x64xf32, #tpu.memory_space<vmem>> -> memref<1x128x64xf32, #tpu.memory_space<vmem>>
      %dma_wait3A_138 = tpu.memref_squeeze %dma_wait3A_137 : memref<1x128x64xf32, #tpu.memory_space<vmem>> -> memref<128x64xf32, #tpu.memory_space<vmem>>
      %dma_wait3A_139 = arith.constant 0 : i32
      %dma_wait3A_140 = tpu.memref_slice %arg6[%add3A_114, %dma_wait3A_139] : memref<10240x64xf32, #tpu.memory_space<vmem_shared>> -> memref<128x64xf32, #tpu.memory_space<vmem_shared>>
      tpu.wait_dma2 semaphore(%run_scoped3A_117 : memref<!tpu.dma_semaphore, #tpu.memory_space<semaphore_mem>>) src(%dma_wait3A_140 : memref<128x64xf32, #tpu.memory_space<vmem_shared>>) dst(%dma_wait3A_138 : memref<128x64xf32, #tpu.memory_space<vmem>>)
      tpu.yield
    }) : () -> ()
    %run_scoped3A_116 = arith.constant 0 : i32
    "tpu.region"() ({
      %run_scoped3A_117 = tpu.sem_alloc : memref<!tpu.dma_semaphore, #tpu.memory_space<semaphore_mem>>
      %dma_start3A_118 = arith.constant 0 : i32
      %dma_start3A_119 = arith.constant 0 : i32
      %dma_start3A_120 = tpu.memref_slice %arg9[%run_scoped3A_116, %dma_start3A_118, %dma_start3A_119] : memref<2x128x64xf32, #tpu.memory_space<vmem>> -> memref<1x128x64xf32, #tpu.memory_space<vmem>>
      %dma_start3A_121 = tpu.memref_squeeze %dma_start3A_120 : memref<1x128x64xf32, #tpu.memory_space<vmem>> -> memref<128x64xf32, #tpu.memory_space<vmem>>
      %dma_start3A_122 = arith.constant 0 : i32
      %dma_start3A_123 = tpu.memref_slice %arg5[%arg0, %add3A_114, %dma_start3A_122] : memref<2x10240x64xf32, #tpu.memory_space<hbm>> -> memref<1x128x64xf32, #tpu.memory_space<hbm>>
      %dma_start3A_124 = tpu.memref_squeeze %dma_start3A_123 : memref<1x128x64xf32, #tpu.memory_space<hbm>> -> memref<128x64xf32, #tpu.memory_space<hbm>>
      %dma_start3A_125 = arith.constant 0 : i32
      %dma_start3A_126 = tpu.memref_slice %arg5[%arg0, %add3A_114, %dma_start3A_125] : memref<2x10240x64xf32, #tpu.memory_space<hbm>> -> memref<1x128x64xf32, #tpu.memory_space<hbm>>
      %dma_start3A_127 = tpu.memref_squeeze %dma_start3A_126 : memref<1x128x64xf32, #tpu.memory_space<hbm>> -> memref<128x64xf32, #tpu.memory_space<hbm>>
      %dma_start3A_128 = arith.constant 0 : i32
      %dma_start3A_129 = arith.constant 0 : i32
      %dma_start3A_130 = tpu.memref_slice %arg9[%run_scoped3A_116, %dma_start3A_128, %dma_start3A_129] : memref<2x128x64xf32, #tpu.memory_space<vmem>> -> memref<1x128x64xf32, #tpu.memory_space<vmem>>
      %dma_start3A_131 = tpu.memref_squeeze %dma_start3A_130 : memref<1x128x64xf32, #tpu.memory_space<vmem>> -> memref<128x64xf32, #tpu.memory_space<vmem>>
      tpu.enqueue_dma source(%dma_start3A_131 : memref<128x64xf32, #tpu.memory_space<vmem>>) target(%dma_start3A_127 : memref<128x64xf32, #tpu.memory_space<hbm>>) target_semaphore(%run_scoped3A_117 : memref<!tpu.dma_semaphore, #tpu.memory_space<semaphore_mem>>)
      %dma_wait3A = arith.constant 0 : i32
      %dma_wait3A_132 = arith.constant 0 : i32
      %dma_wait3A_133 = tpu.memref_slice %arg9[%run_scoped3A_116, %dma_wait3A, %dma_wait3A_132] : memref<2x128x64xf32, #tpu.memory_space<vmem>> -> memref<1x128x64xf32, #tpu.memory_space<vmem>>
      %dma_wait3A_134 = tpu.memref_squeeze %dma_wait3A_133 : memref<1x128x64xf32, #tpu.memory_space<vmem>> -> memref<128x64xf32, #tpu.memory_space<vmem>>
      %dma_wait3A_135 = arith.constant 0 : i32
      %dma_wait3A_136 = tpu.memref_slice %arg5[%arg0, %add3A_114, %dma_wait3A_135] : memref<2x10240x64xf32, #tpu.memory_space<hbm>> -> memref<1x128x64xf32, #tpu.memory_space<hbm>>
      %dma_wait3A_137 = tpu.memref_squeeze %dma_wait3A_136 : memref<1x128x64xf32, #tpu.memory_space<hbm>> -> memref<128x64xf32, #tpu.memory_space<hbm>>
      %dma_wait3A_138 = arith.constant 0 : i32
      %dma_wait3A_139 = tpu.memref_slice %arg5[%arg0, %add3A_114, %dma_wait3A_138] : memref<2x10240x64xf32, #tpu.memory_space<hbm>> -> memref<1x128x64xf32, #tpu.memory_space<hbm>>
      %dma_wait3A_140 = tpu.memref_squeeze %dma_wait3A_139 : memref<1x128x64xf32, #tpu.memory_space<hbm>> -> memref<128x64xf32, #tpu.memory_space<hbm>>
      %dma_wait3A_141 = arith.constant 0 : i32
      %dma_wait3A_142 = arith.constant 0 : i32
      %dma_wait3A_143 = tpu.memref_slice %arg9[%run_scoped3A_116, %dma_wait3A_141, %dma_wait3A_142] : memref<2x128x64xf32, #tpu.memory_space<vmem>> -> memref<1x128x64xf32, #tpu.memory_space<vmem>>
      %dma_wait3A_144 = tpu.memref_squeeze %dma_wait3A_143 : memref<1x128x64xf32, #tpu.memory_space<vmem>> -> memref<128x64xf32, #tpu.memory_space<vmem>>
      tpu.wait_dma2 semaphore(%run_scoped3A_117 : memref<!tpu.dma_semaphore, #tpu.memory_space<semaphore_mem>>) src(%dma_wait3A_144 : memref<128x64xf32, #tpu.memory_space<vmem>>) dst(%dma_wait3A_140 : memref<128x64xf32, #tpu.memory_space<hbm>>)
      tpu.yield
    }) : () -> ()
    return
  }
}

module attributes {stable_mosaic.version = 14 : i64} {
  func.func @_tc_pre_body(%arg0: i32, %arg1: memref<1024x128xf32, #tpu.memory_space<vmem>>, %arg2: memref<128x128xf32, #tpu.memory_space<vmem>>, %arg3: memref<128x128xf32, #tpu.memory_space<vmem>>, %arg4: memref<1x128xf32, #tpu.memory_space<vmem>>, %arg5: memref<2x1024x64xf32, #tpu.memory_space<vmem>>, %arg6: memref<1024x128xf32, #tpu.memory_space<vmem>>) attributes {dimension_semantics = [#tpu.dimension_semantics<arbitrary>], iteration_bounds = array<i64: 10>, scalar_prefetch = 0 : i64, scratch_operands = 0 : i64, tpu.core_type = #tpu.core_type<tc>, window_params = [{transform_indices = @transform_0, window_bounds = array<i64: 1024, 128>}, {pipeline_mode = #tpu.pipeline_mode<synchronous>, transform_indices = @transform_1, window_bounds = array<i64: 128, 128>}, {pipeline_mode = #tpu.pipeline_mode<synchronous>, transform_indices = @transform_2, window_bounds = array<i64: 128, 128>}, {pipeline_mode = #tpu.pipeline_mode<synchronous>, transform_indices = @transform_3, window_bounds = array<i64: 1, 128>}, {transform_indices = @transform_4, window_bounds = array<i64: 2, 1024, 64>}, {transform_indices = @transform_5, window_bounds = array<i64: 1024, 128>}]} {
    %get3A = arith.constant 0 : index
    %get3A_0 = arith.constant 0 : index
    %get3A_1 = vector.load %arg1[%get3A, %get3A_0] : memref<1024x128xf32, #tpu.memory_space<vmem>>, vector<1024x128xf32>
    %get3A_2 = arith.constant 0 : index
    %get3A_3 = arith.constant 0 : index
    %get3A_4 = vector.load %arg2[%get3A_2, %get3A_3] : memref<128x128xf32, #tpu.memory_space<vmem>>, vector<128x128xf32>
    %dot_general3A = arith.constant dense<0.000000e+00> : vector<1024x128xf32>
    %dot_general3A_5 = tpu.matmul %get3A_1, %get3A_4, %dot_general3A {dimension_numbers = #tpu.dot_dimension_numbers<[1], [0], [0], [1], [0, 0, 1, 1], [], []>, transpose_lhs_hint = false} : vector<1024x128xf32>, vector<128x128xf32>, vector<1024x128xf32> -> vector<1024x128xf32>
    %slice3A = vector.extract_strided_slice %dot_general3A_5 {offsets = [0, 0], sizes = [1024, 64], strides = [1, 1]} : vector<1024x128xf32> to vector<1024x64xf32>
    %swap3A = arith.constant 0 : index
    %swap3A_6 = arith.constant 0 : index
    %swap3A_7 = arith.constant 0 : index
    %swap3A_8 = vector.load %arg5[%swap3A, %swap3A_6, %swap3A_7] : memref<2x1024x64xf32, #tpu.memory_space<vmem>>, vector<1x1024x64xf32>
    %swap3A_9 = vector.shape_cast %swap3A_8 : vector<1x1024x64xf32> to vector<1024x64xf32>
    %swap3A_10 = vector.shape_cast %slice3A : vector<1024x64xf32> to vector<1x1024x64xf32>
    tpu.vector_store %arg5[%swap3A, %swap3A_6, %swap3A_7], %swap3A_10 {strides = array<i32>} : memref<2x1024x64xf32, #tpu.memory_space<vmem>>, vector<1x1024x64xf32>,
    %slice3A_11 = vector.extract_strided_slice %dot_general3A_5 {offsets = [0, 64], sizes = [1024, 64], strides = [1, 1]} : vector<1024x128xf32> to vector<1024x64xf32>
    %swap3A_12 = arith.constant 1 : index
    %swap3A_13 = arith.constant 0 : index
    %swap3A_14 = arith.constant 0 : index
    %swap3A_15 = vector.load %arg5[%swap3A_12, %swap3A_13, %swap3A_14] : memref<2x1024x64xf32, #tpu.memory_space<vmem>>, vector<1x1024x64xf32>
    %swap3A_16 = vector.shape_cast %swap3A_15 : vector<1x1024x64xf32> to vector<1024x64xf32>
    %swap3A_17 = vector.shape_cast %slice3A_11 : vector<1024x64xf32> to vector<1x1024x64xf32>
    tpu.vector_store %arg5[%swap3A_12, %swap3A_13, %swap3A_14], %swap3A_17 {strides = array<i32>} : memref<2x1024x64xf32, #tpu.memory_space<vmem>>, vector<1x1024x64xf32>,
    %get3A_18 = arith.constant 0 : index
    %get3A_19 = arith.constant 0 : index
    %get3A_20 = vector.load %arg3[%get3A_18, %get3A_19] : memref<128x128xf32, #tpu.memory_space<vmem>>, vector<128x128xf32>
    %dot_general3A_21 = arith.constant dense<0.000000e+00> : vector<1024x128xf32>
    %dot_general3A_22 = tpu.matmul %get3A_1, %get3A_20, %dot_general3A_21 {dimension_numbers = #tpu.dot_dimension_numbers<[1], [0], [0], [1], [0, 0, 1, 1], [], []>, transpose_lhs_hint = false} : vector<1024x128xf32>, vector<128x128xf32>, vector<1024x128xf32> -> vector<1024x128xf32>
    %get3A_23 = arith.constant 0 : index
    %get3A_24 = arith.constant 0 : index
    %get3A_25 = vector.load %arg4[%get3A_23, %get3A_24] : memref<1x128xf32, #tpu.memory_space<vmem>>, vector<1x128xf32>
    %add3A = vector.broadcast %get3A_25 : vector<1x128xf32> to vector<1024x128xf32>
    %add3A_26 = arith.addf %dot_general3A_22, %add3A : vector<1024x128xf32>
    %swap3A_27 = arith.constant 0 : index
    %swap3A_28 = arith.constant 0 : index
    %swap3A_29 = vector.load %arg6[%swap3A_27, %swap3A_28] : memref<1024x128xf32, #tpu.memory_space<vmem>>, vector<1024x128xf32>
    tpu.vector_store %arg6[%swap3A_27, %swap3A_28], %add3A_26 {strides = array<i32>} : memref<1024x128xf32, #tpu.memory_space<vmem>>, vector<1024x128xf32>,
    return
  }
  func.func @transform_0(%arg0: i32) -> (i32, i32) {
    %c0_i32 = arith.constant 0 : i32
    %c0_i32_0 = arith.constant 0 : i32
    return %arg0, %c0_i32 : i32, i32
  }
  func.func @transform_1(%arg0: i32) -> (i32, i32) {
    %c0_i32 = arith.constant 0 : i32
    %c0_i32_0 = arith.constant 0 : i32
    %c0_i32_1 = arith.constant 0 : i32
    return %c0_i32, %c0_i32_0 : i32, i32
  }
  func.func @transform_2(%arg0: i32) -> (i32, i32) {
    %c0_i32 = arith.constant 0 : i32
    %c0_i32_0 = arith.constant 0 : i32
    %c0_i32_1 = arith.constant 0 : i32
    return %c0_i32, %c0_i32_0 : i32, i32
  }
  func.func @transform_3(%arg0: i32) -> (i32, i32) {
    %c0_i32 = arith.constant 0 : i32
    %c0_i32_0 = arith.constant 0 : i32
    %c0_i32_1 = arith.constant 0 : i32
    return %c0_i32, %c0_i32_0 : i32, i32
  }
  func.func @transform_4(%arg0: i32) -> (i32, i32, i32) {
    %c0_i32 = arith.constant 0 : i32
    %c0_i32_0 = arith.constant 0 : i32
    %c0_i32_1 = arith.constant 0 : i32
    return %c0_i32, %arg0, %c0_i32_0 : i32, i32, i32
  }
  func.func @transform_5(%arg0: i32) -> (i32, i32) {
    %c0_i32 = arith.constant 0 : i32
    %c0_i32_0 = arith.constant 0 : i32
    return %arg0, %c0_i32 : i32, i32
  }
}

module attributes {stable_mosaic.version = 14 : i64} {
  func.func @_tc_mid_body(%arg0: i32, %arg1: memref<1x1024x64xf32, #tpu.memory_space<vmem>>, %arg2: memref<1x1024x64xf32, #tpu.memory_space<vmem>>, %arg3: memref<1x1024x16xf32, #tpu.memory_space<vmem>>, %arg4: memref<1x1024x16xf32, #tpu.memory_space<vmem>>, %arg5: memref<1024x128xf32, #tpu.memory_space<vmem>>, %arg6: memref<128x64xf32, #tpu.memory_space<vmem>>, %arg7: memref<128x64xf32, #tpu.memory_space<vmem>>, %arg8: memref<1x64xf32, #tpu.memory_space<vmem>>, %arg9: memref<1024x64xf32, #tpu.memory_space<vmem>>, %arg10: memref<1024x64xf32, #tpu.memory_space<vmem>>) attributes {dimension_semantics = [#tpu.dimension_semantics<arbitrary>], iteration_bounds = array<i64: 10>, scalar_prefetch = 0 : i64, scratch_operands = 0 : i64, tpu.core_type = #tpu.core_type<tc>, window_params = [{transform_indices = @transform_0, window_bounds = array<i64: 1, 1024, 64>}, {transform_indices = @transform_1, window_bounds = array<i64: 1, 1024, 64>}, {transform_indices = @transform_2, window_bounds = array<i64: 1, 1024, 16>}, {transform_indices = @transform_3, window_bounds = array<i64: 1, 1024, 16>}, {transform_indices = @transform_4, window_bounds = array<i64: 1024, 128>}, {pipeline_mode = #tpu.pipeline_mode<synchronous>, transform_indices = @transform_5, window_bounds = array<i64: 128, 64>}, {pipeline_mode = #tpu.pipeline_mode<synchronous>, transform_indices = @transform_6, window_bounds = array<i64: 128, 64>}, {pipeline_mode = #tpu.pipeline_mode<synchronous>, transform_indices = @transform_7, window_bounds = array<i64: 1, 64>}, {transform_indices = @transform_8, window_bounds = array<i64: 1024, 64>}, {transform_indices = @transform_9, window_bounds = array<i64: 1024, 64>}]} {
    %get3A = arith.constant 0 : index
    %get3A_0 = arith.constant 0 : index
    %get3A_1 = arith.constant 0 : index
    %get3A_2 = vector.load %arg3[%get3A, %get3A_0, %get3A_1] : memref<1x1024x16xf32, #tpu.memory_space<vmem>>, vector<1x1024x1xf32>
    %get3A_3 = vector.shape_cast %get3A_2 : vector<1x1024x1xf32> to vector<1024x1xf32>
    %get3A_4 = arith.constant 0 : index
    %get3A_5 = arith.constant 0 : index
    %get3A_6 = arith.constant 0 : index
    %get3A_7 = vector.load %arg4[%get3A_4, %get3A_5, %get3A_6] : memref<1x1024x16xf32, #tpu.memory_space<vmem>>, vector<1x1024x1xf32>
    %get3A_8 = vector.shape_cast %get3A_7 : vector<1x1024x1xf32> to vector<1024x1xf32>
    %add3A = arith.addf %get3A_3, %get3A_8 : vector<1024x1xf32>
    %max3A = arith.constant 1.000000e+00 : f32
    %max3A_9 = vector.broadcast %max3A : f32 to vector<1024x1xf32>
    %max3A_10 = arith.maximumf %add3A, %max3A_9 : vector<1024x1xf32>
    %get3A_11 = arith.constant 0 : index
    %get3A_12 = arith.constant 0 : index
    %get3A_13 = arith.constant 0 : index
    %get3A_14 = vector.load %arg1[%get3A_11, %get3A_12, %get3A_13] : memref<1x1024x64xf32, #tpu.memory_space<vmem>>, vector<1x1024x64xf32>
    %get3A_15 = vector.shape_cast %get3A_14 : vector<1x1024x64xf32> to vector<1024x64xf32>
    %get3A_16 = arith.constant 0 : index
    %get3A_17 = arith.constant 0 : index
    %get3A_18 = arith.constant 0 : index
    %get3A_19 = vector.load %arg2[%get3A_16, %get3A_17, %get3A_18] : memref<1x1024x64xf32, #tpu.memory_space<vmem>>, vector<1x1024x64xf32>
    %get3A_20 = vector.shape_cast %get3A_19 : vector<1x1024x64xf32> to vector<1024x64xf32>
    %concatenate3A = tpu.concatenate %get3A_15, %get3A_20 in 1 : vector<1024x64xf32>, vector<1024x64xf32> -> vector<1024x128xf32>
    %div3A = vector.broadcast %max3A_10 : vector<1024x1xf32> to vector<1024x128xf32>
    %div3A_21 = arith.divf %concatenate3A, %div3A : vector<1024x128xf32>
    %get3A_22 = arith.constant 0 : index
    %get3A_23 = arith.constant 0 : index
    %get3A_24 = vector.load %arg5[%get3A_22, %get3A_23] : memref<1024x128xf32, #tpu.memory_space<vmem>>, vector<1024x128xf32>
    %add3A_25 = arith.addf %div3A_21, %get3A_24 : vector<1024x128xf32>
    %max3A_26 = arith.constant 0.000000e+00 : f32
    %max3A_27 = vector.broadcast %max3A_26 : f32 to vector<1024x128xf32>
    %max3A_28 = arith.maximumf %add3A_25, %max3A_27 : vector<1024x128xf32>
    %get3A_29 = arith.constant 0 : index
    %get3A_30 = arith.constant 0 : index
    %get3A_31 = vector.load %arg6[%get3A_29, %get3A_30] : memref<128x64xf32, #tpu.memory_space<vmem>>, vector<128x64xf32>
    %dot_general3A = arith.constant dense<0.000000e+00> : vector<1024x64xf32>
    %dot_general3A_32 = tpu.matmul %max3A_28, %get3A_31, %dot_general3A {dimension_numbers = #tpu.dot_dimension_numbers<[1], [0], [0], [1], [0, 0, 1, 1], [], []>, transpose_lhs_hint = false} : vector<1024x128xf32>, vector<128x64xf32>, vector<1024x64xf32> -> vector<1024x64xf32>
    %swap3A = arith.constant 0 : index
    %swap3A_33 = arith.constant 0 : index
    %swap3A_34 = vector.load %arg9[%swap3A, %swap3A_33] : memref<1024x64xf32, #tpu.memory_space<vmem>>, vector<1024x64xf32>
    tpu.vector_store %arg9[%swap3A, %swap3A_33], %dot_general3A_32 {strides = array<i32>} : memref<1024x64xf32, #tpu.memory_space<vmem>>, vector<1024x64xf32>,
    %get3A_35 = arith.constant 0 : index
    %get3A_36 = arith.constant 0 : index
    %get3A_37 = vector.load %arg7[%get3A_35, %get3A_36] : memref<128x64xf32, #tpu.memory_space<vmem>>, vector<128x64xf32>
    %dot_general3A_38 = arith.constant dense<0.000000e+00> : vector<1024x64xf32>
    %dot_general3A_39 = tpu.matmul %max3A_28, %get3A_37, %dot_general3A_38 {dimension_numbers = #tpu.dot_dimension_numbers<[1], [0], [0], [1], [0, 0, 1, 1], [], []>, transpose_lhs_hint = false} : vector<1024x128xf32>, vector<128x64xf32>, vector<1024x64xf32> -> vector<1024x64xf32>
    %get3A_40 = arith.constant 0 : index
    %get3A_41 = arith.constant 0 : index
    %get3A_42 = vector.load %arg8[%get3A_40, %get3A_41] : memref<1x64xf32, #tpu.memory_space<vmem>>, vector<1x64xf32>
    %add3A_43 = vector.broadcast %get3A_42 : vector<1x64xf32> to vector<1024x64xf32>
    %add3A_44 = arith.addf %dot_general3A_39, %add3A_43 : vector<1024x64xf32>
    %swap3A_45 = arith.constant 0 : index
    %swap3A_46 = arith.constant 0 : index
    %swap3A_47 = vector.load %arg10[%swap3A_45, %swap3A_46] : memref<1024x64xf32, #tpu.memory_space<vmem>>, vector<1024x64xf32>
    tpu.vector_store %arg10[%swap3A_45, %swap3A_46], %add3A_44 {strides = array<i32>} : memref<1024x64xf32, #tpu.memory_space<vmem>>, vector<1024x64xf32>,
    return
  }
  func.func @transform_0(%arg0: i32) -> (i32, i32, i32) {
    %c0_i32 = arith.constant 0 : i32
    %c0_i32_0 = arith.constant 0 : i32
    %c0_i32_1 = arith.constant 0 : i32
    return %c0_i32, %arg0, %c0_i32_0 : i32, i32, i32
  }
  func.func @transform_1(%arg0: i32) -> (i32, i32, i32) {
    %c1_i32 = arith.constant 1 : i32
    %c0_i32 = arith.constant 0 : i32
    %c0_i32_0 = arith.constant 0 : i32
    return %c1_i32, %arg0, %c0_i32 : i32, i32, i32
  }
  func.func @transform_2(%arg0: i32) -> (i32, i32, i32) {
    %c0_i32 = arith.constant 0 : i32
    %c0_i32_0 = arith.constant 0 : i32
    %c0_i32_1 = arith.constant 0 : i32
    return %c0_i32, %arg0, %c0_i32_0 : i32, i32, i32
  }
  func.func @transform_3(%arg0: i32) -> (i32, i32, i32) {
    %c1_i32 = arith.constant 1 : i32
    %c0_i32 = arith.constant 0 : i32
    %c0_i32_0 = arith.constant 0 : i32
    return %c1_i32, %arg0, %c0_i32 : i32, i32, i32
  }
  func.func @transform_4(%arg0: i32) -> (i32, i32) {
    %c0_i32 = arith.constant 0 : i32
    %c0_i32_0 = arith.constant 0 : i32
    return %arg0, %c0_i32 : i32, i32
  }
  func.func @transform_5(%arg0: i32) -> (i32, i32) {
    %c0_i32 = arith.constant 0 : i32
    %c0_i32_0 = arith.constant 0 : i32
    %c0_i32_1 = arith.constant 0 : i32
    return %c0_i32, %c0_i32_0 : i32, i32
  }
  func.func @transform_6(%arg0: i32) -> (i32, i32) {
    %c0_i32 = arith.constant 0 : i32
    %c0_i32_0 = arith.constant 0 : i32
    %c0_i32_1 = arith.constant 0 : i32
    return %c0_i32, %c0_i32_0 : i32, i32
  }
  func.func @transform_7(%arg0: i32) -> (i32, i32) {
    %c0_i32 = arith.constant 0 : i32
    %c0_i32_0 = arith.constant 0 : i32
    %c0_i32_1 = arith.constant 0 : i32
    return %c0_i32, %c0_i32_0 : i32, i32
  }
  func.func @transform_8(%arg0: i32) -> (i32, i32) {
    %c0_i32 = arith.constant 0 : i32
    %c0_i32_0 = arith.constant 0 : i32
    return %arg0, %c0_i32 : i32, i32
  }
  func.func @transform_9(%arg0: i32) -> (i32, i32) {
    %c0_i32 = arith.constant 0 : i32
    %c0_i32_0 = arith.constant 0 : i32
    return %arg0, %c0_i32 : i32, i32
  }
}

module attributes {stable_mosaic.version = 14 : i64} {
  func.func @_tc_post_body(%arg0: i32, %arg1: memref<1x1024x64xf32, #tpu.memory_space<vmem>>, %arg2: memref<1x1024x64xf32, #tpu.memory_space<vmem>>, %arg3: memref<1x1024x16xf32, #tpu.memory_space<vmem>>, %arg4: memref<1x1024x16xf32, #tpu.memory_space<vmem>>, %arg5: memref<1024x64xf32, #tpu.memory_space<vmem>>, %arg6: memref<1024x64xf32, #tpu.memory_space<vmem>>) attributes {dimension_semantics = [#tpu.dimension_semantics<arbitrary>], iteration_bounds = array<i64: 10>, scalar_prefetch = 0 : i64, scratch_operands = 0 : i64, tpu.core_type = #tpu.core_type<tc>, window_params = [{transform_indices = @transform_0, window_bounds = array<i64: 1, 1024, 64>}, {transform_indices = @transform_1, window_bounds = array<i64: 1, 1024, 64>}, {transform_indices = @transform_2, window_bounds = array<i64: 1, 1024, 16>}, {transform_indices = @transform_3, window_bounds = array<i64: 1, 1024, 16>}, {transform_indices = @transform_4, window_bounds = array<i64: 1024, 64>}, {transform_indices = @transform_5, window_bounds = array<i64: 1024, 64>}]} {
    %get3A = arith.constant 0 : index
    %get3A_0 = arith.constant 0 : index
    %get3A_1 = arith.constant 0 : index
    %get3A_2 = vector.load %arg3[%get3A, %get3A_0, %get3A_1] : memref<1x1024x16xf32, #tpu.memory_space<vmem>>, vector<1x1024x1xf32>
    %get3A_3 = vector.shape_cast %get3A_2 : vector<1x1024x1xf32> to vector<1024x1xf32>
    %get3A_4 = arith.constant 0 : index
    %get3A_5 = arith.constant 0 : index
    %get3A_6 = arith.constant 0 : index
    %get3A_7 = vector.load %arg4[%get3A_4, %get3A_5, %get3A_6] : memref<1x1024x16xf32, #tpu.memory_space<vmem>>, vector<1x1024x1xf32>
    %get3A_8 = vector.shape_cast %get3A_7 : vector<1x1024x1xf32> to vector<1024x1xf32>
    %add3A = arith.addf %get3A_3, %get3A_8 : vector<1024x1xf32>
    %max3A = arith.constant 1.000000e+00 : f32
    %max3A_9 = vector.broadcast %max3A : f32 to vector<1024x1xf32>
    %max3A_10 = arith.maximumf %add3A, %max3A_9 : vector<1024x1xf32>
    %get3A_11 = arith.constant 0 : index
    %get3A_12 = arith.constant 0 : index
    %get3A_13 = arith.constant 0 : index
    %get3A_14 = vector.load %arg1[%get3A_11, %get3A_12, %get3A_13] : memref<1x1024x64xf32, #tpu.memory_space<vmem>>, vector<1x1024x64xf32>
    %get3A_15 = vector.shape_cast %get3A_14 : vector<1x1024x64xf32> to vector<1024x64xf32>
    %get3A_16 = arith.constant 0 : index
    %get3A_17 = arith.constant 0 : index
    %get3A_18 = arith.constant 0 : index
    %get3A_19 = vector.load %arg2[%get3A_16, %get3A_17, %get3A_18] : memref<1x1024x64xf32, #tpu.memory_space<vmem>>, vector<1x1024x64xf32>
    %get3A_20 = vector.shape_cast %get3A_19 : vector<1x1024x64xf32> to vector<1024x64xf32>
    %add3A_21 = arith.addf %get3A_15, %get3A_20 : vector<1024x64xf32>
    %div3A = vector.broadcast %max3A_10 : vector<1024x1xf32> to vector<1024x64xf32>
    %div3A_22 = arith.divf %add3A_21, %div3A : vector<1024x64xf32>
    %get3A_23 = arith.constant 0 : index
    %get3A_24 = arith.constant 0 : index
    %get3A_25 = vector.load %arg5[%get3A_23, %get3A_24] : memref<1024x64xf32, #tpu.memory_space<vmem>>, vector<1024x64xf32>
    %add3A_26 = arith.addf %div3A_22, %get3A_25 : vector<1024x64xf32>
    %swap3A = arith.constant 0 : index
    %swap3A_27 = arith.constant 0 : index
    %swap3A_28 = vector.load %arg6[%swap3A, %swap3A_27] : memref<1024x64xf32, #tpu.memory_space<vmem>>, vector<1024x64xf32>
    tpu.vector_store %arg6[%swap3A, %swap3A_27], %add3A_26 {strides = array<i32>} : memref<1024x64xf32, #tpu.memory_space<vmem>>, vector<1024x64xf32>,
    return
  }
  func.func @transform_0(%arg0: i32) -> (i32, i32, i32) {
    %c0_i32 = arith.constant 0 : i32
    %c0_i32_0 = arith.constant 0 : i32
    %c0_i32_1 = arith.constant 0 : i32
    return %c0_i32, %arg0, %c0_i32_0 : i32, i32, i32
  }
  func.func @transform_1(%arg0: i32) -> (i32, i32, i32) {
    %c1_i32 = arith.constant 1 : i32
    %c0_i32 = arith.constant 0 : i32
    %c0_i32_0 = arith.constant 0 : i32
    return %c1_i32, %arg0, %c0_i32 : i32, i32, i32
  }
  func.func @transform_2(%arg0: i32) -> (i32, i32, i32) {
    %c0_i32 = arith.constant 0 : i32
    %c0_i32_0 = arith.constant 0 : i32
    %c0_i32_1 = arith.constant 0 : i32
    return %c0_i32, %arg0, %c0_i32_0 : i32, i32, i32
  }
  func.func @transform_3(%arg0: i32) -> (i32, i32, i32) {
    %c1_i32 = arith.constant 1 : i32
    %c0_i32 = arith.constant 0 : i32
    %c0_i32_0 = arith.constant 0 : i32
    return %c1_i32, %arg0, %c0_i32 : i32, i32, i32
  }
  func.func @transform_4(%arg0: i32) -> (i32, i32) {
    %c0_i32 = arith.constant 0 : i32
    %c0_i32_0 = arith.constant 0 : i32
    return %arg0, %c0_i32 : i32, i32
  }
  func.func @transform_5(%arg0: i32) -> (i32, i32) {
    %c0_i32 = arith.constant 0 : i32
    %c0_i32_0 = arith.constant 0 : i32
    return %arg0, %c0_i32 : i32, i32
  }
}

</mosaic_0001>

<sc_bundles>
// kernel: kernel.10.cloned.1.call-start
scs
__scs_entry_jumppad:
0x0: {  	(pc) =	sbr.rel $0x88, $3  }
0x1: {  	(tag) =	ssettag $0x0;
	lr =	simm.s32 $0x1  }
0x2: {  	[smem:$0x3F99] =	sst lr;
	_ =	strace $0xD0000000  }
0x3: {  	_ = 	snop  }
0x4: {  	_ = 	snop  }
0x5: {  	_ = 	snop  }
0x6: {  	_ = 	snop  }
0x7: {  	_ = 	snop  }
__scs_overlays_trampoline_lowered:
0x8: {  	[smem:$0x3FA8] =	sst s0  }
0x9: {  	[smem:$0x3FA9] =	sst s1  }
0xa: {  	[smem:$0x3FAA] =	sst s2  }
0xb: {  	[smem:$0x3FAB] =	sst s3  }
0xc: {  	[smem:$0x3FAC] =	sst s4  }
0xd: {  	[smem:$0x3FAD] =	sst s5  }
0xe: {  	[smem:$0x3FAE] =	sst s6  }
0xf: {  	[smem:$0x3FAF] =	sst s7  }
0x10: {  	[smem:$0x3FB0] =	sst s8  }
0x11: {  	[smem:$0x3FB1] =	sst s9;
	s0 =	simm.s32 @!p0 $0x0  }
0x12: {  	s1 =	sld [smem:$0x3F97];
	s0 =	simm.s32 @p0 $0x1  }
0x13: {  	[smem:$0x3FB2] =	sst s0;
	s0 =	simm.s32 @!p1 $0x0  }
0x14: {  	s2 =	sld [smem:$0x3F96];
	s0 =	simm.s32 @p1 $0x1  }
0x15: {  	[smem:$0x3FB3] =	sst s0;
	s0 =	simm.s32 @!p2 $0x0  }
0x16: {  	s3 =	sld [smem:$0x3FDB];
	s0 =	simm.s32 @p2 $0x1  }
0x17: {  	s4 =	simm.s32 $0x1BF5;
	[smem:$0x3FB5] =	sst s0  }
0x18: {  	s0 =	sld [smem:$0x3F98];
	_ =	swait.ge [sflag:s4], $0x0  }
0x19: {  	s7 =	sld [smem:$0x3F99]  }
0x1a: {  	s8 =	sadd.s32 $0xFFFFE003, lr  }
0x1b: {  	s9 =	sadd.s32 $0xFFFFFEF7, lr;
	s5 =	simm.s32 $0xFFFFFFFF;
	p2 =	slt.u32 s8, $0xFFFFF086  }
0x1c: {  	p1 =	slt.u32 s9, $0xF7A;
	s5 =	simm.s32 @!p2 $0x0  }
0x1d: {  	s5 =	simm.s32 @p1 $0x1;
	p0 =	seq.s32 s7, s2  }
0x1e: {  	s7 =	smul.u32 @!p0 $0xF7A, s2;
	p2 =	seq.s32 @!p0 s5, $0x0  }
0x1f: {  	s9 =	smul.u32 $0xF7A, s1;
	s8 =	simm.s32 @!p0 $0x1BF5;
	p2 =	por !p2, p0  }
0x20: {  	[sflag:s8] =	ssyncset.s32 @!p0 $0xFFFFF086;
	s6 =	sadd.s32 @!p0 s3, s7;
	s7 =	simm.s32 @!p0 $0x108  }
0x21: {  	s3 =	sadd.s32 s3, s9;
	s6 =	sadd.s32 @!p0 $0x88, s6;
	s7 =	simm.s32 @p2 $0x1082  }
0x22: {  	[simem:s7], [sflag:s8] =	dma.local @!p0 [hbm:s6], $0xF7A  }
0x23: {  	s9 =	sor.u32 $0xD0000000, s2;
	s6 =	simm.s32 $0x108;
	_ =	swait.ge @!p0 [sflag:s8], $0x0  }
0x24: {  	s3 =	sadd.s32 $0x88, s3;
	s6 =	simm.s32 @!p1 $0x1082;
	[sflag:s4] =	ssyncset.s32 $0xFFFFF086  }
0x25: {  	[simem:s6], [sflag:s4] =	dma.local [hbm:s3], $0xF7A  }
0x26: {  	[smem:$0x3F99] =	sst s1;
	(tag) =	ssettag s2;
	_ =	strace s9  }
0x27: {  	s1 =	sld [smem:$0x3FA9]  }
0x28: {  	s2 =	sld [smem:$0x3FAA]  }
0x29: {  	s4 =	sld [smem:$0x3FAC]  }
0x2a: {  	p0 =	seq.s32 s5, $0x0;
	s5 =	sld [smem:$0x3FAD]  }
0x2b: {  	s6 =	sld [smem:$0x3FAE]  }
0x2c: {  	s7 =	sld [smem:$0x3FAF]  }
0x2d: {  	s3 =	simm.s32 $0x108;
	s8 =	sld [smem:$0x3FB0]  }
0x2e: {  	s3 =	simm.s32 @!p0 $0x1082;
	s9 =	sld [smem:$0x3FB1]  }
0x2f: {  	lr =	sadd.s32 s0, s3;
	s0 =	sld [smem:$0x3FA8]  }
0x30: {  	s3 =	sld [smem:$0x3FAB]  }
0x31: {  	[smem:$0x3FB4] =	sst s10  }
0x32: {  	s10 =	sld [smem:$0x3FB2];
	_ =	sdelay $0x3  }
0x33: {  	p0 =	seq.s32 s10, $0x1;
	s10 =	sld [smem:$0x3FB4];
	_ =	sdelay $0x3  }
0x34: {  	[smem:$0x3FB4] =	sst s10  }
0x35: {  	s10 =	sld [smem:$0x3FB3];
	_ =	sdelay $0x3  }
0x36: {  	p1 =	seq.s32 s10, $0x1;
	s10 =	sld [smem:$0x3FB4];
	_ =	sdelay $0x3  }
0x37: {  	[smem:$0x3FB4] =	sst s10  }
0x38: {  	s10 =	sld [smem:$0x3FB5]  }
0x39: {  	_ = 	snop;
	(pc) =	sbr.ind lr, $3  }
0x3a: {  	_ = 	snop  }
0x3b: {  	_ = 	snop  }
0x3c: {  	p2 =	seq.s32 s10, $0x1;
	s10 =	sld [smem:$0x3FB4]  }
0x3d: {  	_ =	shalt  }
0x3e: {  	_ =	shalt  }
0x3f: {  	_ =	shalt  }
0x40: {  	_ =	shalt  }
0x41: {  	_ =	shalt  }
0x42: {  	_ =	shalt  }
0x43: {  	_ =	shalt  }
0x44: {  	_ =	shalt  }
0x45: {  	_ =	shalt  }
0x46: {  	_ =	shalt  }
0x47: {  	_ =	shalt  }
0x48: {  	_ =	shalt  }
0x49: {  	_ =	shalt  }
0x4a: {  	_ =	shalt  }
0x4b: {  	_ =	shalt  }
0x4c: {  	_ =	shalt  }
0x4d: {  	_ =	shalt  }
0x4e: {  	_ =	shalt  }
0x4f: {  	_ =	shalt  }
0x50: {  	_ =	shalt  }
0x51: {  	_ =	shalt  }
0x52: {  	_ =	shalt  }
0x53: {  	_ =	shalt  }
0x54: {  	_ =	shalt  }
0x55: {  	_ =	shalt  }
0x56: {  	_ =	shalt  }
0x57: {  	_ =	shalt  }
0x58: {  	_ =	shalt  }
0x59: {  	_ =	shalt  }
0x5a: {  	_ =	shalt  }
0x5b: {  	_ =	shalt  }
0x5c: {  	_ =	shalt  }
0x5d: {  	_ =	shalt  }
0x5e: {  	_ =	shalt  }
0x5f: {  	_ =	shalt  }
0x60: {  	_ =	shalt  }
0x61: {  	_ =	shalt  }
0x62: {  	_ =	shalt  }
0x63: {  	_ =	shalt  }
0x64: {  	_ =	shalt  }
0x65: {  	_ =	shalt  }
0x66: {  	_ =	shalt  }
0x67: {  	_ =	shalt  }
0x68: {  	_ =	shalt  }
0x69: {  	_ =	shalt  }
0x6a: {  	_ =	shalt  }
0x6b: {  	_ =	shalt  }
0x6c: {  	_ =	shalt  }
0x6d: {  	_ =	shalt  }
0x6e: {  	_ =	shalt  }
0x6f: {  	_ =	shalt  }
0x70: {  	_ =	shalt  }
0x71: {  	_ =	shalt  }
0x72: {  	_ =	shalt  }
0x73: {  	_ =	shalt  }
0x74: {  	_ =	shalt  }
0x75: {  	_ =	shalt  }
0x76: {  	_ =	shalt  }
0x77: {  	_ =	shalt  }
0x78: {  	_ =	shalt  }
0x79: {  	_ =	shalt  }
0x7a: {  	_ =	shalt  }
0x7b: {  	_ =	shalt  }
0x7c: {  	_ =	shalt  }
0x7d: {  	_ =	shalt  }
0x7e: {  	_ =	shalt  }
0x7f: {  	_ =	shalt  }
0x80: {  	_ =	shalt  }
0x81: {  	_ =	shalt  }
0x82: {  	_ =	shalt  }
0x83: {  	_ =	shalt  }
0x84: {  	_ =	shalt  }
0x85: {  	_ =	shalt  }
0x86: {  	_ =	shalt  }
0x87: {  	_ =	shalt  }
.Lfunc_end0:
.L_simem_size_0:
called_computation.1_lowered:
.L_overlay_start_0:
0x88: {  	s2 =	sld [smem:$0x3FD9]  }
0x89: {  	s3 =	sld [smem:$0x3FFE];
	_ =	sdelay $0x1  }
0x8a: {  	s1 =	srdreg.scid  }
0x8b: {  	s0 =	sand.u32 $0x1, s1  }
0x8c: {  	s16 =	sshll.u32 s0, $0xA;
	s2 =	sadd.s32 s3, s2  }
0x8d: {  	s2 =	sadd.s32 s2, s16  }
0x8e: {  	[smem:$0x3FC0] =	sst s2  }
0x8f: {  	_ = 	snop  }
0x90: {  	(tm) =	ssettm $0x1  }
0x91: {  	s17 =	sld [smem:$0x3FFB];
	_ =	sdelay $0x3  }
0x92: {  	_ =	strace s17  }
0x93: {  	s2 =	sld [smem:$0x3FFC];
	_ =	sdelay $0x3  }
0x94: {  	_ =	strace s2  }
0x95: {  	s2 =	sld [smem:$0x3FFD];
	_ =	sdelay $0x3  }
0x96: {  	_ =	strace s2  }
0x97: {  	_ =	strace $0x8FFFFFFF  }
0x98: {  	s18 =	sld [smem:$0x3FDB];
	_ =	sdelay $0x1  }
0x99: {  	s19 =	simm.s32 $_scs_section_size  }
0x9a: {  	s4 =	simm.s32 $_size__tile_overlayer_lowered;
	s5 =	simm.s32 $_tile_overlayer_lowered  }
0x9b: {  	s22 =	simm.s32 $0x1BFF;
	s21 =	sshll.u32 s5, $0x1;
	s2 =	sadd.s32 s19, s18  }
0x9c: {  	s6 =	simm.s32 $0x0;
	s20 =	sshll.u32 s4, $0x1;
	s4 =	sadd.s32 s21, s2  }
0x9d: {  	[timem:s6], [sflag:s22] =	dma.local [hbm:s4], s20  }
0x9e: {  	_ =	swait.ge [sflag:s22], s20  }
0x9f: {  	s3 =	ssub.s32 $0x0, s20;
	[sflag:s22] =	ssyncset.done $0x0  }
0xa0: {  	[sflag:s22] =	ssyncadd.s32 s3;
	_ =	sdelay $0x1  }
0xa1: {  	s23 =	simm.s32 $0x1B8B  }
0xa2: {  	_ =	swait.ge [sflag:s23], $0x1  }
0xa3: {  	[sflag:s23] =	ssyncset.done $0x0  }
0xa4: {  	s25 =	simm.s32 $0x1B8E;
	s24 =	sld [smem:$0x3FFE];
	[sflag:s23] =	ssyncadd.s32 $0xFFFFFFFF  }
0xa5: {  	s26 =	simm.s32 $execute0_lowered;
	[smem:$0x3FD2] =	sst s25  }
0xa6: {  	s4 =	sshll.u32 s26, $0x1;
	_ =	strace $0x80000049;
	[dreg:$0x1] =	wrdreg $0xFFFFFFFF  }
0xa7: {  	s28 =	simm.s32 $_size_execute0_lowered;
	s2 =	sadd.s32 s2, s4;
	[dreg:$0x0] =	wrdreg $0x0  }
0xa8: {  	s4 =	sshll.u32 s28, $0x1;
	[dreg:$0x2] =	wrdreg s2  }
0xa9: {  	[dreg:$0x3] =	wrdreg s4  }
0xaa: {  	[dreg:$0x4] =	wrdreg $0xC0  }
0xab: {  	_ =	task [dreg:s6], $0x5FFFF  }
0xac: {  	[dreg:$0x1] =	wrdreg $0xFFFFFFFF  }
0xad: {  	[dreg:$0x0] =	wrdreg $0x60  }
0xae: {  	[dreg:$0x2] =	wrdreg s24  }
0xaf: {  	[dreg:$0x3] =	wrdreg $0x0  }
0xb0: {  	[dreg:$0x4] =	wrdreg $0xA0000  }
0xb1: {  	[dreg:$0x5] =	wrdreg $0x9  }
0xb2: {  	_ =	task.clear_ibuf [dreg:s6], $0x6FFFF;
	_ =	strace $0x90000049  }
0xb3: {  	s29 =	simm.s32 $0x9;
	_ =	strace $0x8000004B  }
0xb4: {  	_ =	swait.ge [sflag:s29], $0x1  }
0xb5: {  	[sflag:s29] =	ssyncadd.s32 $0xFFFFFFFF  }
0xb6: {  	_ =	strace $0x9000004B  }
0xb7: {  	_ =	sfence  }
0xb8: {  	s30 =	sld [smem:$0x0];
	_ =	sdelay $0x2  }
0xb9: {  	s31 =	sshll.u32 s1, $0xD;
	s1 =	sshrl.u32 s1, $0x2  }
0xba: {  	s3 =	sand.u32 $0x4000, s31;
	s1 =	sadd.s32 s1, s30  }
0xbb: {  	s0 =	sor.u32 s3, s0;
	s1 =	sshll.u32 s1, $0x11  }
0xbc: {  	s0 =	sor.u32 s1, s0  }
0xbd: {  	s0 =	sadd.s32 $0x8F2B, s0  }
0xbe: {  	[sflag:s0] =	ssyncadd.remote.s32 $0x1  }
0xbf: {  	_ =	sfence.sel $0xFFFF  }
0xc0: {  	[dreg:$0x0] =	wrdreg $0xFFFFFFFF;
	(pc) =	sbr.abs _section_cstart, $3  }
0xc1: {  	[dreg:$0x1] =	wrdreg $0xFFFFFFFF  }
0xc2: {  	_ =	task.clear_ibuf [dreg:s6], $0x2FFFF;
	_ =	strace $0x9FFFFFFF  }
0xc3: {  	(tm) =	ssettm $0x7FFFFFFF  }
tec
execute0_lowered:
.L_overlay_start_1:
0x0: {  	(tag) =	ssettag $0x1  }
0x1: {  	s0 =	rddreg [dreg:$0x0]  }
0x2: {  	s2 =	rddreg [dreg:$0x1];
	s11 =	stileid.u32  }
0x3: {  	s3 =	rddreg [dreg:$0x2];
	s4 =	simm.s32 $0x0;
	s5 =	srdreg.scid  }
0x4: {  	s30 =	simm.s32 $0x80;
	s28 =	simm.s32 $0x2;
	s29 =	simm.s32 $0x3  }
0x5: {  	s31 =	simm.s32 $0x4;
	s1 =	smul.u32 $0xA000, s11;
	[smem:$0x7FF] =	sst s4  }
0x6: {  	s13 =	sand.u32 $0x1, s5;
	s5 =	sadd.s32 $0x66000, s0;
	s8 =	sadd.s32 $0x3DC00, s0  }
0x7: {  	_ =	strace $0x8000004A;
	s7 =	ssub.s32 $0x2, s13;
	[dreg:$0x4] =	wrdreg s8  }
0x8: {  	s10 =	sshll.u32 s13, $0x4;
	s13 =	smul.u32 $0xA0000, s13;
	s6 =	sshrl.u32 s1, $0x3  }
0x9: {  	s23 =	sshrl.u32 s7, $0x1;
	s16 =	sadd.s32 $0x2000, s1;
	s17 =	sadd.s32 $0x4000, s1  }
0xa: {  	s10 =	sor.u32 s11, s10;
	s18 =	sadd.s32 $0x6000, s1;
	s19 =	sadd.s32 $0x8000, s1  }
0xb: {  	s25 =	sadd.s32 s1, s3;
	s6 =	sadd.s32 s6, s0;
	s0 =	sadd.s32 $0x1800, s0  }
0xc: {  	s15 =	ssub.s32 s7, s23;
	s7 =	sadd.s32 s1, s2;
	s8 =	sadd.s32 s16, s2  }
0xd: {  	s9 =	sadd.s32 s17, s2;
	s10 =	smul.u32 $0x5000, s10;
	s11 =	sadd.s32 s18, s2  }
0xe: {  	s12 =	sadd.s32 s19, s2;
	s1 =	sadd.s32 s1, s13;
	s26 =	sadd.s32 s13, s16  }
0xf: {  	s22 =	sadd.s32 s13, s17;
	s6 =	sadd.s32 $0x3E000, s6;
	s1 =	sshrl.u32 s1, $0x3  }
0x10: {  	[dreg:$0x5] =	wrdreg s6;
	s24 =	sshrl.u32 s10, $0x3;
	s1 =	sadd.s32 s0, s1  }
0x11: {  	s6 =	sshrl.u32 s26, $0x3;
	s26 =	smax.u32 s15, $0x1;
	[dreg:$0x9] =	wrdreg s1  }
0x12: {  	s23 =	sadd.s32 s13, s18;
	s14 =	sadd.s32 s5, s24;
	[dreg:$0xe] =	wrdreg s26  }
0x13: {  	s13 =	sadd.s32 s13, s19;
	s21 =	sadd.s32 s0, s6;
	[dreg:$0x6] =	wrdreg s14  }
0x14: {  	s1 =	sshrl.u32 s22, $0x3;
	s20 =	sadd.s32 $0x80, s14;
	[dreg:$0xa] =	wrdreg s21  }
0x15: {  	s6 =	sshrl.u32 s23, $0x3;
	s14 =	sadd.s32 $0x100, s14;
	[dreg:$0x7] =	wrdreg s20  }
.Ltmp0:
0x16: {  	s1 =	sadd.s32 s0, s1;
	[dreg:$0x8] =	wrdreg s14;
	(pc) =	sbr.rel .LBB2_1-.Ltmp0, $4  }
0x17: {  	s13 =	sshrl.u32 s13, $0x3;
	s24 =	sadd.s32 s0, s6;
	[dreg:$0xb] =	wrdreg s1  }
0x18: {  	s25 =	sshrl.u32 s25, $0x3;
	s0 =	sadd.s32 s0, s13;
	[dreg:$0xc] =	wrdreg s24  }
0x19: {  	s23 =	simm.s32 $0x15000;
	s6 =	simm.s32 $0x0;
	[dreg:$0xd] =	wrdreg s0  }
0x1a: {  	s24 =	simm.s32 $0x9;
	s1 =	simm.s32 $0x17000;
	s0 =	simm.s32 $0x1  }
.LBB2_3:
0x1b: {  	_ =	swait.ge [sflag:s31], $0x2000  }
0x1c: {  	[sflag:s31] =	ssyncset.done $0x0  }
0x1d: {  	[sflag:s31] =	ssyncadd.s32 $0xFFFFE000  }
.LBB2_5:
0x1e: {  	[bflag:$0x0] =	sbarrier.arrive $0xFFFF  }
0x1f: {  	[tilespmem:s23], [sflag:$0x9] =	stream.linear.gather [spmem:s7], $0x2000, $0x38;
	[tilespmem:$0x19000] =	vst v63  }
0x20: {  	_ =	swait.ge [sflag:s24], $0x2000  }
0x21: {  	[sflag:s24] =	ssyncset.done $0x0  }
0x22: {  	s13 =	rddreg [dreg:$0x9];
	[sflag:s24] =	ssyncadd.s32 $0xFFFFE000  }
0x23: {  	[hbm4b:s13+s4] =	stream.linear.scatter [tilespmem:s23], [sflag:$0x9], $0x2000, $0x38;
	[tilespmem:$0x19000] =	vst v63  }
0x24: {  	_ =	swait.ge [sflag:s24], $0x2000  }
0x25: {  	[sflag:s24] =	ssyncset.done $0x0  }
0x26: {  	[sflag:s24] =	ssyncadd.s32 $0xFFFFE000  }
0x27: {  	[tilespmem:s23], [sflag:$0x9] =	stream.linear.gather [spmem:s8], $0x2000, $0x38;
	[tilespmem:$0x19000] =	vst v63  }
0x28: {  	_ =	swait.ge [sflag:s24], $0x2000  }
0x29: {  	[sflag:s24] =	ssyncset.done $0x0  }
0x2a: {  	s19 =	rddreg [dreg:$0xa];
	[sflag:s24] =	ssyncadd.s32 $0xFFFFE000  }
0x2b: {  	[hbm4b:s19+s4] =	stream.linear.scatter [tilespmem:s23], [sflag:$0x9], $0x2000, $0x38;
	[tilespmem:$0x19000] =	vst v63  }
0x2c: {  	_ =	swait.ge [sflag:s24], $0x2000  }
0x2d: {  	[sflag:s24] =	ssyncset.done $0x0  }
0x2e: {  	[sflag:s24] =	ssyncadd.s32 $0xFFFFE000  }
0x2f: {  	[tilespmem:s23], [sflag:$0x9] =	stream.linear.gather [spmem:s9], $0x2000, $0x38;
	[tilespmem:$0x19000] =	vst v63  }
0x30: {  	_ =	swait.ge [sflag:s24], $0x2000  }
0x31: {  	[sflag:s24] =	ssyncset.done $0x0  }
0x32: {  	s20 =	rddreg [dreg:$0xb];
	[sflag:s24] =	ssyncadd.s32 $0xFFFFE000  }
0x33: {  	[hbm4b:s20+s4] =	stream.linear.scatter [tilespmem:s23], [sflag:$0x9], $0x2000, $0x38;
	[tilespmem:$0x19000] =	vst v63  }
0x34: {  	_ =	swait.ge [sflag:s24], $0x2000  }
0x35: {  	[sflag:s24] =	ssyncset.done $0x0  }
0x36: {  	[sflag:s24] =	ssyncadd.s32 $0xFFFFE000  }
0x37: {  	[tilespmem:s23], [sflag:$0x9] =	stream.linear.gather [spmem:s11], $0x2000, $0x38;
	[tilespmem:$0x19000] =	vst v63  }
0x38: {  	_ =	swait.ge [sflag:s24], $0x2000  }
0x39: {  	[sflag:s24] =	ssyncset.done $0x0  }
0x3a: {  	s21 =	rddreg [dreg:$0xc];
	[sflag:s24] =	ssyncadd.s32 $0xFFFFE000  }
0x3b: {  	[hbm4b:s21+s4] =	stream.linear.scatter [tilespmem:s23], [sflag:$0x9], $0x2000, $0x38;
	[tilespmem:$0x19000] =	vst v63  }
0x3c: {  	_ =	swait.ge [sflag:s24], $0x2000  }
0x3d: {  	[sflag:s24] =	ssyncset.done $0x0  }
0x3e: {  	[sflag:s24] =	ssyncadd.s32 $0xFFFFE000  }
0x3f: {  	[tilespmem:s23], [sflag:$0x9] =	stream.linear.gather [spmem:s12], $0x2000, $0x38;
	[tilespmem:$0x19000] =	vst v63  }
0x40: {  	_ =	swait.ge [sflag:s24], $0x2000  }
0x41: {  	[sflag:s24] =	ssyncset.done $0x0  }
0x42: {  	s22 =	rddreg [dreg:$0xd];
	[sflag:s24] =	ssyncadd.s32 $0xFFFFE000  }
0x43: {  	[hbm4b:s22+s4] =	stream.linear.scatter [tilespmem:s23], [sflag:$0x9], $0x2000, $0x38;
	[tilespmem:$0x19000] =	vst v63  }
0x44: {  	_ =	swait.ge [sflag:s24], $0x2000  }
0x45: {  	s6 =	sadd.s32 $0x1, s6;
	s26 =	rddreg [dreg:$0xe]  }
0x46: {  	p0 =	sne.s32 s6, s26  }
.Ltmp1:
0x47: {  	_ = 	snop;
	(pc) =	sbr.rel @!p0 .LBB2_6-.Ltmp1, $3  }
0x48: {  	_ =	sdelay $0x1  }
0x49: {  	[sflag:s24] =	ssyncset.done $0x0  }
0x4a: {  	[sflag:s24] =	ssyncadd.s32 $0xFFFFE000  }
.LBB2_1:
0x4b: {  	s13 =	rddreg [dreg:$0x4]  }
0x4c: {  	[tilespmem:s23], [sflag:$0x9] =	stream.linear.gather [hbm4b:s13+s4], $0x2000, $0x38;
	[tilespmem:$0x19000] =	vst v63  }
0x4d: {  	_ =	swait.ge [sflag:s24], $0x2000  }
0x4e: {  	[sflag:s24] =	ssyncset.done $0x0  }
0x4f: {  	[sflag:s24] =	ssyncadd.s32 $0xFFFFE000  }
0x50: {  	[spmem:s7] =	stream.linear.scatter [tilespmem:s23], [sflag:$0x9], $0x2000, $0x38;
	[tilespmem:$0x19000] =	vst v63  }
0x51: {  	_ =	swait.ge [sflag:s24], $0x2000  }
0x52: {  	[sflag:s24] =	ssyncset.done $0x0  }
0x53: {  	[sflag:s24] =	ssyncadd.s32 $0xFFFFE000  }
0x54: {  	[spmem:s8] =	stream.linear.scatter [tilespmem:s23], [sflag:$0x9], $0x2000, $0x38;
	[tilespmem:$0x19000] =	vst v63  }
0x55: {  	_ =	swait.ge [sflag:s24], $0x2000  }
0x56: {  	[sflag:s24] =	ssyncset.done $0x0  }
0x57: {  	[sflag:s24] =	ssyncadd.s32 $0xFFFFE000  }
0x58: {  	[spmem:s9] =	stream.linear.scatter [tilespmem:s23], [sflag:$0x9], $0x2000, $0x38;
	[tilespmem:$0x19000] =	vst v63  }
0x59: {  	_ =	swait.ge [sflag:s24], $0x2000  }
0x5a: {  	[sflag:s24] =	ssyncset.done $0x0  }
0x5b: {  	[sflag:s24] =	ssyncadd.s32 $0xFFFFE000  }
0x5c: {  	[spmem:s11] =	stream.linear.scatter [tilespmem:s23], [sflag:$0x9], $0x2000, $0x38;
	[tilespmem:$0x19000] =	vst v63  }
0x5d: {  	_ =	swait.ge [sflag:s24], $0x2000  }
0x5e: {  	[sflag:s24] =	ssyncset.done $0x0  }
0x5f: {  	[sflag:s24] =	ssyncadd.s32 $0xFFFFE000  }
0x60: {  	[spmem:s12] =	stream.linear.scatter [tilespmem:s23], [sflag:$0x9], $0x2000, $0x38;
	[tilespmem:$0x19000] =	vst v63  }
0x61: {  	s17 =	stileid.u32;
	_ =	swait.ge [sflag:s24], $0x2000  }
0x62: {  	s13 =	sshll.u32 s17, $0x6;
	[sflag:s24] =	ssyncset.done $0x0  }
0x63: {  	s13 =	sor.u32 $0x1C09, s13;
	s14 =	rddreg [dreg:$0x5];
	[sflag:s24] =	ssyncadd.s32 $0xFFFFE000  }
0x64: {  	[spmem:s25], [sflag:s13] =	dma.local [hbm:s14], $0x1400  }
0x65: {  	_ =	swait.ge [sflag:s24], $0x1400  }
0x66: {  	[sflag:s24] =	ssyncset.done $0x0  }
0x67: {  	[sflag:s24] =	ssyncadd.s32 $0xFFFFEC00  }
0x68: {  	[bflag:$0x0] =	sbarrier.arrive $0xFFFF  }
0x69: {  	s19 =	simm.s32 $0x14000;
	s18 =	rddreg [dreg:$0x6]  }
0x6a: {  	[tilespmem:s19], [sflag:$0x9] =	stream.linear.gather [hbm4b:s18+s4], $0x400, $0x38;
	[tilespmem:$0x19000] =	vst v63  }
0x6b: {  	_ =	swait.ge [sflag:s24], $0x400  }
0x6c: {  	[sflag:s24] =	ssyncset.done $0x0  }
0x6d: {  	s15 =	simm.s32 $0x14400;
	s20 =	rddreg [dreg:$0x7];
	[sflag:s24] =	ssyncadd.s32 $0xFFFFFC00  }
0x6e: {  	[tilespmem:s15], [sflag:$0x6] =	stream.linear.gather [hbm4b:s20+s4], $0x400, $0x38;
	[tilespmem:$0x19000] =	vst v63  }
0x6f: {  	s22 =	simm.s32 $0x14800;
	s21 =	rddreg [dreg:$0x8]  }
0x70: {  	[tilespmem:s22], [sflag:$0x7] =	stream.linear.gather [hbm4b:s21+s4], $0x400, $0x38;
	[tilespmem:$0x19000] =	vst v63  }
0x71: {  	s26 =	simm.s32 $0x14100  }
0x72: {  	[tilespmem:s23], [sflag:$0x1] =	stream.indirect.gather [spmem:s3], $0x40, s19, s30, $0xb8;
	[tilespmem:$0x19000] =	vst v63  }
0x73: {  	s16 =	simm.s32 $0x0;
	s13 =	simm.s32 $0x800;
	s15 =	simm.s32 $0x200  }
0x74: {  	[tilespmem:s1], [sflag:$0x2] =	stream.indirect.gather [spmem:s3], $0x40, s26, s30, $0xb8;
	[tilespmem:$0x19000] =	vst v63  }
.LBB2_2:
0x75: {  	s17 =	sand.u32 $0x1, s16;
	p0 =	slt.u32 s16, $0x26  }
0x76: {  	s18 =	sshrl.u32 s16, $0x1;
	p2 =	slt.u32 s16, $0x22;
	p1 =	seq.s32 s17, $0x0  }
0x77: {  	s19 =	sadd.s32 $0x1, s18;
	s14 =	sadd.s32 $0x3, s18;
	p0 =	por !p0, !p1  }
0x78: {  	s19 =	sand.u32 $0x3, s19;
	p1 =	por !p2, !p1;
	p0 =	por !p0, !p0  }
0x79: {  	s20 =	sand.u32 $0x3, s14;
	p1 =	por !p1, !p1;
	p2 =	sne.s32 @p0 s19, $0x0  }
0x7a: {  	p5 =	sne.s32 s19, $0x1;
	p3 =	sne.s32 @p1 s20, $0x0;
	p2 =	por p2, !p0  }
0x7b: {  	p6 =	sne.s32 s20, $0x1;
	p3 =	por p3, !p1;
	s21 =	simm.s32 @!p2 $0x5  }
0x7c: {  	p0 =	por !p0, !p0;
	s22 =	sshll.u32 @!p3 s14, $0xA;
	_ =	swait.ge @!p2 [sflag:s21], $0x400  }
0x7d: {  	p1 =	por !p1, !p1;
	s22 =	sadd.s32 @!p3 s10, s22;
	[sflag:s21] =	ssyncset.done @!p2 $0x0  }
0x7e: {  	s26 =	simm.s32 @!p3 $0x14000;
	[sflag:s21] =	ssyncadd.s32 @!p2 $0xFFFFFC00;
	s21 =	sshrl.u32 @!p3 s22, $0x3  }
0x7f: {  	s22 =	simm.s32 @!p3 $0x0;
	p2 =	por p0, p5;
	s21 =	sadd.s32 @!p3 s5, s21  }
0x80: {  	[tilespmem:s26], [sflag:$0x5] =	stream.linear.gather @!p3 [hbm4b:s21+s22], $0x400, $0x38;
	[tilespmem:$0x19000] =	vst v63  }
0x81: {  	s21 =	simm.s32 @!p2 $0x6;
	p3 =	por p1, p6  }
0x82: {  	_ =	swait.ge @!p2 [sflag:s21], $0x400;
	s22 =	sshll.u32 @!p3 s14, $0xA  }
0x83: {  	[sflag:s21] =	ssyncset.done @!p2 $0x0;
	s22 =	sadd.s32 @!p3 s10, s22  }
0x84: {  	[sflag:s21] =	ssyncadd.s32 @!p2 $0xFFFFFC00;
	s21 =	sshrl.u32 @!p3 s22, $0x3  }
0x85: {  	s26 =	simm.s32 @!p3 $0x14400;
	s22 =	simm.s32 @!p3 $0x0;
	s21 =	sadd.s32 @!p3 s5, s21  }
0x86: {  	[tilespmem:s26], [sflag:$0x6] =	stream.linear.gather @!p3 [hbm4b:s21+s22], $0x400, $0x38;
	[tilespmem:$0x19000] =	vst v63  }
0x87: {  	p4 =	sne.s32 s20, $0x2;
	p5 =	sne.s32 s19, $0x3;
	p3 =	sne.s32 s19, $0x2  }
0x88: {  	p6 =	sne.s32 s20, $0x3;
	p2 =	por p0, p3;
	p3 =	por p1, p4  }
0x89: {  	p0 =	por p0, p5;
	p1 =	por p1, p6;
	s21 =	simm.s32 @!p2 $0x7  }
0x8a: {  	s22 =	sshll.u32 @!p3 s14, $0xA;
	s26 =	simm.s32 @!p3 $0x14800;
	_ =	swait.ge @!p2 [sflag:s21], $0x400  }
0x8b: {  	s19 =	simm.s32 @!p0 $0x8;
	s22 =	sadd.s32 @!p3 s10, s22;
	[sflag:s21] =	ssyncset.done @!p2 $0x0  }
0x8c: {  	s14 =	sshll.u32 @!p1 s14, $0xA;
	[sflag:s21] =	ssyncadd.s32 @!p2 $0xFFFFFC00;
	s21 =	sshrl.u32 @!p3 s22, $0x3  }
0x8d: {  	s14 =	sadd.s32 @!p1 s10, s14;
	s22 =	simm.s32 @!p3 $0x0;
	s21 =	sadd.s32 @!p3 s5, s21  }
0x8e: {  	[tilespmem:s26], [sflag:$0x7] =	stream.linear.gather @!p3 [hbm4b:s21+s22], $0x400, $0x38;
	[tilespmem:$0x19000] =	vst v63  }
0x8f: {  	s14 =	sshrl.u32 @!p1 s14, $0x3;
	_ =	swait.ge @!p0 [sflag:s19], $0x400  }
0x90: {  	s20 =	simm.s32 @!p1 $0x14C00;
	s14 =	sadd.s32 @!p1 s5, s14;
	[sflag:s19] =	ssyncset.done @!p0 $0x0  }
0x91: {  	s26 =	sshll.u32 s18, $0xA;
	[sflag:s19] =	ssyncadd.s32 @!p0 $0xFFFFFC00;
	s19 =	simm.s32 @!p1 $0x0  }
0x92: {  	[tilespmem:s20], [sflag:$0x8] =	stream.linear.gather @!p1 [hbm4b:s14+s19], $0x400, $0x38;
	[tilespmem:$0x19000] =	vst v63  }
0x93: {  	s17 =	sshll.u32 s17, $0x9;
	s14 =	sand.u32 $0xC00, s26;
	_ =	swait.ge [sflag:s0], $0x2000  }
0x94: {  	s14 =	sor.u32 s17, s14;
	[sflag:s0] =	ssyncset.done $0x0  }
0x95: {  	s17 =	sor.u32 $0x14080, s14;
	[sflag:s0] =	ssyncadd.s32 $0xFFFFE000  }
0x96: {  	[spmem:s2] =	stream.indirect.scatter.add.f32 [tilespmem:s23], [sflag:$0x3], $0x40, s17, s30, $0xb8;
	[tilespmem:$0x19000] =	vst v63  }
0x97: {  	_ =	swait.ge [sflag:s28], $0x2000  }
0x98: {  	p0 =	sne.s32 s16, $0x27;
	[sflag:s28] =	ssyncset.done $0x0  }
.Ltmp2:
0x99: {  	s14 =	sor.u32 $0x14180, s14;
	[sflag:s28] =	ssyncadd.s32 $0xFFFFE000;
	(pc) =	sbr.rel @!p0 .LBB2_3-.Ltmp2, $4  }
0x9a: {  	[spmem:s2] =	stream.indirect.scatter.add.f32 [tilespmem:s1], [sflag:$0x4], $0x40, s14, s30, $0xb8;
	[tilespmem:$0x19000] =	vst v63  }
0x9b: {  	_ =	swait.ge [sflag:s29], $0x2000  }
0x9c: {  	[sflag:s29] =	ssyncset.done $0x0  }
0x9d: {  	[sflag:s29] =	ssyncadd.s32 $0xFFFFE000  }
0x9e: {  	s14 =	sand.u32 $0x800, s13  }
0x9f: {  	s17 =	sand.u32 $0xC00, s15;
	s14 =	sshrl.u32 s14, $0x2  }
0xa0: {  	s16 =	sadd.s32 $0x1, s16;
	s14 =	sor.u32 s14, s17  }
0xa1: {  	p0 =	sne.s32 s16, $0x28;
	s17 =	sor.u32 $0x14000, s14  }
0xa2: {  	[tilespmem:s23], [sflag:$0x1] =	stream.indirect.gather [spmem:s3], $0x40, s17, s30, $0xb8;
	[tilespmem:$0x19000] =	vst v63  }
.Ltmp3:
0xa3: {  	_ = 	snop;
	(pc) =	sbr.rel @p0 .LBB2_2-.Ltmp3, $4  }
.Ltmp4:
0xa4: {  	_ =	swait.ge [sflag:s31], $0x2000;
	(pc) =	sbr.rel @!p0 .LBB2_5-.Ltmp4, $4  }
0xa5: {  	s13 =	sadd.s32 $0x800, s13;
	[sflag:s31] =	ssyncset.done $0x0  }
0xa6: {  	s15 =	sadd.s32 $0x200, s15;
	s14 =	sor.u32 $0x14100, s14;
	[sflag:s31] =	ssyncadd.s32 $0xFFFFE000  }
0xa7: {  	[tilespmem:s1], [sflag:$0x2] =	stream.indirect.gather [spmem:s3], $0x40, s14, s30, $0xb8;
	[tilespmem:$0x19000] =	vst v63  }
0xa8: {  	_ = 	snop  }
.LBB2_6:
0xa9: {  	_ =	sfence.sel $0x180000  }
0xaa: {  	[bflag:$0x0] =	sbarrier.arrive $0xFFFF  }
0xab: {  	_ =	strace $0x9000004A  }
0xac: {  	s0 =	stileid.u32;
	[bflag:$0x2] =	sbarrier.arrive $0xFFFF  }
0xad: {  	p0 =	sne.s32 s0, $0x0;
	s0 =	rddreg [dreg:$0x3]  }
0xae: {  	s0 =	sadd.s32 @!p0 $0x100000, s0  }
0xaf: {  	[sflag:s0] =	ssyncadd.tile.s32 @!p0 $0x1;
	_ =	shalt  }
.Lfunc_end2:
_tile_overlayer_lowered:
.L_overlay_start_2:
0xb0: {  	(tag) =	ssettag $0x2  }
0xb1: {  	s0 =	rddreg [dreg:$0x0];
	s2 =	stileid.u32  }
0xb2: {  	s1 =	rddreg [dreg:$0x1];
	p0 =	sne.s32 s2, $0x0  }
0xb3: {  	s3 =	rddreg [dreg:$0x2];
	[bflag:$0x3] =	sbarrier.arrive $0xFFFF;
	s2 =	simm.s32 @!p0 $0x1C09  }
0xb4: {  	[timem:s3], [sflag:s2] =	dma.local @!p0 [hbm:s0], s1  }
0xb5: {  	s0 =	simm.s32 @!p0 $0x9  }
0xb6: {  	_ =	swait.ge @!p0 [sflag:s0], s1  }
0xb7: {  	s1 =	ssub.s32 @!p0 $0x0, s1;
	[sflag:s0] =	ssyncset.done @!p0 $0x0  }
0xb8: {  	[sflag:s0] =	ssyncadd.s32 @!p0 s1  }
0xb9: {  	[bflag:$0x3] =	sbarrier.arrive $0xFFFF  }
0xba: {  	_ =	shalt  }

// kernel: kernel.7.cloned.1.call-start
scs
__scs_entry_jumppad:
0x0: {  	(pc) =	sbr.rel $0x88, $3  }
0x1: {  	(tag) =	ssettag $0x0;
	lr =	simm.s32 $0x1  }
0x2: {  	[smem:$0x3F99] =	sst lr;
	_ =	strace $0xD0000000  }
0x3: {  	_ = 	snop  }
0x4: {  	_ = 	snop  }
0x5: {  	_ = 	snop  }
0x6: {  	_ = 	snop  }
0x7: {  	_ = 	snop  }
__scs_overlays_trampoline_lowered:
0x8: {  	[smem:$0x3FA8] =	sst s0  }
0x9: {  	[smem:$0x3FA9] =	sst s1  }
0xa: {  	[smem:$0x3FAA] =	sst s2  }
0xb: {  	[smem:$0x3FAB] =	sst s3  }
0xc: {  	[smem:$0x3FAC] =	sst s4  }
0xd: {  	[smem:$0x3FAD] =	sst s5  }
0xe: {  	[smem:$0x3FAE] =	sst s6  }
0xf: {  	[smem:$0x3FAF] =	sst s7  }
0x10: {  	[smem:$0x3FB0] =	sst s8  }
0x11: {  	[smem:$0x3FB1] =	sst s9;
	s0 =	simm.s32 @!p0 $0x0  }
0x12: {  	s1 =	sld [smem:$0x3F97];
	s0 =	simm.s32 @p0 $0x1  }
0x13: {  	[smem:$0x3FB2] =	sst s0;
	s0 =	simm.s32 @!p1 $0x0  }
0x14: {  	s2 =	sld [smem:$0x3F96];
	s0 =	simm.s32 @p1 $0x1  }
0x15: {  	[smem:$0x3FB3] =	sst s0;
	s0 =	simm.s32 @!p2 $0x0  }
0x16: {  	s3 =	sld [smem:$0x3FDB];
	s0 =	simm.s32 @p2 $0x1  }
0x17: {  	s4 =	simm.s32 $0x1BF5;
	[smem:$0x3FB5] =	sst s0  }
0x18: {  	s0 =	sld [smem:$0x3F98];
	_ =	swait.ge [sflag:s4], $0x0  }
0x19: {  	s7 =	sld [smem:$0x3F99]  }
0x1a: {  	s8 =	sadd.s32 $0xFFFFE003, lr  }
0x1b: {  	s9 =	sadd.s32 $0xFFFFFEF7, lr;
	s5 =	simm.s32 $0xFFFFFFFF;
	p2 =	slt.u32 s8, $0xFFFFF086  }
0x1c: {  	p1 =	slt.u32 s9, $0xF7A;
	s5 =	simm.s32 @!p2 $0x0  }
0x1d: {  	s5 =	simm.s32 @p1 $0x1;
	p0 =	seq.s32 s7, s2  }
0x1e: {  	s7 =	smul.u32 @!p0 $0xF7A, s2;
	p2 =	seq.s32 @!p0 s5, $0x0  }
0x1f: {  	s9 =	smul.u32 $0xF7A, s1;
	s8 =	simm.s32 @!p0 $0x1BF5;
	p2 =	por !p2, p0  }
0x20: {  	[sflag:s8] =	ssyncset.s32 @!p0 $0xFFFFF086;
	s6 =	sadd.s32 @!p0 s3, s7;
	s7 =	simm.s32 @!p0 $0x108  }
0x21: {  	s3 =	sadd.s32 s3, s9;
	s6 =	sadd.s32 @!p0 $0x88, s6;
	s7 =	simm.s32 @p2 $0x1082  }
0x22: {  	[simem:s7], [sflag:s8] =	dma.local @!p0 [hbm:s6], $0xF7A  }
0x23: {  	s9 =	sor.u32 $0xD0000000, s2;
	s6 =	simm.s32 $0x108;
	_ =	swait.ge @!p0 [sflag:s8], $0x0  }
0x24: {  	s3 =	sadd.s32 $0x88, s3;
	s6 =	simm.s32 @!p1 $0x1082;
	[sflag:s4] =	ssyncset.s32 $0xFFFFF086  }
0x25: {  	[simem:s6], [sflag:s4] =	dma.local [hbm:s3], $0xF7A  }
0x26: {  	[smem:$0x3F99] =	sst s1;
	(tag) =	ssettag s2;
	_ =	strace s9  }
0x27: {  	s1 =	sld [smem:$0x3FA9]  }
0x28: {  	s2 =	sld [smem:$0x3FAA]  }
0x29: {  	s4 =	sld [smem:$0x3FAC]  }
0x2a: {  	p0 =	seq.s32 s5, $0x0;
	s5 =	sld [smem:$0x3FAD]  }
0x2b: {  	s6 =	sld [smem:$0x3FAE]  }
0x2c: {  	s7 =	sld [smem:$0x3FAF]  }
0x2d: {  	s3 =	simm.s32 $0x108;
	s8 =	sld [smem:$0x3FB0]  }
0x2e: {  	s3 =	simm.s32 @!p0 $0x1082;
	s9 =	sld [smem:$0x3FB1]  }
0x2f: {  	lr =	sadd.s32 s0, s3;
	s0 =	sld [smem:$0x3FA8]  }
0x30: {  	s3 =	sld [smem:$0x3FAB]  }
0x31: {  	[smem:$0x3FB4] =	sst s10  }
0x32: {  	s10 =	sld [smem:$0x3FB2];
	_ =	sdelay $0x3  }
0x33: {  	p0 =	seq.s32 s10, $0x1;
	s10 =	sld [smem:$0x3FB4];
	_ =	sdelay $0x3  }
0x34: {  	[smem:$0x3FB4] =	sst s10  }
0x35: {  	s10 =	sld [smem:$0x3FB3];
	_ =	sdelay $0x3  }
0x36: {  	p1 =	seq.s32 s10, $0x1;
	s10 =	sld [smem:$0x3FB4];
	_ =	sdelay $0x3  }
0x37: {  	[smem:$0x3FB4] =	sst s10  }
0x38: {  	s10 =	sld [smem:$0x3FB5]  }
0x39: {  	_ = 	snop;
	(pc) =	sbr.ind lr, $3  }
0x3a: {  	_ = 	snop  }
0x3b: {  	_ = 	snop  }
0x3c: {  	p2 =	seq.s32 s10, $0x1;
	s10 =	sld [smem:$0x3FB4]  }
0x3d: {  	_ =	shalt  }
0x3e: {  	_ =	shalt  }
0x3f: {  	_ =	shalt  }
0x40: {  	_ =	shalt  }
0x41: {  	_ =	shalt  }
0x42: {  	_ =	shalt  }
0x43: {  	_ =	shalt  }
0x44: {  	_ =	shalt  }
0x45: {  	_ =	shalt  }
0x46: {  	_ =	shalt  }
0x47: {  	_ =	shalt  }
0x48: {  	_ =	shalt  }
0x49: {  	_ =	shalt  }
0x4a: {  	_ =	shalt  }
0x4b: {  	_ =	shalt  }
0x4c: {  	_ =	shalt  }
0x4d: {  	_ =	shalt  }
0x4e: {  	_ =	shalt  }
0x4f: {  	_ =	shalt  }
0x50: {  	_ =	shalt  }
0x51: {  	_ =	shalt  }
0x52: {  	_ =	shalt  }
0x53: {  	_ =	shalt  }
0x54: {  	_ =	shalt  }
0x55: {  	_ =	shalt  }
0x56: {  	_ =	shalt  }
0x57: {  	_ =	shalt  }
0x58: {  	_ =	shalt  }
0x59: {  	_ =	shalt  }
0x5a: {  	_ =	shalt  }
0x5b: {  	_ =	shalt  }
0x5c: {  	_ =	shalt  }
0x5d: {  	_ =	shalt  }
0x5e: {  	_ =	shalt  }
0x5f: {  	_ =	shalt  }
0x60: {  	_ =	shalt  }
0x61: {  	_ =	shalt  }
0x62: {  	_ =	shalt  }
0x63: {  	_ =	shalt  }
0x64: {  	_ =	shalt  }
0x65: {  	_ =	shalt  }
0x66: {  	_ =	shalt  }
0x67: {  	_ =	shalt  }
0x68: {  	_ =	shalt  }
0x69: {  	_ =	shalt  }
0x6a: {  	_ =	shalt  }
0x6b: {  	_ =	shalt  }
0x6c: {  	_ =	shalt  }
0x6d: {  	_ =	shalt  }
0x6e: {  	_ =	shalt  }
0x6f: {  	_ =	shalt  }
0x70: {  	_ =	shalt  }
0x71: {  	_ =	shalt  }
0x72: {  	_ =	shalt  }
0x73: {  	_ =	shalt  }
0x74: {  	_ =	shalt  }
0x75: {  	_ =	shalt  }
0x76: {  	_ =	shalt  }
0x77: {  	_ =	shalt  }
0x78: {  	_ =	shalt  }
0x79: {  	_ =	shalt  }
0x7a: {  	_ =	shalt  }
0x7b: {  	_ =	shalt  }
0x7c: {  	_ =	shalt  }
0x7d: {  	_ =	shalt  }
0x7e: {  	_ =	shalt  }
0x7f: {  	_ =	shalt  }
0x80: {  	_ =	shalt  }
0x81: {  	_ =	shalt  }
0x82: {  	_ =	shalt  }
0x83: {  	_ =	shalt  }
0x84: {  	_ =	shalt  }
0x85: {  	_ =	shalt  }
0x86: {  	_ =	shalt  }
0x87: {  	_ =	shalt  }
.Lfunc_end0:
.L_simem_size_0:
called_computation_lowered:
.L_overlay_start_0:
0x88: {  	s2 =	sld [smem:$0x3FD9]  }
0x89: {  	s3 =	sld [smem:$0x3FFE];
	_ =	sdelay $0x1  }
0x8a: {  	s1 =	srdreg.scid  }
0x8b: {  	s0 =	sand.u32 $0x1, s1  }
0x8c: {  	s17 =	sshll.u32 s0, $0xA;
	s2 =	sadd.s32 s3, s2  }
0x8d: {  	s2 =	sadd.s32 s2, s17  }
0x8e: {  	[smem:$0x3FC0] =	sst s2  }
0x8f: {  	_ = 	snop  }
0x90: {  	s2 =	sld [smem:$0x3FD0];
	(tm) =	ssettm $0x1  }
0x91: {  	s18 =	sld [smem:$0x3FFB];
	_ =	sdelay $0x3  }
0x92: {  	_ =	strace s18  }
0x93: {  	s3 =	sld [smem:$0x3FFC];
	_ =	sdelay $0x3  }
0x94: {  	_ =	strace s3  }
0x95: {  	s3 =	sld [smem:$0x3FFD];
	_ =	sdelay $0x3  }
0x96: {  	_ =	strace s3  }
0x97: {  	_ =	strace $0x8FFFFFFF  }
0x98: {  	s19 =	sld [smem:$0x3FDB];
	_ =	sdelay $0x1  }
0x99: {  	s4 =	simm.s32 $_scs_section_size  }
0x9a: {  	s5 =	simm.s32 $_size__tile_overlayer_lowered;
	s6 =	simm.s32 $_tile_overlayer_lowered  }
0x9b: {  	s22 =	simm.s32 $0x1BFF;
	s21 =	sshll.u32 s6, $0x1;
	s3 =	sadd.s32 s4, s19  }
0x9c: {  	s7 =	simm.s32 $0x0;
	s20 =	sshll.u32 s5, $0x1;
	s5 =	sadd.s32 s21, s3  }
0x9d: {  	[timem:s7], [sflag:s22] =	dma.local [hbm:s5], s20  }
0x9e: {  	_ =	swait.ge [sflag:s22], s20  }
0x9f: {  	s4 =	ssub.s32 $0x0, s20;
	[sflag:s22] =	ssyncset.done $0x0  }
0xa0: {  	[sflag:s22] =	ssyncadd.s32 s4;
	_ =	sdelay $0x1  }
0xa1: {  	s23 =	simm.s32 $0x1B8B  }
0xa2: {  	_ =	swait.ge [sflag:s23], $0x1  }
0xa3: {  	[sflag:s23] =	ssyncset.done $0x0  }
0xa4: {  	s25 =	simm.s32 $0x1B8E;
	s24 =	sld [smem:$0x3FFE];
	[sflag:s23] =	ssyncadd.s32 $0xFFFFFFFF  }
0xa5: {  	s26 =	simm.s32 $execute0_lowered;
	[smem:$0x3FD2] =	sst s25  }
0xa6: {  	s5 =	sshll.u32 s26, $0x1;
	_ =	strace $0x80000046;
	[dreg:$0x1] =	wrdreg $0xFFFFFFFF  }
0xa7: {  	s28 =	simm.s32 $_size_execute0_lowered;
	s3 =	sadd.s32 s3, s5;
	[dreg:$0x0] =	wrdreg $0x0  }
0xa8: {  	s5 =	sshll.u32 s28, $0x1;
	[dreg:$0x2] =	wrdreg s3  }
0xa9: {  	[dreg:$0x3] =	wrdreg s5  }
0xaa: {  	[dreg:$0x4] =	wrdreg $0xC0  }
0xab: {  	_ =	task [dreg:s7], $0x5FFFF  }
0xac: {  	[dreg:$0x1] =	wrdreg $0xFFFFFFFF  }
0xad: {  	[dreg:$0x0] =	wrdreg $0x60  }
0xae: {  	[dreg:$0x2] =	wrdreg s24  }
0xaf: {  	[dreg:$0x3] =	wrdreg s2  }
0xb0: {  	[dreg:$0x4] =	wrdreg $0x0  }
0xb1: {  	[dreg:$0x5] =	wrdreg $0x190000  }
0xb2: {  	[dreg:$0x6] =	wrdreg $0xA0000  }
0xb3: {  	[dreg:$0x7] =	wrdreg $0x9  }
0xb4: {  	_ =	task.clear_ibuf [dreg:s7], $0x8FFFF;
	_ =	strace $0x90000046  }
0xb5: {  	s29 =	simm.s32 $0x9;
	_ =	strace $0x80000048  }
0xb6: {  	_ =	swait.ge [sflag:s29], $0x1  }
0xb7: {  	[sflag:s29] =	ssyncadd.s32 $0xFFFFFFFF  }
0xb8: {  	_ =	strace $0x90000048  }
0xb9: {  	_ =	sfence  }
0xba: {  	s30 =	sld [smem:$0x0];
	_ =	sdelay $0x2  }
0xbb: {  	s31 =	sshll.u32 s1, $0xD;
	s1 =	sshrl.u32 s1, $0x2  }
0xbc: {  	s3 =	sand.u32 $0x4000, s31;
	s1 =	sadd.s32 s1, s30  }
0xbd: {  	s0 =	sor.u32 s3, s0;
	s1 =	sshll.u32 s1, $0x11  }
0xbe: {  	s0 =	sor.u32 s1, s0  }
0xbf: {  	s0 =	sadd.s32 $0x8F2B, s0  }
0xc0: {  	[sflag:s0] =	ssyncadd.remote.s32 $0x1  }
0xc1: {  	_ =	sfence.sel $0xFFFF  }
0xc2: {  	[dreg:$0x0] =	wrdreg $0xFFFFFFFF;
	(pc) =	sbr.abs _section_cstart, $3  }
0xc3: {  	[dreg:$0x1] =	wrdreg $0xFFFFFFFF  }
0xc4: {  	_ =	task.clear_ibuf [dreg:s7], $0x2FFFF;
	_ =	strace $0x9FFFFFFF  }
0xc5: {  	(tm) =	ssettm $0x7FFFFFFF  }
tec
execute0_lowered:
.L_overlay_start_1:
0x0: {  	(tag) =	ssettag $0x1  }
0x1: {  	s0 =	rddreg [dreg:$0x0]  }
0x2: {  	s7 =	rddreg [dreg:$0x1]  }
0x3: {  	s2 =	rddreg [dreg:$0x2]  }
0x4: {  	s3 =	rddreg [dreg:$0x3];
	s12 =	stileid.u32  }
0x5: {  	s4 =	rddreg [dreg:$0x4];
	s5 =	smul.u32 $0xA000, s12  }
0x6: {  	s1 =	srdreg.scid;
	s6 =	simm.s32 $0x0;
	s9 =	smul.u32 $0x280, s12  }
0x7: {  	s8 =	sand.u32 $0x1, s1;
	[smem:$0x7FF] =	sst s6;
	s12 =	smul.u32 $0x2800, s12  }
0x8: {  	s26 =	sadd.s32 $0x3E000, s0;
	s1 =	ssub.s32 $0x2, s8;
	s10 =	smul.u32 $0xA0000, s8  }
0x9: {  	s15 =	smul.u32 $0x28000, s8;
	p0 =	seq.s32 s8, $0x0;
	s11 =	sshrl.u32 s1, $0x1  }
0xa: {  	s29 =	sadd.s32 $0x80, s9;
	s13 =	sadd.s32 $0x100, s9;
	s14 =	sadd.s32 $0x180, s9  }
0xb: {  	s9 =	sadd.s32 $0x200, s9;
	s1 =	ssub.s32 s1, s11;
	s16 =	sshll.u32 s29, $0x4  }
0xc: {  	s18 =	sshll.u32 s13, $0x4;
	s19 =	sshll.u32 s14, $0x4;
	s17 =	sadd.s32 s12, s15  }
0xd: {  	s30 =	sshll.u32 s9, $0x4;
	s24 =	sadd.s32 s5, s10;
	s11 =	sshll.u32 s29, $0x6  }
0xe: {  	s13 =	sshll.u32 s13, $0x6;
	s14 =	sshll.u32 s14, $0x6;
	s9 =	sshll.u32 s9, $0x6  }
0xf: {  	s20 =	sadd.s32 s15, s16;
	s17 =	sshrl.u32 s17, $0x3;
	s21 =	sadd.s32 s15, s18  }
0x10: {  	s22 =	sadd.s32 s15, s19;
	s15 =	sadd.s32 s15, s30;
	s25 =	sadd.s32 s10, s11  }
0x11: {  	s28 =	sadd.s32 s10, s13;
	s29 =	sadd.s32 s10, s14;
	s10 =	sadd.s32 s10, s9  }
0x12: {  	s14 =	sadd.s32 s14, s2;
	s9 =	sadd.s32 s9, s2;
	s31 =	sadd.s32 s16, s3  }
0x13: {  	s1 =	smax.u32 s1, $0x1;
	s16 =	simm.s32 $0x1;
	s20 =	sshrl.u32 s20, $0x3  }
0x14: {  	s17 =	sadd.s32 s7, s17;
	s23 =	sshrl.u32 s22, $0x3;
	s15 =	sshrl.u32 s15, $0x3  }
0x15: {  	[dreg:$0x6] =	wrdreg s17;
	s20 =	sadd.s32 s7, s20;
	s17 =	sshrl.u32 s21, $0x3  }
0x16: {  	s8 =	sshrl.u32 s25, $0x3;
	[dreg:$0x7] =	wrdreg s20;
	s17 =	sadd.s32 s7, s17  }
0x17: {  	s10 =	sshrl.u32 s10, $0x3;
	[dreg:$0x8] =	wrdreg s17;
	s17 =	sadd.s32 s7, s23  }
0x18: {  	s22 =	sadd.s32 $0x3DC00, s0;
	s7 =	sadd.s32 s7, s15;
	[dreg:$0x9] =	wrdreg s17  }
0x19: {  	s25 =	sadd.s32 s19, s3;
	s8 =	sadd.s32 s26, s8;
	[dreg:$0xa] =	wrdreg s7  }
0x1a: {  	s20 =	sadd.s32 s26, s10;
	_ =	strace $0x80000047;
	[dreg:$0xb] =	wrdreg s8  }
0x1b: {  	s19 =	simm.s32 $0x4;
	s10 =	sadd.s32 s11, s2;
	[dreg:$0xe] =	wrdreg s20  }
0x1c: {  	s11 =	simm.s32 $0x15000;
	s23 =	sadd.s32 $0x3DA00, s0;
	[dreg:$0x10] =	wrdreg s22  }
0x1d: {  	s15 =	simm.s32 $0x80;
	s7 =	sshrl.u32 s24, $0x3;
	[dreg:$0x11] =	wrdreg s23  }
0x1e: {  	s17 =	sshrl.u32 s29, $0x3;
	s24 =	sadd.s32 s18, s3;
	[dreg:$0x17] =	wrdreg s1  }
0x1f: {  	s29 =	sadd.s32 s5, s4;
	s18 =	simm.s32 $0x3;
	[dreg:$0x13] =	wrdreg s9  }
0x20: {  	s8 =	sshrl.u32 s28, $0x3;
	s21 =	sadd.s32 s26, s7;
	[dreg:$0x14] =	wrdreg s14  }
0x21: {  	s7 =	sadd.s32 s7, s0;
	s8 =	sadd.s32 s26, s8;
	[dreg:$0xf] =	wrdreg s21  }
0x22: {  	s22 =	sadd.s32 s12, s3;
	s7 =	sadd.s32 $0x1800, s7;
	[dreg:$0xc] =	wrdreg s8  }
0x23: {  	s28 =	sshrl.u32 s5, $0x3;
	s8 =	sadd.s32 s26, s17;
	[dreg:$0x15] =	wrdreg s7  }
0x24: {  	s17 =	sadd.s32 $0x29800, s0;
	s0 =	sadd.s32 $0x3D800, s0;
	[dreg:$0xd] =	wrdreg s8  }
0x25: {  	s1 =	smov.u32 s24;
	s7 =	sshrl.u32 s29, $0x3;
	[dreg:$0x12] =	wrdreg s0  }
0x26: {  	s12 =	simm.s32 $0xB;
	s26 =	sadd.s32 s30, s3;
	[dreg:$0x18] =	wrdreg s7  }
0x27: {  	s20 =	simm.s32 $0x0;
	s0 =	sadd.s32 s17, s28;
	[dreg:$0x19] =	wrdreg s26  }
0x28: {  	s21 =	sadd.s32 s13, s2;
	s30 =	sadd.s32 $0x80, s0;
	[dreg:$0x16] =	wrdreg s0  }
0x29: {  	s13 =	simm.s32 $0x1B800;
	s0 =	sadd.s32 $0x100, s0;
	[dreg:$0x1a] =	wrdreg s30  }
0x2a: {  	s7 =	smov.u32 s25;
	s8 =	sadd.s32 s5, s2;
	[dreg:$0x1b] =	wrdreg s0  }
.LBB2_1:
0x2b: {  	s0 =	rddreg [dreg:$0x10]  }
0x2c: {  	[tilespmem:s11], [sflag:$0xB] =	stream.linear.gather [hbm4b:s0+s6], $0x2000, $0x38;
	[tilespmem:$0x1C000] =	vst v63  }
0x2d: {  	_ =	swait.ge [sflag:s12], $0x2000  }
0x2e: {  	[sflag:s12] =	ssyncset.done $0x0  }
0x2f: {  	[sflag:s12] =	ssyncadd.s32 $0xFFFFE000  }
0x30: {  	[spmem:s8] =	stream.linear.scatter [tilespmem:s11], [sflag:$0xB], $0x2000, $0x38;
	[tilespmem:$0x1C000] =	vst v63  }
0x31: {  	_ =	swait.ge [sflag:s12], $0x2000  }
0x32: {  	[sflag:s12] =	ssyncset.done $0x0  }
0x33: {  	[sflag:s12] =	ssyncadd.s32 $0xFFFFE000  }
0x34: {  	[spmem:s10] =	stream.linear.scatter [tilespmem:s11], [sflag:$0xB], $0x2000, $0x38;
	[tilespmem:$0x1C000] =	vst v63  }
0x35: {  	_ =	swait.ge [sflag:s12], $0x2000  }
0x36: {  	[sflag:s12] =	ssyncset.done $0x0  }
0x37: {  	[sflag:s12] =	ssyncadd.s32 $0xFFFFE000  }
0x38: {  	[spmem:s21] =	stream.linear.scatter [tilespmem:s11], [sflag:$0xB], $0x2000, $0x38;
	[tilespmem:$0x1C000] =	vst v63  }
0x39: {  	_ =	swait.ge [sflag:s12], $0x2000  }
0x3a: {  	[sflag:s12] =	ssyncset.done $0x0  }
0x3b: {  	[sflag:s12] =	ssyncadd.s32 $0xFFFFE000  }
0x3c: {  	[spmem:s14] =	stream.linear.scatter [tilespmem:s11], [sflag:$0xB], $0x2000, $0x38;
	[tilespmem:$0x1C000] =	vst v63  }
0x3d: {  	_ =	swait.ge [sflag:s12], $0x2000  }
0x3e: {  	[sflag:s12] =	ssyncset.done $0x0  }
0x3f: {  	[sflag:s12] =	ssyncadd.s32 $0xFFFFE000  }
0x40: {  	[spmem:s9] =	stream.linear.scatter [tilespmem:s11], [sflag:$0xB], $0x2000, $0x38;
	[tilespmem:$0x1C000] =	vst v63  }
0x41: {  	_ =	swait.ge [sflag:s12], $0x2000  }
0x42: {  	[sflag:s12] =	ssyncset.done $0x0  }
0x43: {  	s24 =	smov.u32 s21;
	s21 =	rddreg [dreg:$0x11];
	[sflag:s12] =	ssyncadd.s32 $0xFFFFE000  }
0x44: {  	[tilespmem:s13], [sflag:$0xB] =	stream.linear.gather [hbm4b:s21+s6], $0x800, $0x38;
	[tilespmem:$0x1C000] =	vst v63  }
0x45: {  	_ =	swait.ge [sflag:s12], $0x800  }
0x46: {  	[sflag:s12] =	ssyncset.done $0x0  }
0x47: {  	[sflag:s12] =	ssyncadd.s32 $0xFFFFF800  }
0x48: {  	[spmem:s22] =	stream.linear.scatter [tilespmem:s13], [sflag:$0xB], $0x800, $0x38;
	[tilespmem:$0x1C000] =	vst v63  }
0x49: {  	_ =	swait.ge [sflag:s12], $0x800  }
0x4a: {  	[sflag:s12] =	ssyncset.done $0x0  }
0x4b: {  	[sflag:s12] =	ssyncadd.s32 $0xFFFFF800  }
0x4c: {  	[spmem:s31] =	stream.linear.scatter [tilespmem:s13], [sflag:$0xB], $0x800, $0x38;
	[tilespmem:$0x1C000] =	vst v63  }
0x4d: {  	_ =	swait.ge [sflag:s12], $0x800  }
0x4e: {  	[sflag:s12] =	ssyncset.done $0x0  }
0x4f: {  	[sflag:s12] =	ssyncadd.s32 $0xFFFFF800  }
0x50: {  	[spmem:s1] =	stream.linear.scatter [tilespmem:s13], [sflag:$0xB], $0x800, $0x38;
	[tilespmem:$0x1C000] =	vst v63  }
0x51: {  	_ =	swait.ge [sflag:s12], $0x800  }
0x52: {  	[sflag:s12] =	ssyncset.done $0x0  }
0x53: {  	[sflag:s12] =	ssyncadd.s32 $0xFFFFF800  }
0x54: {  	[spmem:s7] =	stream.linear.scatter [tilespmem:s13], [sflag:$0xB], $0x800, $0x38;
	[tilespmem:$0x1C000] =	vst v63  }
0x55: {  	_ =	swait.ge [sflag:s12], $0x800  }
0x56: {  	[sflag:s12] =	ssyncset.done $0x0  }
0x57: {  	[sflag:s12] =	ssyncadd.s32 $0xFFFFF800  }
0x58: {  	[spmem:s26] =	stream.linear.scatter [tilespmem:s13], [sflag:$0xB], $0x800, $0x38;
	[tilespmem:$0x1C000] =	vst v63  }
0x59: {  	_ =	swait.ge [sflag:s12], $0x800  }
0x5a: {  	s25 =	smov.u32 s8;
	s23 =	smov.u32 s10;
	[sflag:s12] =	ssyncset.done $0x0  }
0x5b: {  	s8 =	smov.u32 s7;
	s7 =	rddreg [dreg:$0x12];
	[sflag:s12] =	ssyncadd.s32 $0xFFFFF800  }
0x5c: {  	[tilespmem:s13], [sflag:$0xB] =	stream.linear.gather [hbm4b:s7+s6], $0x800, $0x38;
	[tilespmem:$0x1C000] =	vst v63  }
0x5d: {  	s30 =	smov.u32 s1;
	s9 =	stileid.u32;
	_ =	swait.ge [sflag:s12], $0x800  }
0x5e: {  	s10 =	sshll.u32 s9, $0x6;
	[sflag:s12] =	ssyncset.done $0x0;
	s14 =	rddreg [dreg:$0x15]  }
0x5f: {  	s1 =	sor.u32 $0x1C0B, s10;
	s21 =	rddreg [dreg:$0x18];
	[sflag:s12] =	ssyncadd.s32 $0xFFFFF800  }
0x60: {  	[spmem:s21], [sflag:s1] =	dma.local [hbm:s14], $0x1400  }
0x61: {  	_ =	swait.ge [sflag:s12], $0x1400  }
0x62: {  	[sflag:s12] =	ssyncset.done $0x0  }
0x63: {  	[sflag:s12] =	ssyncadd.s32 $0xFFFFEC00  }
0x64: {  	[bflag:$0x0] =	sbarrier.arrive $0xFFFF  }
0x65: {  	s28 =	smov.u32 s22;
	s26 =	simm.s32 $0x14000;
	s22 =	rddreg [dreg:$0x16]  }
0x66: {  	[tilespmem:s26], [sflag:$0xB] =	stream.linear.gather [hbm4b:s22+s6], $0x400, $0x38;
	[tilespmem:$0x1C000] =	vst v63  }
0x67: {  	_ =	swait.ge [sflag:s12], $0x400  }
0x68: {  	[sflag:s12] =	ssyncset.done $0x0  }
0x69: {  	s10 =	simm.s32 $0x14400;
	s9 =	rddreg [dreg:$0x1a];
	[sflag:s12] =	ssyncadd.s32 $0xFFFFFC00  }
0x6a: {  	[tilespmem:s10], [sflag:$0x6] =	stream.linear.gather [hbm4b:s9+s6], $0x400, $0x38;
	[tilespmem:$0x1C000] =	vst v63  }
0x6b: {  	s21 =	simm.s32 $0x14800;
	s14 =	rddreg [dreg:$0x1b]  }
0x6c: {  	[tilespmem:s21], [sflag:$0x7] =	stream.linear.gather [hbm4b:s14+s6], $0x400, $0x38;
	[tilespmem:$0x1C000] =	vst v63  }
0x6d: {  	s29 =	smov.u32 s31  }
0x6e: {  	[tilespmem:s11], [sflag:$0x1] =	stream.indirect.gather [spmem:s4], $0x40, s26, s15, $0xb8;
	[tilespmem:$0x1C000] =	vst v63  }
0x6f: {  	s31 =	simm.s32 $0x0;
	s22 =	simm.s32 $0x14100;
	s26 =	simm.s32 $0x17000  }
0x70: {  	[tilespmem:s26], [sflag:$0x2] =	stream.indirect.gather [spmem:s4], $0x40, s22, s15, $0xb8;
	[tilespmem:$0x1C000] =	vst v63  }
.LBB2_2:
0x71: {  	s1 =	sand.u32 $0x1, s31;
	p1 =	slt.u32 s31, $0x4E  }
0x72: {  	s7 =	sshrl.u32 s31, $0x1;
	p3 =	slt.u32 s31, $0x4A;
	p2 =	seq.s32 s1, $0x0  }
0x73: {  	s14 =	sadd.s32 $0x1, s7;
	s9 =	sadd.s32 $0x3, s7;
	p1 =	por !p1, !p2  }
0x74: {  	s14 =	sand.u32 $0x3, s14;
	p2 =	por !p3, !p2;
	p1 =	por !p1, !p1  }
0x75: {  	s10 =	sand.u32 $0x3, s9;
	p2 =	por !p2, !p2;
	p3 =	sne.s32 @p1 s14, $0x0  }
0x76: {  	p5 =	sne.s32 s14, $0x1;
	p4 =	sne.s32 @p2 s10, $0x0;
	p3 =	por p3, !p1  }
0x77: {  	p6 =	sne.s32 s10, $0x1;
	p4 =	por p4, !p2;
	s0 =	simm.s32 @!p3 $0x5  }
0x78: {  	p1 =	por !p1, !p1;
	s21 =	sshll.u32 @!p4 s9, $0xA;
	_ =	swait.ge @!p3 [sflag:s0], $0x400  }
0x79: {  	p2 =	por !p2, !p2;
	s21 =	sadd.s32 @!p4 s5, s21;
	[sflag:s0] =	ssyncset.done @!p3 $0x0  }
0x7a: {  	s22 =	simm.s32 @!p4 $0x14000;
	[sflag:s0] =	ssyncadd.s32 @!p3 $0xFFFFFC00;
	s0 =	sshrl.u32 @!p4 s21, $0x3  }
0x7b: {  	s21 =	simm.s32 @!p4 $0x0;
	p3 =	por p1, p5;
	s0 =	sadd.s32 @!p4 s17, s0  }
0x7c: {  	[tilespmem:s22], [sflag:$0x5] =	stream.linear.gather @!p4 [hbm4b:s0+s21], $0x400, $0x38;
	[tilespmem:$0x1C000] =	vst v63  }
0x7d: {  	s0 =	simm.s32 @!p3 $0x6;
	p4 =	por p2, p6  }
0x7e: {  	p5 =	sne.s32 s14, $0x2;
	_ =	swait.ge @!p3 [sflag:s0], $0x400;
	s21 =	sshll.u32 @!p4 s9, $0xA  }
0x7f: {  	p6 =	sne.s32 s10, $0x2;
	[sflag:s0] =	ssyncset.done @!p3 $0x0;
	s21 =	sadd.s32 @!p4 s5, s21  }
0x80: {  	s22 =	simm.s32 @!p4 $0x14400;
	[sflag:s0] =	ssyncadd.s32 @!p3 $0xFFFFFC00;
	s0 =	sshrl.u32 @!p4 s21, $0x3  }
0x81: {  	s21 =	simm.s32 @!p4 $0x0;
	p3 =	por p1, p5;
	s0 =	sadd.s32 @!p4 s17, s0  }
0x82: {  	[tilespmem:s22], [sflag:$0x6] =	stream.linear.gather @!p4 [hbm4b:s0+s21], $0x400, $0x38;
	[tilespmem:$0x1C000] =	vst v63  }
0x83: {  	s0 =	simm.s32 @!p3 $0x7;
	p4 =	por p2, p6  }
0x84: {  	p5 =	sne.s32 s14, $0x3;
	_ =	swait.ge @!p3 [sflag:s0], $0x400;
	s21 =	sshll.u32 @!p4 s9, $0xA  }
0x85: {  	p1 =	por p1, p5;
	[sflag:s0] =	ssyncset.done @!p3 $0x0;
	s21 =	sadd.s32 @!p4 s5, s21  }
0x86: {  	p6 =	sne.s32 s10, $0x3;
	[sflag:s0] =	ssyncadd.s32 @!p3 $0xFFFFFC00;
	s0 =	sshrl.u32 @!p4 s21, $0x3  }
0x87: {  	s22 =	simm.s32 @!p4 $0x14800;
	s21 =	simm.s32 @!p4 $0x0;
	s0 =	sadd.s32 @!p4 s17, s0  }
0x88: {  	[tilespmem:s22], [sflag:$0x7] =	stream.linear.gather @!p4 [hbm4b:s0+s21], $0x400, $0x38;
	[tilespmem:$0x1C000] =	vst v63  }
0x89: {  	p2 =	por p2, p6;
	s0 =	simm.s32 @!p1 $0x8  }
0x8a: {  	s9 =	sshll.u32 @!p2 s9, $0xA;
	_ =	swait.ge @!p1 [sflag:s0], $0x400  }
0x8b: {  	s9 =	sadd.s32 @!p2 s5, s9;
	[sflag:s0] =	ssyncset.done @!p1 $0x0  }
0x8c: {  	s10 =	simm.s32 @!p2 $0x14C00;
	[sflag:s0] =	ssyncadd.s32 @!p1 $0xFFFFFC00;
	s0 =	sshrl.u32 @!p2 s9, $0x3  }
0x8d: {  	s22 =	sshll.u32 s7, $0xA;
	s9 =	simm.s32 @!p2 $0x0;
	s0 =	sadd.s32 @!p2 s17, s0  }
0x8e: {  	[tilespmem:s10], [sflag:$0x8] =	stream.linear.gather @!p2 [hbm4b:s0+s9], $0x400, $0x38;
	[tilespmem:$0x1C000] =	vst v63  }
0x8f: {  	s1 =	sshll.u32 s1, $0x9;
	s0 =	sand.u32 $0xC00, s22;
	_ =	swait.ge [sflag:s16], $0x2000  }
0x90: {  	s0 =	sor.u32 s1, s0;
	[sflag:s16] =	ssyncset.done $0x0  }
0x91: {  	s7 =	simm.s32 @p0 $0x2;
	s1 =	sor.u32 $0x14080, s0;
	[sflag:s16] =	ssyncadd.s32 $0xFFFFE000  }
0x92: {  	[spmem:s2] =	stream.indirect.scatter.add.f32 [tilespmem:s11], [sflag:$0x3], $0x40, s1, s15, $0xb8;
	[tilespmem:$0x1C000] =	vst v63  }
0x93: {  	_ =	swait.ge @p0 [sflag:s7], $0x2000  }
0x94: {  	s9 =	simm.s32 @p0 $0x80;
	s0 =	sor.u32 $0x14000, s0;
	[sflag:s7] =	ssyncset.done @p0 $0x0  }
0x95: {  	s10 =	simm.s32 @p0 $0x17000;
	[sflag:s7] =	ssyncadd.s32 @p0 $0xFFFFE000;
	s7 =	sadd.s32 @p0 $0x180, s0  }
0x96: {  	[spmem:s2] =	stream.indirect.scatter.add.f32 @p0 [tilespmem:s10], [sflag:$0x4], $0x40, s7, s9, $0xb8;
	[tilespmem:$0x1C000] =	vst v63  }
0x97: {  	s7 =	simm.s32 @!p0 $0x80;
	s9 =	simm.s32 @!p0 $0x1B800  }
0x98: {  	[spmem:s3] =	stream.indirect.scatter.add.f32 @!p0 [tilespmem:s9], [sflag:$0x9], $0x10, s1, s7, $0xb8;
	[tilespmem:$0x1C000] =	vst v63  }
0x99: {  	s1 =	simm.s32 @!p0 $0x2  }
0x9a: {  	_ =	swait.ge @!p0 [sflag:s1], $0x2000  }
0x9b: {  	[sflag:s1] =	ssyncset.done @!p0 $0x0  }
0x9c: {  	s0 =	sadd.s32 @!p0 $0x180, s0;
	[sflag:s1] =	ssyncadd.s32 @!p0 $0xFFFFE000;
	s1 =	simm.s32 @!p0 $0x17000  }
0x9d: {  	[spmem:s2] =	stream.indirect.scatter.add.f32 @!p0 [tilespmem:s1], [sflag:$0x4], $0x40, s0, s7, $0xb8;
	[tilespmem:$0x1C000] =	vst v63  }
0x9e: {  	_ = 	snop  }
0x9f: {  	[spmem:s3] =	stream.indirect.scatter.add.f32 @!p0 [tilespmem:s9], [sflag:$0xA], $0x10, s0, s7, $0xb8;
	[tilespmem:$0x1C000] =	vst v63  }
0xa0: {  	p1 =	seq.s32 s31, $0x4F;
	s0 =	sadd.s32 $0x1, s31;
	_ =	swait.ge [sflag:s18], $0x2000  }
0xa1: {  	s9 =	simm.s32 @!p0 $0x9;
	s26 =	sshrl.u32 s0, $0x1;
	[sflag:s18] =	ssyncset.done $0x0  }
0xa2: {  	s7 =	sand.u32 $0x1, s0;
	s1 =	sand.u32 $0x3, s26;
	[sflag:s18] =	ssyncadd.s32 $0xFFFFE000  }
0xa3: {  	s7 =	sshll.u32 @!p1 s7, $0x9;
	s1 =	sshll.u32 @!p1 s1, $0xA;
	_ =	swait.ge @!p0 [sflag:s9], $0x800  }
0xa4: {  	s10 =	simm.s32 @!p1 $0x15000;
	s1 =	sor.u32 @!p1 s7, s1;
	[sflag:s9] =	ssyncset.done @!p0 $0x0  }
0xa5: {  	s7 =	sor.u32 @!p1 $0x14000, s1;
	[sflag:s9] =	ssyncadd.s32 @!p0 $0xFFFFF800;
	s9 =	simm.s32 @!p1 $0x80  }
0xa6: {  	[tilespmem:s10], [sflag:$0x1] =	stream.indirect.gather @!p1 [spmem:s4], $0x40, s7, s9, $0xb8;
	[tilespmem:$0x1C000] =	vst v63  }
0xa7: {  	_ =	swait.ge [sflag:s19], $0x2000  }
0xa8: {  	[sflag:s19] =	ssyncset.done $0x0  }
0xa9: {  	s7 =	simm.s32 @!p0 $0xA;
	[sflag:s19] =	ssyncadd.s32 $0xFFFFE000  }
0xaa: {  	_ =	swait.ge @!p0 [sflag:s7], $0x800  }
0xab: {  	p2 =	sne.s32 @!p1 s0, $0x50;
	[sflag:s7] =	ssyncset.done @!p0 $0x0  }
0xac: {  	s1 =	sor.u32 @!p1 $0x14100, s1;
	[sflag:s7] =	ssyncadd.s32 @!p0 $0xFFFFF800;
	s7 =	simm.s32 @!p1 $0x17000  }
0xad: {  	[tilespmem:s7], [sflag:$0x2] =	stream.indirect.gather @!p1 [spmem:s4], $0x40, s1, s9, $0xb8;
	[tilespmem:$0x1C000] =	vst v63  }
0xae: {  	p1 =	por p1, !p2  }
.Ltmp0:
0xaf: {  	_ = 	snop;
	(pc) =	sbr.rel @!p1 .LBB2_2-.Ltmp0, $2  }
0xb0: {  	_ =	sdelay $0x2  }
0xb1: {  	s31 =	smov.u32 s0  }
0xb2: {  	[bflag:$0x0] =	sbarrier.arrive $0xFFFF  }
0xb3: {  	[tilespmem:s11], [sflag:$0xB] =	stream.linear.gather [spmem:s25], $0x2000, $0x38;
	[tilespmem:$0x1C000] =	vst v63  }
0xb4: {  	_ =	swait.ge [sflag:s12], $0x2000  }
0xb5: {  	[sflag:s12] =	ssyncset.done $0x0  }
0xb6: {  	s0 =	rddreg [dreg:$0xf];
	[sflag:s12] =	ssyncadd.s32 $0xFFFFE000  }
0xb7: {  	[hbm4b:s0+s6] =	stream.linear.scatter [tilespmem:s11], [sflag:$0xB], $0x2000, $0x38;
	[tilespmem:$0x1C000] =	vst v63  }
0xb8: {  	_ =	swait.ge [sflag:s12], $0x2000  }
0xb9: {  	[sflag:s12] =	ssyncset.done $0x0  }
0xba: {  	[sflag:s12] =	ssyncadd.s32 $0xFFFFE000  }
0xbb: {  	[tilespmem:s13], [sflag:$0xB] =	stream.linear.gather [spmem:s28], $0x800, $0x38;
	[tilespmem:$0x1C000] =	vst v63  }
0xbc: {  	_ =	swait.ge [sflag:s12], $0x800  }
0xbd: {  	[sflag:s12] =	ssyncset.done $0x0  }
0xbe: {  	s1 =	rddreg [dreg:$0x6];
	[sflag:s12] =	ssyncadd.s32 $0xFFFFF800  }
0xbf: {  	[hbm4b:s1+s6] =	stream.linear.scatter [tilespmem:s13], [sflag:$0xB], $0x800, $0x38;
	[tilespmem:$0x1C000] =	vst v63  }
0xc0: {  	_ =	swait.ge [sflag:s12], $0x800  }
0xc1: {  	[sflag:s12] =	ssyncset.done $0x0  }
0xc2: {  	[sflag:s12] =	ssyncadd.s32 $0xFFFFF800  }
0xc3: {  	[tilespmem:s11], [sflag:$0xB] =	stream.linear.gather [spmem:s23], $0x2000, $0x38;
	[tilespmem:$0x1C000] =	vst v63  }
0xc4: {  	_ =	swait.ge [sflag:s12], $0x2000  }
0xc5: {  	[sflag:s12] =	ssyncset.done $0x0  }
0xc6: {  	s7 =	rddreg [dreg:$0xb];
	[sflag:s12] =	ssyncadd.s32 $0xFFFFE000  }
0xc7: {  	[hbm4b:s7+s6] =	stream.linear.scatter [tilespmem:s11], [sflag:$0xB], $0x2000, $0x38;
	[tilespmem:$0x1C000] =	vst v63  }
0xc8: {  	_ =	swait.ge [sflag:s12], $0x2000  }
0xc9: {  	[sflag:s12] =	ssyncset.done $0x0  }
0xca: {  	[sflag:s12] =	ssyncadd.s32 $0xFFFFE000  }
0xcb: {  	[tilespmem:s13], [sflag:$0xB] =	stream.linear.gather [spmem:s29], $0x800, $0x38;
	[tilespmem:$0x1C000] =	vst v63  }
0xcc: {  	_ =	swait.ge [sflag:s12], $0x800  }
0xcd: {  	[sflag:s12] =	ssyncset.done $0x0  }
0xce: {  	s9 =	rddreg [dreg:$0x7];
	[sflag:s12] =	ssyncadd.s32 $0xFFFFF800  }
0xcf: {  	[hbm4b:s9+s6] =	stream.linear.scatter [tilespmem:s13], [sflag:$0xB], $0x800, $0x38;
	[tilespmem:$0x1C000] =	vst v63  }
0xd0: {  	_ =	swait.ge [sflag:s12], $0x800  }
0xd1: {  	[sflag:s12] =	ssyncset.done $0x0  }
0xd2: {  	[sflag:s12] =	ssyncadd.s32 $0xFFFFF800  }
0xd3: {  	[tilespmem:s11], [sflag:$0xB] =	stream.linear.gather [spmem:s24], $0x2000, $0x38;
	[tilespmem:$0x1C000] =	vst v63  }
0xd4: {  	_ =	swait.ge [sflag:s12], $0x2000  }
0xd5: {  	[sflag:s12] =	ssyncset.done $0x0  }
0xd6: {  	s14 =	rddreg [dreg:$0xc];
	[sflag:s12] =	ssyncadd.s32 $0xFFFFE000  }
0xd7: {  	[hbm4b:s14+s6] =	stream.linear.scatter [tilespmem:s11], [sflag:$0xB], $0x2000, $0x38;
	[tilespmem:$0x1C000] =	vst v63  }
0xd8: {  	_ =	swait.ge [sflag:s12], $0x2000  }
0xd9: {  	[sflag:s12] =	ssyncset.done $0x0  }
0xda: {  	[sflag:s12] =	ssyncadd.s32 $0xFFFFE000  }
0xdb: {  	[tilespmem:s13], [sflag:$0xB] =	stream.linear.gather [spmem:s30], $0x800, $0x38;
	[tilespmem:$0x1C000] =	vst v63  }
0xdc: {  	_ =	swait.ge [sflag:s12], $0x800  }
0xdd: {  	[sflag:s12] =	ssyncset.done $0x0  }
0xde: {  	s10 =	smov.u32 s23;
	s23 =	rddreg [dreg:$0x8];
	[sflag:s12] =	ssyncadd.s32 $0xFFFFF800  }
0xdf: {  	[hbm4b:s23+s6] =	stream.linear.scatter [tilespmem:s13], [sflag:$0xB], $0x800, $0x38;
	[tilespmem:$0x1C000] =	vst v63  }
0xe0: {  	_ =	swait.ge [sflag:s12], $0x800  }
0xe1: {  	[sflag:s12] =	ssyncset.done $0x0  }
0xe2: {  	s14 =	rddreg [dreg:$0x14];
	[sflag:s12] =	ssyncadd.s32 $0xFFFFF800  }
0xe3: {  	[tilespmem:s11], [sflag:$0xB] =	stream.linear.gather [spmem:s14], $0x2000, $0x38;
	[tilespmem:$0x1C000] =	vst v63  }
0xe4: {  	_ =	swait.ge [sflag:s12], $0x2000  }
0xe5: {  	[sflag:s12] =	ssyncset.done $0x0  }
0xe6: {  	s21 =	smov.u32 s24;
	s24 =	rddreg [dreg:$0xd];
	[sflag:s12] =	ssyncadd.s32 $0xFFFFE000  }
0xe7: {  	[hbm4b:s24+s6] =	stream.linear.scatter [tilespmem:s11], [sflag:$0xB], $0x2000, $0x38;
	[tilespmem:$0x1C000] =	vst v63  }
0xe8: {  	_ =	swait.ge [sflag:s12], $0x2000  }
0xe9: {  	[sflag:s12] =	ssyncset.done $0x0  }
0xea: {  	s7 =	smov.u32 s8;
	[sflag:s12] =	ssyncadd.s32 $0xFFFFE000  }
0xeb: {  	[tilespmem:s13], [sflag:$0xB] =	stream.linear.gather [spmem:s7], $0x800, $0x38;
	[tilespmem:$0x1C000] =	vst v63  }
0xec: {  	_ =	swait.ge [sflag:s12], $0x800  }
0xed: {  	[sflag:s12] =	ssyncset.done $0x0  }
0xee: {  	s26 =	rddreg [dreg:$0x9];
	[sflag:s12] =	ssyncadd.s32 $0xFFFFF800  }
0xef: {  	[hbm4b:s26+s6] =	stream.linear.scatter [tilespmem:s13], [sflag:$0xB], $0x800, $0x38;
	[tilespmem:$0x1C000] =	vst v63  }
0xf0: {  	_ =	swait.ge [sflag:s12], $0x800  }
0xf1: {  	[sflag:s12] =	ssyncset.done $0x0  }
0xf2: {  	s9 =	rddreg [dreg:$0x13];
	[sflag:s12] =	ssyncadd.s32 $0xFFFFF800  }
0xf3: {  	[tilespmem:s11], [sflag:$0xB] =	stream.linear.gather [spmem:s9], $0x2000, $0x38;
	[tilespmem:$0x1C000] =	vst v63  }
0xf4: {  	_ =	swait.ge [sflag:s12], $0x2000  }
0xf5: {  	[sflag:s12] =	ssyncset.done $0x0  }
0xf6: {  	s22 =	smov.u32 s28;
	s28 =	rddreg [dreg:$0xe];
	[sflag:s12] =	ssyncadd.s32 $0xFFFFE000  }
0xf7: {  	[hbm4b:s28+s6] =	stream.linear.scatter [tilespmem:s11], [sflag:$0xB], $0x2000, $0x38;
	[tilespmem:$0x1C000] =	vst v63  }
0xf8: {  	_ =	swait.ge [sflag:s12], $0x2000  }
0xf9: {  	[sflag:s12] =	ssyncset.done $0x0  }
0xfa: {  	s26 =	rddreg [dreg:$0x19];
	[sflag:s12] =	ssyncadd.s32 $0xFFFFE000  }
0xfb: {  	[tilespmem:s13], [sflag:$0xB] =	stream.linear.gather [spmem:s26], $0x800, $0x38;
	[tilespmem:$0x1C000] =	vst v63  }
0xfc: {  	_ =	swait.ge [sflag:s12], $0x800  }
0xfd: {  	[sflag:s12] =	ssyncset.done $0x0  }
0xfe: {  	s31 =	smov.u32 s29;
	s29 =	rddreg [dreg:$0xa];
	[sflag:s12] =	ssyncadd.s32 $0xFFFFF800  }
0xff: {  	[hbm4b:s29+s6] =	stream.linear.scatter [tilespmem:s13], [sflag:$0xB], $0x800, $0x38;
	[tilespmem:$0x1C000] =	vst v63  }
0x100: {  	_ =	swait.ge [sflag:s12], $0x800  }
0x101: {  	s20 =	sadd.s32 $0x1, s20;
	s1 =	smov.u32 s30;
	s30 =	rddreg [dreg:$0x17]  }
0x102: {  	p1 =	sne.s32 s20, s30  }
.Ltmp1:
0x103: {  	_ = 	snop;
	(pc) =	sbr.rel @p1 .LBB2_1-.Ltmp1, $3  }
0x104: {  	_ =	sdelay $0x1  }
0x105: {  	[sflag:s12] =	ssyncset.done $0x0  }
0x106: {  	s8 =	smov.u32 s25;
	[sflag:s12] =	ssyncadd.s32 $0xFFFFF800  }
0x107: {  	_ =	sfence.sel $0x180000  }
0x108: {  	[bflag:$0x0] =	sbarrier.arrive $0xFFFF  }
0x109: {  	_ =	strace $0x90000047  }
0x10a: {  	s0 =	stileid.u32;
	[bflag:$0x2] =	sbarrier.arrive $0xFFFF  }
0x10b: {  	p0 =	sne.s32 s0, $0x0;
	s0 =	rddreg [dreg:$0x5]  }
0x10c: {  	s0 =	sadd.s32 @!p0 $0x100000, s0  }
0x10d: {  	[sflag:s0] =	ssyncadd.tile.s32 @!p0 $0x1;
	_ =	shalt  }
.Lfunc_end2:
_tile_overlayer_lowered:
.L_overlay_start_2:
0x10e: {  	(tag) =	ssettag $0x2  }
0x10f: {  	s0 =	rddreg [dreg:$0x0];
	s2 =	stileid.u32  }
0x110: {  	s1 =	rddreg [dreg:$0x1];
	p0 =	sne.s32 s2, $0x0  }
0x111: {  	s3 =	rddreg [dreg:$0x2];
	[bflag:$0x3] =	sbarrier.arrive $0xFFFF;
	s2 =	simm.s32 @!p0 $0x1C0B  }
0x112: {  	[timem:s3], [sflag:s2] =	dma.local @!p0 [hbm:s0], s1  }
0x113: {  	s0 =	simm.s32 @!p0 $0xB  }
0x114: {  	_ =	swait.ge @!p0 [sflag:s0], s1  }
0x115: {  	s1 =	ssub.s32 @!p0 $0x0, s1;
	[sflag:s0] =	ssyncset.done @!p0 $0x0  }
0x116: {  	[sflag:s0] =	ssyncadd.s32 @!p0 s1  }
0x117: {  	[bflag:$0x3] =	sbarrier.arrive $0xFFFF  }
0x118: {  	_ =	shalt  }

</sc_bundles>
